<compile_context>
chip_gen: v7x
topology: tpu7x:2x2x1
jax: 0.10.2.dev20260603
libtpu: 0.0.44.dev20260713+nightly
codegen_flags: <defaults>
</compile_context>

<pallas_src>
import jax
import jax.numpy as jnp
from jax import lax
from jax.experimental import pallas as pl
from jax.experimental.pallas import tpu as pltpu
from jax.experimental.pallas import tpu_sc as plsc

NUM_TYPES = 10
D = 128
B_TOTAL = 16384 * 200
NC, NS = 2, 16
NW = NC * NS
B_PER_W = B_TOTAL // NW
C = 256
N_CHUNKS = B_PER_W // C
N_PAIRS = N_CHUNKS // 2
U = 16


def _embed_kernel(
    x_hbm, table_hbm, out_hbm,
    tab_v, x0, x1, r0, r1,
    sem_x0, sem_x1, sem_o0, sem_o1,
):
    wid = lax.axis_index("s") * NC + lax.axis_index("c")
    base = wid * B_PER_W

    pltpu.sync_copy(table_hbm, tab_v)

    def start_x(i, xv, sem):
        pltpu.make_async_copy(
            x_hbm.at[pl.ds((base + i * C) * 8, C * 8)], xv, sem
        ).start()

    def wait_x(i, xv, sem):
        pltpu.make_async_copy(
            x_hbm.at[pl.ds((base + i * C) * 8, C * 8)], xv, sem
        ).wait()

    def start_write(i, rv, sem):
        pltpu.make_async_copy(
            rv, out_hbm.at[pl.ds((base + i * C) * D, C * D)], sem
        ).start()

    def wait_write(i, rv, sem):
        pltpu.make_async_copy(
            rv, out_hbm.at[pl.ds((base + i * C) * D, C * D)], sem
        ).wait()

    def expand(xv, rv):
        def erow(rr, carry):
            r0_ = rr * U
            offs = []
            for p in range(U // 2):
                v = xv[pl.ds((r0_ + 2 * p) * 8, 16)]
                offs.append(v[7].astype(jnp.int32) * D)
                offs.append(v[15].astype(jnp.int32) * D)
            for u in range(U):
                vals = [
                    tab_v[pl.ds(offs[u] + c * 16, 16)] for c in range(D // 16)
                ]
                for c in range(D // 16):
                    rv[pl.ds((r0_ + u) * D + c * 16, 16)] = vals[c]
            return carry
        lax.fori_loop(0, C // U, erow, 0)

    start_x(0, x0, sem_x0)
    start_x(1, x1, sem_x1)

    def body(t, carry):
        i0 = 2 * t
        i1 = i0 + 1

        wait_x(i0, x0, sem_x0)

        @pl.when(t > 0)
        def _():
            wait_write(i0 - 2, r0, sem_o0)

        expand(x0, r0)

        @pl.when(t < N_PAIRS - 1)
        def _():
            start_x(i0 + 2, x0, sem_x0)

        start_write(i0, r0, sem_o0)

        wait_x(i1, x1, sem_x1)

        @pl.when(t > 0)
        def _():
            wait_write(i1 - 2, r1, sem_o1)

        expand(x1, r1)

        @pl.when(t < N_PAIRS - 1)
        def _():
            start_x(i1 + 2, x1, sem_x1)

        start_write(i1, r1, sem_o1)
        return carry

    lax.fori_loop(0, N_PAIRS, body, 0)
    wait_write(N_CHUNKS - 2, r0, sem_o0)
    wait_write(N_CHUNKS - 1, r1, sem_o1)


@jax.jit
def kernel(x, table):
    x2 = x.reshape(B_TOTAL * 8)
    tab = table.reshape(NUM_TYPES * D)
    mesh = plsc.VectorSubcoreMesh(core_axis_name="c", subcore_axis_name="s")
    out = pl.kernel(
        _embed_kernel,
        mesh=mesh,
        out_type=jax.ShapeDtypeStruct((B_TOTAL * D,), jnp.float32),
        scratch_types=[
            pltpu.VMEM((NUM_TYPES * D,), jnp.float32),
            pltpu.VMEM((C * 8,), jnp.float32),
            pltpu.VMEM((C * 8,), jnp.float32),
            pltpu.VMEM((C * D,), jnp.float32),
            pltpu.VMEM((C * D,), jnp.float32),
            pltpu.SemaphoreType.DMA,
            pltpu.SemaphoreType.DMA,
            pltpu.SemaphoreType.DMA,
            pltpu.SemaphoreType.DMA,
        ],
    )(x2, tab)
    return out.reshape(16384, 200, D)

# --- scband reference (transcript-rebuilt; emitter-appended) ---
"""Pipeline reference for scband-agent-type-embedding-31748398252187 (READ-ONLY COPY).

The authoritative reference and input builder live on the scoring server;
editing this copy changes nothing except your own understanding.
"""

import jax, jax.numpy as jnp
import numpy as np

NUM_TYPES = 10
D_MODEL = 128


def setup_inputs(seed: int = 0) -> dict:
    key = jax.random.key(seed)
    k_x, k_tab = jax.random.split(key)
    # x holds agent features; the last channel is an integer type id stored as float
    x = jax.random.randint(k_x, (16384, 200, 8), 0, NUM_TYPES).astype(jnp.float32)
    table = jax.random.normal(k_tab, (NUM_TYPES, D_MODEL), dtype=jnp.float32)
    return {"x": x, "table": table}


def reference(x, table):
    # obj_type = x[..., -1].long(); embedding lookup
    obj_type = x[..., -1].astype(jnp.int32)
    return jnp.take(table, obj_type, axis=0)

if __name__ == "__main__":
    import jax
    _d = setup_inputs()
    print(jax.jit(kernel)(*tuple(_d.values())))

</pallas_src>

<mosaic_0001>
#map = affine_map<(d0, d1) -> (0)>
module attributes {stable_mosaic.version = 14 : i64} {
  func.func @_embed_kernel(%arg0: i32, %arg1: i32, %arg2: memref<26214400xf32, #tpu.memory_space<hbm>>, %arg3: memref<1280xf32, #tpu.memory_space<hbm>>, %arg4: memref<419430400xf32, #tpu.memory_space<hbm>>, %arg5: memref<1280xf32, #tpu.memory_space<vmem>>, %arg6: memref<2048xf32, #tpu.memory_space<vmem>>, %arg7: memref<2048xf32, #tpu.memory_space<vmem>>, %arg8: memref<32768xf32, #tpu.memory_space<vmem>>, %arg9: memref<32768xf32, #tpu.memory_space<vmem>>, %arg10: memref<!tpu.dma_semaphore, #tpu.memory_space<semaphore_mem>>, %arg11: memref<!tpu.dma_semaphore, #tpu.memory_space<semaphore_mem>>, %arg12: memref<!tpu.dma_semaphore, #tpu.memory_space<semaphore_mem>>, %arg13: memref<!tpu.dma_semaphore, #tpu.memory_space<semaphore_mem>>) attributes {dimension_semantics = [#tpu.dimension_semantics<core_parallel>, #tpu.dimension_semantics<subcore_parallel>], iteration_bounds = array<i64: 2, 16>, scalar_prefetch = 0 : i64, scratch_operands = 9 : i64, tpu.core_type = #tpu.core_type<sc_vector_subcore>, window_params = [{transform_indices = #map}, {transform_indices = #map}, {transform_indices = #map}]} {
    %mul3A = arith.constant 2 : i32
    %mul3A_0 = arith.muli %arg1, %mul3A : i32
    %add3A = arith.addi %mul3A_0, %arg0 : i32
    %mul3A_1 = arith.constant 102400 : i32
    %mul3A_2 = arith.muli %add3A, %mul3A_1 : i32
    "tpu.region"() ({
      %run_scoped3A = tpu.sem_alloc : memref<!tpu.dma_semaphore, #tpu.memory_space<semaphore_mem>>
      tpu.enqueue_dma source(%arg3 : memref<1280xf32, #tpu.memory_space<hbm>>) target(%arg5 : memref<1280xf32, #tpu.memory_space<vmem>>) target_semaphore(%run_scoped3A : memref<!tpu.dma_semaphore, #tpu.memory_space<semaphore_mem>>)
      tpu.wait_dma2 semaphore(%run_scoped3A : memref<!tpu.dma_semaphore, #tpu.memory_space<semaphore_mem>>) src(%arg3 : memref<1280xf32, #tpu.memory_space<hbm>>) dst(%arg5 : memref<1280xf32, #tpu.memory_space<vmem>>)
      tpu.yield
    }) : () -> ()
    %add3A_3 = arith.constant 0 : i32
    %add3A_4 = arith.addi %mul3A_2, %add3A_3 : i32
    %mul3A_5 = arith.constant 8 : i32
    %mul3A_6 = arith.muli %add3A_4, %mul3A_5 : i32
    %dma_start3A = tpu.memref_slice %arg2[%mul3A_6] : memref<26214400xf32, #tpu.memory_space<hbm>> -> memref<2048xf32, #tpu.memory_space<hbm>>
    %dma_start3A_7 = tpu.memref_slice %arg2[%mul3A_6] : memref<26214400xf32, #tpu.memory_space<hbm>> -> memref<2048xf32, #tpu.memory_space<hbm>>
    tpu.enqueue_dma source(%dma_start3A_7 : memref<2048xf32, #tpu.memory_space<hbm>>) target(%arg6 : memref<2048xf32, #tpu.memory_space<vmem>>) target_semaphore(%arg10 : memref<!tpu.dma_semaphore, #tpu.memory_space<semaphore_mem>>)
    %add3A_8 = arith.constant 256 : i32
    %add3A_9 = arith.addi %mul3A_2, %add3A_8 : i32
    %mul3A_10 = arith.constant 8 : i32
    %mul3A_11 = arith.muli %add3A_9, %mul3A_10 : i32
    %dma_start3A_12 = tpu.memref_slice %arg2[%mul3A_11] : memref<26214400xf32, #tpu.memory_space<hbm>> -> memref<2048xf32, #tpu.memory_space<hbm>>
    %dma_start3A_13 = tpu.memref_slice %arg2[%mul3A_11] : memref<26214400xf32, #tpu.memory_space<hbm>> -> memref<2048xf32, #tpu.memory_space<hbm>>
    tpu.enqueue_dma source(%dma_start3A_13 : memref<2048xf32, #tpu.memory_space<hbm>>) target(%arg7 : memref<2048xf32, #tpu.memory_space<vmem>>) target_semaphore(%arg11 : memref<!tpu.dma_semaphore, #tpu.memory_space<semaphore_mem>>)
    %scan3A = arith.constant 0 : i32
    %scan3A_14 = arith.constant 0 : i32
    %scan3A_15 = arith.constant 200 : i32
    %scan3A_16 = arith.addi %scan3A_14, %scan3A_15 : i32
    %scan3A_17 = arith.constant 1 : i32
    scf.for %scan3A_30 = %scan3A_14 to %scan3A_16 step %scan3A_17  : i32 {
      %mul3A_31 = arith.constant 2 : i32
      %mul3A_32 = arith.muli %mul3A_31, %scan3A_30 : i32
      %add3A_33 = arith.constant 1 : i32
      %add3A_34 = arith.addi %mul3A_32, %add3A_33 : i32
      %mul3A_35 = arith.constant 256 : i32
      %mul3A_36 = arith.muli %mul3A_32, %mul3A_35 : i32
      %add3A_37 = arith.addi %mul3A_2, %mul3A_36 : i32
      %mul3A_38 = arith.constant 8 : i32
      %mul3A_39 = arith.muli %add3A_37, %mul3A_38 : i32
      %dma_wait3A_40 = tpu.memref_slice %arg2[%mul3A_39] : memref<26214400xf32, #tpu.memory_space<hbm>> -> memref<2048xf32, #tpu.memory_space<hbm>>
      %dma_wait3A_41 = tpu.memref_slice %arg2[%mul3A_39] : memref<26214400xf32, #tpu.memory_space<hbm>> -> memref<2048xf32, #tpu.memory_space<hbm>>
      tpu.wait_dma2 semaphore(%arg10 : memref<!tpu.dma_semaphore, #tpu.memory_space<semaphore_mem>>) src(%dma_wait3A_41 : memref<2048xf32, #tpu.memory_space<hbm>>) dst(%arg6 : memref<2048xf32, #tpu.memory_space<vmem>>)
      %gt3A = arith.constant 0 : i32
      %gt3A_42 = arith.cmpi sgt, %scan3A_30, %gt3A : i32
      %convert_element_type3A = arith.extui %gt3A_42 : i1 to i32
      %cond3A = arith.constant 0 : i32
      %cond3A_43 = arith.cmpi ne, %convert_element_type3A, %cond3A : i32
      scf.if %cond3A_43 {
        %sub3A = arith.constant 2 : i32
        %sub3A_91 = arith.subi %mul3A_32, %sub3A : i32
        %mul3A_92 = arith.constant 256 : i32
        %mul3A_93 = arith.muli %sub3A_91, %mul3A_92 : i32
        %add3A_94 = arith.addi %mul3A_2, %mul3A_93 : i32
        %mul3A_95 = arith.constant 128 : i32
        %mul3A_96 = arith.muli %add3A_94, %mul3A_95 : i32
        %dma_wait3A_97 = tpu.memref_slice %arg4[%mul3A_96] : memref<419430400xf32, #tpu.memory_space<hbm>> -> memref<32768xf32, #tpu.memory_space<hbm>>
        %dma_wait3A_98 = tpu.memref_slice %arg4[%mul3A_96] : memref<419430400xf32, #tpu.memory_space<hbm>> -> memref<32768xf32, #tpu.memory_space<hbm>>
        tpu.wait_dma2 semaphore(%arg12 : memref<!tpu.dma_semaphore, #tpu.memory_space<semaphore_mem>>) src(%arg8 : memref<32768xf32, #tpu.memory_space<vmem>>) dst(%dma_wait3A_98 : memref<32768xf32, #tpu.memory_space<hbm>>)
      } else {
      }
      %scan3A_44 = arith.constant 0 : i32
      %scan3A_45 = arith.constant 0 : i32
      %scan3A_46 = arith.constant 16 : i32
      %scan3A_47 = arith.addi %scan3A_45, %scan3A_46 : i32
      %scan3A_48 = arith.constant 1 : i32
      scf.for %scan3A_91 = %scan3A_45 to %scan3A_47 step %scan3A_48  : i32 {
        %mul3A_92 = arith.constant 16 : i32
        %mul3A_93 = arith.muli %scan3A_91, %mul3A_92 : i32
        %add3A_94 = arith.constant 0 : i32
        %add3A_95 = arith.addi %mul3A_93, %add3A_94 : i32
        %mul3A_96 = arith.constant 8 : i32
        %mul3A_97 = arith.muli %add3A_95, %mul3A_96 : i32
        %get3A = arith.index_cast %mul3A_97 : i32 to index
        %get3A_98 = tpu.vector_load %arg6[%get3A] {strides = array<i32>} : memref<2048xf32, #tpu.memory_space<vmem>>, vector<16xf32>,
        %get3A_99 = vector.shape_cast %get3A_98 : vector<16xf32> to vector<16xf32>
        %slice3A = vector.extract_strided_slice %get3A_99 {offsets = [7], sizes = [1], strides = [1]} : vector<16xf32> to vector<1xf32>
        %squeeze3A = vector.extract %slice3A[0] : f32 from vector<1xf32>
        %convert_element_type3A_100 = arith.fptosi %squeeze3A : f32 to i32
        %mul3A_101 = arith.constant 128 : i32
        %mul3A_102 = arith.muli %convert_element_type3A_100, %mul3A_101 : i32
        %slice3A_103 = vector.extract_strided_slice %get3A_99 {offsets = [15], sizes = [1], strides = [1]} : vector<16xf32> to vector<1xf32>
        %squeeze3A_104 = vector.extract %slice3A_103[0] : f32 from vector<1xf32>
        %convert_element_type3A_105 = arith.fptosi %squeeze3A_104 : f32 to i32
        %mul3A_106 = arith.constant 128 : i32
        %mul3A_107 = arith.muli %convert_element_type3A_105, %mul3A_106 : i32
        %add3A_108 = arith.constant 2 : i32
        %add3A_109 = arith.addi %mul3A_93, %add3A_108 : i32
        %mul3A_110 = arith.constant 8 : i32
        %mul3A_111 = arith.muli %add3A_109, %mul3A_110 : i32
        %get3A_112 = arith.index_cast %mul3A_111 : i32 to index
        %get3A_113 = tpu.vector_load %arg6[%get3A_112] {strides = array<i32>} : memref<2048xf32, #tpu.memory_space<vmem>>, vector<16xf32>,
        %get3A_114 = vector.shape_cast %get3A_113 : vector<16xf32> to vector<16xf32>
        %slice3A_115 = vector.extract_strided_slice %get3A_114 {offsets = [7], sizes = [1], strides = [1]} : vector<16xf32> to vector<1xf32>
        %squeeze3A_116 = vector.extract %slice3A_115[0] : f32 from vector<1xf32>
        %convert_element_type3A_117 = arith.fptosi %squeeze3A_116 : f32 to i32
        %mul3A_118 = arith.constant 128 : i32
        %mul3A_119 = arith.muli %convert_element_type3A_117, %mul3A_118 : i32
        %slice3A_120 = vector.extract_strided_slice %get3A_114 {offsets = [15], sizes = [1], strides = [1]} : vector<16xf32> to vector<1xf32>
        %squeeze3A_121 = vector.extract %slice3A_120[0] : f32 from vector<1xf32>
        %convert_element_type3A_122 = arith.fptosi %squeeze3A_121 : f32 to i32
        %mul3A_123 = arith.constant 128 : i32
        %mul3A_124 = arith.muli %convert_element_type3A_122, %mul3A_123 : i32
        %add3A_125 = arith.constant 4 : i32
        %add3A_126 = arith.addi %mul3A_93, %add3A_125 : i32
        %mul3A_127 = arith.constant 8 : i32
        %mul3A_128 = arith.muli %add3A_126, %mul3A_127 : i32
        %get3A_129 = arith.index_cast %mul3A_128 : i32 to index
        %get3A_130 = tpu.vector_load %arg6[%get3A_129] {strides = array<i32>} : memref<2048xf32, #tpu.memory_space<vmem>>, vector<16xf32>,
        %get3A_131 = vector.shape_cast %get3A_130 : vector<16xf32> to vector<16xf32>
        %slice3A_132 = vector.extract_strided_slice %get3A_131 {offsets = [7], sizes = [1], strides = [1]} : vector<16xf32> to vector<1xf32>
        %squeeze3A_133 = vector.extract %slice3A_132[0] : f32 from vector<1xf32>
        %convert_element_type3A_134 = arith.fptosi %squeeze3A_133 : f32 to i32
        %mul3A_135 = arith.constant 128 : i32
        %mul3A_136 = arith.muli %convert_element_type3A_134, %mul3A_135 : i32
        %slice3A_137 = vector.extract_strided_slice %get3A_131 {offsets = [15], sizes = [1], strides = [1]} : vector<16xf32> to vector<1xf32>
        %squeeze3A_138 = vector.extract %slice3A_137[0] : f32 from vector<1xf32>
        %convert_element_type3A_139 = arith.fptosi %squeeze3A_138 : f32 to i32
        %mul3A_140 = arith.constant 128 : i32
        %mul3A_141 = arith.muli %convert_element_type3A_139, %mul3A_140 : i32
        %add3A_142 = arith.constant 6 : i32
        %add3A_143 = arith.addi %mul3A_93, %add3A_142 : i32
        %mul3A_144 = arith.constant 8 : i32
        %mul3A_145 = arith.muli %add3A_143, %mul3A_144 : i32
        %get3A_146 = arith.index_cast %mul3A_145 : i32 to index
        %get3A_147 = tpu.vector_load %arg6[%get3A_146] {strides = array<i32>} : memref<2048xf32, #tpu.memory_space<vmem>>, vector<16xf32>,
        %get3A_148 = vector.shape_cast %get3A_147 : vector<16xf32> to vector<16xf32>
        %slice3A_149 = vector.extract_strided_slice %get3A_148 {offsets = [7], sizes = [1], strides = [1]} : vector<16xf32> to vector<1xf32>
        %squeeze3A_150 = vector.extract %slice3A_149[0] : f32 from vector<1xf32>
        %convert_element_type3A_151 = arith.fptosi %squeeze3A_150 : f32 to i32
        %mul3A_152 = arith.constant 128 : i32
        %mul3A_153 = arith.muli %convert_element_type3A_151, %mul3A_152 : i32
        %slice3A_154 = vector.extract_strided_slice %get3A_148 {offsets = [15], sizes = [1], strides = [1]} : vector<16xf32> to vector<1xf32>
        %squeeze3A_155 = vector.extract %slice3A_154[0] : f32 from vector<1xf32>
        %convert_element_type3A_156 = arith.fptosi %squeeze3A_155 : f32 to i32
        %mul3A_157 = arith.constant 128 : i32
        %mul3A_158 = arith.muli %convert_element_type3A_156, %mul3A_157 : i32
        %add3A_159 = arith.constant 8 : i32
        %add3A_160 = arith.addi %mul3A_93, %add3A_159 : i32
        %mul3A_161 = arith.constant 8 : i32
        %mul3A_162 = arith.muli %add3A_160, %mul3A_161 : i32
        %get3A_163 = arith.index_cast %mul3A_162 : i32 to index
        %get3A_164 = tpu.vector_load %arg6[%get3A_163] {strides = array<i32>} : memref<2048xf32, #tpu.memory_space<vmem>>, vector<16xf32>,
        %get3A_165 = vector.shape_cast %get3A_164 : vector<16xf32> to vector<16xf32>
        %slice3A_166 = vector.extract_strided_slice %get3A_165 {offsets = [7], sizes = [1], strides = [1]} : vector<16xf32> to vector<1xf32>
        %squeeze3A_167 = vector.extract %slice3A_166[0] : f32 from vector<1xf32>
        %convert_element_type3A_168 = arith.fptosi %squeeze3A_167 : f32 to i32
        %mul3A_169 = arith.constant 128 : i32
        %mul3A_170 = arith.muli %convert_element_type3A_168, %mul3A_169 : i32
        %slice3A_171 = vector.extract_strided_slice %get3A_165 {offsets = [15], sizes = [1], strides = [1]} : vector<16xf32> to vector<1xf32>
        %squeeze3A_172 = vector.extract %slice3A_171[0] : f32 from vector<1xf32>
        %convert_element_type3A_173 = arith.fptosi %squeeze3A_172 : f32 to i32
        %mul3A_174 = arith.constant 128 : i32
        %mul3A_175 = arith.muli %convert_element_type3A_173, %mul3A_174 : i32
        %add3A_176 = arith.constant 10 : i32
        %add3A_177 = arith.addi %mul3A_93, %add3A_176 : i32
        %mul3A_178 = arith.constant 8 : i32
        %mul3A_179 = arith.muli %add3A_177, %mul3A_178 : i32
        %get3A_180 = arith.index_cast %mul3A_179 : i32 to index
        %get3A_181 = tpu.vector_load %arg6[%get3A_180] {strides = array<i32>} : memref<2048xf32, #tpu.memory_space<vmem>>, vector<16xf32>,
        %get3A_182 = vector.shape_cast %get3A_181 : vector<16xf32> to vector<16xf32>
        %slice3A_183 = vector.extract_strided_slice %get3A_182 {offsets = [7], sizes = [1], strides = [1]} : vector<16xf32> to vector<1xf32>
        %squeeze3A_184 = vector.extract %slice3A_183[0] : f32 from vector<1xf32>
        %convert_element_type3A_185 = arith.fptosi %squeeze3A_184 : f32 to i32
        %mul3A_186 = arith.constant 128 : i32
        %mul3A_187 = arith.muli %convert_element_type3A_185, %mul3A_186 : i32
        %slice3A_188 = vector.extract_strided_slice %get3A_182 {offsets = [15], sizes = [1], strides = [1]} : vector<16xf32> to vector<1xf32>
        %squeeze3A_189 = vector.extract %slice3A_188[0] : f32 from vector<1xf32>
        %convert_element_type3A_190 = arith.fptosi %squeeze3A_189 : f32 to i32
        %mul3A_191 = arith.constant 128 : i32
        %mul3A_192 = arith.muli %convert_element_type3A_190, %mul3A_191 : i32
        %add3A_193 = arith.constant 12 : i32
        %add3A_194 = arith.addi %mul3A_93, %add3A_193 : i32
        %mul3A_195 = arith.constant 8 : i32
        %mul3A_196 = arith.muli %add3A_194, %mul3A_195 : i32
        %get3A_197 = arith.index_cast %mul3A_196 : i32 to index
        %get3A_198 = tpu.vector_load %arg6[%get3A_197] {strides = array<i32>} : memref<2048xf32, #tpu.memory_space<vmem>>, vector<16xf32>,
        %get3A_199 = vector.shape_cast %get3A_198 : vector<16xf32> to vector<16xf32>
        %slice3A_200 = vector.extract_strided_slice %get3A_199 {offsets = [7], sizes = [1], strides = [1]} : vector<16xf32> to vector<1xf32>
        %squeeze3A_201 = vector.extract %slice3A_200[0] : f32 from vector<1xf32>
        %convert_element_type3A_202 = arith.fptosi %squeeze3A_201 : f32 to i32
        %mul3A_203 = arith.constant 128 : i32
        %mul3A_204 = arith.muli %convert_element_type3A_202, %mul3A_203 : i32
        %slice3A_205 = vector.extract_strided_slice %get3A_199 {offsets = [15], sizes = [1], strides = [1]} : vector<16xf32> to vector<1xf32>
        %squeeze3A_206 = vector.extract %slice3A_205[0] : f32 from vector<1xf32>
        %convert_element_type3A_207 = arith.fptosi %squeeze3A_206 : f32 to i32
        %mul3A_208 = arith.constant 128 : i32
        %mul3A_209 = arith.muli %convert_element_type3A_207, %mul3A_208 : i32
        %add3A_210 = arith.constant 14 : i32
        %add3A_211 = arith.addi %mul3A_93, %add3A_210 : i32
        %mul3A_212 = arith.constant 8 : i32
        %mul3A_213 = arith.muli %add3A_211, %mul3A_212 : i32
        %get3A_214 = arith.index_cast %mul3A_213 : i32 to index
        %get3A_215 = tpu.vector_load %arg6[%get3A_214] {strides = array<i32>} : memref<2048xf32, #tpu.memory_space<vmem>>, vector<16xf32>,
        %get3A_216 = vector.shape_cast %get3A_215 : vector<16xf32> to vector<16xf32>
        %slice3A_217 = vector.extract_strided_slice %get3A_216 {offsets = [7], sizes = [1], strides = [1]} : vector<16xf32> to vector<1xf32>
        %squeeze3A_218 = vector.extract %slice3A_217[0] : f32 from vector<1xf32>
        %convert_element_type3A_219 = arith.fptosi %squeeze3A_218 : f32 to i32
        %mul3A_220 = arith.constant 128 : i32
        %mul3A_221 = arith.muli %convert_element_type3A_219, %mul3A_220 : i32
        %slice3A_222 = vector.extract_strided_slice %get3A_216 {offsets = [15], sizes = [1], strides = [1]} : vector<16xf32> to vector<1xf32>
        %squeeze3A_223 = vector.extract %slice3A_222[0] : f32 from vector<1xf32>
        %convert_element_type3A_224 = arith.fptosi %squeeze3A_223 : f32 to i32
        %mul3A_225 = arith.constant 128 : i32
        %mul3A_226 = arith.muli %convert_element_type3A_224, %mul3A_225 : i32
        %add3A_227 = arith.constant 0 : i32
        %add3A_228 = arith.addi %mul3A_102, %add3A_227 : i32
        %get3A_229 = arith.index_cast %add3A_228 : i32 to index
        %get3A_230 = tpu.vector_load %arg5[%get3A_229] {strides = array<i32>} : memref<1280xf32, #tpu.memory_space<vmem>>, vector<16xf32>,
        %get3A_231 = vector.shape_cast %get3A_230 : vector<16xf32> to vector<16xf32>
        %add3A_232 = arith.constant 16 : i32
        %add3A_233 = arith.addi %mul3A_102, %add3A_232 : i32
        %get3A_234 = arith.index_cast %add3A_233 : i32 to index
        %get3A_235 = tpu.vector_load %arg5[%get3A_234] {strides = array<i32>} : memref<1280xf32, #tpu.memory_space<vmem>>, vector<16xf32>,
        %get3A_236 = vector.shape_cast %get3A_235 : vector<16xf32> to vector<16xf32>
        %add3A_237 = arith.constant 32 : i32
        %add3A_238 = arith.addi %mul3A_102, %add3A_237 : i32
        %get3A_239 = arith.index_cast %add3A_238 : i32 to index
        %get3A_240 = tpu.vector_load %arg5[%get3A_239] {strides = array<i32>} : memref<1280xf32, #tpu.memory_space<vmem>>, vector<16xf32>,
        %get3A_241 = vector.shape_cast %get3A_240 : vector<16xf32> to vector<16xf32>
        %add3A_242 = arith.constant 48 : i32
        %add3A_243 = arith.addi %mul3A_102, %add3A_242 : i32
        %get3A_244 = arith.index_cast %add3A_243 : i32 to index
        %get3A_245 = tpu.vector_load %arg5[%get3A_244] {strides = array<i32>} : memref<1280xf32, #tpu.memory_space<vmem>>, vector<16xf32>,
        %get3A_246 = vector.shape_cast %get3A_245 : vector<16xf32> to vector<16xf32>
        %add3A_247 = arith.constant 64 : i32
        %add3A_248 = arith.addi %mul3A_102, %add3A_247 : i32
        %get3A_249 = arith.index_cast %add3A_248 : i32 to index
        %get3A_250 = tpu.vector_load %arg5[%get3A_249] {strides = array<i32>} : memref<1280xf32, #tpu.memory_space<vmem>>, vector<16xf32>,
        %get3A_251 = vector.shape_cast %get3A_250 : vector<16xf32> to vector<16xf32>
        %add3A_252 = arith.constant 80 : i32
        %add3A_253 = arith.addi %mul3A_102, %add3A_252 : i32
        %get3A_254 = arith.index_cast %add3A_253 : i32 to index
        %get3A_255 = tpu.vector_load %arg5[%get3A_254] {strides = array<i32>} : memref<1280xf32, #tpu.memory_space<vmem>>, vector<16xf32>,
        %get3A_256 = vector.shape_cast %get3A_255 : vector<16xf32> to vector<16xf32>
        %add3A_257 = arith.constant 96 : i32
        %add3A_258 = arith.addi %mul3A_102, %add3A_257 : i32
        %get3A_259 = arith.index_cast %add3A_258 : i32 to index
        %get3A_260 = tpu.vector_load %arg5[%get3A_259] {strides = array<i32>} : memref<1280xf32, #tpu.memory_space<vmem>>, vector<16xf32>,
        %get3A_261 = vector.shape_cast %get3A_260 : vector<16xf32> to vector<16xf32>
        %add3A_262 = arith.constant 112 : i32
        %add3A_263 = arith.addi %mul3A_102, %add3A_262 : i32
        %get3A_264 = arith.index_cast %add3A_263 : i32 to index
        %get3A_265 = tpu.vector_load %arg5[%get3A_264] {strides = array<i32>} : memref<1280xf32, #tpu.memory_space<vmem>>, vector<16xf32>,
        %get3A_266 = vector.shape_cast %get3A_265 : vector<16xf32> to vector<16xf32>
        %add3A_267 = arith.constant 0 : i32
        %add3A_268 = arith.addi %mul3A_93, %add3A_267 : i32
        %mul3A_269 = arith.constant 128 : i32
        %mul3A_270 = arith.muli %add3A_268, %mul3A_269 : i32
        %add3A_271 = arith.constant 0 : i32
        %add3A_272 = arith.addi %mul3A_270, %add3A_271 : i32
        %swap3A = arith.index_cast %add3A_272 : i32 to index
        %swap3A_273 = tpu.vector_load %arg8[%swap3A] {strides = array<i32>} : memref<32768xf32, #tpu.memory_space<vmem>>, vector<16xf32>,
        %swap3A_274 = vector.shape_cast %swap3A_273 : vector<16xf32> to vector<16xf32>
        %swap3A_275 = vector.shape_cast %get3A_231 : vector<16xf32> to vector<16xf32>
        tpu.vector_store %arg8[%swap3A], %swap3A_275 {strides = array<i32>} : memref<32768xf32, #tpu.memory_space<vmem>>, vector<16xf32>,
        %add3A_276 = arith.constant 0 : i32
        %add3A_277 = arith.addi %mul3A_93, %add3A_276 : i32
        %mul3A_278 = arith.constant 128 : i32
        %mul3A_279 = arith.muli %add3A_277, %mul3A_278 : i32
        %add3A_280 = arith.constant 16 : i32
        %add3A_281 = arith.addi %mul3A_279, %add3A_280 : i32
        %swap3A_282 = arith.index_cast %add3A_281 : i32 to index
        %swap3A_283 = tpu.vector_load %arg8[%swap3A_282] {strides = array<i32>} : memref<32768xf32, #tpu.memory_space<vmem>>, vector<16xf32>,
        %swap3A_284 = vector.shape_cast %swap3A_283 : vector<16xf32> to vector<16xf32>
        %swap3A_285 = vector.shape_cast %get3A_236 : vector<16xf32> to vector<16xf32>
        tpu.vector_store %arg8[%swap3A_282], %swap3A_285 {strides = array<i32>} : memref<32768xf32, #tpu.memory_space<vmem>>, vector<16xf32>,
        %add3A_286 = arith.constant 0 : i32
        %add3A_287 = arith.addi %mul3A_93, %add3A_286 : i32
        %mul3A_288 = arith.constant 128 : i32
        %mul3A_289 = arith.muli %add3A_287, %mul3A_288 : i32
        %add3A_290 = arith.constant 32 : i32
        %add3A_291 = arith.addi %mul3A_289, %add3A_290 : i32
        %swap3A_292 = arith.index_cast %add3A_291 : i32 to index
        %swap3A_293 = tpu.vector_load %arg8[%swap3A_292] {strides = array<i32>} : memref<32768xf32, #tpu.memory_space<vmem>>, vector<16xf32>,
        %swap3A_294 = vector.shape_cast %swap3A_293 : vector<16xf32> to vector<16xf32>
        %swap3A_295 = vector.shape_cast %get3A_241 : vector<16xf32> to vector<16xf32>
        tpu.vector_store %arg8[%swap3A_292], %swap3A_295 {strides = array<i32>} : memref<32768xf32, #tpu.memory_space<vmem>>, vector<16xf32>,
        %add3A_296 = arith.constant 0 : i32
        %add3A_297 = arith.addi %mul3A_93, %add3A_296 : i32
        %mul3A_298 = arith.constant 128 : i32
        %mul3A_299 = arith.muli %add3A_297, %mul3A_298 : i32
        %add3A_300 = arith.constant 48 : i32
        %add3A_301 = arith.addi %mul3A_299, %add3A_300 : i32
        %swap3A_302 = arith.index_cast %add3A_301 : i32 to index
        %swap3A_303 = tpu.vector_load %arg8[%swap3A_302] {strides = array<i32>} : memref<32768xf32, #tpu.memory_space<vmem>>, vector<16xf32>,
        %swap3A_304 = vector.shape_cast %swap3A_303 : vector<16xf32> to vector<16xf32>
        %swap3A_305 = vector.shape_cast %get3A_246 : vector<16xf32> to vector<16xf32>
        tpu.vector_store %arg8[%swap3A_302], %swap3A_305 {strides = array<i32>} : memref<32768xf32, #tpu.memory_space<vmem>>, vector<16xf32>,
        %add3A_306 = arith.constant 0 : i32
        %add3A_307 = arith.addi %mul3A_93, %add3A_306 : i32
        %mul3A_308 = arith.constant 128 : i32
        %mul3A_309 = arith.muli %add3A_307, %mul3A_308 : i32
        %add3A_310 = arith.constant 64 : i32
        %add3A_311 = arith.addi %mul3A_309, %add3A_310 : i32
        %swap3A_312 = arith.index_cast %add3A_311 : i32 to index
        %swap3A_313 = tpu.vector_load %arg8[%swap3A_312] {strides = array<i32>} : memref<32768xf32, #tpu.memory_space<vmem>>, vector<16xf32>,
        %swap3A_314 = vector.shape_cast %swap3A_313 : vector<16xf32> to vector<16xf32>
        %swap3A_315 = vector.shape_cast %get3A_251 : vector<16xf32> to vector<16xf32>
        tpu.vector_store %arg8[%swap3A_312], %swap3A_315 {strides = array<i32>} : memref<32768xf32, #tpu.memory_space<vmem>>, vector<16xf32>,
        %add3A_316 = arith.constant 0 : i32
        %add3A_317 = arith.addi %mul3A_93, %add3A_316 : i32
        %mul3A_318 = arith.constant 128 : i32
        %mul3A_319 = arith.muli %add3A_317, %mul3A_318 : i32
        %add3A_320 = arith.constant 80 : i32
        %add3A_321 = arith.addi %mul3A_319, %add3A_320 : i32
        %swap3A_322 = arith.index_cast %add3A_321 : i32 to index
        %swap3A_323 = tpu.vector_load %arg8[%swap3A_322] {strides = array<i32>} : memref<32768xf32, #tpu.memory_space<vmem>>, vector<16xf32>,
        %swap3A_324 = vector.shape_cast %swap3A_323 : vector<16xf32> to vector<16xf32>
        %swap3A_325 = vector.shape_cast %get3A_256 : vector<16xf32> to vector<16xf32>
        tpu.vector_store %arg8[%swap3A_322], %swap3A_325 {strides = array<i32>} : memref<32768xf32, #tpu.memory_space<vmem>>, vector<16xf32>,
        %add3A_326 = arith.constant 0 : i32
        %add3A_327 = arith.addi %mul3A_93, %add3A_326 : i32
        %mul3A_328 = arith.constant 128 : i32
        %mul3A_329 = arith.muli %add3A_327, %mul3A_328 : i32
        %add3A_330 = arith.constant 96 : i32
        %add3A_331 = arith.addi %mul3A_329, %add3A_330 : i32
        %swap3A_332 = arith.index_cast %add3A_331 : i32 to index
        %swap3A_333 = tpu.vector_load %arg8[%swap3A_332] {strides = array<i32>} : memref<32768xf32, #tpu.memory_space<vmem>>, vector<16xf32>,
        %swap3A_334 = vector.shape_cast %swap3A_333 : vector<16xf32> to vector<16xf32>
        %swap3A_335 = vector.shape_cast %get3A_261 : vector<16xf32> to vector<16xf32>
        tpu.vector_store %arg8[%swap3A_332], %swap3A_335 {strides = array<i32>} : memref<32768xf32, #tpu.memory_space<vmem>>, vector<16xf32>,
        %add3A_336 = arith.constant 0 : i32
        %add3A_337 = arith.addi %mul3A_93, %add3A_336 : i32
        %mul3A_338 = arith.constant 128 : i32
        %mul3A_339 = arith.muli %add3A_337, %mul3A_338 : i32
        %add3A_340 = arith.constant 112 : i32
        %add3A_341 = arith.addi %mul3A_339, %add3A_340 : i32
        %swap3A_342 = arith.index_cast %add3A_341 : i32 to index
        %swap3A_343 = tpu.vector_load %arg8[%swap3A_342] {strides = array<i32>} : memref<32768xf32, #tpu.memory_space<vmem>>, vector<16xf32>,
        %swap3A_344 = vector.shape_cast %swap3A_343 : vector<16xf32> to vector<16xf32>
        %swap3A_345 = vector.shape_cast %get3A_266 : vector<16xf32> to vector<16xf32>
        tpu.vector_store %arg8[%swap3A_342], %swap3A_345 {strides = array<i32>} : memref<32768xf32, #tpu.memory_space<vmem>>, vector<16xf32>,
        %add3A_346 = arith.constant 0 : i32
        %add3A_347 = arith.addi %mul3A_107, %add3A_346 : i32
        %get3A_348 = arith.index_cast %add3A_347 : i32 to index
        %get3A_349 = tpu.vector_load %arg5[%get3A_348] {strides = array<i32>} : memref<1280xf32, #tpu.memory_space<vmem>>, vector<16xf32>,
        %get3A_350 = vector.shape_cast %get3A_349 : vector<16xf32> to vector<16xf32>
        %add3A_351 = arith.constant 16 : i32
        %add3A_352 = arith.addi %mul3A_107, %add3A_351 : i32
        %get3A_353 = arith.index_cast %add3A_352 : i32 to index
        %get3A_354 = tpu.vector_load %arg5[%get3A_353] {strides = array<i32>} : memref<1280xf32, #tpu.memory_space<vmem>>, vector<16xf32>,
        %get3A_355 = vector.shape_cast %get3A_354 : vector<16xf32> to vector<16xf32>
        %add3A_356 = arith.constant 32 : i32
        %add3A_357 = arith.addi %mul3A_107, %add3A_356 : i32
        %get3A_358 = arith.index_cast %add3A_357 : i32 to index
        %get3A_359 = tpu.vector_load %arg5[%get3A_358] {strides = array<i32>} : memref<1280xf32, #tpu.memory_space<vmem>>, vector<16xf32>,
        %get3A_360 = vector.shape_cast %get3A_359 : vector<16xf32> to vector<16xf32>
        %add3A_361 = arith.constant 48 : i32
        %add3A_362 = arith.addi %mul3A_107, %add3A_361 : i32
        %get3A_363 = arith.index_cast %add3A_362 : i32 to index
        %get3A_364 = tpu.vector_load %arg5[%get3A_363] {strides = array<i32>} : memref<1280xf32, #tpu.memory_space<vmem>>, vector<16xf32>,
        %get3A_365 = vector.shape_cast %get3A_364 : vector<16xf32> to vector<16xf32>
        %add3A_366 = arith.constant 64 : i32
        %add3A_367 = arith.addi %mul3A_107, %add3A_366 : i32
        %get3A_368 = arith.index_cast %add3A_367 : i32 to index
        %get3A_369 = tpu.vector_load %arg5[%get3A_368] {strides = array<i32>} : memref<1280xf32, #tpu.memory_space<vmem>>, vector<16xf32>,
        %get3A_370 = vector.shape_cast %get3A_369 : vector<16xf32> to vector<16xf32>
        %add3A_371 = arith.constant 80 : i32
        %add3A_372 = arith.addi %mul3A_107, %add3A_371 : i32
        %get3A_373 = arith.index_cast %add3A_372 : i32 to index
        %get3A_374 = tpu.vector_load %arg5[%get3A_373] {strides = array<i32>} : memref<1280xf32, #tpu.memory_space<vmem>>, vector<16xf32>,
        %get3A_375 = vector.shape_cast %get3A_374 : vector<16xf32> to vector<16xf32>
        %add3A_376 = arith.constant 96 : i32
        %add3A_377 = arith.addi %mul3A_107, %add3A_376 : i32
        %get3A_378 = arith.index_cast %add3A_377 : i32 to index
        %get3A_379 = tpu.vector_load %arg5[%get3A_378] {strides = array<i32>} : memref<1280xf32, #tpu.memory_space<vmem>>, vector<16xf32>,
        %get3A_380 = vector.shape_cast %get3A_379 : vector<16xf32> to vector<16xf32>
        %add3A_381 = arith.constant 112 : i32
        %add3A_382 = arith.addi %mul3A_107, %add3A_381 : i32
        %get3A_383 = arith.index_cast %add3A_382 : i32 to index
        %get3A_384 = tpu.vector_load %arg5[%get3A_383] {strides = array<i32>} : memref<1280xf32, #tpu.memory_space<vmem>>, vector<16xf32>,
        %get3A_385 = vector.shape_cast %get3A_384 : vector<16xf32> to vector<16xf32>
        %add3A_386 = arith.constant 1 : i32
        %add3A_387 = arith.addi %mul3A_93, %add3A_386 : i32
        %mul3A_388 = arith.constant 128 : i32
        %mul3A_389 = arith.muli %add3A_387, %mul3A_388 : i32
        %add3A_390 = arith.constant 0 : i32
        %add3A_391 = arith.addi %mul3A_389, %add3A_390 : i32
        %swap3A_392 = arith.index_cast %add3A_391 : i32 to index
        %swap3A_393 = tpu.vector_load %arg8[%swap3A_392] {strides = array<i32>} : memref<32768xf32, #tpu.memory_space<vmem>>, vector<16xf32>,
        %swap3A_394 = vector.shape_cast %swap3A_393 : vector<16xf32> to vector<16xf32>
        %swap3A_395 = vector.shape_cast %get3A_350 : vector<16xf32> to vector<16xf32>
        tpu.vector_store %arg8[%swap3A_392], %swap3A_395 {strides = array<i32>} : memref<32768xf32, #tpu.memory_space<vmem>>, vector<16xf32>,
        %add3A_396 = arith.constant 1 : i32
        %add3A_397 = arith.addi %mul3A_93, %add3A_396 : i32
        %mul3A_398 = arith.constant 128 : i32
        %mul3A_399 = arith.muli %add3A_397, %mul3A_398 : i32
        %add3A_400 = arith.constant 16 : i32
        %add3A_401 = arith.addi %mul3A_399, %add3A_400 : i32
        %swap3A_402 = arith.index_cast %add3A_401 : i32 to index
        %swap3A_403 = tpu.vector_load %arg8[%swap3A_402] {strides = array<i32>} : memref<32768xf32, #tpu.memory_space<vmem>>, vector<16xf32>,
        %swap3A_404 = vector.shape_cast %swap3A_403 : vector<16xf32> to vector<16xf32>
        %swap3A_405 = vector.shape_cast %get3A_355 : vector<16xf32> to vector<16xf32>
        tpu.vector_store %arg8[%swap3A_402], %swap3A_405 {strides = array<i32>} : memref<32768xf32, #tpu.memory_space<vmem>>, vector<16xf32>,
        %add3A_406 = arith.constant 1 : i32
        %add3A_407 = arith.addi %mul3A_93, %add3A_406 : i32
        %mul3A_408 = arith.constant 128 : i32
        %mul3A_409 = arith.muli %add3A_407, %mul3A_408 : i32
        %add3A_410 = arith.constant 32 : i32
        %add3A_411 = arith.addi %mul3A_409, %add3A_410 : i32
        %swap3A_412 = arith.index_cast %add3A_411 : i32 to index
        %swap3A_413 = tpu.vector_load %arg8[%swap3A_412] {strides = array<i32>} : memref<32768xf32, #tpu.memory_space<vmem>>, vector<16xf32>,
        %swap3A_414 = vector.shape_cast %swap3A_413 : vector<16xf32> to vector<16xf32>
        %swap3A_415 = vector.shape_cast %get3A_360 : vector<16xf32> to vector<16xf32>
        tpu.vector_store %arg8[%swap3A_412], %swap3A_415 {strides = array<i32>} : memref<32768xf32, #tpu.memory_space<vmem>>, vector<16xf32>,
        %add3A_416 = arith.constant 1 : i32
        %add3A_417 = arith.addi %mul3A_93, %add3A_416 : i32
        %mul3A_418 = arith.constant 128 : i32
        %mul3A_419 = arith.muli %add3A_417, %mul3A_418 : i32
        %add3A_420 = arith.constant 48 : i32
        %add3A_421 = arith.addi %mul3A_419, %add3A_420 : i32
        %swap3A_422 = arith.index_cast %add3A_421 : i32 to index
        %swap3A_423 = tpu.vector_load %arg8[%swap3A_422] {strides = array<i32>} : memref<32768xf32, #tpu.memory_space<vmem>>, vector<16xf32>,
        %swap3A_424 = vector.shape_cast %swap3A_423 : vector<16xf32> to vector<16xf32>
        %swap3A_425 = vector.shape_cast %get3A_365 : vector<16xf32> to vector<16xf32>
        tpu.vector_store %arg8[%swap3A_422], %swap3A_425 {strides = array<i32>} : memref<32768xf32, #tpu.memory_space<vmem>>, vector<16xf32>,
        %add3A_426 = arith.constant 1 : i32
        %add3A_427 = arith.addi %mul3A_93, %add3A_426 : i32
        %mul3A_428 = arith.constant 128 : i32
        %mul3A_429 = arith.muli %add3A_427, %mul3A_428 : i32
        %add3A_430 = arith.constant 64 : i32
        %add3A_431 = arith.addi %mul3A_429, %add3A_430 : i32
        %swap3A_432 = arith.index_cast %add3A_431 : i32 to index
        %swap3A_433 = tpu.vector_load %arg8[%swap3A_432] {strides = array<i32>} : memref<32768xf32, #tpu.memory_space<vmem>>, vector<16xf32>,
        %swap3A_434 = vector.shape_cast %swap3A_433 : vector<16xf32> to vector<16xf32>
        %swap3A_435 = vector.shape_cast %get3A_370 : vector<16xf32> to vector<16xf32>
        tpu.vector_store %arg8[%swap3A_432], %swap3A_435 {strides = array<i32>} : memref<32768xf32, #tpu.memory_space<vmem>>, vector<16xf32>,
        %add3A_436 = arith.constant 1 : i32
        %add3A_437 = arith.addi %mul3A_93, %add3A_436 : i32
        %mul3A_438 = arith.constant 128 : i32
        %mul3A_439 = arith.muli %add3A_437, %mul3A_438 : i32
        %add3A_440 = arith.constant 80 : i32
        %add3A_441 = arith.addi %mul3A_439, %add3A_440 : i32
        %swap3A_442 = arith.index_cast %add3A_441 : i32 to index
        %swap3A_443 = tpu.vector_load %arg8[%swap3A_442] {strides = array<i32>} : memref<32768xf32, #tpu.memory_space<vmem>>, vector<16xf32>,
        %swap3A_444 = vector.shape_cast %swap3A_443 : vector<16xf32> to vector<16xf32>
        %swap3A_445 = vector.shape_cast %get3A_375 : vector<16xf32> to vector<16xf32>
        tpu.vector_store %arg8[%swap3A_442], %swap3A_445 {strides = array<i32>} : memref<32768xf32, #tpu.memory_space<vmem>>, vector<16xf32>,
        %add3A_446 = arith.constant 1 : i32
        %add3A_447 = arith.addi %mul3A_93, %add3A_446 : i32
        %mul3A_448 = arith.constant 128 : i32
        %mul3A_449 = arith.muli %add3A_447, %mul3A_448 : i32
        %add3A_450 = arith.constant 96 : i32
        %add3A_451 = arith.addi %mul3A_449, %add3A_450 : i32
        %swap3A_452 = arith.index_cast %add3A_451 : i32 to index
        %swap3A_453 = tpu.vector_load %arg8[%swap3A_452] {strides = array<i32>} : memref<32768xf32, #tpu.memory_space<vmem>>, vector<16xf32>,
        %swap3A_454 = vector.shape_cast %swap3A_453 : vector<16xf32> to vector<16xf32>
        %swap3A_455 = vector.shape_cast %get3A_380 : vector<16xf32> to vector<16xf32>
        tpu.vector_store %arg8[%swap3A_452], %swap3A_455 {strides = array<i32>} : memref<32768xf32, #tpu.memory_space<vmem>>, vector<16xf32>,
        %add3A_456 = arith.constant 1 : i32
        %add3A_457 = arith.addi %mul3A_93, %add3A_456 : i32
        %mul3A_458 = arith.constant 128 : i32
        %mul3A_459 = arith.muli %add3A_457, %mul3A_458 : i32
        %add3A_460 = arith.constant 112 : i32
        %add3A_461 = arith.addi %mul3A_459, %add3A_460 : i32
        %swap3A_462 = arith.index_cast %add3A_461 : i32 to index
        %swap3A_463 = tpu.vector_load %arg8[%swap3A_462] {strides = array<i32>} : memref<32768xf32, #tpu.memory_space<vmem>>, vector<16xf32>,
        %swap3A_464 = vector.shape_cast %swap3A_463 : vector<16xf32> to vector<16xf32>
        %swap3A_465 = vector.shape_cast %get3A_385 : vector<16xf32> to vector<16xf32>
        tpu.vector_store %arg8[%swap3A_462], %swap3A_465 {strides = array<i32>} : memref<32768xf32, #tpu.memory_space<vmem>>, vector<16xf32>,
        %add3A_466 = arith.constant 0 : i32
        %add3A_467 = arith.addi %mul3A_119, %add3A_466 : i32
        %get3A_468 = arith.index_cast %add3A_467 : i32 to index
        %get3A_469 = tpu.vector_load %arg5[%get3A_468] {strides = array<i32>} : memref<1280xf32, #tpu.memory_space<vmem>>, vector<16xf32>,
        %get3A_470 = vector.shape_cast %get3A_469 : vector<16xf32> to vector<16xf32>
        %add3A_471 = arith.constant 16 : i32
        %add3A_472 = arith.addi %mul3A_119, %add3A_471 : i32
        %get3A_473 = arith.index_cast %add3A_472 : i32 to index
        %get3A_474 = tpu.vector_load %arg5[%get3A_473] {strides = array<i32>} : memref<1280xf32, #tpu.memory_space<vmem>>, vector<16xf32>,
        %get3A_475 = vector.shape_cast %get3A_474 : vector<16xf32> to vector<16xf32>
        %add3A_476 = arith.constant 32 : i32
        %add3A_477 = arith.addi %mul3A_119, %add3A_476 : i32
        %get3A_478 = arith.index_cast %add3A_477 : i32 to index
        %get3A_479 = tpu.vector_load %arg5[%get3A_478] {strides = array<i32>} : memref<1280xf32, #tpu.memory_space<vmem>>, vector<16xf32>,
        %get3A_480 = vector.shape_cast %get3A_479 : vector<16xf32> to vector<16xf32>
        %add3A_481 = arith.constant 48 : i32
        %add3A_482 = arith.addi %mul3A_119, %add3A_481 : i32
        %get3A_483 = arith.index_cast %add3A_482 : i32 to index
        %get3A_484 = tpu.vector_load %arg5[%get3A_483] {strides = array<i32>} : memref<1280xf32, #tpu.memory_space<vmem>>, vector<16xf32>,
        %get3A_485 = vector.shape_cast %get3A_484 : vector<16xf32> to vector<16xf32>
        %add3A_486 = arith.constant 64 : i32
        %add3A_487 = arith.addi %mul3A_119, %add3A_486 : i32
        %get3A_488 = arith.index_cast %add3A_487 : i32 to index
        %get3A_489 = tpu.vector_load %arg5[%get3A_488] {strides = array<i32>} : memref<1280xf32, #tpu.memory_space<vmem>>, vector<16xf32>,
        %get3A_490 = vector.shape_cast %get3A_489 : vector<16xf32> to vector<16xf32>
        %add3A_491 = arith.constant 80 : i32
        %add3A_492 = arith.addi %mul3A_119, %add3A_491 : i32
        %get3A_493 = arith.index_cast %add3A_492 : i32 to index
        %get3A_494 = tpu.vector_load %arg5[%get3A_493] {strides = array<i32>} : memref<1280xf32, #tpu.memory_space<vmem>>, vector<16xf32>,
        %get3A_495 = vector.shape_cast %get3A_494 : vector<16xf32> to vector<16xf32>
        %add3A_496 = arith.constant 96 : i32
        %add3A_497 = arith.addi %mul3A_119, %add3A_496 : i32
        %get3A_498 = arith.index_cast %add3A_497 : i32 to index
        %get3A_499 = tpu.vector_load %arg5[%get3A_498] {strides = array<i32>} : memref<1280xf32, #tpu.memory_space<vmem>>, vector<16xf32>,
        %get3A_500 = vector.shape_cast %get3A_499 : vector<16xf32> to vector<16xf32>
        %add3A_501 = arith.constant 112 : i32
        %add3A_502 = arith.addi %mul3A_119, %add3A_501 : i32
        %get3A_503 = arith.index_cast %add3A_502 : i32 to index
        %get3A_504 = tpu.vector_load %arg5[%get3A_503] {strides = array<i32>} : memref<1280xf32, #tpu.memory_space<vmem>>, vector<16xf32>,
        %get3A_505 = vector.shape_cast %get3A_504 : vector<16xf32> to vector<16xf32>
        %add3A_506 = arith.constant 2 : i32
        %add3A_507 = arith.addi %mul3A_93, %add3A_506 : i32
        %mul3A_508 = arith.constant 128 : i32
        %mul3A_509 = arith.muli %add3A_507, %mul3A_508 : i32
        %add3A_510 = arith.constant 0 : i32
        %add3A_511 = arith.addi %mul3A_509, %add3A_510 : i32
        %swap3A_512 = arith.index_cast %add3A_511 : i32 to index
        %swap3A_513 = tpu.vector_load %arg8[%swap3A_512] {strides = array<i32>} : memref<32768xf32, #tpu.memory_space<vmem>>, vector<16xf32>,
        %swap3A_514 = vector.shape_cast %swap3A_513 : vector<16xf32> to vector<16xf32>
        %swap3A_515 = vector.shape_cast %get3A_470 : vector<16xf32> to vector<16xf32>
        tpu.vector_store %arg8[%swap3A_512], %swap3A_515 {strides = array<i32>} : memref<32768xf32, #tpu.memory_space<vmem>>, vector<16xf32>,
        %add3A_516 = arith.constant 2 : i32
        %add3A_517 = arith.addi %mul3A_93, %add3A_516 : i32
        %mul3A_518 = arith.constant 128 : i32
        %mul3A_519 = arith.muli %add3A_517, %mul3A_518 : i32
        %add3A_520 = arith.constant 16 : i32
        %add3A_521 = arith.addi %mul3A_519, %add3A_520 : i32
        %swap3A_522 = arith.index_cast %add3A_521 : i32 to index
        %swap3A_523 = tpu.vector_load %arg8[%swap3A_522] {strides = array<i32>} : memref<32768xf32, #tpu.memory_space<vmem>>, vector<16xf32>,
        %swap3A_524 = vector.shape_cast %swap3A_523 : vector<16xf32> to vector<16xf32>
        %swap3A_525 = vector.shape_cast %get3A_475 : vector<16xf32> to vector<16xf32>
        tpu.vector_store %arg8[%swap3A_522], %swap3A_525 {strides = array<i32>} : memref<32768xf32, #tpu.memory_space<vmem>>, vector<16xf32>,
        %add3A_526 = arith.constant 2 : i32
        %add3A_527 = arith.addi %mul3A_93, %add3A_526 : i32
        %mul3A_528 = arith.constant 128 : i32
        %mul3A_529 = arith.muli %add3A_527, %mul3A_528 : i32
        %add3A_530 = arith.constant 32 : i32
        %add3A_531 = arith.addi %mul3A_529, %add3A_530 : i32
        %swap3A_532 = arith.index_cast %add3A_531 : i32 to index
        %swap3A_533 = tpu.vector_load %arg8[%swap3A_532] {strides = array<i32>} : memref<32768xf32, #tpu.memory_space<vmem>>, vector<16xf32>,
        %swap3A_534 = vector.shape_cast %swap3A_533 : vector<16xf32> to vector<16xf32>
        %swap3A_535 = vector.shape_cast %get3A_480 : vector<16xf32> to vector<16xf32>
        tpu.vector_store %arg8[%swap3A_532], %swap3A_535 {strides = array<i32>} : memref<32768xf32, #tpu.memory_space<vmem>>, vector<16xf32>,
        %add3A_536 = arith.constant 2 : i32
        %add3A_537 = arith.addi %mul3A_93, %add3A_536 : i32
        %mul3A_538 = arith.constant 128 : i32
        %mul3A_539 = arith.muli %add3A_537, %mul3A_538 : i32
        %add3A_540 = arith.constant 48 : i32
        %add3A_541 = arith.addi %mul3A_539, %add3A_540 : i32
        %swap3A_542 = arith.index_cast %add3A_541 : i32 to index
        %swap3A_543 = tpu.vector_load %arg8[%swap3A_542] {strides = array<i32>} : memref<32768xf32, #tpu.memory_space<vmem>>, vector<16xf32>,
        %swap3A_544 = vector.shape_cast %swap3A_543 : vector<16xf32> to vector<16xf32>
        %swap3A_545 = vector.shape_cast %get3A_485 : vector<16xf32> to vector<16xf32>
        tpu.vector_store %arg8[%swap3A_542], %swap3A_545 {strides = array<i32>} : memref<32768xf32, #tpu.memory_space<vmem>>, vector<16xf32>,
        %add3A_546 = arith.constant 2 : i32
        %add3A_547 = arith.addi %mul3A_93, %add3A_546 : i32
        %mul3A_548 = arith.constant 128 : i32
        %mul3A_549 = arith.muli %add3A_547, %mul3A_548 : i32
        %add3A_550 = arith.constant 64 : i32
        %add3A_551 = arith.addi %mul3A_549, %add3A_550 : i32
        %swap3A_552 = arith.index_cast %add3A_551 : i32 to index
        %swap3A_553 = tpu.vector_load %arg8[%swap3A_552] {strides = array<i32>} : memref<32768xf32, #tpu.memory_space<vmem>>, vector<16xf32>,
        %swap3A_554 = vector.shape_cast %swap3A_553 : vector<16xf32> to vector<16xf32>
        %swap3A_555 = vector.shape_cast %get3A_490 : vector<16xf32> to vector<16xf32>
        tpu.vector_store %arg8[%swap3A_552], %swap3A_555 {strides = array<i32>} : memref<32768xf32, #tpu.memory_space<vmem>>, vector<16xf32>,
        %add3A_556 = arith.constant 2 : i32
        %add3A_557 = arith.addi %mul3A_93, %add3A_556 : i32
        %mul3A_558 = arith.constant 128 : i32
        %mul3A_559 = arith.muli %add3A_557, %mul3A_558 : i32
        %add3A_560 = arith.constant 80 : i32
        %add3A_561 = arith.addi %mul3A_559, %add3A_560 : i32
        %swap3A_562 = arith.index_cast %add3A_561 : i32 to index
        %swap3A_563 = tpu.vector_load %arg8[%swap3A_562] {strides = array<i32>} : memref<32768xf32, #tpu.memory_space<vmem>>, vector<16xf32>,
        %swap3A_564 = vector.shape_cast %swap3A_563 : vector<16xf32> to vector<16xf32>
        %swap3A_565 = vector.shape_cast %get3A_495 : vector<16xf32> to vector<16xf32>
        tpu.vector_store %arg8[%swap3A_562], %swap3A_565 {strides = array<i32>} : memref<32768xf32, #tpu.memory_space<vmem>>, vector<16xf32>,
        %add3A_566 = arith.constant 2 : i32
        %add3A_567 = arith.addi %mul3A_93, %add3A_566 : i32
        %mul3A_568 = arith.constant 128 : i32
        %mul3A_569 = arith.muli %add3A_567, %mul3A_568 : i32
        %add3A_570 = arith.constant 96 : i32
        %add3A_571 = arith.addi %mul3A_569, %add3A_570 : i32
        %swap3A_572 = arith.index_cast %add3A_571 : i32 to index
        %swap3A_573 = tpu.vector_load %arg8[%swap3A_572] {strides = array<i32>} : memref<32768xf32, #tpu.memory_space<vmem>>, vector<16xf32>,
        %swap3A_574 = vector.shape_cast %swap3A_573 : vector<16xf32> to vector<16xf32>
        %swap3A_575 = vector.shape_cast %get3A_500 : vector<16xf32> to vector<16xf32>
        tpu.vector_store %arg8[%swap3A_572], %swap3A_575 {strides = array<i32>} : memref<32768xf32, #tpu.memory_space<vmem>>, vector<16xf32>,
        %add3A_576 = arith.constant 2 : i32
        %add3A_577 = arith.addi %mul3A_93, %add3A_576 : i32
        %mul3A_578 = arith.constant 128 : i32
        %mul3A_579 = arith.muli %add3A_577, %mul3A_578 : i32
        %add3A_580 = arith.constant 112 : i32
        %add3A_581 = arith.addi %mul3A_579, %add3A_580 : i32
        %swap3A_582 = arith.index_cast %add3A_581 : i32 to index
        %swap3A_583 = tpu.vector_load %arg8[%swap3A_582] {strides = array<i32>} : memref<32768xf32, #tpu.memory_space<vmem>>, vector<16xf32>,
        %swap3A_584 = vector.shape_cast %swap3A_583 : vector<16xf32> to vector<16xf32>
        %swap3A_585 = vector.shape_cast %get3A_505 : vector<16xf32> to vector<16xf32>
        tpu.vector_store %arg8[%swap3A_582], %swap3A_585 {strides = array<i32>} : memref<32768xf32, #tpu.memory_space<vmem>>, vector<16xf32>,
        %add3A_586 = arith.constant 0 : i32
        %add3A_587 = arith.addi %mul3A_124, %add3A_586 : i32
        %get3A_588 = arith.index_cast %add3A_587 : i32 to index
        %get3A_589 = tpu.vector_load %arg5[%get3A_588] {strides = array<i32>} : memref<1280xf32, #tpu.memory_space<vmem>>, vector<16xf32>,
        %get3A_590 = vector.shape_cast %get3A_589 : vector<16xf32> to vector<16xf32>
        %add3A_591 = arith.constant 16 : i32
        %add3A_592 = arith.addi %mul3A_124, %add3A_591 : i32
        %get3A_593 = arith.index_cast %add3A_592 : i32 to index
        %get3A_594 = tpu.vector_load %arg5[%get3A_593] {strides = array<i32>} : memref<1280xf32, #tpu.memory_space<vmem>>, vector<16xf32>,
        %get3A_595 = vector.shape_cast %get3A_594 : vector<16xf32> to vector<16xf32>
        %add3A_596 = arith.constant 32 : i32
        %add3A_597 = arith.addi %mul3A_124, %add3A_596 : i32
        %get3A_598 = arith.index_cast %add3A_597 : i32 to index
        %get3A_599 = tpu.vector_load %arg5[%get3A_598] {strides = array<i32>} : memref<1280xf32, #tpu.memory_space<vmem>>, vector<16xf32>,
        %get3A_600 = vector.shape_cast %get3A_599 : vector<16xf32> to vector<16xf32>
        %add3A_601 = arith.constant 48 : i32
        %add3A_602 = arith.addi %mul3A_124, %add3A_601 : i32
        %get3A_603 = arith.index_cast %add3A_602 : i32 to index
        %get3A_604 = tpu.vector_load %arg5[%get3A_603] {strides = array<i32>} : memref<1280xf32, #tpu.memory_space<vmem>>, vector<16xf32>,
        %get3A_605 = vector.shape_cast %get3A_604 : vector<16xf32> to vector<16xf32>
        %add3A_606 = arith.constant 64 : i32
        %add3A_607 = arith.addi %mul3A_124, %add3A_606 : i32
        %get3A_608 = arith.index_cast %add3A_607 : i32 to index
        %get3A_609 = tpu.vector_load %arg5[%get3A_608] {strides = array<i32>} : memref<1280xf32, #tpu.memory_space<vmem>>, vector<16xf32>,
        %get3A_610 = vector.shape_cast %get3A_609 : vector<16xf32> to vector<16xf32>
        %add3A_611 = arith.constant 80 : i32
        %add3A_612 = arith.addi %mul3A_124, %add3A_611 : i32
        %get3A_613 = arith.index_cast %add3A_612 : i32 to index
        %get3A_614 = tpu.vector_load %arg5[%get3A_613] {strides = array<i32>} : memref<1280xf32, #tpu.memory_space<vmem>>, vector<16xf32>,
        %get3A_615 = vector.shape_cast %get3A_614 : vector<16xf32> to vector<16xf32>
        %add3A_616 = arith.constant 96 : i32
        %add3A_617 = arith.addi %mul3A_124, %add3A_616 : i32
        %get3A_618 = arith.index_cast %add3A_617 : i32 to index
        %get3A_619 = tpu.vector_load %arg5[%get3A_618] {strides = array<i32>} : memref<1280xf32, #tpu.memory_space<vmem>>, vector<16xf32>,
        %get3A_620 = vector.shape_cast %get3A_619 : vector<16xf32> to vector<16xf32>
        %add3A_621 = arith.constant 112 : i32
        %add3A_622 = arith.addi %mul3A_124, %add3A_621 : i32
        %get3A_623 = arith.index_cast %add3A_622 : i32 to index
        %get3A_624 = tpu.vector_load %arg5[%get3A_623] {strides = array<i32>} : memref<1280xf32, #tpu.memory_space<vmem>>, vector<16xf32>,
        %get3A_625 = vector.shape_cast %get3A_624 : vector<16xf32> to vector<16xf32>
        %add3A_626 = arith.constant 3 : i32
        %add3A_627 = arith.addi %mul3A_93, %add3A_626 : i32
        %mul3A_628 = arith.constant 128 : i32
        %mul3A_629 = arith.muli %add3A_627, %mul3A_628 : i32
        %add3A_630 = arith.constant 0 : i32
        %add3A_631 = arith.addi %mul3A_629, %add3A_630 : i32
        %swap3A_632 = arith.index_cast %add3A_631 : i32 to index
        %swap3A_633 = tpu.vector_load %arg8[%swap3A_632] {strides = array<i32>} : memref<32768xf32, #tpu.memory_space<vmem>>, vector<16xf32>,
        %swap3A_634 = vector.shape_cast %swap3A_633 : vector<16xf32> to vector<16xf32>
        %swap3A_635 = vector.shape_cast %get3A_590 : vector<16xf32> to vector<16xf32>
        tpu.vector_store %arg8[%swap3A_632], %swap3A_635 {strides = array<i32>} : memref<32768xf32, #tpu.memory_space<vmem>>, vector<16xf32>,
        %add3A_636 = arith.constant 3 : i32
        %add3A_637 = arith.addi %mul3A_93, %add3A_636 : i32
        %mul3A_638 = arith.constant 128 : i32
        %mul3A_639 = arith.muli %add3A_637, %mul3A_638 : i32
        %add3A_640 = arith.constant 16 : i32
        %add3A_641 = arith.addi %mul3A_639, %add3A_640 : i32
        %swap3A_642 = arith.index_cast %add3A_641 : i32 to index
        %swap3A_643 = tpu.vector_load %arg8[%swap3A_642] {strides = array<i32>} : memref<32768xf32, #tpu.memory_space<vmem>>, vector<16xf32>,
        %swap3A_644 = vector.shape_cast %swap3A_643 : vector<16xf32> to vector<16xf32>
        %swap3A_645 = vector.shape_cast %get3A_595 : vector<16xf32> to vector<16xf32>
        tpu.vector_store %arg8[%swap3A_642], %swap3A_645 {strides = array<i32>} : memref<32768xf32, #tpu.memory_space<vmem>>, vector<16xf32>,
        %add3A_646 = arith.constant 3 : i32
        %add3A_647 = arith.addi %mul3A_93, %add3A_646 : i32
        %mul3A_648 = arith.constant 128 : i32
        %mul3A_649 = arith.muli %add3A_647, %mul3A_648 : i32
        %add3A_650 = arith.constant 32 : i32
        %add3A_651 = arith.addi %mul3A_649, %add3A_650 : i32
        %swap3A_652 = arith.index_cast %add3A_651 : i32 to index
        %swap3A_653 = tpu.vector_load %arg8[%swap3A_652] {strides = array<i32>} : memref<32768xf32, #tpu.memory_space<vmem>>, vector<16xf32>,
        %swap3A_654 = vector.shape_cast %swap3A_653 : vector<16xf32> to vector<16xf32>
        %swap3A_655 = vector.shape_cast %get3A_600 : vector<16xf32> to vector<16xf32>
        tpu.vector_store %arg8[%swap3A_652], %swap3A_655 {strides = array<i32>} : memref<32768xf32, #tpu.memory_space<vmem>>, vector<16xf32>,
        %add3A_656 = arith.constant 3 : i32
        %add3A_657 = arith.addi %mul3A_93, %add3A_656 : i32
        %mul3A_658 = arith.constant 128 : i32
        %mul3A_659 = arith.muli %add3A_657, %mul3A_658 : i32
        %add3A_660 = arith.constant 48 : i32
        %add3A_661 = arith.addi %mul3A_659, %add3A_660 : i32
        %swap3A_662 = arith.index_cast %add3A_661 : i32 to index
        %swap3A_663 = tpu.vector_load %arg8[%swap3A_662] {strides = array<i32>} : memref<32768xf32, #tpu.memory_space<vmem>>, vector<16xf32>,
        %swap3A_664 = vector.shape_cast %swap3A_663 : vector<16xf32> to vector<16xf32>
        %swap3A_665 = vector.shape_cast %get3A_605 : vector<16xf32> to vector<16xf32>
        tpu.vector_store %arg8[%swap3A_662], %swap3A_665 {strides = array<i32>} : memref<32768xf32, #tpu.memory_space<vmem>>, vector<16xf32>,
        %add3A_666 = arith.constant 3 : i32
        %add3A_667 = arith.addi %mul3A_93, %add3A_666 : i32
        %mul3A_668 = arith.constant 128 : i32
        %mul3A_669 = arith.muli %add3A_667, %mul3A_668 : i32
        %add3A_670 = arith.constant 64 : i32
        %add3A_671 = arith.addi %mul3A_669, %add3A_670 : i32
        %swap3A_672 = arith.index_cast %add3A_671 : i32 to index
        %swap3A_673 = tpu.vector_load %arg8[%swap3A_672] {strides = array<i32>} : memref<32768xf32, #tpu.memory_space<vmem>>, vector<16xf32>,
        %swap3A_674 = vector.shape_cast %swap3A_673 : vector<16xf32> to vector<16xf32>
        %swap3A_675 = vector.shape_cast %get3A_610 : vector<16xf32> to vector<16xf32>
        tpu.vector_store %arg8[%swap3A_672], %swap3A_675 {strides = array<i32>} : memref<32768xf32, #tpu.memory_space<vmem>>, vector<16xf32>,
        %add3A_676 = arith.constant 3 : i32
        %add3A_677 = arith.addi %mul3A_93, %add3A_676 : i32
        %mul3A_678 = arith.constant 128 : i32
        %mul3A_679 = arith.muli %add3A_677, %mul3A_678 : i32
        %add3A_680 = arith.constant 80 : i32
        %add3A_681 = arith.addi %mul3A_679, %add3A_680 : i32
        %swap3A_682 = arith.index_cast %add3A_681 : i32 to index
        %swap3A_683 = tpu.vector_load %arg8[%swap3A_682] {strides = array<i32>} : memref<32768xf32, #tpu.memory_space<vmem>>, vector<16xf32>,
        %swap3A_684 = vector.shape_cast %swap3A_683 : vector<16xf32> to vector<16xf32>
        %swap3A_685 = vector.shape_cast %get3A_615 : vector<16xf32> to vector<16xf32>
        tpu.vector_store %arg8[%swap3A_682], %swap3A_685 {strides = array<i32>} : memref<32768xf32, #tpu.memory_space<vmem>>, vector<16xf32>,
        %add3A_686 = arith.constant 3 : i32
        %add3A_687 = arith.addi %mul3A_93, %add3A_686 : i32
        %mul3A_688 = arith.constant 128 : i32
        %mul3A_689 = arith.muli %add3A_687, %mul3A_688 : i32
        %add3A_690 = arith.constant 96 : i32
        %add3A_691 = arith.addi %mul3A_689, %add3A_690 : i32
        %swap3A_692 = arith.index_cast %add3A_691 : i32 to index
        %swap3A_693 = tpu.vector_load %arg8[%swap3A_692] {strides = array<i32>} : memref<32768xf32, #tpu.memory_space<vmem>>, vector<16xf32>,
        %swap3A_694 = vector.shape_cast %swap3A_693 : vector<16xf32> to vector<16xf32>
        %swap3A_695 = vector.shape_cast %get3A_620 : vector<16xf32> to vector<16xf32>
        tpu.vector_store %arg8[%swap3A_692], %swap3A_695 {strides = array<i32>} : memref<32768xf32, #tpu.memory_space<vmem>>, vector<16xf32>,
        %add3A_696 = arith.constant 3 : i32
        %add3A_697 = arith.addi %mul3A_93, %add3A_696 : i32
        %mul3A_698 = arith.constant 128 : i32
        %mul3A_699 = arith.muli %add3A_697, %mul3A_698 : i32
        %add3A_700 = arith.constant 112 : i32
        %add3A_701 = arith.addi %mul3A_699, %add3A_700 : i32
        %swap3A_702 = arith.index_cast %add3A_701 : i32 to index
        %swap3A_703 = tpu.vector_load %arg8[%swap3A_702] {strides = array<i32>} : memref<32768xf32, #tpu.memory_space<vmem>>, vector<16xf32>,
        %swap3A_704 = vector.shape_cast %swap3A_703 : vector<16xf32> to vector<16xf32>
        %swap3A_705 = vector.shape_cast %get3A_625 : vector<16xf32> to vector<16xf32>
        tpu.vector_store %arg8[%swap3A_702], %swap3A_705 {strides = array<i32>} : memref<32768xf32, #tpu.memory_space<vmem>>, vector<16xf32>,
        %add3A_706 = arith.constant 0 : i32
        %add3A_707 = arith.addi %mul3A_136, %add3A_706 : i32
        %get3A_708 = arith.index_cast %add3A_707 : i32 to index
        %get3A_709 = tpu.vector_load %arg5[%get3A_708] {strides = array<i32>} : memref<1280xf32, #tpu.memory_space<vmem>>, vector<16xf32>,
        %get3A_710 = vector.shape_cast %get3A_709 : vector<16xf32> to vector<16xf32>
        %add3A_711 = arith.constant 16 : i32
        %add3A_712 = arith.addi %mul3A_136, %add3A_711 : i32
        %get3A_713 = arith.index_cast %add3A_712 : i32 to index
        %get3A_714 = tpu.vector_load %arg5[%get3A_713] {strides = array<i32>} : memref<1280xf32, #tpu.memory_space<vmem>>, vector<16xf32>,
        %get3A_715 = vector.shape_cast %get3A_714 : vector<16xf32> to vector<16xf32>
        %add3A_716 = arith.constant 32 : i32
        %add3A_717 = arith.addi %mul3A_136, %add3A_716 : i32
        %get3A_718 = arith.index_cast %add3A_717 : i32 to index
        %get3A_719 = tpu.vector_load %arg5[%get3A_718] {strides = array<i32>} : memref<1280xf32, #tpu.memory_space<vmem>>, vector<16xf32>,
        %get3A_720 = vector.shape_cast %get3A_719 : vector<16xf32> to vector<16xf32>
        %add3A_721 = arith.constant 48 : i32
        %add3A_722 = arith.addi %mul3A_136, %add3A_721 : i32
        %get3A_723 = arith.index_cast %add3A_722 : i32 to index
        %get3A_724 = tpu.vector_load %arg5[%get3A_723] {strides = array<i32>} : memref<1280xf32, #tpu.memory_space<vmem>>, vector<16xf32>,
        %get3A_725 = vector.shape_cast %get3A_724 : vector<16xf32> to vector<16xf32>
        %add3A_726 = arith.constant 64 : i32
        %add3A_727 = arith.addi %mul3A_136, %add3A_726 : i32
        %get3A_728 = arith.index_cast %add3A_727 : i32 to index
        %get3A_729 = tpu.vector_load %arg5[%get3A_728] {strides = array<i32>} : memref<1280xf32, #tpu.memory_space<vmem>>, vector<16xf32>,
        %get3A_730 = vector.shape_cast %get3A_729 : vector<16xf32> to vector<16xf32>
        %add3A_731 = arith.constant 80 : i32
        %add3A_732 = arith.addi %mul3A_136, %add3A_731 : i32
        %get3A_733 = arith.index_cast %add3A_732 : i32 to index
        %get3A_734 = tpu.vector_load %arg5[%get3A_733] {strides = array<i32>} : memref<1280xf32, #tpu.memory_space<vmem>>, vector<16xf32>,
        %get3A_735 = vector.shape_cast %get3A_734 : vector<16xf32> to vector<16xf32>
        %add3A_736 = arith.constant 96 : i32
        %add3A_737 = arith.addi %mul3A_136, %add3A_736 : i32
        %get3A_738 = arith.index_cast %add3A_737 : i32 to index
        %get3A_739 = tpu.vector_load %arg5[%get3A_738] {strides = array<i32>} : memref<1280xf32, #tpu.memory_space<vmem>>, vector<16xf32>,
        %get3A_740 = vector.shape_cast %get3A_739 : vector<16xf32> to vector<16xf32>
        %add3A_741 = arith.constant 112 : i32
        %add3A_742 = arith.addi %mul3A_136, %add3A_741 : i32
        %get3A_743 = arith.index_cast %add3A_742 : i32 to index
        %get3A_744 = tpu.vector_load %arg5[%get3A_743] {strides = array<i32>} : memref<1280xf32, #tpu.memory_space<vmem>>, vector<16xf32>,
        %get3A_745 = vector.shape_cast %get3A_744 : vector<16xf32> to vector<16xf32>
        %add3A_746 = arith.constant 4 : i32
        %add3A_747 = arith.addi %mul3A_93, %add3A_746 : i32
        %mul3A_748 = arith.constant 128 : i32
        %mul3A_749 = arith.muli %add3A_747, %mul3A_748 : i32
        %add3A_750 = arith.constant 0 : i32
        %add3A_751 = arith.addi %mul3A_749, %add3A_750 : i32
        %swap3A_752 = arith.index_cast %add3A_751 : i32 to index
        %swap3A_753 = tpu.vector_load %arg8[%swap3A_752] {strides = array<i32>} : memref<32768xf32, #tpu.memory_space<vmem>>, vector<16xf32>,
        %swap3A_754 = vector.shape_cast %swap3A_753 : vector<16xf32> to vector<16xf32>
        %swap3A_755 = vector.shape_cast %get3A_710 : vector<16xf32> to vector<16xf32>
        tpu.vector_store %arg8[%swap3A_752], %swap3A_755 {strides = array<i32>} : memref<32768xf32, #tpu.memory_space<vmem>>, vector<16xf32>,
        %add3A_756 = arith.constant 4 : i32
        %add3A_757 = arith.addi %mul3A_93, %add3A_756 : i32
        %mul3A_758 = arith.constant 128 : i32
        %mul3A_759 = arith.muli %add3A_757, %mul3A_758 : i32
        %add3A_760 = arith.constant 16 : i32
        %add3A_761 = arith.addi %mul3A_759, %add3A_760 : i32
        %swap3A_762 = arith.index_cast %add3A_761 : i32 to index
        %swap3A_763 = tpu.vector_load %arg8[%swap3A_762] {strides = array<i32>} : memref<32768xf32, #tpu.memory_space<vmem>>, vector<16xf32>,
        %swap3A_764 = vector.shape_cast %swap3A_763 : vector<16xf32> to vector<16xf32>
        %swap3A_765 = vector.shape_cast %get3A_715 : vector<16xf32> to vector<16xf32>
        tpu.vector_store %arg8[%swap3A_762], %swap3A_765 {strides = array<i32>} : memref<32768xf32, #tpu.memory_space<vmem>>, vector<16xf32>,
        %add3A_766 = arith.constant 4 : i32
        %add3A_767 = arith.addi %mul3A_93, %add3A_766 : i32
        %mul3A_768 = arith.constant 128 : i32
        %mul3A_769 = arith.muli %add3A_767, %mul3A_768 : i32
        %add3A_770 = arith.constant 32 : i32
        %add3A_771 = arith.addi %mul3A_769, %add3A_770 : i32
        %swap3A_772 = arith.index_cast %add3A_771 : i32 to index
        %swap3A_773 = tpu.vector_load %arg8[%swap3A_772] {strides = array<i32>} : memref<32768xf32, #tpu.memory_space<vmem>>, vector<16xf32>,
        %swap3A_774 = vector.shape_cast %swap3A_773 : vector<16xf32> to vector<16xf32>
        %swap3A_775 = vector.shape_cast %get3A_720 : vector<16xf32> to vector<16xf32>
        tpu.vector_store %arg8[%swap3A_772], %swap3A_775 {strides = array<i32>} : memref<32768xf32, #tpu.memory_space<vmem>>, vector<16xf32>,
        %add3A_776 = arith.constant 4 : i32
        %add3A_777 = arith.addi %mul3A_93, %add3A_776 : i32
        %mul3A_778 = arith.constant 128 : i32
        %mul3A_779 = arith.muli %add3A_777, %mul3A_778 : i32
        %add3A_780 = arith.constant 48 : i32
        %add3A_781 = arith.addi %mul3A_779, %add3A_780 : i32
        %swap3A_782 = arith.index_cast %add3A_781 : i32 to index
        %swap3A_783 = tpu.vector_load %arg8[%swap3A_782] {strides = array<i32>} : memref<32768xf32, #tpu.memory_space<vmem>>, vector<16xf32>,
        %swap3A_784 = vector.shape_cast %swap3A_783 : vector<16xf32> to vector<16xf32>
        %swap3A_785 = vector.shape_cast %get3A_725 : vector<16xf32> to vector<16xf32>
        tpu.vector_store %arg8[%swap3A_782], %swap3A_785 {strides = array<i32>} : memref<32768xf32, #tpu.memory_space<vmem>>, vector<16xf32>,
        %add3A_786 = arith.constant 4 : i32
        %add3A_787 = arith.addi %mul3A_93, %add3A_786 : i32
        %mul3A_788 = arith.constant 128 : i32
        %mul3A_789 = arith.muli %add3A_787, %mul3A_788 : i32
        %add3A_790 = arith.constant 64 : i32
        %add3A_791 = arith.addi %mul3A_789, %add3A_790 : i32
        %swap3A_792 = arith.index_cast %add3A_791 : i32 to index
        %swap3A_793 = tpu.vector_load %arg8[%swap3A_792] {strides = array<i32>} : memref<32768xf32, #tpu.memory_space<vmem>>, vector<16xf32>,
        %swap3A_794 = vector.shape_cast %swap3A_793 : vector<16xf32> to vector<16xf32>
        %swap3A_795 = vector.shape_cast %get3A_730 : vector<16xf32> to vector<16xf32>
        tpu.vector_store %arg8[%swap3A_792], %swap3A_795 {strides = array<i32>} : memref<32768xf32, #tpu.memory_space<vmem>>, vector<16xf32>,
        %add3A_796 = arith.constant 4 : i32
        %add3A_797 = arith.addi %mul3A_93, %add3A_796 : i32
        %mul3A_798 = arith.constant 128 : i32
        %mul3A_799 = arith.muli %add3A_797, %mul3A_798 : i32
        %add3A_800 = arith.constant 80 : i32
        %add3A_801 = arith.addi %mul3A_799, %add3A_800 : i32
        %swap3A_802 = arith.index_cast %add3A_801 : i32 to index
        %swap3A_803 = tpu.vector_load %arg8[%swap3A_802] {strides = array<i32>} : memref<32768xf32, #tpu.memory_space<vmem>>, vector<16xf32>,
        %swap3A_804 = vector.shape_cast %swap3A_803 : vector<16xf32> to vector<16xf32>
        %swap3A_805 = vector.shape_cast %get3A_735 : vector<16xf32> to vector<16xf32>
        tpu.vector_store %arg8[%swap3A_802], %swap3A_805 {strides = array<i32>} : memref<32768xf32, #tpu.memory_space<vmem>>, vector<16xf32>,
        %add3A_806 = arith.constant 4 : i32
        %add3A_807 = arith.addi %mul3A_93, %add3A_806 : i32
        %mul3A_808 = arith.constant 128 : i32
        %mul3A_809 = arith.muli %add3A_807, %mul3A_808 : i32
        %add3A_810 = arith.constant 96 : i32
        %add3A_811 = arith.addi %mul3A_809, %add3A_810 : i32
        %swap3A_812 = arith.index_cast %add3A_811 : i32 to index
        %swap3A_813 = tpu.vector_load %arg8[%swap3A_812] {strides = array<i32>} : memref<32768xf32, #tpu.memory_space<vmem>>, vector<16xf32>,
        %swap3A_814 = vector.shape_cast %swap3A_813 : vector<16xf32> to vector<16xf32>
        %swap3A_815 = vector.shape_cast %get3A_740 : vector<16xf32> to vector<16xf32>
        tpu.vector_store %arg8[%swap3A_812], %swap3A_815 {strides = array<i32>} : memref<32768xf32, #tpu.memory_space<vmem>>, vector<16xf32>,
        %add3A_816 = arith.constant 4 : i32
        %add3A_817 = arith.addi %mul3A_93, %add3A_816 : i32
        %mul3A_818 = arith.constant 128 : i32
        %mul3A_819 = arith.muli %add3A_817, %mul3A_818 : i32
        %add3A_820 = arith.constant 112 : i32
        %add3A_821 = arith.addi %mul3A_819, %add3A_820 : i32
        %swap3A_822 = arith.index_cast %add3A_821 : i32 to index
        %swap3A_823 = tpu.vector_load %arg8[%swap3A_822] {strides = array<i32>} : memref<32768xf32, #tpu.memory_space<vmem>>, vector<16xf32>,
        %swap3A_824 = vector.shape_cast %swap3A_823 : vector<16xf32> to vector<16xf32>
        %swap3A_825 = vector.shape_cast %get3A_745 : vector<16xf32> to vector<16xf32>
        tpu.vector_store %arg8[%swap3A_822], %swap3A_825 {strides = array<i32>} : memref<32768xf32, #tpu.memory_space<vmem>>, vector<16xf32>,
        %add3A_826 = arith.constant 0 : i32
        %add3A_827 = arith.addi %mul3A_141, %add3A_826 : i32
        %get3A_828 = arith.index_cast %add3A_827 : i32 to index
        %get3A_829 = tpu.vector_load %arg5[%get3A_828] {strides = array<i32>} : memref<1280xf32, #tpu.memory_space<vmem>>, vector<16xf32>,
        %get3A_830 = vector.shape_cast %get3A_829 : vector<16xf32> to vector<16xf32>
        %add3A_831 = arith.constant 16 : i32
        %add3A_832 = arith.addi %mul3A_141, %add3A_831 : i32
        %get3A_833 = arith.index_cast %add3A_832 : i32 to index
        %get3A_834 = tpu.vector_load %arg5[%get3A_833] {strides = array<i32>} : memref<1280xf32, #tpu.memory_space<vmem>>, vector<16xf32>,
        %get3A_835 = vector.shape_cast %get3A_834 : vector<16xf32> to vector<16xf32>
        %add3A_836 = arith.constant 32 : i32
        %add3A_837 = arith.addi %mul3A_141, %add3A_836 : i32
        %get3A_838 = arith.index_cast %add3A_837 : i32 to index
        %get3A_839 = tpu.vector_load %arg5[%get3A_838] {strides = array<i32>} : memref<1280xf32, #tpu.memory_space<vmem>>, vector<16xf32>,
        %get3A_840 = vector.shape_cast %get3A_839 : vector<16xf32> to vector<16xf32>
        %add3A_841 = arith.constant 48 : i32
        %add3A_842 = arith.addi %mul3A_141, %add3A_841 : i32
        %get3A_843 = arith.index_cast %add3A_842 : i32 to index
        %get3A_844 = tpu.vector_load %arg5[%get3A_843] {strides = array<i32>} : memref<1280xf32, #tpu.memory_space<vmem>>, vector<16xf32>,
        %get3A_845 = vector.shape_cast %get3A_844 : vector<16xf32> to vector<16xf32>
        %add3A_846 = arith.constant 64 : i32
        %add3A_847 = arith.addi %mul3A_141, %add3A_846 : i32
        %get3A_848 = arith.index_cast %add3A_847 : i32 to index
        %get3A_849 = tpu.vector_load %arg5[%get3A_848] {strides = array<i32>} : memref<1280xf32, #tpu.memory_space<vmem>>, vector<16xf32>,
        %get3A_850 = vector.shape_cast %get3A_849 : vector<16xf32> to vector<16xf32>
        %add3A_851 = arith.constant 80 : i32
        %add3A_852 = arith.addi %mul3A_141, %add3A_851 : i32
        %get3A_853 = arith.index_cast %add3A_852 : i32 to index
        %get3A_854 = tpu.vector_load %arg5[%get3A_853] {strides = array<i32>} : memref<1280xf32, #tpu.memory_space<vmem>>, vector<16xf32>,
        %get3A_855 = vector.shape_cast %get3A_854 : vector<16xf32> to vector<16xf32>
        %add3A_856 = arith.constant 96 : i32
        %add3A_857 = arith.addi %mul3A_141, %add3A_856 : i32
        %get3A_858 = arith.index_cast %add3A_857 : i32 to index
        %get3A_859 = tpu.vector_load %arg5[%get3A_858] {strides = array<i32>} : memref<1280xf32, #tpu.memory_space<vmem>>, vector<16xf32>,
        %get3A_860 = vector.shape_cast %get3A_859 : vector<16xf32> to vector<16xf32>
        %add3A_861 = arith.constant 112 : i32
        %add3A_862 = arith.addi %mul3A_141, %add3A_861 : i32
        %get3A_863 = arith.index_cast %add3A_862 : i32 to index
        %get3A_864 = tpu.vector_load %arg5[%get3A_863] {strides = array<i32>} : memref<1280xf32, #tpu.memory_space<vmem>>, vector<16xf32>,
        %get3A_865 = vector.shape_cast %get3A_864 : vector<16xf32> to vector<16xf32>
        %add3A_866 = arith.constant 5 : i32
        %add3A_867 = arith.addi %mul3A_93, %add3A_866 : i32
        %mul3A_868 = arith.constant 128 : i32
        %mul3A_869 = arith.muli %add3A_867, %mul3A_868 : i32
        %add3A_870 = arith.constant 0 : i32
        %add3A_871 = arith.addi %mul3A_869, %add3A_870 : i32
        %swap3A_872 = arith.index_cast %add3A_871 : i32 to index
        %swap3A_873 = tpu.vector_load %arg8[%swap3A_872] {strides = array<i32>} : memref<32768xf32, #tpu.memory_space<vmem>>, vector<16xf32>,
        %swap3A_874 = vector.shape_cast %swap3A_873 : vector<16xf32> to vector<16xf32>
        %swap3A_875 = vector.shape_cast %get3A_830 : vector<16xf32> to vector<16xf32>
        tpu.vector_store %arg8[%swap3A_872], %swap3A_875 {strides = array<i32>} : memref<32768xf32, #tpu.memory_space<vmem>>, vector<16xf32>,
        %add3A_876 = arith.constant 5 : i32
        %add3A_877 = arith.addi %mul3A_93, %add3A_876 : i32
        %mul3A_878 = arith.constant 128 : i32
        %mul3A_879 = arith.muli %add3A_877, %mul3A_878 : i32
        %add3A_880 = arith.constant 16 : i32
        %add3A_881 = arith.addi %mul3A_879, %add3A_880 : i32
        %swap3A_882 = arith.index_cast %add3A_881 : i32 to index
        %swap3A_883 = tpu.vector_load %arg8[%swap3A_882] {strides = array<i32>} : memref<32768xf32, #tpu.memory_space<vmem>>, vector<16xf32>,
        %swap3A_884 = vector.shape_cast %swap3A_883 : vector<16xf32> to vector<16xf32>
        %swap3A_885 = vector.shape_cast %get3A_835 : vector<16xf32> to vector<16xf32>
        tpu.vector_store %arg8[%swap3A_882], %swap3A_885 {strides = array<i32>} : memref<32768xf32, #tpu.memory_space<vmem>>, vector<16xf32>,
        %add3A_886 = arith.constant 5 : i32
        %add3A_887 = arith.addi %mul3A_93, %add3A_886 : i32
        %mul3A_888 = arith.constant 128 : i32
        %mul3A_889 = arith.muli %add3A_887, %mul3A_888 : i32
        %add3A_890 = arith.constant 32 : i32
        %add3A_891 = arith.addi %mul3A_889, %add3A_890 : i32
        %swap3A_892 = arith.index_cast %add3A_891 : i32 to index
        %swap3A_893 = tpu.vector_load %arg8[%swap3A_892] {strides = array<i32>} : memref<32768xf32, #tpu.memory_space<vmem>>, vector<16xf32>,
        %swap3A_894 = vector.shape_cast %swap3A_893 : vector<16xf32> to vector<16xf32>
        %swap3A_895 = vector.shape_cast %get3A_840 : vector<16xf32> to vector<16xf32>
        tpu.vector_store %arg8[%swap3A_892], %swap3A_895 {strides = array<i32>} : memref<32768xf32, #tpu.memory_space<vmem>>, vector<16xf32>,
        %add3A_896 = arith.constant 5 : i32
        %add3A_897 = arith.addi %mul3A_93, %add3A_896 : i32
        %mul3A_898 = arith.constant 128 : i32
        %mul3A_899 = arith.muli %add3A_897, %mul3A_898 : i32
        %add3A_900 = arith.constant 48 : i32
        %add3A_901 = arith.addi %mul3A_899, %add3A_900 : i32
        %swap3A_902 = arith.index_cast %add3A_901 : i32 to index
        %swap3A_903 = tpu.vector_load %arg8[%swap3A_902] {strides = array<i32>} : memref<32768xf32, #tpu.memory_space<vmem>>, vector<16xf32>,
        %swap3A_904 = vector.shape_cast %swap3A_903 : vector<16xf32> to vector<16xf32>
        %swap3A_905 = vector.shape_cast %get3A_845 : vector<16xf32> to vector<16xf32>
        tpu.vector_store %arg8[%swap3A_902], %swap3A_905 {strides = array<i32>} : memref<32768xf32, #tpu.memory_space<vmem>>, vector<16xf32>,
        %add3A_906 = arith.constant 5 : i32
        %add3A_907 = arith.addi %mul3A_93, %add3A_906 : i32
        %mul3A_908 = arith.constant 128 : i32
        %mul3A_909 = arith.muli %add3A_907, %mul3A_908 : i32
        %add3A_910 = arith.constant 64 : i32
        %add3A_911 = arith.addi %mul3A_909, %add3A_910 : i32
        %swap3A_912 = arith.index_cast %add3A_911 : i32 to index
        %swap3A_913 = tpu.vector_load %arg8[%swap3A_912] {strides = array<i32>} : memref<32768xf32, #tpu.memory_space<vmem>>, vector<16xf32>,
        %swap3A_914 = vector.shape_cast %swap3A_913 : vector<16xf32> to vector<16xf32>
        %swap3A_915 = vector.shape_cast %get3A_850 : vector<16xf32> to vector<16xf32>
        tpu.vector_store %arg8[%swap3A_912], %swap3A_915 {strides = array<i32>} : memref<32768xf32, #tpu.memory_space<vmem>>, vector<16xf32>,
        %add3A_916 = arith.constant 5 : i32
        %add3A_917 = arith.addi %mul3A_93, %add3A_916 : i32
        %mul3A_918 = arith.constant 128 : i32
        %mul3A_919 = arith.muli %add3A_917, %mul3A_918 : i32
        %add3A_920 = arith.constant 80 : i32
        %add3A_921 = arith.addi %mul3A_919, %add3A_920 : i32
        %swap3A_922 = arith.index_cast %add3A_921 : i32 to index
        %swap3A_923 = tpu.vector_load %arg8[%swap3A_922] {strides = array<i32>} : memref<32768xf32, #tpu.memory_space<vmem>>, vector<16xf32>,
        %swap3A_924 = vector.shape_cast %swap3A_923 : vector<16xf32> to vector<16xf32>
        %swap3A_925 = vector.shape_cast %get3A_855 : vector<16xf32> to vector<16xf32>
        tpu.vector_store %arg8[%swap3A_922], %swap3A_925 {strides = array<i32>} : memref<32768xf32, #tpu.memory_space<vmem>>, vector<16xf32>,
        %add3A_926 = arith.constant 5 : i32
        %add3A_927 = arith.addi %mul3A_93, %add3A_926 : i32
        %mul3A_928 = arith.constant 128 : i32
        %mul3A_929 = arith.muli %add3A_927, %mul3A_928 : i32
        %add3A_930 = arith.constant 96 : i32
        %add3A_931 = arith.addi %mul3A_929, %add3A_930 : i32
        %swap3A_932 = arith.index_cast %add3A_931 : i32 to index
        %swap3A_933 = tpu.vector_load %arg8[%swap3A_932] {strides = array<i32>} : memref<32768xf32, #tpu.memory_space<vmem>>, vector<16xf32>,
        %swap3A_934 = vector.shape_cast %swap3A_933 : vector<16xf32> to vector<16xf32>
        %swap3A_935 = vector.shape_cast %get3A_860 : vector<16xf32> to vector<16xf32>
        tpu.vector_store %arg8[%swap3A_932], %swap3A_935 {strides = array<i32>} : memref<32768xf32, #tpu.memory_space<vmem>>, vector<16xf32>,
        %add3A_936 = arith.constant 5 : i32
        %add3A_937 = arith.addi %mul3A_93, %add3A_936 : i32
        %mul3A_938 = arith.constant 128 : i32
        %mul3A_939 = arith.muli %add3A_937, %mul3A_938 : i32
        %add3A_940 = arith.constant 112 : i32
        %add3A_941 = arith.addi %mul3A_939, %add3A_940 : i32
        %swap3A_942 = arith.index_cast %add3A_941 : i32 to index
        %swap3A_943 = tpu.vector_load %arg8[%swap3A_942] {strides = array<i32>} : memref<32768xf32, #tpu.memory_space<vmem>>, vector<16xf32>,
        %swap3A_944 = vector.shape_cast %swap3A_943 : vector<16xf32> to vector<16xf32>
        %swap3A_945 = vector.shape_cast %get3A_865 : vector<16xf32> to vector<16xf32>
        tpu.vector_store %arg8[%swap3A_942], %swap3A_945 {strides = array<i32>} : memref<32768xf32, #tpu.memory_space<vmem>>, vector<16xf32>,
        %add3A_946 = arith.constant 0 : i32
        %add3A_947 = arith.addi %mul3A_153, %add3A_946 : i32
        %get3A_948 = arith.index_cast %add3A_947 : i32 to index
        %get3A_949 = tpu.vector_load %arg5[%get3A_948] {strides = array<i32>} : memref<1280xf32, #tpu.memory_space<vmem>>, vector<16xf32>,
        %get3A_950 = vector.shape_cast %get3A_949 : vector<16xf32> to vector<16xf32>
        %add3A_951 = arith.constant 16 : i32
        %add3A_952 = arith.addi %mul3A_153, %add3A_951 : i32
        %get3A_953 = arith.index_cast %add3A_952 : i32 to index
        %get3A_954 = tpu.vector_load %arg5[%get3A_953] {strides = array<i32>} : memref<1280xf32, #tpu.memory_space<vmem>>, vector<16xf32>,
        %get3A_955 = vector.shape_cast %get3A_954 : vector<16xf32> to vector<16xf32>
        %add3A_956 = arith.constant 32 : i32
        %add3A_957 = arith.addi %mul3A_153, %add3A_956 : i32
        %get3A_958 = arith.index_cast %add3A_957 : i32 to index
        %get3A_959 = tpu.vector_load %arg5[%get3A_958] {strides = array<i32>} : memref<1280xf32, #tpu.memory_space<vmem>>, vector<16xf32>,
        %get3A_960 = vector.shape_cast %get3A_959 : vector<16xf32> to vector<16xf32>
        %add3A_961 = arith.constant 48 : i32
        %add3A_962 = arith.addi %mul3A_153, %add3A_961 : i32
        %get3A_963 = arith.index_cast %add3A_962 : i32 to index
        %get3A_964 = tpu.vector_load %arg5[%get3A_963] {strides = array<i32>} : memref<1280xf32, #tpu.memory_space<vmem>>, vector<16xf32>,
        %get3A_965 = vector.shape_cast %get3A_964 : vector<16xf32> to vector<16xf32>
        %add3A_966 = arith.constant 64 : i32
        %add3A_967 = arith.addi %mul3A_153, %add3A_966 : i32
        %get3A_968 = arith.index_cast %add3A_967 : i32 to index
        %get3A_969 = tpu.vector_load %arg5[%get3A_968] {strides = array<i32>} : memref<1280xf32, #tpu.memory_space<vmem>>, vector<16xf32>,
        %get3A_970 = vector.shape_cast %get3A_969 : vector<16xf32> to vector<16xf32>
        %add3A_971 = arith.constant 80 : i32
        %add3A_972 = arith.addi %mul3A_153, %add3A_971 : i32
        %get3A_973 = arith.index_cast %add3A_972 : i32 to index
        %get3A_974 = tpu.vector_load %arg5[%get3A_973] {strides = array<i32>} : memref<1280xf32, #tpu.memory_space<vmem>>, vector<16xf32>,
        %get3A_975 = vector.shape_cast %get3A_974 : vector<16xf32> to vector<16xf32>
        %add3A_976 = arith.constant 96 : i32
        %add3A_977 = arith.addi %mul3A_153, %add3A_976 : i32
        %get3A_978 = arith.index_cast %add3A_977 : i32 to index
        %get3A_979 = tpu.vector_load %arg5[%get3A_978] {strides = array<i32>} : memref<1280xf32, #tpu.memory_space<vmem>>, vector<16xf32>,
        %get3A_980 = vector.shape_cast %get3A_979 : vector<16xf32> to vector<16xf32>
        %add3A_981 = arith.constant 112 : i32
        %add3A_982 = arith.addi %mul3A_153, %add3A_981 : i32
        %get3A_983 = arith.index_cast %add3A_982 : i32 to index
        %get3A_984 = tpu.vector_load %arg5[%get3A_983] {strides = array<i32>} : memref<1280xf32, #tpu.memory_space<vmem>>, vector<16xf32>,
        %get3A_985 = vector.shape_cast %get3A_984 : vector<16xf32> to vector<16xf32>
        %add3A_986 = arith.constant 6 : i32
        %add3A_987 = arith.addi %mul3A_93, %add3A_986 : i32
        %mul3A_988 = arith.constant 128 : i32
        %mul3A_989 = arith.muli %add3A_987, %mul3A_988 : i32
        %add3A_990 = arith.constant 0 : i32
        %add3A_991 = arith.addi %mul3A_989, %add3A_990 : i32
        %swap3A_992 = arith.index_cast %add3A_991 : i32 to index
        %swap3A_993 = tpu.vector_load %arg8[%swap3A_992] {strides = array<i32>} : memref<32768xf32, #tpu.memory_space<vmem>>, vector<16xf32>,
        %swap3A_994 = vector.shape_cast %swap3A_993 : vector<16xf32> to vector<16xf32>
        %swap3A_995 = vector.shape_cast %get3A_950 : vector<16xf32> to vector<16xf32>
        tpu.vector_store %arg8[%swap3A_992], %swap3A_995 {strides = array<i32>} : memref<32768xf32, #tpu.memory_space<vmem>>, vector<16xf32>,
        %add3A_996 = arith.constant 6 : i32
        %add3A_997 = arith.addi %mul3A_93, %add3A_996 : i32
        %mul3A_998 = arith.constant 128 : i32
        %mul3A_999 = arith.muli %add3A_997, %mul3A_998 : i32
        %add3A_1000 = arith.constant 16 : i32
        %add3A_1001 = arith.addi %mul3A_999, %add3A_1000 : i32
        %swap3A_1002 = arith.index_cast %add3A_1001 : i32 to index
        %swap3A_1003 = tpu.vector_load %arg8[%swap3A_1002] {strides = array<i32>} : memref<32768xf32, #tpu.memory_space<vmem>>, vector<16xf32>,
        %swap3A_1004 = vector.shape_cast %swap3A_1003 : vector<16xf32> to vector<16xf32>
        %swap3A_1005 = vector.shape_cast %get3A_955 : vector<16xf32> to vector<16xf32>
        tpu.vector_store %arg8[%swap3A_1002], %swap3A_1005 {strides = array<i32>} : memref<32768xf32, #tpu.memory_space<vmem>>, vector<16xf32>,
        %add3A_1006 = arith.constant 6 : i32
        %add3A_1007 = arith.addi %mul3A_93, %add3A_1006 : i32
        %mul3A_1008 = arith.constant 128 : i32
        %mul3A_1009 = arith.muli %add3A_1007, %mul3A_1008 : i32
        %add3A_1010 = arith.constant 32 : i32
        %add3A_1011 = arith.addi %mul3A_1009, %add3A_1010 : i32
        %swap3A_1012 = arith.index_cast %add3A_1011 : i32 to index
        %swap3A_1013 = tpu.vector_load %arg8[%swap3A_1012] {strides = array<i32>} : memref<32768xf32, #tpu.memory_space<vmem>>, vector<16xf32>,
        %swap3A_1014 = vector.shape_cast %swap3A_1013 : vector<16xf32> to vector<16xf32>
        %swap3A_1015 = vector.shape_cast %get3A_960 : vector<16xf32> to vector<16xf32>
        tpu.vector_store %arg8[%swap3A_1012], %swap3A_1015 {strides = array<i32>} : memref<32768xf32, #tpu.memory_space<vmem>>, vector<16xf32>,
        %add3A_1016 = arith.constant 6 : i32
        %add3A_1017 = arith.addi %mul3A_93, %add3A_1016 : i32
        %mul3A_1018 = arith.constant 128 : i32
        %mul3A_1019 = arith.muli %add3A_1017, %mul3A_1018 : i32
        %add3A_1020 = arith.constant 48 : i32
        %add3A_1021 = arith.addi %mul3A_1019, %add3A_1020 : i32
        %swap3A_1022 = arith.index_cast %add3A_1021 : i32 to index
        %swap3A_1023 = tpu.vector_load %arg8[%swap3A_1022] {strides = array<i32>} : memref<32768xf32, #tpu.memory_space<vmem>>, vector<16xf32>,
        %swap3A_1024 = vector.shape_cast %swap3A_1023 : vector<16xf32> to vector<16xf32>
        %swap3A_1025 = vector.shape_cast %get3A_965 : vector<16xf32> to vector<16xf32>
        tpu.vector_store %arg8[%swap3A_1022], %swap3A_1025 {strides = array<i32>} : memref<32768xf32, #tpu.memory_space<vmem>>, vector<16xf32>,
        %add3A_1026 = arith.constant 6 : i32
        %add3A_1027 = arith.addi %mul3A_93, %add3A_1026 : i32
        %mul3A_1028 = arith.constant 128 : i32
        %mul3A_1029 = arith.muli %add3A_1027, %mul3A_1028 : i32
        %add3A_1030 = arith.constant 64 : i32
        %add3A_1031 = arith.addi %mul3A_1029, %add3A_1030 : i32
        %swap3A_1032 = arith.index_cast %add3A_1031 : i32 to index
        %swap3A_1033 = tpu.vector_load %arg8[%swap3A_1032] {strides = array<i32>} : memref<32768xf32, #tpu.memory_space<vmem>>, vector<16xf32>,
        %swap3A_1034 = vector.shape_cast %swap3A_1033 : vector<16xf32> to vector<16xf32>
        %swap3A_1035 = vector.shape_cast %get3A_970 : vector<16xf32> to vector<16xf32>
        tpu.vector_store %arg8[%swap3A_1032], %swap3A_1035 {strides = array<i32>} : memref<32768xf32, #tpu.memory_space<vmem>>, vector<16xf32>,
        %add3A_1036 = arith.constant 6 : i32
        %add3A_1037 = arith.addi %mul3A_93, %add3A_1036 : i32
        %mul3A_1038 = arith.constant 128 : i32
        %mul3A_1039 = arith.muli %add3A_1037, %mul3A_1038 : i32
        %add3A_1040 = arith.constant 80 : i32
        %add3A_1041 = arith.addi %mul3A_1039, %add3A_1040 : i32
        %swap3A_1042 = arith.index_cast %add3A_1041 : i32 to index
        %swap3A_1043 = tpu.vector_load %arg8[%swap3A_1042] {strides = array<i32>} : memref<32768xf32, #tpu.memory_space<vmem>>, vector<16xf32>,
        %swap3A_1044 = vector.shape_cast %swap3A_1043 : vector<16xf32> to vector<16xf32>
        %swap3A_1045 = vector.shape_cast %get3A_975 : vector<16xf32> to vector<16xf32>
        tpu.vector_store %arg8[%swap3A_1042], %swap3A_1045 {strides = array<i32>} : memref<32768xf32, #tpu.memory_space<vmem>>, vector<16xf32>,
        %add3A_1046 = arith.constant 6 : i32
        %add3A_1047 = arith.addi %mul3A_93, %add3A_1046 : i32
        %mul3A_1048 = arith.constant 128 : i32
        %mul3A_1049 = arith.muli %add3A_1047, %mul3A_1048 : i32
        %add3A_1050 = arith.constant 96 : i32
        %add3A_1051 = arith.addi %mul3A_1049, %add3A_1050 : i32
        %swap3A_1052 = arith.index_cast %add3A_1051 : i32 to index
        %swap3A_1053 = tpu.vector_load %arg8[%swap3A_1052] {strides = array<i32>} : memref<32768xf32, #tpu.memory_space<vmem>>, vector<16xf32>,
        %swap3A_1054 = vector.shape_cast %swap3A_1053 : vector<16xf32> to vector<16xf32>
        %swap3A_1055 = vector.shape_cast %get3A_980 : vector<16xf32> to vector<16xf32>
        tpu.vector_store %arg8[%swap3A_1052], %swap3A_1055 {strides = array<i32>} : memref<32768xf32, #tpu.memory_space<vmem>>, vector<16xf32>,
        %add3A_1056 = arith.constant 6 : i32
        %add3A_1057 = arith.addi %mul3A_93, %add3A_1056 : i32
        %mul3A_1058 = arith.constant 128 : i32
        %mul3A_1059 = arith.muli %add3A_1057, %mul3A_1058 : i32
        %add3A_1060 = arith.constant 112 : i32
        %add3A_1061 = arith.addi %mul3A_1059, %add3A_1060 : i32
        %swap3A_1062 = arith.index_cast %add3A_1061 : i32 to index
        %swap3A_1063 = tpu.vector_load %arg8[%swap3A_1062] {strides = array<i32>} : memref<32768xf32, #tpu.memory_space<vmem>>, vector<16xf32>,
        %swap3A_1064 = vector.shape_cast %swap3A_1063 : vector<16xf32> to vector<16xf32>
        %swap3A_1065 = vector.shape_cast %get3A_985 : vector<16xf32> to vector<16xf32>
        tpu.vector_store %arg8[%swap3A_1062], %swap3A_1065 {strides = array<i32>} : memref<32768xf32, #tpu.memory_space<vmem>>, vector<16xf32>,
        %add3A_1066 = arith.constant 0 : i32
        %add3A_1067 = arith.addi %mul3A_158, %add3A_1066 : i32
        %get3A_1068 = arith.index_cast %add3A_1067 : i32 to index
        %get3A_1069 = tpu.vector_load %arg5[%get3A_1068] {strides = array<i32>} : memref<1280xf32, #tpu.memory_space<vmem>>, vector<16xf32>,
        %get3A_1070 = vector.shape_cast %get3A_1069 : vector<16xf32> to vector<16xf32>
        %add3A_1071 = arith.constant 16 : i32
        %add3A_1072 = arith.addi %mul3A_158, %add3A_1071 : i32
        %get3A_1073 = arith.index_cast %add3A_1072 : i32 to index
        %get3A_1074 = tpu.vector_load %arg5[%get3A_1073] {strides = array<i32>} : memref<1280xf32, #tpu.memory_space<vmem>>, vector<16xf32>,
        %get3A_1075 = vector.shape_cast %get3A_1074 : vector<16xf32> to vector<16xf32>
        %add3A_1076 = arith.constant 32 : i32
        %add3A_1077 = arith.addi %mul3A_158, %add3A_1076 : i32
        %get3A_1078 = arith.index_cast %add3A_1077 : i32 to index
        %get3A_1079 = tpu.vector_load %arg5[%get3A_1078] {strides = array<i32>} : memref<1280xf32, #tpu.memory_space<vmem>>, vector<16xf32>,
        %get3A_1080 = vector.shape_cast %get3A_1079 : vector<16xf32> to vector<16xf32>
        %add3A_1081 = arith.constant 48 : i32
        %add3A_1082 = arith.addi %mul3A_158, %add3A_1081 : i32
        %get3A_1083 = arith.index_cast %add3A_1082 : i32 to index
        %get3A_1084 = tpu.vector_load %arg5[%get3A_1083] {strides = array<i32>} : memref<1280xf32, #tpu.memory_space<vmem>>, vector<16xf32>,
        %get3A_1085 = vector.shape_cast %get3A_1084 : vector<16xf32> to vector<16xf32>
        %add3A_1086 = arith.constant 64 : i32
        %add3A_1087 = arith.addi %mul3A_158, %add3A_1086 : i32
        %get3A_1088 = arith.index_cast %add3A_1087 : i32 to index
        %get3A_1089 = tpu.vector_load %arg5[%get3A_1088] {strides = array<i32>} : memref<1280xf32, #tpu.memory_space<vmem>>, vector<16xf32>,
        %get3A_1090 = vector.shape_cast %get3A_1089 : vector<16xf32> to vector<16xf32>
        %add3A_1091 = arith.constant 80 : i32
        %add3A_1092 = arith.addi %mul3A_158, %add3A_1091 : i32
        %get3A_1093 = arith.index_cast %add3A_1092 : i32 to index
        %get3A_1094 = tpu.vector_load %arg5[%get3A_1093] {strides = array<i32>} : memref<1280xf32, #tpu.memory_space<vmem>>, vector<16xf32>,
        %get3A_1095 = vector.shape_cast %get3A_1094 : vector<16xf32> to vector<16xf32>
        %add3A_1096 = arith.constant 96 : i32
        %add3A_1097 = arith.addi %mul3A_158, %add3A_1096 : i32
        %get3A_1098 = arith.index_cast %add3A_1097 : i32 to index
        %get3A_1099 = tpu.vector_load %arg5[%get3A_1098] {strides = array<i32>} : memref<1280xf32, #tpu.memory_space<vmem>>, vector<16xf32>,
        %get3A_1100 = vector.shape_cast %get3A_1099 : vector<16xf32> to vector<16xf32>
        %add3A_1101 = arith.constant 112 : i32
        %add3A_1102 = arith.addi %mul3A_158, %add3A_1101 : i32
        %get3A_1103 = arith.index_cast %add3A_1102 : i32 to index
        %get3A_1104 = tpu.vector_load %arg5[%get3A_1103] {strides = array<i32>} : memref<1280xf32, #tpu.memory_space<vmem>>, vector<16xf32>,
        %get3A_1105 = vector.shape_cast %get3A_1104 : vector<16xf32> to vector<16xf32>
        %add3A_1106 = arith.constant 7 : i32
        %add3A_1107 = arith.addi %mul3A_93, %add3A_1106 : i32
        %mul3A_1108 = arith.constant 128 : i32
        %mul3A_1109 = arith.muli %add3A_1107, %mul3A_1108 : i32
        %add3A_1110 = arith.constant 0 : i32
        %add3A_1111 = arith.addi %mul3A_1109, %add3A_1110 : i32
        %swap3A_1112 = arith.index_cast %add3A_1111 : i32 to index
        %swap3A_1113 = tpu.vector_load %arg8[%swap3A_1112] {strides = array<i32>} : memref<32768xf32, #tpu.memory_space<vmem>>, vector<16xf32>,
        %swap3A_1114 = vector.shape_cast %swap3A_1113 : vector<16xf32> to vector<16xf32>
        %swap3A_1115 = vector.shape_cast %get3A_1070 : vector<16xf32> to vector<16xf32>
        tpu.vector_store %arg8[%swap3A_1112], %swap3A_1115 {strides = array<i32>} : memref<32768xf32, #tpu.memory_space<vmem>>, vector<16xf32>,
        %add3A_1116 = arith.constant 7 : i32
        %add3A_1117 = arith.addi %mul3A_93, %add3A_1116 : i32
        %mul3A_1118 = arith.constant 128 : i32
        %mul3A_1119 = arith.muli %add3A_1117, %mul3A_1118 : i32
        %add3A_1120 = arith.constant 16 : i32
        %add3A_1121 = arith.addi %mul3A_1119, %add3A_1120 : i32
        %swap3A_1122 = arith.index_cast %add3A_1121 : i32 to index
        %swap3A_1123 = tpu.vector_load %arg8[%swap3A_1122] {strides = array<i32>} : memref<32768xf32, #tpu.memory_space<vmem>>, vector<16xf32>,
        %swap3A_1124 = vector.shape_cast %swap3A_1123 : vector<16xf32> to vector<16xf32>
        %swap3A_1125 = vector.shape_cast %get3A_1075 : vector<16xf32> to vector<16xf32>
        tpu.vector_store %arg8[%swap3A_1122], %swap3A_1125 {strides = array<i32>} : memref<32768xf32, #tpu.memory_space<vmem>>, vector<16xf32>,
        %add3A_1126 = arith.constant 7 : i32
        %add3A_1127 = arith.addi %mul3A_93, %add3A_1126 : i32
        %mul3A_1128 = arith.constant 128 : i32
        %mul3A_1129 = arith.muli %add3A_1127, %mul3A_1128 : i32
        %add3A_1130 = arith.constant 32 : i32
        %add3A_1131 = arith.addi %mul3A_1129, %add3A_1130 : i32
        %swap3A_1132 = arith.index_cast %add3A_1131 : i32 to index
        %swap3A_1133 = tpu.vector_load %arg8[%swap3A_1132] {strides = array<i32>} : memref<32768xf32, #tpu.memory_space<vmem>>, vector<16xf32>,
        %swap3A_1134 = vector.shape_cast %swap3A_1133 : vector<16xf32> to vector<16xf32>
        %swap3A_1135 = vector.shape_cast %get3A_1080 : vector<16xf32> to vector<16xf32>
        tpu.vector_store %arg8[%swap3A_1132], %swap3A_1135 {strides = array<i32>} : memref<32768xf32, #tpu.memory_space<vmem>>, vector<16xf32>,
        %add3A_1136 = arith.constant 7 : i32
        %add3A_1137 = arith.addi %mul3A_93, %add3A_1136 : i32
        %mul3A_1138 = arith.constant 128 : i32
        %mul3A_1139 = arith.muli %add3A_1137, %mul3A_1138 : i32
        %add3A_1140 = arith.constant 48 : i32
        %add3A_1141 = arith.addi %mul3A_1139, %add3A_1140 : i32
        %swap3A_1142 = arith.index_cast %add3A_1141 : i32 to index
        %swap3A_1143 = tpu.vector_load %arg8[%swap3A_1142] {strides = array<i32>} : memref<32768xf32, #tpu.memory_space<vmem>>, vector<16xf32>,
        %swap3A_1144 = vector.shape_cast %swap3A_1143 : vector<16xf32> to vector<16xf32>
        %swap3A_1145 = vector.shape_cast %get3A_1085 : vector<16xf32> to vector<16xf32>
        tpu.vector_store %arg8[%swap3A_1142], %swap3A_1145 {strides = array<i32>} : memref<32768xf32, #tpu.memory_space<vmem>>, vector<16xf32>,
        %add3A_1146 = arith.constant 7 : i32
        %add3A_1147 = arith.addi %mul3A_93, %add3A_1146 : i32
        %mul3A_1148 = arith.constant 128 : i32
        %mul3A_1149 = arith.muli %add3A_1147, %mul3A_1148 : i32
        %add3A_1150 = arith.constant 64 : i32
        %add3A_1151 = arith.addi %mul3A_1149, %add3A_1150 : i32
        %swap3A_1152 = arith.index_cast %add3A_1151 : i32 to index
        %swap3A_1153 = tpu.vector_load %arg8[%swap3A_1152] {strides = array<i32>} : memref<32768xf32, #tpu.memory_space<vmem>>, vector<16xf32>,
        %swap3A_1154 = vector.shape_cast %swap3A_1153 : vector<16xf32> to vector<16xf32>
        %swap3A_1155 = vector.shape_cast %get3A_1090 : vector<16xf32> to vector<16xf32>
        tpu.vector_store %arg8[%swap3A_1152], %swap3A_1155 {strides = array<i32>} : memref<32768xf32, #tpu.memory_space<vmem>>, vector<16xf32>,
        %add3A_1156 = arith.constant 7 : i32
        %add3A_1157 = arith.addi %mul3A_93, %add3A_1156 : i32
        %mul3A_1158 = arith.constant 128 : i32
        %mul3A_1159 = arith.muli %add3A_1157, %mul3A_1158 : i32
        %add3A_1160 = arith.constant 80 : i32
        %add3A_1161 = arith.addi %mul3A_1159, %add3A_1160 : i32
        %swap3A_1162 = arith.index_cast %add3A_1161 : i32 to index
        %swap3A_1163 = tpu.vector_load %arg8[%swap3A_1162] {strides = array<i32>} : memref<32768xf32, #tpu.memory_space<vmem>>, vector<16xf32>,
        %swap3A_1164 = vector.shape_cast %swap3A_1163 : vector<16xf32> to vector<16xf32>
        %swap3A_1165 = vector.shape_cast %get3A_1095 : vector<16xf32> to vector<16xf32>
        tpu.vector_store %arg8[%swap3A_1162], %swap3A_1165 {strides = array<i32>} : memref<32768xf32, #tpu.memory_space<vmem>>, vector<16xf32>,
        %add3A_1166 = arith.constant 7 : i32
        %add3A_1167 = arith.addi %mul3A_93, %add3A_1166 : i32
        %mul3A_1168 = arith.constant 128 : i32
        %mul3A_1169 = arith.muli %add3A_1167, %mul3A_1168 : i32
        %add3A_1170 = arith.constant 96 : i32
        %add3A_1171 = arith.addi %mul3A_1169, %add3A_1170 : i32
        %swap3A_1172 = arith.index_cast %add3A_1171 : i32 to index
        %swap3A_1173 = tpu.vector_load %arg8[%swap3A_1172] {strides = array<i32>} : memref<32768xf32, #tpu.memory_space<vmem>>, vector<16xf32>,
        %swap3A_1174 = vector.shape_cast %swap3A_1173 : vector<16xf32> to vector<16xf32>
        %swap3A_1175 = vector.shape_cast %get3A_1100 : vector<16xf32> to vector<16xf32>
        tpu.vector_store %arg8[%swap3A_1172], %swap3A_1175 {strides = array<i32>} : memref<32768xf32, #tpu.memory_space<vmem>>, vector<16xf32>,
        %add3A_1176 = arith.constant 7 : i32
        %add3A_1177 = arith.addi %mul3A_93, %add3A_1176 : i32
        %mul3A_1178 = arith.constant 128 : i32
        %mul3A_1179 = arith.muli %add3A_1177, %mul3A_1178 : i32
        %add3A_1180 = arith.constant 112 : i32
        %add3A_1181 = arith.addi %mul3A_1179, %add3A_1180 : i32
        %swap3A_1182 = arith.index_cast %add3A_1181 : i32 to index
        %swap3A_1183 = tpu.vector_load %arg8[%swap3A_1182] {strides = array<i32>} : memref<32768xf32, #tpu.memory_space<vmem>>, vector<16xf32>,
        %swap3A_1184 = vector.shape_cast %swap3A_1183 : vector<16xf32> to vector<16xf32>
        %swap3A_1185 = vector.shape_cast %get3A_1105 : vector<16xf32> to vector<16xf32>
        tpu.vector_store %arg8[%swap3A_1182], %swap3A_1185 {strides = array<i32>} : memref<32768xf32, #tpu.memory_space<vmem>>, vector<16xf32>,
        %add3A_1186 = arith.constant 0 : i32
        %add3A_1187 = arith.addi %mul3A_170, %add3A_1186 : i32
        %get3A_1188 = arith.index_cast %add3A_1187 : i32 to index
        %get3A_1189 = tpu.vector_load %arg5[%get3A_1188] {strides = array<i32>} : memref<1280xf32, #tpu.memory_space<vmem>>, vector<16xf32>,
        %get3A_1190 = vector.shape_cast %get3A_1189 : vector<16xf32> to vector<16xf32>
        %add3A_1191 = arith.constant 16 : i32
        %add3A_1192 = arith.addi %mul3A_170, %add3A_1191 : i32
        %get3A_1193 = arith.index_cast %add3A_1192 : i32 to index
        %get3A_1194 = tpu.vector_load %arg5[%get3A_1193] {strides = array<i32>} : memref<1280xf32, #tpu.memory_space<vmem>>, vector<16xf32>,
        %get3A_1195 = vector.shape_cast %get3A_1194 : vector<16xf32> to vector<16xf32>
        %add3A_1196 = arith.constant 32 : i32
        %add3A_1197 = arith.addi %mul3A_170, %add3A_1196 : i32
        %get3A_1198 = arith.index_cast %add3A_1197 : i32 to index
        %get3A_1199 = tpu.vector_load %arg5[%get3A_1198] {strides = array<i32>} : memref<1280xf32, #tpu.memory_space<vmem>>, vector<16xf32>,
        %get3A_1200 = vector.shape_cast %get3A_1199 : vector<16xf32> to vector<16xf32>
        %add3A_1201 = arith.constant 48 : i32
        %add3A_1202 = arith.addi %mul3A_170, %add3A_1201 : i32
        %get3A_1203 = arith.index_cast %add3A_1202 : i32 to index
        %get3A_1204 = tpu.vector_load %arg5[%get3A_1203] {strides = array<i32>} : memref<1280xf32, #tpu.memory_space<vmem>>, vector<16xf32>,
        %get3A_1205 = vector.shape_cast %get3A_1204 : vector<16xf32> to vector<16xf32>
        %add3A_1206 = arith.constant 64 : i32
        %add3A_1207 = arith.addi %mul3A_170, %add3A_1206 : i32
        %get3A_1208 = arith.index_cast %add3A_1207 : i32 to index
        %get3A_1209 = tpu.vector_load %arg5[%get3A_1208] {strides = array<i32>} : memref<1280xf32, #tpu.memory_space<vmem>>, vector<16xf32>,
        %get3A_1210 = vector.shape_cast %get3A_1209 : vector<16xf32> to vector<16xf32>
        %add3A_1211 = arith.constant 80 : i32
        %add3A_1212 = arith.addi %mul3A_170, %add3A_1211 : i32
        %get3A_1213 = arith.index_cast %add3A_1212 : i32 to index
        %get3A_1214 = tpu.vector_load %arg5[%get3A_1213] {strides = array<i32>} : memref<1280xf32, #tpu.memory_space<vmem>>, vector<16xf32>,
        %get3A_1215 = vector.shape_cast %get3A_1214 : vector<16xf32> to vector<16xf32>
        %add3A_1216 = arith.constant 96 : i32
        %add3A_1217 = arith.addi %mul3A_170, %add3A_1216 : i32
        %get3A_1218 = arith.index_cast %add3A_1217 : i32 to index
        %get3A_1219 = tpu.vector_load %arg5[%get3A_1218] {strides = array<i32>} : memref<1280xf32, #tpu.memory_space<vmem>>, vector<16xf32>,
        %get3A_1220 = vector.shape_cast %get3A_1219 : vector<16xf32> to vector<16xf32>
        %add3A_1221 = arith.constant 112 : i32
        %add3A_1222 = arith.addi %mul3A_170, %add3A_1221 : i32
        %get3A_1223 = arith.index_cast %add3A_1222 : i32 to index
        %get3A_1224 = tpu.vector_load %arg5[%get3A_1223] {strides = array<i32>} : memref<1280xf32, #tpu.memory_space<vmem>>, vector<16xf32>,
        %get3A_1225 = vector.shape_cast %get3A_1224 : vector<16xf32> to vector<16xf32>
        %add3A_1226 = arith.constant 8 : i32
        %add3A_1227 = arith.addi %mul3A_93, %add3A_1226 : i32
        %mul3A_1228 = arith.constant 128 : i32
        %mul3A_1229 = arith.muli %add3A_1227, %mul3A_1228 : i32
        %add3A_1230 = arith.constant 0 : i32
        %add3A_1231 = arith.addi %mul3A_1229, %add3A_1230 : i32
        %swap3A_1232 = arith.index_cast %add3A_1231 : i32 to index
        %swap3A_1233 = tpu.vector_load %arg8[%swap3A_1232] {strides = array<i32>} : memref<32768xf32, #tpu.memory_space<vmem>>, vector<16xf32>,
        %swap3A_1234 = vector.shape_cast %swap3A_1233 : vector<16xf32> to vector<16xf32>
        %swap3A_1235 = vector.shape_cast %get3A_1190 : vector<16xf32> to vector<16xf32>
        tpu.vector_store %arg8[%swap3A_1232], %swap3A_1235 {strides = array<i32>} : memref<32768xf32, #tpu.memory_space<vmem>>, vector<16xf32>,
        %add3A_1236 = arith.constant 8 : i32
        %add3A_1237 = arith.addi %mul3A_93, %add3A_1236 : i32
        %mul3A_1238 = arith.constant 128 : i32
        %mul3A_1239 = arith.muli %add3A_1237, %mul3A_1238 : i32
        %add3A_1240 = arith.constant 16 : i32
        %add3A_1241 = arith.addi %mul3A_1239, %add3A_1240 : i32
        %swap3A_1242 = arith.index_cast %add3A_1241 : i32 to index
        %swap3A_1243 = tpu.vector_load %arg8[%swap3A_1242] {strides = array<i32>} : memref<32768xf32, #tpu.memory_space<vmem>>, vector<16xf32>,
        %swap3A_1244 = vector.shape_cast %swap3A_1243 : vector<16xf32> to vector<16xf32>
        %swap3A_1245 = vector.shape_cast %get3A_1195 : vector<16xf32> to vector<16xf32>
        tpu.vector_store %arg8[%swap3A_1242], %swap3A_1245 {strides = array<i32>} : memref<32768xf32, #tpu.memory_space<vmem>>, vector<16xf32>,
        %add3A_1246 = arith.constant 8 : i32
        %add3A_1247 = arith.addi %mul3A_93, %add3A_1246 : i32
        %mul3A_1248 = arith.constant 128 : i32
        %mul3A_1249 = arith.muli %add3A_1247, %mul3A_1248 : i32
        %add3A_1250 = arith.constant 32 : i32
        %add3A_1251 = arith.addi %mul3A_1249, %add3A_1250 : i32
        %swap3A_1252 = arith.index_cast %add3A_1251 : i32 to index
        %swap3A_1253 = tpu.vector_load %arg8[%swap3A_1252] {strides = array<i32>} : memref<32768xf32, #tpu.memory_space<vmem>>, vector<16xf32>,
        %swap3A_1254 = vector.shape_cast %swap3A_1253 : vector<16xf32> to vector<16xf32>
        %swap3A_1255 = vector.shape_cast %get3A_1200 : vector<16xf32> to vector<16xf32>
        tpu.vector_store %arg8[%swap3A_1252], %swap3A_1255 {strides = array<i32>} : memref<32768xf32, #tpu.memory_space<vmem>>, vector<16xf32>,
        %add3A_1256 = arith.constant 8 : i32
        %add3A_1257 = arith.addi %mul3A_93, %add3A_1256 : i32
        %mul3A_1258 = arith.constant 128 : i32
        %mul3A_1259 = arith.muli %add3A_1257, %mul3A_1258 : i32
        %add3A_1260 = arith.constant 48 : i32
        %add3A_1261 = arith.addi %mul3A_1259, %add3A_1260 : i32
        %swap3A_1262 = arith.index_cast %add3A_1261 : i32 to index
        %swap3A_1263 = tpu.vector_load %arg8[%swap3A_1262] {strides = array<i32>} : memref<32768xf32, #tpu.memory_space<vmem>>, vector<16xf32>,
        %swap3A_1264 = vector.shape_cast %swap3A_1263 : vector<16xf32> to vector<16xf32>
        %swap3A_1265 = vector.shape_cast %get3A_1205 : vector<16xf32> to vector<16xf32>
        tpu.vector_store %arg8[%swap3A_1262], %swap3A_1265 {strides = array<i32>} : memref<32768xf32, #tpu.memory_space<vmem>>, vector<16xf32>,
        %add3A_1266 = arith.constant 8 : i32
        %add3A_1267 = arith.addi %mul3A_93, %add3A_1266 : i32
        %mul3A_1268 = arith.constant 128 : i32
        %mul3A_1269 = arith.muli %add3A_1267, %mul3A_1268 : i32
        %add3A_1270 = arith.constant 64 : i32
        %add3A_1271 = arith.addi %mul3A_1269, %add3A_1270 : i32
        %swap3A_1272 = arith.index_cast %add3A_1271 : i32 to index
        %swap3A_1273 = tpu.vector_load %arg8[%swap3A_1272] {strides = array<i32>} : memref<32768xf32, #tpu.memory_space<vmem>>, vector<16xf32>,
        %swap3A_1274 = vector.shape_cast %swap3A_1273 : vector<16xf32> to vector<16xf32>
        %swap3A_1275 = vector.shape_cast %get3A_1210 : vector<16xf32> to vector<16xf32>
        tpu.vector_store %arg8[%swap3A_1272], %swap3A_1275 {strides = array<i32>} : memref<32768xf32, #tpu.memory_space<vmem>>, vector<16xf32>,
        %add3A_1276 = arith.constant 8 : i32
        %add3A_1277 = arith.addi %mul3A_93, %add3A_1276 : i32
        %mul3A_1278 = arith.constant 128 : i32
        %mul3A_1279 = arith.muli %add3A_1277, %mul3A_1278 : i32
        %add3A_1280 = arith.constant 80 : i32
        %add3A_1281 = arith.addi %mul3A_1279, %add3A_1280 : i32
        %swap3A_1282 = arith.index_cast %add3A_1281 : i32 to index
        %swap3A_1283 = tpu.vector_load %arg8[%swap3A_1282] {strides = array<i32>} : memref<32768xf32, #tpu.memory_space<vmem>>, vector<16xf32>,
        %swap3A_1284 = vector.shape_cast %swap3A_1283 : vector<16xf32> to vector<16xf32>
        %swap3A_1285 = vector.shape_cast %get3A_1215 : vector<16xf32> to vector<16xf32>
        tpu.vector_store %arg8[%swap3A_1282], %swap3A_1285 {strides = array<i32>} : memref<32768xf32, #tpu.memory_space<vmem>>, vector<16xf32>,
        %add3A_1286 = arith.constant 8 : i32
        %add3A_1287 = arith.addi %mul3A_93, %add3A_1286 : i32
        %mul3A_1288 = arith.constant 128 : i32
        %mul3A_1289 = arith.muli %add3A_1287, %mul3A_1288 : i32
        %add3A_1290 = arith.constant 96 : i32
        %add3A_1291 = arith.addi %mul3A_1289, %add3A_1290 : i32
        %swap3A_1292 = arith.index_cast %add3A_1291 : i32 to index
        %swap3A_1293 = tpu.vector_load %arg8[%swap3A_1292] {strides = array<i32>} : memref<32768xf32, #tpu.memory_space<vmem>>, vector<16xf32>,
        %swap3A_1294 = vector.shape_cast %swap3A_1293 : vector<16xf32> to vector<16xf32>
        %swap3A_1295 = vector.shape_cast %get3A_1220 : vector<16xf32> to vector<16xf32>
        tpu.vector_store %arg8[%swap3A_1292], %swap3A_1295 {strides = array<i32>} : memref<32768xf32, #tpu.memory_space<vmem>>, vector<16xf32>,
        %add3A_1296 = arith.constant 8 : i32
        %add3A_1297 = arith.addi %mul3A_93, %add3A_1296 : i32
        %mul3A_1298 = arith.constant 128 : i32
        %mul3A_1299 = arith.muli %add3A_1297, %mul3A_1298 : i32
        %add3A_1300 = arith.constant 112 : i32
        %add3A_1301 = arith.addi %mul3A_1299, %add3A_1300 : i32
        %swap3A_1302 = arith.index_cast %add3A_1301 : i32 to index
        %swap3A_1303 = tpu.vector_load %arg8[%swap3A_1302] {strides = array<i32>} : memref<32768xf32, #tpu.memory_space<vmem>>, vector<16xf32>,
        %swap3A_1304 = vector.shape_cast %swap3A_1303 : vector<16xf32> to vector<16xf32>
        %swap3A_1305 = vector.shape_cast %get3A_1225 : vector<16xf32> to vector<16xf32>
        tpu.vector_store %arg8[%swap3A_1302], %swap3A_1305 {strides = array<i32>} : memref<32768xf32, #tpu.memory_space<vmem>>, vector<16xf32>,
        %add3A_1306 = arith.constant 0 : i32
        %add3A_1307 = arith.addi %mul3A_175, %add3A_1306 : i32
        %get3A_1308 = arith.index_cast %add3A_1307 : i32 to index
        %get3A_1309 = tpu.vector_load %arg5[%get3A_1308] {strides = array<i32>} : memref<1280xf32, #tpu.memory_space<vmem>>, vector<16xf32>,
        %get3A_1310 = vector.shape_cast %get3A_1309 : vector<16xf32> to vector<16xf32>
        %add3A_1311 = arith.constant 16 : i32
        %add3A_1312 = arith.addi %mul3A_175, %add3A_1311 : i32
        %get3A_1313 = arith.index_cast %add3A_1312 : i32 to index
        %get3A_1314 = tpu.vector_load %arg5[%get3A_1313] {strides = array<i32>} : memref<1280xf32, #tpu.memory_space<vmem>>, vector<16xf32>,
        %get3A_1315 = vector.shape_cast %get3A_1314 : vector<16xf32> to vector<16xf32>
        %add3A_1316 = arith.constant 32 : i32
        %add3A_1317 = arith.addi %mul3A_175, %add3A_1316 : i32
        %get3A_1318 = arith.index_cast %add3A_1317 : i32 to index
        %get3A_1319 = tpu.vector_load %arg5[%get3A_1318] {strides = array<i32>} : memref<1280xf32, #tpu.memory_space<vmem>>, vector<16xf32>,
        %get3A_1320 = vector.shape_cast %get3A_1319 : vector<16xf32> to vector<16xf32>
        %add3A_1321 = arith.constant 48 : i32
        %add3A_1322 = arith.addi %mul3A_175, %add3A_1321 : i32
        %get3A_1323 = arith.index_cast %add3A_1322 : i32 to index
        %get3A_1324 = tpu.vector_load %arg5[%get3A_1323] {strides = array<i32>} : memref<1280xf32, #tpu.memory_space<vmem>>, vector<16xf32>,
        %get3A_1325 = vector.shape_cast %get3A_1324 : vector<16xf32> to vector<16xf32>
        %add3A_1326 = arith.constant 64 : i32
        %add3A_1327 = arith.addi %mul3A_175, %add3A_1326 : i32
        %get3A_1328 = arith.index_cast %add3A_1327 : i32 to index
        %get3A_1329 = tpu.vector_load %arg5[%get3A_1328] {strides = array<i32>} : memref<1280xf32, #tpu.memory_space<vmem>>, vector<16xf32>,
        %get3A_1330 = vector.shape_cast %get3A_1329 : vector<16xf32> to vector<16xf32>
        %add3A_1331 = arith.constant 80 : i32
        %add3A_1332 = arith.addi %mul3A_175, %add3A_1331 : i32
        %get3A_1333 = arith.index_cast %add3A_1332 : i32 to index
        %get3A_1334 = tpu.vector_load %arg5[%get3A_1333] {strides = array<i32>} : memref<1280xf32, #tpu.memory_space<vmem>>, vector<16xf32>,
        %get3A_1335 = vector.shape_cast %get3A_1334 : vector<16xf32> to vector<16xf32>
        %add3A_1336 = arith.constant 96 : i32
        %add3A_1337 = arith.addi %mul3A_175, %add3A_1336 : i32
        %get3A_1338 = arith.index_cast %add3A_1337 : i32 to index
        %get3A_1339 = tpu.vector_load %arg5[%get3A_1338] {strides = array<i32>} : memref<1280xf32, #tpu.memory_space<vmem>>, vector<16xf32>,
        %get3A_1340 = vector.shape_cast %get3A_1339 : vector<16xf32> to vector<16xf32>
        %add3A_1341 = arith.constant 112 : i32
        %add3A_1342 = arith.addi %mul3A_175, %add3A_1341 : i32
        %get3A_1343 = arith.index_cast %add3A_1342 : i32 to index
        %get3A_1344 = tpu.vector_load %arg5[%get3A_1343] {strides = array<i32>} : memref<1280xf32, #tpu.memory_space<vmem>>, vector<16xf32>,
        %get3A_1345 = vector.shape_cast %get3A_1344 : vector<16xf32> to vector<16xf32>
        %add3A_1346 = arith.constant 9 : i32
        %add3A_1347 = arith.addi %mul3A_93, %add3A_1346 : i32
        %mul3A_1348 = arith.constant 128 : i32
        %mul3A_1349 = arith.muli %add3A_1347, %mul3A_1348 : i32
        %add3A_1350 = arith.constant 0 : i32
        %add3A_1351 = arith.addi %mul3A_1349, %add3A_1350 : i32
        %swap3A_1352 = arith.index_cast %add3A_1351 : i32 to index
        %swap3A_1353 = tpu.vector_load %arg8[%swap3A_1352] {strides = array<i32>} : memref<32768xf32, #tpu.memory_space<vmem>>, vector<16xf32>,
        %swap3A_1354 = vector.shape_cast %swap3A_1353 : vector<16xf32> to vector<16xf32>
        %swap3A_1355 = vector.shape_cast %get3A_1310 : vector<16xf32> to vector<16xf32>
        tpu.vector_store %arg8[%swap3A_1352], %swap3A_1355 {strides = array<i32>} : memref<32768xf32, #tpu.memory_space<vmem>>, vector<16xf32>,
        %add3A_1356 = arith.constant 9 : i32
        %add3A_1357 = arith.addi %mul3A_93, %add3A_1356 : i32
        %mul3A_1358 = arith.constant 128 : i32
        %mul3A_1359 = arith.muli %add3A_1357, %mul3A_1358 : i32
        %add3A_1360 = arith.constant 16 : i32
        %add3A_1361 = arith.addi %mul3A_1359, %add3A_1360 : i32
        %swap3A_1362 = arith.index_cast %add3A_1361 : i32 to index
        %swap3A_1363 = tpu.vector_load %arg8[%swap3A_1362] {strides = array<i32>} : memref<32768xf32, #tpu.memory_space<vmem>>, vector<16xf32>,
        %swap3A_1364 = vector.shape_cast %swap3A_1363 : vector<16xf32> to vector<16xf32>
        %swap3A_1365 = vector.shape_cast %get3A_1315 : vector<16xf32> to vector<16xf32>
        tpu.vector_store %arg8[%swap3A_1362], %swap3A_1365 {strides = array<i32>} : memref<32768xf32, #tpu.memory_space<vmem>>, vector<16xf32>,
        %add3A_1366 = arith.constant 9 : i32
        %add3A_1367 = arith.addi %mul3A_93, %add3A_1366 : i32
        %mul3A_1368 = arith.constant 128 : i32
        %mul3A_1369 = arith.muli %add3A_1367, %mul3A_1368 : i32
        %add3A_1370 = arith.constant 32 : i32
        %add3A_1371 = arith.addi %mul3A_1369, %add3A_1370 : i32
        %swap3A_1372 = arith.index_cast %add3A_1371 : i32 to index
        %swap3A_1373 = tpu.vector_load %arg8[%swap3A_1372] {strides = array<i32>} : memref<32768xf32, #tpu.memory_space<vmem>>, vector<16xf32>,
        %swap3A_1374 = vector.shape_cast %swap3A_1373 : vector<16xf32> to vector<16xf32>
        %swap3A_1375 = vector.shape_cast %get3A_1320 : vector<16xf32> to vector<16xf32>
        tpu.vector_store %arg8[%swap3A_1372], %swap3A_1375 {strides = array<i32>} : memref<32768xf32, #tpu.memory_space<vmem>>, vector<16xf32>,
        %add3A_1376 = arith.constant 9 : i32
        %add3A_1377 = arith.addi %mul3A_93, %add3A_1376 : i32
        %mul3A_1378 = arith.constant 128 : i32
        %mul3A_1379 = arith.muli %add3A_1377, %mul3A_1378 : i32
        %add3A_1380 = arith.constant 48 : i32
        %add3A_1381 = arith.addi %mul3A_1379, %add3A_1380 : i32
        %swap3A_1382 = arith.index_cast %add3A_1381 : i32 to index
        %swap3A_1383 = tpu.vector_load %arg8[%swap3A_1382] {strides = array<i32>} : memref<32768xf32, #tpu.memory_space<vmem>>, vector<16xf32>,
        %swap3A_1384 = vector.shape_cast %swap3A_1383 : vector<16xf32> to vector<16xf32>
        %swap3A_1385 = vector.shape_cast %get3A_1325 : vector<16xf32> to vector<16xf32>
        tpu.vector_store %arg8[%swap3A_1382], %swap3A_1385 {strides = array<i32>} : memref<32768xf32, #tpu.memory_space<vmem>>, vector<16xf32>,
        %add3A_1386 = arith.constant 9 : i32
        %add3A_1387 = arith.addi %mul3A_93, %add3A_1386 : i32
        %mul3A_1388 = arith.constant 128 : i32
        %mul3A_1389 = arith.muli %add3A_1387, %mul3A_1388 : i32
        %add3A_1390 = arith.constant 64 : i32
        %add3A_1391 = arith.addi %mul3A_1389, %add3A_1390 : i32
        %swap3A_1392 = arith.index_cast %add3A_1391 : i32 to index
        %swap3A_1393 = tpu.vector_load %arg8[%swap3A_1392] {strides = array<i32>} : memref<32768xf32, #tpu.memory_space<vmem>>, vector<16xf32>,
        %swap3A_1394 = vector.shape_cast %swap3A_1393 : vector<16xf32> to vector<16xf32>
        %swap3A_1395 = vector.shape_cast %get3A_1330 : vector<16xf32> to vector<16xf32>
        tpu.vector_store %arg8[%swap3A_1392], %swap3A_1395 {strides = array<i32>} : memref<32768xf32, #tpu.memory_space<vmem>>, vector<16xf32>,
        %add3A_1396 = arith.constant 9 : i32
        %add3A_1397 = arith.addi %mul3A_93, %add3A_1396 : i32
        %mul3A_1398 = arith.constant 128 : i32
        %mul3A_1399 = arith.muli %add3A_1397, %mul3A_1398 : i32
        %add3A_1400 = arith.constant 80 : i32
        %add3A_1401 = arith.addi %mul3A_1399, %add3A_1400 : i32
        %swap3A_1402 = arith.index_cast %add3A_1401 : i32 to index
        %swap3A_1403 = tpu.vector_load %arg8[%swap3A_1402] {strides = array<i32>} : memref<32768xf32, #tpu.memory_space<vmem>>, vector<16xf32>,
        %swap3A_1404 = vector.shape_cast %swap3A_1403 : vector<16xf32> to vector<16xf32>
        %swap3A_1405 = vector.shape_cast %get3A_1335 : vector<16xf32> to vector<16xf32>
        tpu.vector_store %arg8[%swap3A_1402], %swap3A_1405 {strides = array<i32>} : memref<32768xf32, #tpu.memory_space<vmem>>, vector<16xf32>,
        %add3A_1406 = arith.constant 9 : i32
        %add3A_1407 = arith.addi %mul3A_93, %add3A_1406 : i32
        %mul3A_1408 = arith.constant 128 : i32
        %mul3A_1409 = arith.muli %add3A_1407, %mul3A_1408 : i32
        %add3A_1410 = arith.constant 96 : i32
        %add3A_1411 = arith.addi %mul3A_1409, %add3A_1410 : i32
        %swap3A_1412 = arith.index_cast %add3A_1411 : i32 to index
        %swap3A_1413 = tpu.vector_load %arg8[%swap3A_1412] {strides = array<i32>} : memref<32768xf32, #tpu.memory_space<vmem>>, vector<16xf32>,
        %swap3A_1414 = vector.shape_cast %swap3A_1413 : vector<16xf32> to vector<16xf32>
        %swap3A_1415 = vector.shape_cast %get3A_1340 : vector<16xf32> to vector<16xf32>
        tpu.vector_store %arg8[%swap3A_1412], %swap3A_1415 {strides = array<i32>} : memref<32768xf32, #tpu.memory_space<vmem>>, vector<16xf32>,
        %add3A_1416 = arith.constant 9 : i32
        %add3A_1417 = arith.addi %mul3A_93, %add3A_1416 : i32
        %mul3A_1418 = arith.constant 128 : i32
        %mul3A_1419 = arith.muli %add3A_1417, %mul3A_1418 : i32
        %add3A_1420 = arith.constant 112 : i32
        %add3A_1421 = arith.addi %mul3A_1419, %add3A_1420 : i32
        %swap3A_1422 = arith.index_cast %add3A_1421 : i32 to index
        %swap3A_1423 = tpu.vector_load %arg8[%swap3A_1422] {strides = array<i32>} : memref<32768xf32, #tpu.memory_space<vmem>>, vector<16xf32>,
        %swap3A_1424 = vector.shape_cast %swap3A_1423 : vector<16xf32> to vector<16xf32>
        %swap3A_1425 = vector.shape_cast %get3A_1345 : vector<16xf32> to vector<16xf32>
        tpu.vector_store %arg8[%swap3A_1422], %swap3A_1425 {strides = array<i32>} : memref<32768xf32, #tpu.memory_space<vmem>>, vector<16xf32>,
        %add3A_1426 = arith.constant 0 : i32
        %add3A_1427 = arith.addi %mul3A_187, %add3A_1426 : i32
        %get3A_1428 = arith.index_cast %add3A_1427 : i32 to index
        %get3A_1429 = tpu.vector_load %arg5[%get3A_1428] {strides = array<i32>} : memref<1280xf32, #tpu.memory_space<vmem>>, vector<16xf32>,
        %get3A_1430 = vector.shape_cast %get3A_1429 : vector<16xf32> to vector<16xf32>
        %add3A_1431 = arith.constant 16 : i32
        %add3A_1432 = arith.addi %mul3A_187, %add3A_1431 : i32
        %get3A_1433 = arith.index_cast %add3A_1432 : i32 to index
        %get3A_1434 = tpu.vector_load %arg5[%get3A_1433] {strides = array<i32>} : memref<1280xf32, #tpu.memory_space<vmem>>, vector<16xf32>,
        %get3A_1435 = vector.shape_cast %get3A_1434 : vector<16xf32> to vector<16xf32>
        %add3A_1436 = arith.constant 32 : i32
        %add3A_1437 = arith.addi %mul3A_187, %add3A_1436 : i32
        %get3A_1438 = arith.index_cast %add3A_1437 : i32 to index
        %get3A_1439 = tpu.vector_load %arg5[%get3A_1438] {strides = array<i32>} : memref<1280xf32, #tpu.memory_space<vmem>>, vector<16xf32>,
        %get3A_1440 = vector.shape_cast %get3A_1439 : vector<16xf32> to vector<16xf32>
        %add3A_1441 = arith.constant 48 : i32
        %add3A_1442 = arith.addi %mul3A_187, %add3A_1441 : i32
        %get3A_1443 = arith.index_cast %add3A_1442 : i32 to index
        %get3A_1444 = tpu.vector_load %arg5[%get3A_1443] {strides = array<i32>} : memref<1280xf32, #tpu.memory_space<vmem>>, vector<16xf32>,
        %get3A_1445 = vector.shape_cast %get3A_1444 : vector<16xf32> to vector<16xf32>
        %add3A_1446 = arith.constant 64 : i32
        %add3A_1447 = arith.addi %mul3A_187, %add3A_1446 : i32
        %get3A_1448 = arith.index_cast %add3A_1447 : i32 to index
        %get3A_1449 = tpu.vector_load %arg5[%get3A_1448] {strides = array<i32>} : memref<1280xf32, #tpu.memory_space<vmem>>, vector<16xf32>,
        %get3A_1450 = vector.shape_cast %get3A_1449 : vector<16xf32> to vector<16xf32>
        %add3A_1451 = arith.constant 80 : i32
        %add3A_1452 = arith.addi %mul3A_187, %add3A_1451 : i32
        %get3A_1453 = arith.index_cast %add3A_1452 : i32 to index
        %get3A_1454 = tpu.vector_load %arg5[%get3A_1453] {strides = array<i32>} : memref<1280xf32, #tpu.memory_space<vmem>>, vector<16xf32>,
        %get3A_1455 = vector.shape_cast %get3A_1454 : vector<16xf32> to vector<16xf32>
        %add3A_1456 = arith.constant 96 : i32
        %add3A_1457 = arith.addi %mul3A_187, %add3A_1456 : i32
        %get3A_1458 = arith.index_cast %add3A_1457 : i32 to index
        %get3A_1459 = tpu.vector_load %arg5[%get3A_1458] {strides = array<i32>} : memref<1280xf32, #tpu.memory_space<vmem>>, vector<16xf32>,
        %get3A_1460 = vector.shape_cast %get3A_1459 : vector<16xf32> to vector<16xf32>
        %add3A_1461 = arith.constant 112 : i32
        %add3A_1462 = arith.addi %mul3A_187, %add3A_1461 : i32
        %get3A_1463 = arith.index_cast %add3A_1462 : i32 to index
        %get3A_1464 = tpu.vector_load %arg5[%get3A_1463] {strides = array<i32>} : memref<1280xf32, #tpu.memory_space<vmem>>, vector<16xf32>,
        %get3A_1465 = vector.shape_cast %get3A_1464 : vector<16xf32> to vector<16xf32>
        %add3A_1466 = arith.constant 10 : i32
        %add3A_1467 = arith.addi %mul3A_93, %add3A_1466 : i32
        %mul3A_1468 = arith.constant 128 : i32
        %mul3A_1469 = arith.muli %add3A_1467, %mul3A_1468 : i32
        %add3A_1470 = arith.constant 0 : i32
        %add3A_1471 = arith.addi %mul3A_1469, %add3A_1470 : i32
        %swap3A_1472 = arith.index_cast %add3A_1471 : i32 to index
        %swap3A_1473 = tpu.vector_load %arg8[%swap3A_1472] {strides = array<i32>} : memref<32768xf32, #tpu.memory_space<vmem>>, vector<16xf32>,
        %swap3A_1474 = vector.shape_cast %swap3A_1473 : vector<16xf32> to vector<16xf32>
        %swap3A_1475 = vector.shape_cast %get3A_1430 : vector<16xf32> to vector<16xf32>
        tpu.vector_store %arg8[%swap3A_1472], %swap3A_1475 {strides = array<i32>} : memref<32768xf32, #tpu.memory_space<vmem>>, vector<16xf32>,
        %add3A_1476 = arith.constant 10 : i32
        %add3A_1477 = arith.addi %mul3A_93, %add3A_1476 : i32
        %mul3A_1478 = arith.constant 128 : i32
        %mul3A_1479 = arith.muli %add3A_1477, %mul3A_1478 : i32
        %add3A_1480 = arith.constant 16 : i32
        %add3A_1481 = arith.addi %mul3A_1479, %add3A_1480 : i32
        %swap3A_1482 = arith.index_cast %add3A_1481 : i32 to index
        %swap3A_1483 = tpu.vector_load %arg8[%swap3A_1482] {strides = array<i32>} : memref<32768xf32, #tpu.memory_space<vmem>>, vector<16xf32>,
        %swap3A_1484 = vector.shape_cast %swap3A_1483 : vector<16xf32> to vector<16xf32>
        %swap3A_1485 = vector.shape_cast %get3A_1435 : vector<16xf32> to vector<16xf32>
        tpu.vector_store %arg8[%swap3A_1482], %swap3A_1485 {strides = array<i32>} : memref<32768xf32, #tpu.memory_space<vmem>>, vector<16xf32>,
        %add3A_1486 = arith.constant 10 : i32
        %add3A_1487 = arith.addi %mul3A_93, %add3A_1486 : i32
        %mul3A_1488 = arith.constant 128 : i32
        %mul3A_1489 = arith.muli %add3A_1487, %mul3A_1488 : i32
        %add3A_1490 = arith.constant 32 : i32
        %add3A_1491 = arith.addi %mul3A_1489, %add3A_1490 : i32
        %swap3A_1492 = arith.index_cast %add3A_1491 : i32 to index
        %swap3A_1493 = tpu.vector_load %arg8[%swap3A_1492] {strides = array<i32>} : memref<32768xf32, #tpu.memory_space<vmem>>, vector<16xf32>,
        %swap3A_1494 = vector.shape_cast %swap3A_1493 : vector<16xf32> to vector<16xf32>
        %swap3A_1495 = vector.shape_cast %get3A_1440 : vector<16xf32> to vector<16xf32>
        tpu.vector_store %arg8[%swap3A_1492], %swap3A_1495 {strides = array<i32>} : memref<32768xf32, #tpu.memory_space<vmem>>, vector<16xf32>,
        %add3A_1496 = arith.constant 10 : i32
        %add3A_1497 = arith.addi %mul3A_93, %add3A_1496 : i32
        %mul3A_1498 = arith.constant 128 : i32
        %mul3A_1499 = arith.muli %add3A_1497, %mul3A_1498 : i32
        %add3A_1500 = arith.constant 48 : i32
        %add3A_1501 = arith.addi %mul3A_1499, %add3A_1500 : i32
        %swap3A_1502 = arith.index_cast %add3A_1501 : i32 to index
        %swap3A_1503 = tpu.vector_load %arg8[%swap3A_1502] {strides = array<i32>} : memref<32768xf32, #tpu.memory_space<vmem>>, vector<16xf32>,
        %swap3A_1504 = vector.shape_cast %swap3A_1503 : vector<16xf32> to vector<16xf32>
        %swap3A_1505 = vector.shape_cast %get3A_1445 : vector<16xf32> to vector<16xf32>
        tpu.vector_store %arg8[%swap3A_1502], %swap3A_1505 {strides = array<i32>} : memref<32768xf32, #tpu.memory_space<vmem>>, vector<16xf32>,
        %add3A_1506 = arith.constant 10 : i32
        %add3A_1507 = arith.addi %mul3A_93, %add3A_1506 : i32
        %mul3A_1508 = arith.constant 128 : i32
        %mul3A_1509 = arith.muli %add3A_1507, %mul3A_1508 : i32
        %add3A_1510 = arith.constant 64 : i32
        %add3A_1511 = arith.addi %mul3A_1509, %add3A_1510 : i32
        %swap3A_1512 = arith.index_cast %add3A_1511 : i32 to index
        %swap3A_1513 = tpu.vector_load %arg8[%swap3A_1512] {strides = array<i32>} : memref<32768xf32, #tpu.memory_space<vmem>>, vector<16xf32>,
        %swap3A_1514 = vector.shape_cast %swap3A_1513 : vector<16xf32> to vector<16xf32>
        %swap3A_1515 = vector.shape_cast %get3A_1450 : vector<16xf32> to vector<16xf32>
        tpu.vector_store %arg8[%swap3A_1512], %swap3A_1515 {strides = array<i32>} : memref<32768xf32, #tpu.memory_space<vmem>>, vector<16xf32>,
        %add3A_1516 = arith.constant 10 : i32
        %add3A_1517 = arith.addi %mul3A_93, %add3A_1516 : i32
        %mul3A_1518 = arith.constant 128 : i32
        %mul3A_1519 = arith.muli %add3A_1517, %mul3A_1518 : i32
        %add3A_1520 = arith.constant 80 : i32
        %add3A_1521 = arith.addi %mul3A_1519, %add3A_1520 : i32
        %swap3A_1522 = arith.index_cast %add3A_1521 : i32 to index
        %swap3A_1523 = tpu.vector_load %arg8[%swap3A_1522] {strides = array<i32>} : memref<32768xf32, #tpu.memory_space<vmem>>, vector<16xf32>,
        %swap3A_1524 = vector.shape_cast %swap3A_1523 : vector<16xf32> to vector<16xf32>
        %swap3A_1525 = vector.shape_cast %get3A_1455 : vector<16xf32> to vector<16xf32>
        tpu.vector_store %arg8[%swap3A_1522], %swap3A_1525 {strides = array<i32>} : memref<32768xf32, #tpu.memory_space<vmem>>, vector<16xf32>,
        %add3A_1526 = arith.constant 10 : i32
        %add3A_1527 = arith.addi %mul3A_93, %add3A_1526 : i32
        %mul3A_1528 = arith.constant 128 : i32
        %mul3A_1529 = arith.muli %add3A_1527, %mul3A_1528 : i32
        %add3A_1530 = arith.constant 96 : i32
        %add3A_1531 = arith.addi %mul3A_1529, %add3A_1530 : i32
        %swap3A_1532 = arith.index_cast %add3A_1531 : i32 to index
        %swap3A_1533 = tpu.vector_load %arg8[%swap3A_1532] {strides = array<i32>} : memref<32768xf32, #tpu.memory_space<vmem>>, vector<16xf32>,
        %swap3A_1534 = vector.shape_cast %swap3A_1533 : vector<16xf32> to vector<16xf32>
        %swap3A_1535 = vector.shape_cast %get3A_1460 : vector<16xf32> to vector<16xf32>
        tpu.vector_store %arg8[%swap3A_1532], %swap3A_1535 {strides = array<i32>} : memref<32768xf32, #tpu.memory_space<vmem>>, vector<16xf32>,
        %add3A_1536 = arith.constant 10 : i32
        %add3A_1537 = arith.addi %mul3A_93, %add3A_1536 : i32
        %mul3A_1538 = arith.constant 128 : i32
        %mul3A_1539 = arith.muli %add3A_1537, %mul3A_1538 : i32
        %add3A_1540 = arith.constant 112 : i32
        %add3A_1541 = arith.addi %mul3A_1539, %add3A_1540 : i32
        %swap3A_1542 = arith.index_cast %add3A_1541 : i32 to index
        %swap3A_1543 = tpu.vector_load %arg8[%swap3A_1542] {strides = array<i32>} : memref<32768xf32, #tpu.memory_space<vmem>>, vector<16xf32>,
        %swap3A_1544 = vector.shape_cast %swap3A_1543 : vector<16xf32> to vector<16xf32>
        %swap3A_1545 = vector.shape_cast %get3A_1465 : vector<16xf32> to vector<16xf32>
        tpu.vector_store %arg8[%swap3A_1542], %swap3A_1545 {strides = array<i32>} : memref<32768xf32, #tpu.memory_space<vmem>>, vector<16xf32>,
        %add3A_1546 = arith.constant 0 : i32
        %add3A_1547 = arith.addi %mul3A_192, %add3A_1546 : i32
        %get3A_1548 = arith.index_cast %add3A_1547 : i32 to index
        %get3A_1549 = tpu.vector_load %arg5[%get3A_1548] {strides = array<i32>} : memref<1280xf32, #tpu.memory_space<vmem>>, vector<16xf32>,
        %get3A_1550 = vector.shape_cast %get3A_1549 : vector<16xf32> to vector<16xf32>
        %add3A_1551 = arith.constant 16 : i32
        %add3A_1552 = arith.addi %mul3A_192, %add3A_1551 : i32
        %get3A_1553 = arith.index_cast %add3A_1552 : i32 to index
        %get3A_1554 = tpu.vector_load %arg5[%get3A_1553] {strides = array<i32>} : memref<1280xf32, #tpu.memory_space<vmem>>, vector<16xf32>,
        %get3A_1555 = vector.shape_cast %get3A_1554 : vector<16xf32> to vector<16xf32>
        %add3A_1556 = arith.constant 32 : i32
        %add3A_1557 = arith.addi %mul3A_192, %add3A_1556 : i32
        %get3A_1558 = arith.index_cast %add3A_1557 : i32 to index
        %get3A_1559 = tpu.vector_load %arg5[%get3A_1558] {strides = array<i32>} : memref<1280xf32, #tpu.memory_space<vmem>>, vector<16xf32>,
        %get3A_1560 = vector.shape_cast %get3A_1559 : vector<16xf32> to vector<16xf32>
        %add3A_1561 = arith.constant 48 : i32
        %add3A_1562 = arith.addi %mul3A_192, %add3A_1561 : i32
        %get3A_1563 = arith.index_cast %add3A_1562 : i32 to index
        %get3A_1564 = tpu.vector_load %arg5[%get3A_1563] {strides = array<i32>} : memref<1280xf32, #tpu.memory_space<vmem>>, vector<16xf32>,
        %get3A_1565 = vector.shape_cast %get3A_1564 : vector<16xf32> to vector<16xf32>
        %add3A_1566 = arith.constant 64 : i32
        %add3A_1567 = arith.addi %mul3A_192, %add3A_1566 : i32
        %get3A_1568 = arith.index_cast %add3A_1567 : i32 to index
        %get3A_1569 = tpu.vector_load %arg5[%get3A_1568] {strides = array<i32>} : memref<1280xf32, #tpu.memory_space<vmem>>, vector<16xf32>,
        %get3A_1570 = vector.shape_cast %get3A_1569 : vector<16xf32> to vector<16xf32>
        %add3A_1571 = arith.constant 80 : i32
        %add3A_1572 = arith.addi %mul3A_192, %add3A_1571 : i32
        %get3A_1573 = arith.index_cast %add3A_1572 : i32 to index
        %get3A_1574 = tpu.vector_load %arg5[%get3A_1573] {strides = array<i32>} : memref<1280xf32, #tpu.memory_space<vmem>>, vector<16xf32>,
        %get3A_1575 = vector.shape_cast %get3A_1574 : vector<16xf32> to vector<16xf32>
        %add3A_1576 = arith.constant 96 : i32
        %add3A_1577 = arith.addi %mul3A_192, %add3A_1576 : i32
        %get3A_1578 = arith.index_cast %add3A_1577 : i32 to index
        %get3A_1579 = tpu.vector_load %arg5[%get3A_1578] {strides = array<i32>} : memref<1280xf32, #tpu.memory_space<vmem>>, vector<16xf32>,
        %get3A_1580 = vector.shape_cast %get3A_1579 : vector<16xf32> to vector<16xf32>
        %add3A_1581 = arith.constant 112 : i32
        %add3A_1582 = arith.addi %mul3A_192, %add3A_1581 : i32
        %get3A_1583 = arith.index_cast %add3A_1582 : i32 to index
        %get3A_1584 = tpu.vector_load %arg5[%get3A_1583] {strides = array<i32>} : memref<1280xf32, #tpu.memory_space<vmem>>, vector<16xf32>,
        %get3A_1585 = vector.shape_cast %get3A_1584 : vector<16xf32> to vector<16xf32>
        %add3A_1586 = arith.constant 11 : i32
        %add3A_1587 = arith.addi %mul3A_93, %add3A_1586 : i32
        %mul3A_1588 = arith.constant 128 : i32
        %mul3A_1589 = arith.muli %add3A_1587, %mul3A_1588 : i32
        %add3A_1590 = arith.constant 0 : i32
        %add3A_1591 = arith.addi %mul3A_1589, %add3A_1590 : i32
        %swap3A_1592 = arith.index_cast %add3A_1591 : i32 to index
        %swap3A_1593 = tpu.vector_load %arg8[%swap3A_1592] {strides = array<i32>} : memref<32768xf32, #tpu.memory_space<vmem>>, vector<16xf32>,
        %swap3A_1594 = vector.shape_cast %swap3A_1593 : vector<16xf32> to vector<16xf32>
        %swap3A_1595 = vector.shape_cast %get3A_1550 : vector<16xf32> to vector<16xf32>
        tpu.vector_store %arg8[%swap3A_1592], %swap3A_1595 {strides = array<i32>} : memref<32768xf32, #tpu.memory_space<vmem>>, vector<16xf32>,
        %add3A_1596 = arith.constant 11 : i32
        %add3A_1597 = arith.addi %mul3A_93, %add3A_1596 : i32
        %mul3A_1598 = arith.constant 128 : i32
        %mul3A_1599 = arith.muli %add3A_1597, %mul3A_1598 : i32
        %add3A_1600 = arith.constant 16 : i32
        %add3A_1601 = arith.addi %mul3A_1599, %add3A_1600 : i32
        %swap3A_1602 = arith.index_cast %add3A_1601 : i32 to index
        %swap3A_1603 = tpu.vector_load %arg8[%swap3A_1602] {strides = array<i32>} : memref<32768xf32, #tpu.memory_space<vmem>>, vector<16xf32>,
        %swap3A_1604 = vector.shape_cast %swap3A_1603 : vector<16xf32> to vector<16xf32>
        %swap3A_1605 = vector.shape_cast %get3A_1555 : vector<16xf32> to vector<16xf32>
        tpu.vector_store %arg8[%swap3A_1602], %swap3A_1605 {strides = array<i32>} : memref<32768xf32, #tpu.memory_space<vmem>>, vector<16xf32>,
        %add3A_1606 = arith.constant 11 : i32
        %add3A_1607 = arith.addi %mul3A_93, %add3A_1606 : i32
        %mul3A_1608 = arith.constant 128 : i32
        %mul3A_1609 = arith.muli %add3A_1607, %mul3A_1608 : i32
        %add3A_1610 = arith.constant 32 : i32
        %add3A_1611 = arith.addi %mul3A_1609, %add3A_1610 : i32
        %swap3A_1612 = arith.index_cast %add3A_1611 : i32 to index
        %swap3A_1613 = tpu.vector_load %arg8[%swap3A_1612] {strides = array<i32>} : memref<32768xf32, #tpu.memory_space<vmem>>, vector<16xf32>,
        %swap3A_1614 = vector.shape_cast %swap3A_1613 : vector<16xf32> to vector<16xf32>
        %swap3A_1615 = vector.shape_cast %get3A_1560 : vector<16xf32> to vector<16xf32>
        tpu.vector_store %arg8[%swap3A_1612], %swap3A_1615 {strides = array<i32>} : memref<32768xf32, #tpu.memory_space<vmem>>, vector<16xf32>,
        %add3A_1616 = arith.constant 11 : i32
        %add3A_1617 = arith.addi %mul3A_93, %add3A_1616 : i32
        %mul3A_1618 = arith.constant 128 : i32
        %mul3A_1619 = arith.muli %add3A_1617, %mul3A_1618 : i32
        %add3A_1620 = arith.constant 48 : i32
        %add3A_1621 = arith.addi %mul3A_1619, %add3A_1620 : i32
        %swap3A_1622 = arith.index_cast %add3A_1621 : i32 to index
        %swap3A_1623 = tpu.vector_load %arg8[%swap3A_1622] {strides = array<i32>} : memref<32768xf32, #tpu.memory_space<vmem>>, vector<16xf32>,
        %swap3A_1624 = vector.shape_cast %swap3A_1623 : vector<16xf32> to vector<16xf32>
        %swap3A_1625 = vector.shape_cast %get3A_1565 : vector<16xf32> to vector<16xf32>
        tpu.vector_store %arg8[%swap3A_1622], %swap3A_1625 {strides = array<i32>} : memref<32768xf32, #tpu.memory_space<vmem>>, vector<16xf32>,
        %add3A_1626 = arith.constant 11 : i32
        %add3A_1627 = arith.addi %mul3A_93, %add3A_1626 : i32
        %mul3A_1628 = arith.constant 128 : i32
        %mul3A_1629 = arith.muli %add3A_1627, %mul3A_1628 : i32
        %add3A_1630 = arith.constant 64 : i32
        %add3A_1631 = arith.addi %mul3A_1629, %add3A_1630 : i32
        %swap3A_1632 = arith.index_cast %add3A_1631 : i32 to index
        %swap3A_1633 = tpu.vector_load %arg8[%swap3A_1632] {strides = array<i32>} : memref<32768xf32, #tpu.memory_space<vmem>>, vector<16xf32>,
        %swap3A_1634 = vector.shape_cast %swap3A_1633 : vector<16xf32> to vector<16xf32>
        %swap3A_1635 = vector.shape_cast %get3A_1570 : vector<16xf32> to vector<16xf32>
        tpu.vector_store %arg8[%swap3A_1632], %swap3A_1635 {strides = array<i32>} : memref<32768xf32, #tpu.memory_space<vmem>>, vector<16xf32>,
        %add3A_1636 = arith.constant 11 : i32
        %add3A_1637 = arith.addi %mul3A_93, %add3A_1636 : i32
        %mul3A_1638 = arith.constant 128 : i32
        %mul3A_1639 = arith.muli %add3A_1637, %mul3A_1638 : i32
        %add3A_1640 = arith.constant 80 : i32
        %add3A_1641 = arith.addi %mul3A_1639, %add3A_1640 : i32
        %swap3A_1642 = arith.index_cast %add3A_1641 : i32 to index
        %swap3A_1643 = tpu.vector_load %arg8[%swap3A_1642] {strides = array<i32>} : memref<32768xf32, #tpu.memory_space<vmem>>, vector<16xf32>,
        %swap3A_1644 = vector.shape_cast %swap3A_1643 : vector<16xf32> to vector<16xf32>
        %swap3A_1645 = vector.shape_cast %get3A_1575 : vector<16xf32> to vector<16xf32>
        tpu.vector_store %arg8[%swap3A_1642], %swap3A_1645 {strides = array<i32>} : memref<32768xf32, #tpu.memory_space<vmem>>, vector<16xf32>,
        %add3A_1646 = arith.constant 11 : i32
        %add3A_1647 = arith.addi %mul3A_93, %add3A_1646 : i32
        %mul3A_1648 = arith.constant 128 : i32
        %mul3A_1649 = arith.muli %add3A_1647, %mul3A_1648 : i32
        %add3A_1650 = arith.constant 96 : i32
        %add3A_1651 = arith.addi %mul3A_1649, %add3A_1650 : i32
        %swap3A_1652 = arith.index_cast %add3A_1651 : i32 to index
        %swap3A_1653 = tpu.vector_load %arg8[%swap3A_1652] {strides = array<i32>} : memref<32768xf32, #tpu.memory_space<vmem>>, vector<16xf32>,
        %swap3A_1654 = vector.shape_cast %swap3A_1653 : vector<16xf32> to vector<16xf32>
        %swap3A_1655 = vector.shape_cast %get3A_1580 : vector<16xf32> to vector<16xf32>
        tpu.vector_store %arg8[%swap3A_1652], %swap3A_1655 {strides = array<i32>} : memref<32768xf32, #tpu.memory_space<vmem>>, vector<16xf32>,
        %add3A_1656 = arith.constant 11 : i32
        %add3A_1657 = arith.addi %mul3A_93, %add3A_1656 : i32
        %mul3A_1658 = arith.constant 128 : i32
        %mul3A_1659 = arith.muli %add3A_1657, %mul3A_1658 : i32
        %add3A_1660 = arith.constant 112 : i32
        %add3A_1661 = arith.addi %mul3A_1659, %add3A_1660 : i32
        %swap3A_1662 = arith.index_cast %add3A_1661 : i32 to index
        %swap3A_1663 = tpu.vector_load %arg8[%swap3A_1662] {strides = array<i32>} : memref<32768xf32, #tpu.memory_space<vmem>>, vector<16xf32>,
        %swap3A_1664 = vector.shape_cast %swap3A_1663 : vector<16xf32> to vector<16xf32>
        %swap3A_1665 = vector.shape_cast %get3A_1585 : vector<16xf32> to vector<16xf32>
        tpu.vector_store %arg8[%swap3A_1662], %swap3A_1665 {strides = array<i32>} : memref<32768xf32, #tpu.memory_space<vmem>>, vector<16xf32>,
        %add3A_1666 = arith.constant 0 : i32
        %add3A_1667 = arith.addi %mul3A_204, %add3A_1666 : i32
        %get3A_1668 = arith.index_cast %add3A_1667 : i32 to index
        %get3A_1669 = tpu.vector_load %arg5[%get3A_1668] {strides = array<i32>} : memref<1280xf32, #tpu.memory_space<vmem>>, vector<16xf32>,
        %get3A_1670 = vector.shape_cast %get3A_1669 : vector<16xf32> to vector<16xf32>
        %add3A_1671 = arith.constant 16 : i32
        %add3A_1672 = arith.addi %mul3A_204, %add3A_1671 : i32
        %get3A_1673 = arith.index_cast %add3A_1672 : i32 to index
        %get3A_1674 = tpu.vector_load %arg5[%get3A_1673] {strides = array<i32>} : memref<1280xf32, #tpu.memory_space<vmem>>, vector<16xf32>,
        %get3A_1675 = vector.shape_cast %get3A_1674 : vector<16xf32> to vector<16xf32>
        %add3A_1676 = arith.constant 32 : i32
        %add3A_1677 = arith.addi %mul3A_204, %add3A_1676 : i32
        %get3A_1678 = arith.index_cast %add3A_1677 : i32 to index
        %get3A_1679 = tpu.vector_load %arg5[%get3A_1678] {strides = array<i32>} : memref<1280xf32, #tpu.memory_space<vmem>>, vector<16xf32>,
        %get3A_1680 = vector.shape_cast %get3A_1679 : vector<16xf32> to vector<16xf32>
        %add3A_1681 = arith.constant 48 : i32
        %add3A_1682 = arith.addi %mul3A_204, %add3A_1681 : i32
        %get3A_1683 = arith.index_cast %add3A_1682 : i32 to index
        %get3A_1684 = tpu.vector_load %arg5[%get3A_1683] {strides = array<i32>} : memref<1280xf32, #tpu.memory_space<vmem>>, vector<16xf32>,
        %get3A_1685 = vector.shape_cast %get3A_1684 : vector<16xf32> to vector<16xf32>
        %add3A_1686 = arith.constant 64 : i32
        %add3A_1687 = arith.addi %mul3A_204, %add3A_1686 : i32
        %get3A_1688 = arith.index_cast %add3A_1687 : i32 to index
        %get3A_1689 = tpu.vector_load %arg5[%get3A_1688] {strides = array<i32>} : memref<1280xf32, #tpu.memory_space<vmem>>, vector<16xf32>,
        %get3A_1690 = vector.shape_cast %get3A_1689 : vector<16xf32> to vector<16xf32>
        %add3A_1691 = arith.constant 80 : i32
        %add3A_1692 = arith.addi %mul3A_204, %add3A_1691 : i32
        %get3A_1693 = arith.index_cast %add3A_1692 : i32 to index
        %get3A_1694 = tpu.vector_load %arg5[%get3A_1693] {strides = array<i32>} : memref<1280xf32, #tpu.memory_space<vmem>>, vector<16xf32>,
        %get3A_1695 = vector.shape_cast %get3A_1694 : vector<16xf32> to vector<16xf32>
        %add3A_1696 = arith.constant 96 : i32
        %add3A_1697 = arith.addi %mul3A_204, %add3A_1696 : i32
        %get3A_1698 = arith.index_cast %add3A_1697 : i32 to index
        %get3A_1699 = tpu.vector_load %arg5[%get3A_1698] {strides = array<i32>} : memref<1280xf32, #tpu.memory_space<vmem>>, vector<16xf32>,
        %get3A_1700 = vector.shape_cast %get3A_1699 : vector<16xf32> to vector<16xf32>
        %add3A_1701 = arith.constant 112 : i32
        %add3A_1702 = arith.addi %mul3A_204, %add3A_1701 : i32
        %get3A_1703 = arith.index_cast %add3A_1702 : i32 to index
        %get3A_1704 = tpu.vector_load %arg5[%get3A_1703] {strides = array<i32>} : memref<1280xf32, #tpu.memory_space<vmem>>, vector<16xf32>,
        %get3A_1705 = vector.shape_cast %get3A_1704 : vector<16xf32> to vector<16xf32>
        %add3A_1706 = arith.constant 12 : i32
        %add3A_1707 = arith.addi %mul3A_93, %add3A_1706 : i32
        %mul3A_1708 = arith.constant 128 : i32
        %mul3A_1709 = arith.muli %add3A_1707, %mul3A_1708 : i32
        %add3A_1710 = arith.constant 0 : i32
        %add3A_1711 = arith.addi %mul3A_1709, %add3A_1710 : i32
        %swap3A_1712 = arith.index_cast %add3A_1711 : i32 to index
        %swap3A_1713 = tpu.vector_load %arg8[%swap3A_1712] {strides = array<i32>} : memref<32768xf32, #tpu.memory_space<vmem>>, vector<16xf32>,
        %swap3A_1714 = vector.shape_cast %swap3A_1713 : vector<16xf32> to vector<16xf32>
        %swap3A_1715 = vector.shape_cast %get3A_1670 : vector<16xf32> to vector<16xf32>
        tpu.vector_store %arg8[%swap3A_1712], %swap3A_1715 {strides = array<i32>} : memref<32768xf32, #tpu.memory_space<vmem>>, vector<16xf32>,
        %add3A_1716 = arith.constant 12 : i32
        %add3A_1717 = arith.addi %mul3A_93, %add3A_1716 : i32
        %mul3A_1718 = arith.constant 128 : i32
        %mul3A_1719 = arith.muli %add3A_1717, %mul3A_1718 : i32
        %add3A_1720 = arith.constant 16 : i32
        %add3A_1721 = arith.addi %mul3A_1719, %add3A_1720 : i32
        %swap3A_1722 = arith.index_cast %add3A_1721 : i32 to index
        %swap3A_1723 = tpu.vector_load %arg8[%swap3A_1722] {strides = array<i32>} : memref<32768xf32, #tpu.memory_space<vmem>>, vector<16xf32>,
        %swap3A_1724 = vector.shape_cast %swap3A_1723 : vector<16xf32> to vector<16xf32>
        %swap3A_1725 = vector.shape_cast %get3A_1675 : vector<16xf32> to vector<16xf32>
        tpu.vector_store %arg8[%swap3A_1722], %swap3A_1725 {strides = array<i32>} : memref<32768xf32, #tpu.memory_space<vmem>>, vector<16xf32>,
        %add3A_1726 = arith.constant 12 : i32
        %add3A_1727 = arith.addi %mul3A_93, %add3A_1726 : i32
        %mul3A_1728 = arith.constant 128 : i32
        %mul3A_1729 = arith.muli %add3A_1727, %mul3A_1728 : i32
        %add3A_1730 = arith.constant 32 : i32
        %add3A_1731 = arith.addi %mul3A_1729, %add3A_1730 : i32
        %swap3A_1732 = arith.index_cast %add3A_1731 : i32 to index
        %swap3A_1733 = tpu.vector_load %arg8[%swap3A_1732] {strides = array<i32>} : memref<32768xf32, #tpu.memory_space<vmem>>, vector<16xf32>,
        %swap3A_1734 = vector.shape_cast %swap3A_1733 : vector<16xf32> to vector<16xf32>
        %swap3A_1735 = vector.shape_cast %get3A_1680 : vector<16xf32> to vector<16xf32>
        tpu.vector_store %arg8[%swap3A_1732], %swap3A_1735 {strides = array<i32>} : memref<32768xf32, #tpu.memory_space<vmem>>, vector<16xf32>,
        %add3A_1736 = arith.constant 12 : i32
        %add3A_1737 = arith.addi %mul3A_93, %add3A_1736 : i32
        %mul3A_1738 = arith.constant 128 : i32
        %mul3A_1739 = arith.muli %add3A_1737, %mul3A_1738 : i32
        %add3A_1740 = arith.constant 48 : i32
        %add3A_1741 = arith.addi %mul3A_1739, %add3A_1740 : i32
        %swap3A_1742 = arith.index_cast %add3A_1741 : i32 to index
        %swap3A_1743 = tpu.vector_load %arg8[%swap3A_1742] {strides = array<i32>} : memref<32768xf32, #tpu.memory_space<vmem>>, vector<16xf32>,
        %swap3A_1744 = vector.shape_cast %swap3A_1743 : vector<16xf32> to vector<16xf32>
        %swap3A_1745 = vector.shape_cast %get3A_1685 : vector<16xf32> to vector<16xf32>
        tpu.vector_store %arg8[%swap3A_1742], %swap3A_1745 {strides = array<i32>} : memref<32768xf32, #tpu.memory_space<vmem>>, vector<16xf32>,
        %add3A_1746 = arith.constant 12 : i32
        %add3A_1747 = arith.addi %mul3A_93, %add3A_1746 : i32
        %mul3A_1748 = arith.constant 128 : i32
        %mul3A_1749 = arith.muli %add3A_1747, %mul3A_1748 : i32
        %add3A_1750 = arith.constant 64 : i32
        %add3A_1751 = arith.addi %mul3A_1749, %add3A_1750 : i32
        %swap3A_1752 = arith.index_cast %add3A_1751 : i32 to index
        %swap3A_1753 = tpu.vector_load %arg8[%swap3A_1752] {strides = array<i32>} : memref<32768xf32, #tpu.memory_space<vmem>>, vector<16xf32>,
        %swap3A_1754 = vector.shape_cast %swap3A_1753 : vector<16xf32> to vector<16xf32>
        %swap3A_1755 = vector.shape_cast %get3A_1690 : vector<16xf32> to vector<16xf32>
        tpu.vector_store %arg8[%swap3A_1752], %swap3A_1755 {strides = array<i32>} : memref<32768xf32, #tpu.memory_space<vmem>>, vector<16xf32>,
        %add3A_1756 = arith.constant 12 : i32
        %add3A_1757 = arith.addi %mul3A_93, %add3A_1756 : i32
        %mul3A_1758 = arith.constant 128 : i32
        %mul3A_1759 = arith.muli %add3A_1757, %mul3A_1758 : i32
        %add3A_1760 = arith.constant 80 : i32
        %add3A_1761 = arith.addi %mul3A_1759, %add3A_1760 : i32
        %swap3A_1762 = arith.index_cast %add3A_1761 : i32 to index
        %swap3A_1763 = tpu.vector_load %arg8[%swap3A_1762] {strides = array<i32>} : memref<32768xf32, #tpu.memory_space<vmem>>, vector<16xf32>,
        %swap3A_1764 = vector.shape_cast %swap3A_1763 : vector<16xf32> to vector<16xf32>
        %swap3A_1765 = vector.shape_cast %get3A_1695 : vector<16xf32> to vector<16xf32>
        tpu.vector_store %arg8[%swap3A_1762], %swap3A_1765 {strides = array<i32>} : memref<32768xf32, #tpu.memory_space<vmem>>, vector<16xf32>,
        %add3A_1766 = arith.constant 12 : i32
        %add3A_1767 = arith.addi %mul3A_93, %add3A_1766 : i32
        %mul3A_1768 = arith.constant 128 : i32
        %mul3A_1769 = arith.muli %add3A_1767, %mul3A_1768 : i32
        %add3A_1770 = arith.constant 96 : i32
        %add3A_1771 = arith.addi %mul3A_1769, %add3A_1770 : i32
        %swap3A_1772 = arith.index_cast %add3A_1771 : i32 to index
        %swap3A_1773 = tpu.vector_load %arg8[%swap3A_1772] {strides = array<i32>} : memref<32768xf32, #tpu.memory_space<vmem>>, vector<16xf32>,
        %swap3A_1774 = vector.shape_cast %swap3A_1773 : vector<16xf32> to vector<16xf32>
        %swap3A_1775 = vector.shape_cast %get3A_1700 : vector<16xf32> to vector<16xf32>
        tpu.vector_store %arg8[%swap3A_1772], %swap3A_1775 {strides = array<i32>} : memref<32768xf32, #tpu.memory_space<vmem>>, vector<16xf32>,
        %add3A_1776 = arith.constant 12 : i32
        %add3A_1777 = arith.addi %mul3A_93, %add3A_1776 : i32
        %mul3A_1778 = arith.constant 128 : i32
        %mul3A_1779 = arith.muli %add3A_1777, %mul3A_1778 : i32
        %add3A_1780 = arith.constant 112 : i32
        %add3A_1781 = arith.addi %mul3A_1779, %add3A_1780 : i32
        %swap3A_1782 = arith.index_cast %add3A_1781 : i32 to index
        %swap3A_1783 = tpu.vector_load %arg8[%swap3A_1782] {strides = array<i32>} : memref<32768xf32, #tpu.memory_space<vmem>>, vector<16xf32>,
        %swap3A_1784 = vector.shape_cast %swap3A_1783 : vector<16xf32> to vector<16xf32>
        %swap3A_1785 = vector.shape_cast %get3A_1705 : vector<16xf32> to vector<16xf32>
        tpu.vector_store %arg8[%swap3A_1782], %swap3A_1785 {strides = array<i32>} : memref<32768xf32, #tpu.memory_space<vmem>>, vector<16xf32>,
        %add3A_1786 = arith.constant 0 : i32
        %add3A_1787 = arith.addi %mul3A_209, %add3A_1786 : i32
        %get3A_1788 = arith.index_cast %add3A_1787 : i32 to index
        %get3A_1789 = tpu.vector_load %arg5[%get3A_1788] {strides = array<i32>} : memref<1280xf32, #tpu.memory_space<vmem>>, vector<16xf32>,
        %get3A_1790 = vector.shape_cast %get3A_1789 : vector<16xf32> to vector<16xf32>
        %add3A_1791 = arith.constant 16 : i32
        %add3A_1792 = arith.addi %mul3A_209, %add3A_1791 : i32
        %get3A_1793 = arith.index_cast %add3A_1792 : i32 to index
        %get3A_1794 = tpu.vector_load %arg5[%get3A_1793] {strides = array<i32>} : memref<1280xf32, #tpu.memory_space<vmem>>, vector<16xf32>,
        %get3A_1795 = vector.shape_cast %get3A_1794 : vector<16xf32> to vector<16xf32>
        %add3A_1796 = arith.constant 32 : i32
        %add3A_1797 = arith.addi %mul3A_209, %add3A_1796 : i32
        %get3A_1798 = arith.index_cast %add3A_1797 : i32 to index
        %get3A_1799 = tpu.vector_load %arg5[%get3A_1798] {strides = array<i32>} : memref<1280xf32, #tpu.memory_space<vmem>>, vector<16xf32>,
        %get3A_1800 = vector.shape_cast %get3A_1799 : vector<16xf32> to vector<16xf32>
        %add3A_1801 = arith.constant 48 : i32
        %add3A_1802 = arith.addi %mul3A_209, %add3A_1801 : i32
        %get3A_1803 = arith.index_cast %add3A_1802 : i32 to index
        %get3A_1804 = tpu.vector_load %arg5[%get3A_1803] {strides = array<i32>} : memref<1280xf32, #tpu.memory_space<vmem>>, vector<16xf32>,
        %get3A_1805 = vector.shape_cast %get3A_1804 : vector<16xf32> to vector<16xf32>
        %add3A_1806 = arith.constant 64 : i32
        %add3A_1807 = arith.addi %mul3A_209, %add3A_1806 : i32
        %get3A_1808 = arith.index_cast %add3A_1807 : i32 to index
        %get3A_1809 = tpu.vector_load %arg5[%get3A_1808] {strides = array<i32>} : memref<1280xf32, #tpu.memory_space<vmem>>, vector<16xf32>,
        %get3A_1810 = vector.shape_cast %get3A_1809 : vector<16xf32> to vector<16xf32>
        %add3A_1811 = arith.constant 80 : i32
        %add3A_1812 = arith.addi %mul3A_209, %add3A_1811 : i32
        %get3A_1813 = arith.index_cast %add3A_1812 : i32 to index
        %get3A_1814 = tpu.vector_load %arg5[%get3A_1813] {strides = array<i32>} : memref<1280xf32, #tpu.memory_space<vmem>>, vector<16xf32>,
        %get3A_1815 = vector.shape_cast %get3A_1814 : vector<16xf32> to vector<16xf32>
        %add3A_1816 = arith.constant 96 : i32
        %add3A_1817 = arith.addi %mul3A_209, %add3A_1816 : i32
        %get3A_1818 = arith.index_cast %add3A_1817 : i32 to index
        %get3A_1819 = tpu.vector_load %arg5[%get3A_1818] {strides = array<i32>} : memref<1280xf32, #tpu.memory_space<vmem>>, vector<16xf32>,
        %get3A_1820 = vector.shape_cast %get3A_1819 : vector<16xf32> to vector<16xf32>
        %add3A_1821 = arith.constant 112 : i32
        %add3A_1822 = arith.addi %mul3A_209, %add3A_1821 : i32
        %get3A_1823 = arith.index_cast %add3A_1822 : i32 to index
        %get3A_1824 = tpu.vector_load %arg5[%get3A_1823] {strides = array<i32>} : memref<1280xf32, #tpu.memory_space<vmem>>, vector<16xf32>,
        %get3A_1825 = vector.shape_cast %get3A_1824 : vector<16xf32> to vector<16xf32>
        %add3A_1826 = arith.constant 13 : i32
        %add3A_1827 = arith.addi %mul3A_93, %add3A_1826 : i32
        %mul3A_1828 = arith.constant 128 : i32
        %mul3A_1829 = arith.muli %add3A_1827, %mul3A_1828 : i32
        %add3A_1830 = arith.constant 0 : i32
        %add3A_1831 = arith.addi %mul3A_1829, %add3A_1830 : i32
        %swap3A_1832 = arith.index_cast %add3A_1831 : i32 to index
        %swap3A_1833 = tpu.vector_load %arg8[%swap3A_1832] {strides = array<i32>} : memref<32768xf32, #tpu.memory_space<vmem>>, vector<16xf32>,
        %swap3A_1834 = vector.shape_cast %swap3A_1833 : vector<16xf32> to vector<16xf32>
        %swap3A_1835 = vector.shape_cast %get3A_1790 : vector<16xf32> to vector<16xf32>
        tpu.vector_store %arg8[%swap3A_1832], %swap3A_1835 {strides = array<i32>} : memref<32768xf32, #tpu.memory_space<vmem>>, vector<16xf32>,
        %add3A_1836 = arith.constant 13 : i32
        %add3A_1837 = arith.addi %mul3A_93, %add3A_1836 : i32
        %mul3A_1838 = arith.constant 128 : i32
        %mul3A_1839 = arith.muli %add3A_1837, %mul3A_1838 : i32
        %add3A_1840 = arith.constant 16 : i32
        %add3A_1841 = arith.addi %mul3A_1839, %add3A_1840 : i32
        %swap3A_1842 = arith.index_cast %add3A_1841 : i32 to index
        %swap3A_1843 = tpu.vector_load %arg8[%swap3A_1842] {strides = array<i32>} : memref<32768xf32, #tpu.memory_space<vmem>>, vector<16xf32>,
        %swap3A_1844 = vector.shape_cast %swap3A_1843 : vector<16xf32> to vector<16xf32>
        %swap3A_1845 = vector.shape_cast %get3A_1795 : vector<16xf32> to vector<16xf32>
        tpu.vector_store %arg8[%swap3A_1842], %swap3A_1845 {strides = array<i32>} : memref<32768xf32, #tpu.memory_space<vmem>>, vector<16xf32>,
        %add3A_1846 = arith.constant 13 : i32
        %add3A_1847 = arith.addi %mul3A_93, %add3A_1846 : i32
        %mul3A_1848 = arith.constant 128 : i32
        %mul3A_1849 = arith.muli %add3A_1847, %mul3A_1848 : i32
        %add3A_1850 = arith.constant 32 : i32
        %add3A_1851 = arith.addi %mul3A_1849, %add3A_1850 : i32
        %swap3A_1852 = arith.index_cast %add3A_1851 : i32 to index
        %swap3A_1853 = tpu.vector_load %arg8[%swap3A_1852] {strides = array<i32>} : memref<32768xf32, #tpu.memory_space<vmem>>, vector<16xf32>,
        %swap3A_1854 = vector.shape_cast %swap3A_1853 : vector<16xf32> to vector<16xf32>
        %swap3A_1855 = vector.shape_cast %get3A_1800 : vector<16xf32> to vector<16xf32>
        tpu.vector_store %arg8[%swap3A_1852], %swap3A_1855 {strides = array<i32>} : memref<32768xf32, #tpu.memory_space<vmem>>, vector<16xf32>,
        %add3A_1856 = arith.constant 13 : i32
        %add3A_1857 = arith.addi %mul3A_93, %add3A_1856 : i32
        %mul3A_1858 = arith.constant 128 : i32
        %mul3A_1859 = arith.muli %add3A_1857, %mul3A_1858 : i32
        %add3A_1860 = arith.constant 48 : i32
        %add3A_1861 = arith.addi %mul3A_1859, %add3A_1860 : i32
        %swap3A_1862 = arith.index_cast %add3A_1861 : i32 to index
        %swap3A_1863 = tpu.vector_load %arg8[%swap3A_1862] {strides = array<i32>} : memref<32768xf32, #tpu.memory_space<vmem>>, vector<16xf32>,
        %swap3A_1864 = vector.shape_cast %swap3A_1863 : vector<16xf32> to vector<16xf32>
        %swap3A_1865 = vector.shape_cast %get3A_1805 : vector<16xf32> to vector<16xf32>
        tpu.vector_store %arg8[%swap3A_1862], %swap3A_1865 {strides = array<i32>} : memref<32768xf32, #tpu.memory_space<vmem>>, vector<16xf32>,
        %add3A_1866 = arith.constant 13 : i32
        %add3A_1867 = arith.addi %mul3A_93, %add3A_1866 : i32
        %mul3A_1868 = arith.constant 128 : i32
        %mul3A_1869 = arith.muli %add3A_1867, %mul3A_1868 : i32
        %add3A_1870 = arith.constant 64 : i32
        %add3A_1871 = arith.addi %mul3A_1869, %add3A_1870 : i32
        %swap3A_1872 = arith.index_cast %add3A_1871 : i32 to index
        %swap3A_1873 = tpu.vector_load %arg8[%swap3A_1872] {strides = array<i32>} : memref<32768xf32, #tpu.memory_space<vmem>>, vector<16xf32>,
        %swap3A_1874 = vector.shape_cast %swap3A_1873 : vector<16xf32> to vector<16xf32>
        %swap3A_1875 = vector.shape_cast %get3A_1810 : vector<16xf32> to vector<16xf32>
        tpu.vector_store %arg8[%swap3A_1872], %swap3A_1875 {strides = array<i32>} : memref<32768xf32, #tpu.memory_space<vmem>>, vector<16xf32>,
        %add3A_1876 = arith.constant 13 : i32
        %add3A_1877 = arith.addi %mul3A_93, %add3A_1876 : i32
        %mul3A_1878 = arith.constant 128 : i32
        %mul3A_1879 = arith.muli %add3A_1877, %mul3A_1878 : i32
        %add3A_1880 = arith.constant 80 : i32
        %add3A_1881 = arith.addi %mul3A_1879, %add3A_1880 : i32
        %swap3A_1882 = arith.index_cast %add3A_1881 : i32 to index
        %swap3A_1883 = tpu.vector_load %arg8[%swap3A_1882] {strides = array<i32>} : memref<32768xf32, #tpu.memory_space<vmem>>, vector<16xf32>,
        %swap3A_1884 = vector.shape_cast %swap3A_1883 : vector<16xf32> to vector<16xf32>
        %swap3A_1885 = vector.shape_cast %get3A_1815 : vector<16xf32> to vector<16xf32>
        tpu.vector_store %arg8[%swap3A_1882], %swap3A_1885 {strides = array<i32>} : memref<32768xf32, #tpu.memory_space<vmem>>, vector<16xf32>,
        %add3A_1886 = arith.constant 13 : i32
        %add3A_1887 = arith.addi %mul3A_93, %add3A_1886 : i32
        %mul3A_1888 = arith.constant 128 : i32
        %mul3A_1889 = arith.muli %add3A_1887, %mul3A_1888 : i32
        %add3A_1890 = arith.constant 96 : i32
        %add3A_1891 = arith.addi %mul3A_1889, %add3A_1890 : i32
        %swap3A_1892 = arith.index_cast %add3A_1891 : i32 to index
        %swap3A_1893 = tpu.vector_load %arg8[%swap3A_1892] {strides = array<i32>} : memref<32768xf32, #tpu.memory_space<vmem>>, vector<16xf32>,
        %swap3A_1894 = vector.shape_cast %swap3A_1893 : vector<16xf32> to vector<16xf32>
        %swap3A_1895 = vector.shape_cast %get3A_1820 : vector<16xf32> to vector<16xf32>
        tpu.vector_store %arg8[%swap3A_1892], %swap3A_1895 {strides = array<i32>} : memref<32768xf32, #tpu.memory_space<vmem>>, vector<16xf32>,
        %add3A_1896 = arith.constant 13 : i32
        %add3A_1897 = arith.addi %mul3A_93, %add3A_1896 : i32
        %mul3A_1898 = arith.constant 128 : i32
        %mul3A_1899 = arith.muli %add3A_1897, %mul3A_1898 : i32
        %add3A_1900 = arith.constant 112 : i32
        %add3A_1901 = arith.addi %mul3A_1899, %add3A_1900 : i32
        %swap3A_1902 = arith.index_cast %add3A_1901 : i32 to index
        %swap3A_1903 = tpu.vector_load %arg8[%swap3A_1902] {strides = array<i32>} : memref<32768xf32, #tpu.memory_space<vmem>>, vector<16xf32>,
        %swap3A_1904 = vector.shape_cast %swap3A_1903 : vector<16xf32> to vector<16xf32>
        %swap3A_1905 = vector.shape_cast %get3A_1825 : vector<16xf32> to vector<16xf32>
        tpu.vector_store %arg8[%swap3A_1902], %swap3A_1905 {strides = array<i32>} : memref<32768xf32, #tpu.memory_space<vmem>>, vector<16xf32>,
        %add3A_1906 = arith.constant 0 : i32
        %add3A_1907 = arith.addi %mul3A_221, %add3A_1906 : i32
        %get3A_1908 = arith.index_cast %add3A_1907 : i32 to index
        %get3A_1909 = tpu.vector_load %arg5[%get3A_1908] {strides = array<i32>} : memref<1280xf32, #tpu.memory_space<vmem>>, vector<16xf32>,
        %get3A_1910 = vector.shape_cast %get3A_1909 : vector<16xf32> to vector<16xf32>
        %add3A_1911 = arith.constant 16 : i32
        %add3A_1912 = arith.addi %mul3A_221, %add3A_1911 : i32
        %get3A_1913 = arith.index_cast %add3A_1912 : i32 to index
        %get3A_1914 = tpu.vector_load %arg5[%get3A_1913] {strides = array<i32>} : memref<1280xf32, #tpu.memory_space<vmem>>, vector<16xf32>,
        %get3A_1915 = vector.shape_cast %get3A_1914 : vector<16xf32> to vector<16xf32>
        %add3A_1916 = arith.constant 32 : i32
        %add3A_1917 = arith.addi %mul3A_221, %add3A_1916 : i32
        %get3A_1918 = arith.index_cast %add3A_1917 : i32 to index
        %get3A_1919 = tpu.vector_load %arg5[%get3A_1918] {strides = array<i32>} : memref<1280xf32, #tpu.memory_space<vmem>>, vector<16xf32>,
        %get3A_1920 = vector.shape_cast %get3A_1919 : vector<16xf32> to vector<16xf32>
        %add3A_1921 = arith.constant 48 : i32
        %add3A_1922 = arith.addi %mul3A_221, %add3A_1921 : i32
        %get3A_1923 = arith.index_cast %add3A_1922 : i32 to index
        %get3A_1924 = tpu.vector_load %arg5[%get3A_1923] {strides = array<i32>} : memref<1280xf32, #tpu.memory_space<vmem>>, vector<16xf32>,
        %get3A_1925 = vector.shape_cast %get3A_1924 : vector<16xf32> to vector<16xf32>
        %add3A_1926 = arith.constant 64 : i32
        %add3A_1927 = arith.addi %mul3A_221, %add3A_1926 : i32
        %get3A_1928 = arith.index_cast %add3A_1927 : i32 to index
        %get3A_1929 = tpu.vector_load %arg5[%get3A_1928] {strides = array<i32>} : memref<1280xf32, #tpu.memory_space<vmem>>, vector<16xf32>,
        %get3A_1930 = vector.shape_cast %get3A_1929 : vector<16xf32> to vector<16xf32>
        %add3A_1931 = arith.constant 80 : i32
        %add3A_1932 = arith.addi %mul3A_221, %add3A_1931 : i32
        %get3A_1933 = arith.index_cast %add3A_1932 : i32 to index
        %get3A_1934 = tpu.vector_load %arg5[%get3A_1933] {strides = array<i32>} : memref<1280xf32, #tpu.memory_space<vmem>>, vector<16xf32>,
        %get3A_1935 = vector.shape_cast %get3A_1934 : vector<16xf32> to vector<16xf32>
        %add3A_1936 = arith.constant 96 : i32
        %add3A_1937 = arith.addi %mul3A_221, %add3A_1936 : i32
        %get3A_1938 = arith.index_cast %add3A_1937 : i32 to index
        %get3A_1939 = tpu.vector_load %arg5[%get3A_1938] {strides = array<i32>} : memref<1280xf32, #tpu.memory_space<vmem>>, vector<16xf32>,
        %get3A_1940 = vector.shape_cast %get3A_1939 : vector<16xf32> to vector<16xf32>
        %add3A_1941 = arith.constant 112 : i32
        %add3A_1942 = arith.addi %mul3A_221, %add3A_1941 : i32
        %get3A_1943 = arith.index_cast %add3A_1942 : i32 to index
        %get3A_1944 = tpu.vector_load %arg5[%get3A_1943] {strides = array<i32>} : memref<1280xf32, #tpu.memory_space<vmem>>, vector<16xf32>,
        %get3A_1945 = vector.shape_cast %get3A_1944 : vector<16xf32> to vector<16xf32>
        %add3A_1946 = arith.constant 14 : i32
        %add3A_1947 = arith.addi %mul3A_93, %add3A_1946 : i32
        %mul3A_1948 = arith.constant 128 : i32
        %mul3A_1949 = arith.muli %add3A_1947, %mul3A_1948 : i32
        %add3A_1950 = arith.constant 0 : i32
        %add3A_1951 = arith.addi %mul3A_1949, %add3A_1950 : i32
        %swap3A_1952 = arith.index_cast %add3A_1951 : i32 to index
        %swap3A_1953 = tpu.vector_load %arg8[%swap3A_1952] {strides = array<i32>} : memref<32768xf32, #tpu.memory_space<vmem>>, vector<16xf32>,
        %swap3A_1954 = vector.shape_cast %swap3A_1953 : vector<16xf32> to vector<16xf32>
        %swap3A_1955 = vector.shape_cast %get3A_1910 : vector<16xf32> to vector<16xf32>
        tpu.vector_store %arg8[%swap3A_1952], %swap3A_1955 {strides = array<i32>} : memref<32768xf32, #tpu.memory_space<vmem>>, vector<16xf32>,
        %add3A_1956 = arith.constant 14 : i32
        %add3A_1957 = arith.addi %mul3A_93, %add3A_1956 : i32
        %mul3A_1958 = arith.constant 128 : i32
        %mul3A_1959 = arith.muli %add3A_1957, %mul3A_1958 : i32
        %add3A_1960 = arith.constant 16 : i32
        %add3A_1961 = arith.addi %mul3A_1959, %add3A_1960 : i32
        %swap3A_1962 = arith.index_cast %add3A_1961 : i32 to index
        %swap3A_1963 = tpu.vector_load %arg8[%swap3A_1962] {strides = array<i32>} : memref<32768xf32, #tpu.memory_space<vmem>>, vector<16xf32>,
        %swap3A_1964 = vector.shape_cast %swap3A_1963 : vector<16xf32> to vector<16xf32>
        %swap3A_1965 = vector.shape_cast %get3A_1915 : vector<16xf32> to vector<16xf32>
        tpu.vector_store %arg8[%swap3A_1962], %swap3A_1965 {strides = array<i32>} : memref<32768xf32, #tpu.memory_space<vmem>>, vector<16xf32>,
        %add3A_1966 = arith.constant 14 : i32
        %add3A_1967 = arith.addi %mul3A_93, %add3A_1966 : i32
        %mul3A_1968 = arith.constant 128 : i32
        %mul3A_1969 = arith.muli %add3A_1967, %mul3A_1968 : i32
        %add3A_1970 = arith.constant 32 : i32
        %add3A_1971 = arith.addi %mul3A_1969, %add3A_1970 : i32
        %swap3A_1972 = arith.index_cast %add3A_1971 : i32 to index
        %swap3A_1973 = tpu.vector_load %arg8[%swap3A_1972] {strides = array<i32>} : memref<32768xf32, #tpu.memory_space<vmem>>, vector<16xf32>,
        %swap3A_1974 = vector.shape_cast %swap3A_1973 : vector<16xf32> to vector<16xf32>
        %swap3A_1975 = vector.shape_cast %get3A_1920 : vector<16xf32> to vector<16xf32>
        tpu.vector_store %arg8[%swap3A_1972], %swap3A_1975 {strides = array<i32>} : memref<32768xf32, #tpu.memory_space<vmem>>, vector<16xf32>,
        %add3A_1976 = arith.constant 14 : i32
        %add3A_1977 = arith.addi %mul3A_93, %add3A_1976 : i32
        %mul3A_1978 = arith.constant 128 : i32
        %mul3A_1979 = arith.muli %add3A_1977, %mul3A_1978 : i32
        %add3A_1980 = arith.constant 48 : i32
        %add3A_1981 = arith.addi %mul3A_1979, %add3A_1980 : i32
        %swap3A_1982 = arith.index_cast %add3A_1981 : i32 to index
        %swap3A_1983 = tpu.vector_load %arg8[%swap3A_1982] {strides = array<i32>} : memref<32768xf32, #tpu.memory_space<vmem>>, vector<16xf32>,
        %swap3A_1984 = vector.shape_cast %swap3A_1983 : vector<16xf32> to vector<16xf32>
        %swap3A_1985 = vector.shape_cast %get3A_1925 : vector<16xf32> to vector<16xf32>
        tpu.vector_store %arg8[%swap3A_1982], %swap3A_1985 {strides = array<i32>} : memref<32768xf32, #tpu.memory_space<vmem>>, vector<16xf32>,
        %add3A_1986 = arith.constant 14 : i32
        %add3A_1987 = arith.addi %mul3A_93, %add3A_1986 : i32
        %mul3A_1988 = arith.constant 128 : i32
        %mul3A_1989 = arith.muli %add3A_1987, %mul3A_1988 : i32
        %add3A_1990 = arith.constant 64 : i32
        %add3A_1991 = arith.addi %mul3A_1989, %add3A_1990 : i32
        %swap3A_1992 = arith.index_cast %add3A_1991 : i32 to index
        %swap3A_1993 = tpu.vector_load %arg8[%swap3A_1992] {strides = array<i32>} : memref<32768xf32, #tpu.memory_space<vmem>>, vector<16xf32>,
        %swap3A_1994 = vector.shape_cast %swap3A_1993 : vector<16xf32> to vector<16xf32>
        %swap3A_1995 = vector.shape_cast %get3A_1930 : vector<16xf32> to vector<16xf32>
        tpu.vector_store %arg8[%swap3A_1992], %swap3A_1995 {strides = array<i32>} : memref<32768xf32, #tpu.memory_space<vmem>>, vector<16xf32>,
        %add3A_1996 = arith.constant 14 : i32
        %add3A_1997 = arith.addi %mul3A_93, %add3A_1996 : i32
        %mul3A_1998 = arith.constant 128 : i32
        %mul3A_1999 = arith.muli %add3A_1997, %mul3A_1998 : i32
        %add3A_2000 = arith.constant 80 : i32
        %add3A_2001 = arith.addi %mul3A_1999, %add3A_2000 : i32
        %swap3A_2002 = arith.index_cast %add3A_2001 : i32 to index
        %swap3A_2003 = tpu.vector_load %arg8[%swap3A_2002] {strides = array<i32>} : memref<32768xf32, #tpu.memory_space<vmem>>, vector<16xf32>,
        %swap3A_2004 = vector.shape_cast %swap3A_2003 : vector<16xf32> to vector<16xf32>
        %swap3A_2005 = vector.shape_cast %get3A_1935 : vector<16xf32> to vector<16xf32>
        tpu.vector_store %arg8[%swap3A_2002], %swap3A_2005 {strides = array<i32>} : memref<32768xf32, #tpu.memory_space<vmem>>, vector<16xf32>,
        %add3A_2006 = arith.constant 14 : i32
        %add3A_2007 = arith.addi %mul3A_93, %add3A_2006 : i32
        %mul3A_2008 = arith.constant 128 : i32
        %mul3A_2009 = arith.muli %add3A_2007, %mul3A_2008 : i32
        %add3A_2010 = arith.constant 96 : i32
        %add3A_2011 = arith.addi %mul3A_2009, %add3A_2010 : i32
        %swap3A_2012 = arith.index_cast %add3A_2011 : i32 to index
        %swap3A_2013 = tpu.vector_load %arg8[%swap3A_2012] {strides = array<i32>} : memref<32768xf32, #tpu.memory_space<vmem>>, vector<16xf32>,
        %swap3A_2014 = vector.shape_cast %swap3A_2013 : vector<16xf32> to vector<16xf32>
        %swap3A_2015 = vector.shape_cast %get3A_1940 : vector<16xf32> to vector<16xf32>
        tpu.vector_store %arg8[%swap3A_2012], %swap3A_2015 {strides = array<i32>} : memref<32768xf32, #tpu.memory_space<vmem>>, vector<16xf32>,
        %add3A_2016 = arith.constant 14 : i32
        %add3A_2017 = arith.addi %mul3A_93, %add3A_2016 : i32
        %mul3A_2018 = arith.constant 128 : i32
        %mul3A_2019 = arith.muli %add3A_2017, %mul3A_2018 : i32
        %add3A_2020 = arith.constant 112 : i32
        %add3A_2021 = arith.addi %mul3A_2019, %add3A_2020 : i32
        %swap3A_2022 = arith.index_cast %add3A_2021 : i32 to index
        %swap3A_2023 = tpu.vector_load %arg8[%swap3A_2022] {strides = array<i32>} : memref<32768xf32, #tpu.memory_space<vmem>>, vector<16xf32>,
        %swap3A_2024 = vector.shape_cast %swap3A_2023 : vector<16xf32> to vector<16xf32>
        %swap3A_2025 = vector.shape_cast %get3A_1945 : vector<16xf32> to vector<16xf32>
        tpu.vector_store %arg8[%swap3A_2022], %swap3A_2025 {strides = array<i32>} : memref<32768xf32, #tpu.memory_space<vmem>>, vector<16xf32>,
        %add3A_2026 = arith.constant 0 : i32
        %add3A_2027 = arith.addi %mul3A_226, %add3A_2026 : i32
        %get3A_2028 = arith.index_cast %add3A_2027 : i32 to index
        %get3A_2029 = tpu.vector_load %arg5[%get3A_2028] {strides = array<i32>} : memref<1280xf32, #tpu.memory_space<vmem>>, vector<16xf32>,
        %get3A_2030 = vector.shape_cast %get3A_2029 : vector<16xf32> to vector<16xf32>
        %add3A_2031 = arith.constant 16 : i32
        %add3A_2032 = arith.addi %mul3A_226, %add3A_2031 : i32
        %get3A_2033 = arith.index_cast %add3A_2032 : i32 to index
        %get3A_2034 = tpu.vector_load %arg5[%get3A_2033] {strides = array<i32>} : memref<1280xf32, #tpu.memory_space<vmem>>, vector<16xf32>,
        %get3A_2035 = vector.shape_cast %get3A_2034 : vector<16xf32> to vector<16xf32>
        %add3A_2036 = arith.constant 32 : i32
        %add3A_2037 = arith.addi %mul3A_226, %add3A_2036 : i32
        %get3A_2038 = arith.index_cast %add3A_2037 : i32 to index
        %get3A_2039 = tpu.vector_load %arg5[%get3A_2038] {strides = array<i32>} : memref<1280xf32, #tpu.memory_space<vmem>>, vector<16xf32>,
        %get3A_2040 = vector.shape_cast %get3A_2039 : vector<16xf32> to vector<16xf32>
        %add3A_2041 = arith.constant 48 : i32
        %add3A_2042 = arith.addi %mul3A_226, %add3A_2041 : i32
        %get3A_2043 = arith.index_cast %add3A_2042 : i32 to index
        %get3A_2044 = tpu.vector_load %arg5[%get3A_2043] {strides = array<i32>} : memref<1280xf32, #tpu.memory_space<vmem>>, vector<16xf32>,
        %get3A_2045 = vector.shape_cast %get3A_2044 : vector<16xf32> to vector<16xf32>
        %add3A_2046 = arith.constant 64 : i32
        %add3A_2047 = arith.addi %mul3A_226, %add3A_2046 : i32
        %get3A_2048 = arith.index_cast %add3A_2047 : i32 to index
        %get3A_2049 = tpu.vector_load %arg5[%get3A_2048] {strides = array<i32>} : memref<1280xf32, #tpu.memory_space<vmem>>, vector<16xf32>,
        %get3A_2050 = vector.shape_cast %get3A_2049 : vector<16xf32> to vector<16xf32>
        %add3A_2051 = arith.constant 80 : i32
        %add3A_2052 = arith.addi %mul3A_226, %add3A_2051 : i32
        %get3A_2053 = arith.index_cast %add3A_2052 : i32 to index
        %get3A_2054 = tpu.vector_load %arg5[%get3A_2053] {strides = array<i32>} : memref<1280xf32, #tpu.memory_space<vmem>>, vector<16xf32>,
        %get3A_2055 = vector.shape_cast %get3A_2054 : vector<16xf32> to vector<16xf32>
        %add3A_2056 = arith.constant 96 : i32
        %add3A_2057 = arith.addi %mul3A_226, %add3A_2056 : i32
        %get3A_2058 = arith.index_cast %add3A_2057 : i32 to index
        %get3A_2059 = tpu.vector_load %arg5[%get3A_2058] {strides = array<i32>} : memref<1280xf32, #tpu.memory_space<vmem>>, vector<16xf32>,
        %get3A_2060 = vector.shape_cast %get3A_2059 : vector<16xf32> to vector<16xf32>
        %add3A_2061 = arith.constant 112 : i32
        %add3A_2062 = arith.addi %mul3A_226, %add3A_2061 : i32
        %get3A_2063 = arith.index_cast %add3A_2062 : i32 to index
        %get3A_2064 = tpu.vector_load %arg5[%get3A_2063] {strides = array<i32>} : memref<1280xf32, #tpu.memory_space<vmem>>, vector<16xf32>,
        %get3A_2065 = vector.shape_cast %get3A_2064 : vector<16xf32> to vector<16xf32>
        %add3A_2066 = arith.constant 15 : i32
        %add3A_2067 = arith.addi %mul3A_93, %add3A_2066 : i32
        %mul3A_2068 = arith.constant 128 : i32
        %mul3A_2069 = arith.muli %add3A_2067, %mul3A_2068 : i32
        %add3A_2070 = arith.constant 0 : i32
        %add3A_2071 = arith.addi %mul3A_2069, %add3A_2070 : i32
        %swap3A_2072 = arith.index_cast %add3A_2071 : i32 to index
        %swap3A_2073 = tpu.vector_load %arg8[%swap3A_2072] {strides = array<i32>} : memref<32768xf32, #tpu.memory_space<vmem>>, vector<16xf32>,
        %swap3A_2074 = vector.shape_cast %swap3A_2073 : vector<16xf32> to vector<16xf32>
        %swap3A_2075 = vector.shape_cast %get3A_2030 : vector<16xf32> to vector<16xf32>
        tpu.vector_store %arg8[%swap3A_2072], %swap3A_2075 {strides = array<i32>} : memref<32768xf32, #tpu.memory_space<vmem>>, vector<16xf32>,
        %add3A_2076 = arith.constant 15 : i32
        %add3A_2077 = arith.addi %mul3A_93, %add3A_2076 : i32
        %mul3A_2078 = arith.constant 128 : i32
        %mul3A_2079 = arith.muli %add3A_2077, %mul3A_2078 : i32
        %add3A_2080 = arith.constant 16 : i32
        %add3A_2081 = arith.addi %mul3A_2079, %add3A_2080 : i32
        %swap3A_2082 = arith.index_cast %add3A_2081 : i32 to index
        %swap3A_2083 = tpu.vector_load %arg8[%swap3A_2082] {strides = array<i32>} : memref<32768xf32, #tpu.memory_space<vmem>>, vector<16xf32>,
        %swap3A_2084 = vector.shape_cast %swap3A_2083 : vector<16xf32> to vector<16xf32>
        %swap3A_2085 = vector.shape_cast %get3A_2035 : vector<16xf32> to vector<16xf32>
        tpu.vector_store %arg8[%swap3A_2082], %swap3A_2085 {strides = array<i32>} : memref<32768xf32, #tpu.memory_space<vmem>>, vector<16xf32>,
        %add3A_2086 = arith.constant 15 : i32
        %add3A_2087 = arith.addi %mul3A_93, %add3A_2086 : i32
        %mul3A_2088 = arith.constant 128 : i32
        %mul3A_2089 = arith.muli %add3A_2087, %mul3A_2088 : i32
        %add3A_2090 = arith.constant 32 : i32
        %add3A_2091 = arith.addi %mul3A_2089, %add3A_2090 : i32
        %swap3A_2092 = arith.index_cast %add3A_2091 : i32 to index
        %swap3A_2093 = tpu.vector_load %arg8[%swap3A_2092] {strides = array<i32>} : memref<32768xf32, #tpu.memory_space<vmem>>, vector<16xf32>,
        %swap3A_2094 = vector.shape_cast %swap3A_2093 : vector<16xf32> to vector<16xf32>
        %swap3A_2095 = vector.shape_cast %get3A_2040 : vector<16xf32> to vector<16xf32>
        tpu.vector_store %arg8[%swap3A_2092], %swap3A_2095 {strides = array<i32>} : memref<32768xf32, #tpu.memory_space<vmem>>, vector<16xf32>,
        %add3A_2096 = arith.constant 15 : i32
        %add3A_2097 = arith.addi %mul3A_93, %add3A_2096 : i32
        %mul3A_2098 = arith.constant 128 : i32
        %mul3A_2099 = arith.muli %add3A_2097, %mul3A_2098 : i32
        %add3A_2100 = arith.constant 48 : i32
        %add3A_2101 = arith.addi %mul3A_2099, %add3A_2100 : i32
        %swap3A_2102 = arith.index_cast %add3A_2101 : i32 to index
        %swap3A_2103 = tpu.vector_load %arg8[%swap3A_2102] {strides = array<i32>} : memref<32768xf32, #tpu.memory_space<vmem>>, vector<16xf32>,
        %swap3A_2104 = vector.shape_cast %swap3A_2103 : vector<16xf32> to vector<16xf32>
        %swap3A_2105 = vector.shape_cast %get3A_2045 : vector<16xf32> to vector<16xf32>
        tpu.vector_store %arg8[%swap3A_2102], %swap3A_2105 {strides = array<i32>} : memref<32768xf32, #tpu.memory_space<vmem>>, vector<16xf32>,
        %add3A_2106 = arith.constant 15 : i32
        %add3A_2107 = arith.addi %mul3A_93, %add3A_2106 : i32
        %mul3A_2108 = arith.constant 128 : i32
        %mul3A_2109 = arith.muli %add3A_2107, %mul3A_2108 : i32
        %add3A_2110 = arith.constant 64 : i32
        %add3A_2111 = arith.addi %mul3A_2109, %add3A_2110 : i32
        %swap3A_2112 = arith.index_cast %add3A_2111 : i32 to index
        %swap3A_2113 = tpu.vector_load %arg8[%swap3A_2112] {strides = array<i32>} : memref<32768xf32, #tpu.memory_space<vmem>>, vector<16xf32>,
        %swap3A_2114 = vector.shape_cast %swap3A_2113 : vector<16xf32> to vector<16xf32>
        %swap3A_2115 = vector.shape_cast %get3A_2050 : vector<16xf32> to vector<16xf32>
        tpu.vector_store %arg8[%swap3A_2112], %swap3A_2115 {strides = array<i32>} : memref<32768xf32, #tpu.memory_space<vmem>>, vector<16xf32>,
        %add3A_2116 = arith.constant 15 : i32
        %add3A_2117 = arith.addi %mul3A_93, %add3A_2116 : i32
        %mul3A_2118 = arith.constant 128 : i32
        %mul3A_2119 = arith.muli %add3A_2117, %mul3A_2118 : i32
        %add3A_2120 = arith.constant 80 : i32
        %add3A_2121 = arith.addi %mul3A_2119, %add3A_2120 : i32
        %swap3A_2122 = arith.index_cast %add3A_2121 : i32 to index
        %swap3A_2123 = tpu.vector_load %arg8[%swap3A_2122] {strides = array<i32>} : memref<32768xf32, #tpu.memory_space<vmem>>, vector<16xf32>,
        %swap3A_2124 = vector.shape_cast %swap3A_2123 : vector<16xf32> to vector<16xf32>
        %swap3A_2125 = vector.shape_cast %get3A_2055 : vector<16xf32> to vector<16xf32>
        tpu.vector_store %arg8[%swap3A_2122], %swap3A_2125 {strides = array<i32>} : memref<32768xf32, #tpu.memory_space<vmem>>, vector<16xf32>,
        %add3A_2126 = arith.constant 15 : i32
        %add3A_2127 = arith.addi %mul3A_93, %add3A_2126 : i32
        %mul3A_2128 = arith.constant 128 : i32
        %mul3A_2129 = arith.muli %add3A_2127, %mul3A_2128 : i32
        %add3A_2130 = arith.constant 96 : i32
        %add3A_2131 = arith.addi %mul3A_2129, %add3A_2130 : i32
        %swap3A_2132 = arith.index_cast %add3A_2131 : i32 to index
        %swap3A_2133 = tpu.vector_load %arg8[%swap3A_2132] {strides = array<i32>} : memref<32768xf32, #tpu.memory_space<vmem>>, vector<16xf32>,
        %swap3A_2134 = vector.shape_cast %swap3A_2133 : vector<16xf32> to vector<16xf32>
        %swap3A_2135 = vector.shape_cast %get3A_2060 : vector<16xf32> to vector<16xf32>
        tpu.vector_store %arg8[%swap3A_2132], %swap3A_2135 {strides = array<i32>} : memref<32768xf32, #tpu.memory_space<vmem>>, vector<16xf32>,
        %add3A_2136 = arith.constant 15 : i32
        %add3A_2137 = arith.addi %mul3A_93, %add3A_2136 : i32
        %mul3A_2138 = arith.constant 128 : i32
        %mul3A_2139 = arith.muli %add3A_2137, %mul3A_2138 : i32
        %add3A_2140 = arith.constant 112 : i32
        %add3A_2141 = arith.addi %mul3A_2139, %add3A_2140 : i32
        %swap3A_2142 = arith.index_cast %add3A_2141 : i32 to index
        %swap3A_2143 = tpu.vector_load %arg8[%swap3A_2142] {strides = array<i32>} : memref<32768xf32, #tpu.memory_space<vmem>>, vector<16xf32>,
        %swap3A_2144 = vector.shape_cast %swap3A_2143 : vector<16xf32> to vector<16xf32>
        %swap3A_2145 = vector.shape_cast %get3A_2065 : vector<16xf32> to vector<16xf32>
        tpu.vector_store %arg8[%swap3A_2142], %swap3A_2145 {strides = array<i32>} : memref<32768xf32, #tpu.memory_space<vmem>>, vector<16xf32>,
      }
      %scan3A_49 = arith.constant 16 : i32
      %lt3A = arith.constant 199 : i32
      %lt3A_50 = arith.cmpi slt, %scan3A_30, %lt3A : i32
      %convert_element_type3A_51 = arith.extui %lt3A_50 : i1 to i32
      %cond3A_52 = arith.constant 0 : i32
      %cond3A_53 = arith.cmpi ne, %convert_element_type3A_51, %cond3A_52 : i32
      scf.if %cond3A_53 {
        %add3A_91 = arith.constant 2 : i32
        %add3A_92 = arith.addi %mul3A_32, %add3A_91 : i32
        %mul3A_93 = arith.constant 256 : i32
        %mul3A_94 = arith.muli %add3A_92, %mul3A_93 : i32
        %add3A_95 = arith.addi %mul3A_2, %mul3A_94 : i32
        %mul3A_96 = arith.constant 8 : i32
        %mul3A_97 = arith.muli %add3A_95, %mul3A_96 : i32
        %dma_start3A_98 = tpu.memref_slice %arg2[%mul3A_97] : memref<26214400xf32, #tpu.memory_space<hbm>> -> memref<2048xf32, #tpu.memory_space<hbm>>
        %dma_start3A_99 = tpu.memref_slice %arg2[%mul3A_97] : memref<26214400xf32, #tpu.memory_space<hbm>> -> memref<2048xf32, #tpu.memory_space<hbm>>
        tpu.enqueue_dma source(%dma_start3A_99 : memref<2048xf32, #tpu.memory_space<hbm>>) target(%arg6 : memref<2048xf32, #tpu.memory_space<vmem>>) target_semaphore(%arg10 : memref<!tpu.dma_semaphore, #tpu.memory_space<semaphore_mem>>)
      } else {
      }
      %mul3A_54 = arith.constant 256 : i32
      %mul3A_55 = arith.muli %mul3A_32, %mul3A_54 : i32
      %add3A_56 = arith.addi %mul3A_2, %mul3A_55 : i32
      %mul3A_57 = arith.constant 128 : i32
      %mul3A_58 = arith.muli %add3A_56, %mul3A_57 : i32
      %dma_start3A_59 = tpu.memref_slice %arg4[%mul3A_58] : memref<419430400xf32, #tpu.memory_space<hbm>> -> memref<32768xf32, #tpu.memory_space<hbm>>
      %dma_start3A_60 = tpu.memref_slice %arg4[%mul3A_58] : memref<419430400xf32, #tpu.memory_space<hbm>> -> memref<32768xf32, #tpu.memory_space<hbm>>
      tpu.enqueue_dma source(%arg8 : memref<32768xf32, #tpu.memory_space<vmem>>) target(%dma_start3A_60 : memref<32768xf32, #tpu.memory_space<hbm>>) target_semaphore(%arg12 : memref<!tpu.dma_semaphore, #tpu.memory_space<semaphore_mem>>)
      %mul3A_61 = arith.constant 256 : i32
      %mul3A_62 = arith.muli %add3A_34, %mul3A_61 : i32
      %add3A_63 = arith.addi %mul3A_2, %mul3A_62 : i32
      %mul3A_64 = arith.constant 8 : i32
      %mul3A_65 = arith.muli %add3A_63, %mul3A_64 : i32
      %dma_wait3A_66 = tpu.memref_slice %arg2[%mul3A_65] : memref<26214400xf32, #tpu.memory_space<hbm>> -> memref<2048xf32, #tpu.memory_space<hbm>>
      %dma_wait3A_67 = tpu.memref_slice %arg2[%mul3A_65] : memref<26214400xf32, #tpu.memory_space<hbm>> -> memref<2048xf32, #tpu.memory_space<hbm>>
      tpu.wait_dma2 semaphore(%arg11 : memref<!tpu.dma_semaphore, #tpu.memory_space<semaphore_mem>>) src(%dma_wait3A_67 : memref<2048xf32, #tpu.memory_space<hbm>>) dst(%arg7 : memref<2048xf32, #tpu.memory_space<vmem>>)
      %gt3A_68 = arith.constant 0 : i32
      %gt3A_69 = arith.cmpi sgt, %scan3A_30, %gt3A_68 : i32
      %convert_element_type3A_70 = arith.extui %gt3A_69 : i1 to i32
      %cond3A_71 = arith.constant 0 : i32
      %cond3A_72 = arith.cmpi ne, %convert_element_type3A_70, %cond3A_71 : i32
      scf.if %cond3A_72 {
        %sub3A = arith.constant 2 : i32
        %sub3A_91 = arith.subi %add3A_34, %sub3A : i32
        %mul3A_92 = arith.constant 256 : i32
        %mul3A_93 = arith.muli %sub3A_91, %mul3A_92 : i32
        %add3A_94 = arith.addi %mul3A_2, %mul3A_93 : i32
        %mul3A_95 = arith.constant 128 : i32
        %mul3A_96 = arith.muli %add3A_94, %mul3A_95 : i32
        %dma_wait3A_97 = tpu.memref_slice %arg4[%mul3A_96] : memref<419430400xf32, #tpu.memory_space<hbm>> -> memref<32768xf32, #tpu.memory_space<hbm>>
        %dma_wait3A_98 = tpu.memref_slice %arg4[%mul3A_96] : memref<419430400xf32, #tpu.memory_space<hbm>> -> memref<32768xf32, #tpu.memory_space<hbm>>
        tpu.wait_dma2 semaphore(%arg13 : memref<!tpu.dma_semaphore, #tpu.memory_space<semaphore_mem>>) src(%arg9 : memref<32768xf32, #tpu.memory_space<vmem>>) dst(%dma_wait3A_98 : memref<32768xf32, #tpu.memory_space<hbm>>)
      } else {
      }
      %scan3A_73 = arith.constant 0 : i32
      %scan3A_74 = arith.constant 0 : i32
      %scan3A_75 = arith.constant 16 : i32
      %scan3A_76 = arith.addi %scan3A_74, %scan3A_75 : i32
      %scan3A_77 = arith.constant 1 : i32
      scf.for %scan3A_91 = %scan3A_74 to %scan3A_76 step %scan3A_77  : i32 {
        %mul3A_92 = arith.constant 16 : i32
        %mul3A_93 = arith.muli %scan3A_91, %mul3A_92 : i32
        %add3A_94 = arith.constant 0 : i32
        %add3A_95 = arith.addi %mul3A_93, %add3A_94 : i32
        %mul3A_96 = arith.constant 8 : i32
        %mul3A_97 = arith.muli %add3A_95, %mul3A_96 : i32
        %get3A = arith.index_cast %mul3A_97 : i32 to index
        %get3A_98 = tpu.vector_load %arg7[%get3A] {strides = array<i32>} : memref<2048xf32, #tpu.memory_space<vmem>>, vector<16xf32>,
        %get3A_99 = vector.shape_cast %get3A_98 : vector<16xf32> to vector<16xf32>
        %slice3A = vector.extract_strided_slice %get3A_99 {offsets = [7], sizes = [1], strides = [1]} : vector<16xf32> to vector<1xf32>
        %squeeze3A = vector.extract %slice3A[0] : f32 from vector<1xf32>
        %convert_element_type3A_100 = arith.fptosi %squeeze3A : f32 to i32
        %mul3A_101 = arith.constant 128 : i32
        %mul3A_102 = arith.muli %convert_element_type3A_100, %mul3A_101 : i32
        %slice3A_103 = vector.extract_strided_slice %get3A_99 {offsets = [15], sizes = [1], strides = [1]} : vector<16xf32> to vector<1xf32>
        %squeeze3A_104 = vector.extract %slice3A_103[0] : f32 from vector<1xf32>
        %convert_element_type3A_105 = arith.fptosi %squeeze3A_104 : f32 to i32
        %mul3A_106 = arith.constant 128 : i32
        %mul3A_107 = arith.muli %convert_element_type3A_105, %mul3A_106 : i32
        %add3A_108 = arith.constant 2 : i32
        %add3A_109 = arith.addi %mul3A_93, %add3A_108 : i32
        %mul3A_110 = arith.constant 8 : i32
        %mul3A_111 = arith.muli %add3A_109, %mul3A_110 : i32
        %get3A_112 = arith.index_cast %mul3A_111 : i32 to index
        %get3A_113 = tpu.vector_load %arg7[%get3A_112] {strides = array<i32>} : memref<2048xf32, #tpu.memory_space<vmem>>, vector<16xf32>,
        %get3A_114 = vector.shape_cast %get3A_113 : vector<16xf32> to vector<16xf32>
        %slice3A_115 = vector.extract_strided_slice %get3A_114 {offsets = [7], sizes = [1], strides = [1]} : vector<16xf32> to vector<1xf32>
        %squeeze3A_116 = vector.extract %slice3A_115[0] : f32 from vector<1xf32>
        %convert_element_type3A_117 = arith.fptosi %squeeze3A_116 : f32 to i32
        %mul3A_118 = arith.constant 128 : i32
        %mul3A_119 = arith.muli %convert_element_type3A_117, %mul3A_118 : i32
        %slice3A_120 = vector.extract_strided_slice %get3A_114 {offsets = [15], sizes = [1], strides = [1]} : vector<16xf32> to vector<1xf32>
        %squeeze3A_121 = vector.extract %slice3A_120[0] : f32 from vector<1xf32>
        %convert_element_type3A_122 = arith.fptosi %squeeze3A_121 : f32 to i32
        %mul3A_123 = arith.constant 128 : i32
        %mul3A_124 = arith.muli %convert_element_type3A_122, %mul3A_123 : i32
        %add3A_125 = arith.constant 4 : i32
        %add3A_126 = arith.addi %mul3A_93, %add3A_125 : i32
        %mul3A_127 = arith.constant 8 : i32
        %mul3A_128 = arith.muli %add3A_126, %mul3A_127 : i32
        %get3A_129 = arith.index_cast %mul3A_128 : i32 to index
        %get3A_130 = tpu.vector_load %arg7[%get3A_129] {strides = array<i32>} : memref<2048xf32, #tpu.memory_space<vmem>>, vector<16xf32>,
        %get3A_131 = vector.shape_cast %get3A_130 : vector<16xf32> to vector<16xf32>
        %slice3A_132 = vector.extract_strided_slice %get3A_131 {offsets = [7], sizes = [1], strides = [1]} : vector<16xf32> to vector<1xf32>
        %squeeze3A_133 = vector.extract %slice3A_132[0] : f32 from vector<1xf32>
        %convert_element_type3A_134 = arith.fptosi %squeeze3A_133 : f32 to i32
        %mul3A_135 = arith.constant 128 : i32
        %mul3A_136 = arith.muli %convert_element_type3A_134, %mul3A_135 : i32
        %slice3A_137 = vector.extract_strided_slice %get3A_131 {offsets = [15], sizes = [1], strides = [1]} : vector<16xf32> to vector<1xf32>
        %squeeze3A_138 = vector.extract %slice3A_137[0] : f32 from vector<1xf32>
        %convert_element_type3A_139 = arith.fptosi %squeeze3A_138 : f32 to i32
        %mul3A_140 = arith.constant 128 : i32
        %mul3A_141 = arith.muli %convert_element_type3A_139, %mul3A_140 : i32
        %add3A_142 = arith.constant 6 : i32
        %add3A_143 = arith.addi %mul3A_93, %add3A_142 : i32
        %mul3A_144 = arith.constant 8 : i32
        %mul3A_145 = arith.muli %add3A_143, %mul3A_144 : i32
        %get3A_146 = arith.index_cast %mul3A_145 : i32 to index
        %get3A_147 = tpu.vector_load %arg7[%get3A_146] {strides = array<i32>} : memref<2048xf32, #tpu.memory_space<vmem>>, vector<16xf32>,
        %get3A_148 = vector.shape_cast %get3A_147 : vector<16xf32> to vector<16xf32>
        %slice3A_149 = vector.extract_strided_slice %get3A_148 {offsets = [7], sizes = [1], strides = [1]} : vector<16xf32> to vector<1xf32>
        %squeeze3A_150 = vector.extract %slice3A_149[0] : f32 from vector<1xf32>
        %convert_element_type3A_151 = arith.fptosi %squeeze3A_150 : f32 to i32
        %mul3A_152 = arith.constant 128 : i32
        %mul3A_153 = arith.muli %convert_element_type3A_151, %mul3A_152 : i32
        %slice3A_154 = vector.extract_strided_slice %get3A_148 {offsets = [15], sizes = [1], strides = [1]} : vector<16xf32> to vector<1xf32>
        %squeeze3A_155 = vector.extract %slice3A_154[0] : f32 from vector<1xf32>
        %convert_element_type3A_156 = arith.fptosi %squeeze3A_155 : f32 to i32
        %mul3A_157 = arith.constant 128 : i32
        %mul3A_158 = arith.muli %convert_element_type3A_156, %mul3A_157 : i32
        %add3A_159 = arith.constant 8 : i32
        %add3A_160 = arith.addi %mul3A_93, %add3A_159 : i32
        %mul3A_161 = arith.constant 8 : i32
        %mul3A_162 = arith.muli %add3A_160, %mul3A_161 : i32
        %get3A_163 = arith.index_cast %mul3A_162 : i32 to index
        %get3A_164 = tpu.vector_load %arg7[%get3A_163] {strides = array<i32>} : memref<2048xf32, #tpu.memory_space<vmem>>, vector<16xf32>,
        %get3A_165 = vector.shape_cast %get3A_164 : vector<16xf32> to vector<16xf32>
        %slice3A_166 = vector.extract_strided_slice %get3A_165 {offsets = [7], sizes = [1], strides = [1]} : vector<16xf32> to vector<1xf32>
        %squeeze3A_167 = vector.extract %slice3A_166[0] : f32 from vector<1xf32>
        %convert_element_type3A_168 = arith.fptosi %squeeze3A_167 : f32 to i32
        %mul3A_169 = arith.constant 128 : i32
        %mul3A_170 = arith.muli %convert_element_type3A_168, %mul3A_169 : i32
        %slice3A_171 = vector.extract_strided_slice %get3A_165 {offsets = [15], sizes = [1], strides = [1]} : vector<16xf32> to vector<1xf32>
        %squeeze3A_172 = vector.extract %slice3A_171[0] : f32 from vector<1xf32>
        %convert_element_type3A_173 = arith.fptosi %squeeze3A_172 : f32 to i32
        %mul3A_174 = arith.constant 128 : i32
        %mul3A_175 = arith.muli %convert_element_type3A_173, %mul3A_174 : i32
        %add3A_176 = arith.constant 10 : i32
        %add3A_177 = arith.addi %mul3A_93, %add3A_176 : i32
        %mul3A_178 = arith.constant 8 : i32
        %mul3A_179 = arith.muli %add3A_177, %mul3A_178 : i32
        %get3A_180 = arith.index_cast %mul3A_179 : i32 to index
        %get3A_181 = tpu.vector_load %arg7[%get3A_180] {strides = array<i32>} : memref<2048xf32, #tpu.memory_space<vmem>>, vector<16xf32>,
        %get3A_182 = vector.shape_cast %get3A_181 : vector<16xf32> to vector<16xf32>
        %slice3A_183 = vector.extract_strided_slice %get3A_182 {offsets = [7], sizes = [1], strides = [1]} : vector<16xf32> to vector<1xf32>
        %squeeze3A_184 = vector.extract %slice3A_183[0] : f32 from vector<1xf32>
        %convert_element_type3A_185 = arith.fptosi %squeeze3A_184 : f32 to i32
        %mul3A_186 = arith.constant 128 : i32
        %mul3A_187 = arith.muli %convert_element_type3A_185, %mul3A_186 : i32
        %slice3A_188 = vector.extract_strided_slice %get3A_182 {offsets = [15], sizes = [1], strides = [1]} : vector<16xf32> to vector<1xf32>
        %squeeze3A_189 = vector.extract %slice3A_188[0] : f32 from vector<1xf32>
        %convert_element_type3A_190 = arith.fptosi %squeeze3A_189 : f32 to i32
        %mul3A_191 = arith.constant 128 : i32
        %mul3A_192 = arith.muli %convert_element_type3A_190, %mul3A_191 : i32
        %add3A_193 = arith.constant 12 : i32
        %add3A_194 = arith.addi %mul3A_93, %add3A_193 : i32
        %mul3A_195 = arith.constant 8 : i32
        %mul3A_196 = arith.muli %add3A_194, %mul3A_195 : i32
        %get3A_197 = arith.index_cast %mul3A_196 : i32 to index
        %get3A_198 = tpu.vector_load %arg7[%get3A_197] {strides = array<i32>} : memref<2048xf32, #tpu.memory_space<vmem>>, vector<16xf32>,
        %get3A_199 = vector.shape_cast %get3A_198 : vector<16xf32> to vector<16xf32>
        %slice3A_200 = vector.extract_strided_slice %get3A_199 {offsets = [7], sizes = [1], strides = [1]} : vector<16xf32> to vector<1xf32>
        %squeeze3A_201 = vector.extract %slice3A_200[0] : f32 from vector<1xf32>
        %convert_element_type3A_202 = arith.fptosi %squeeze3A_201 : f32 to i32
        %mul3A_203 = arith.constant 128 : i32
        %mul3A_204 = arith.muli %convert_element_type3A_202, %mul3A_203 : i32
        %slice3A_205 = vector.extract_strided_slice %get3A_199 {offsets = [15], sizes = [1], strides = [1]} : vector<16xf32> to vector<1xf32>
        %squeeze3A_206 = vector.extract %slice3A_205[0] : f32 from vector<1xf32>
        %convert_element_type3A_207 = arith.fptosi %squeeze3A_206 : f32 to i32
        %mul3A_208 = arith.constant 128 : i32
        %mul3A_209 = arith.muli %convert_element_type3A_207, %mul3A_208 : i32
        %add3A_210 = arith.constant 14 : i32
        %add3A_211 = arith.addi %mul3A_93, %add3A_210 : i32
        %mul3A_212 = arith.constant 8 : i32
        %mul3A_213 = arith.muli %add3A_211, %mul3A_212 : i32
        %get3A_214 = arith.index_cast %mul3A_213 : i32 to index
        %get3A_215 = tpu.vector_load %arg7[%get3A_214] {strides = array<i32>} : memref<2048xf32, #tpu.memory_space<vmem>>, vector<16xf32>,
        %get3A_216 = vector.shape_cast %get3A_215 : vector<16xf32> to vector<16xf32>
        %slice3A_217 = vector.extract_strided_slice %get3A_216 {offsets = [7], sizes = [1], strides = [1]} : vector<16xf32> to vector<1xf32>
        %squeeze3A_218 = vector.extract %slice3A_217[0] : f32 from vector<1xf32>
        %convert_element_type3A_219 = arith.fptosi %squeeze3A_218 : f32 to i32
        %mul3A_220 = arith.constant 128 : i32
        %mul3A_221 = arith.muli %convert_element_type3A_219, %mul3A_220 : i32
        %slice3A_222 = vector.extract_strided_slice %get3A_216 {offsets = [15], sizes = [1], strides = [1]} : vector<16xf32> to vector<1xf32>
        %squeeze3A_223 = vector.extract %slice3A_222[0] : f32 from vector<1xf32>
        %convert_element_type3A_224 = arith.fptosi %squeeze3A_223 : f32 to i32
        %mul3A_225 = arith.constant 128 : i32
        %mul3A_226 = arith.muli %convert_element_type3A_224, %mul3A_225 : i32
        %add3A_227 = arith.constant 0 : i32
        %add3A_228 = arith.addi %mul3A_102, %add3A_227 : i32
        %get3A_229 = arith.index_cast %add3A_228 : i32 to index
        %get3A_230 = tpu.vector_load %arg5[%get3A_229] {strides = array<i32>} : memref<1280xf32, #tpu.memory_space<vmem>>, vector<16xf32>,
        %get3A_231 = vector.shape_cast %get3A_230 : vector<16xf32> to vector<16xf32>
        %add3A_232 = arith.constant 16 : i32
        %add3A_233 = arith.addi %mul3A_102, %add3A_232 : i32
        %get3A_234 = arith.index_cast %add3A_233 : i32 to index
        %get3A_235 = tpu.vector_load %arg5[%get3A_234] {strides = array<i32>} : memref<1280xf32, #tpu.memory_space<vmem>>, vector<16xf32>,
        %get3A_236 = vector.shape_cast %get3A_235 : vector<16xf32> to vector<16xf32>
        %add3A_237 = arith.constant 32 : i32
        %add3A_238 = arith.addi %mul3A_102, %add3A_237 : i32
        %get3A_239 = arith.index_cast %add3A_238 : i32 to index
        %get3A_240 = tpu.vector_load %arg5[%get3A_239] {strides = array<i32>} : memref<1280xf32, #tpu.memory_space<vmem>>, vector<16xf32>,
        %get3A_241 = vector.shape_cast %get3A_240 : vector<16xf32> to vector<16xf32>
        %add3A_242 = arith.constant 48 : i32
        %add3A_243 = arith.addi %mul3A_102, %add3A_242 : i32
        %get3A_244 = arith.index_cast %add3A_243 : i32 to index
        %get3A_245 = tpu.vector_load %arg5[%get3A_244] {strides = array<i32>} : memref<1280xf32, #tpu.memory_space<vmem>>, vector<16xf32>,
        %get3A_246 = vector.shape_cast %get3A_245 : vector<16xf32> to vector<16xf32>
        %add3A_247 = arith.constant 64 : i32
        %add3A_248 = arith.addi %mul3A_102, %add3A_247 : i32
        %get3A_249 = arith.index_cast %add3A_248 : i32 to index
        %get3A_250 = tpu.vector_load %arg5[%get3A_249] {strides = array<i32>} : memref<1280xf32, #tpu.memory_space<vmem>>, vector<16xf32>,
        %get3A_251 = vector.shape_cast %get3A_250 : vector<16xf32> to vector<16xf32>
        %add3A_252 = arith.constant 80 : i32
        %add3A_253 = arith.addi %mul3A_102, %add3A_252 : i32
        %get3A_254 = arith.index_cast %add3A_253 : i32 to index
        %get3A_255 = tpu.vector_load %arg5[%get3A_254] {strides = array<i32>} : memref<1280xf32, #tpu.memory_space<vmem>>, vector<16xf32>,
        %get3A_256 = vector.shape_cast %get3A_255 : vector<16xf32> to vector<16xf32>
        %add3A_257 = arith.constant 96 : i32
        %add3A_258 = arith.addi %mul3A_102, %add3A_257 : i32
        %get3A_259 = arith.index_cast %add3A_258 : i32 to index
        %get3A_260 = tpu.vector_load %arg5[%get3A_259] {strides = array<i32>} : memref<1280xf32, #tpu.memory_space<vmem>>, vector<16xf32>,
        %get3A_261 = vector.shape_cast %get3A_260 : vector<16xf32> to vector<16xf32>
        %add3A_262 = arith.constant 112 : i32
        %add3A_263 = arith.addi %mul3A_102, %add3A_262 : i32
        %get3A_264 = arith.index_cast %add3A_263 : i32 to index
        %get3A_265 = tpu.vector_load %arg5[%get3A_264] {strides = array<i32>} : memref<1280xf32, #tpu.memory_space<vmem>>, vector<16xf32>,
        %get3A_266 = vector.shape_cast %get3A_265 : vector<16xf32> to vector<16xf32>
        %add3A_267 = arith.constant 0 : i32
        %add3A_268 = arith.addi %mul3A_93, %add3A_267 : i32
        %mul3A_269 = arith.constant 128 : i32
        %mul3A_270 = arith.muli %add3A_268, %mul3A_269 : i32
        %add3A_271 = arith.constant 0 : i32
        %add3A_272 = arith.addi %mul3A_270, %add3A_271 : i32
        %swap3A = arith.index_cast %add3A_272 : i32 to index
        %swap3A_273 = tpu.vector_load %arg9[%swap3A] {strides = array<i32>} : memref<32768xf32, #tpu.memory_space<vmem>>, vector<16xf32>,
        %swap3A_274 = vector.shape_cast %swap3A_273 : vector<16xf32> to vector<16xf32>
        %swap3A_275 = vector.shape_cast %get3A_231 : vector<16xf32> to vector<16xf32>
        tpu.vector_store %arg9[%swap3A], %swap3A_275 {strides = array<i32>} : memref<32768xf32, #tpu.memory_space<vmem>>, vector<16xf32>,
        %add3A_276 = arith.constant 0 : i32
        %add3A_277 = arith.addi %mul3A_93, %add3A_276 : i32
        %mul3A_278 = arith.constant 128 : i32
        %mul3A_279 = arith.muli %add3A_277, %mul3A_278 : i32
        %add3A_280 = arith.constant 16 : i32
        %add3A_281 = arith.addi %mul3A_279, %add3A_280 : i32
        %swap3A_282 = arith.index_cast %add3A_281 : i32 to index
        %swap3A_283 = tpu.vector_load %arg9[%swap3A_282] {strides = array<i32>} : memref<32768xf32, #tpu.memory_space<vmem>>, vector<16xf32>,
        %swap3A_284 = vector.shape_cast %swap3A_283 : vector<16xf32> to vector<16xf32>
        %swap3A_285 = vector.shape_cast %get3A_236 : vector<16xf32> to vector<16xf32>
        tpu.vector_store %arg9[%swap3A_282], %swap3A_285 {strides = array<i32>} : memref<32768xf32, #tpu.memory_space<vmem>>, vector<16xf32>,
        %add3A_286 = arith.constant 0 : i32
        %add3A_287 = arith.addi %mul3A_93, %add3A_286 : i32
        %mul3A_288 = arith.constant 128 : i32
        %mul3A_289 = arith.muli %add3A_287, %mul3A_288 : i32
        %add3A_290 = arith.constant 32 : i32
        %add3A_291 = arith.addi %mul3A_289, %add3A_290 : i32
        %swap3A_292 = arith.index_cast %add3A_291 : i32 to index
        %swap3A_293 = tpu.vector_load %arg9[%swap3A_292] {strides = array<i32>} : memref<32768xf32, #tpu.memory_space<vmem>>, vector<16xf32>,
        %swap3A_294 = vector.shape_cast %swap3A_293 : vector<16xf32> to vector<16xf32>
        %swap3A_295 = vector.shape_cast %get3A_241 : vector<16xf32> to vector<16xf32>
        tpu.vector_store %arg9[%swap3A_292], %swap3A_295 {strides = array<i32>} : memref<32768xf32, #tpu.memory_space<vmem>>, vector<16xf32>,
        %add3A_296 = arith.constant 0 : i32
        %add3A_297 = arith.addi %mul3A_93, %add3A_296 : i32
        %mul3A_298 = arith.constant 128 : i32
        %mul3A_299 = arith.muli %add3A_297, %mul3A_298 : i32
        %add3A_300 = arith.constant 48 : i32
        %add3A_301 = arith.addi %mul3A_299, %add3A_300 : i32
        %swap3A_302 = arith.index_cast %add3A_301 : i32 to index
        %swap3A_303 = tpu.vector_load %arg9[%swap3A_302] {strides = array<i32>} : memref<32768xf32, #tpu.memory_space<vmem>>, vector<16xf32>,
        %swap3A_304 = vector.shape_cast %swap3A_303 : vector<16xf32> to vector<16xf32>
        %swap3A_305 = vector.shape_cast %get3A_246 : vector<16xf32> to vector<16xf32>
        tpu.vector_store %arg9[%swap3A_302], %swap3A_305 {strides = array<i32>} : memref<32768xf32, #tpu.memory_space<vmem>>, vector<16xf32>,
        %add3A_306 = arith.constant 0 : i32
        %add3A_307 = arith.addi %mul3A_93, %add3A_306 : i32
        %mul3A_308 = arith.constant 128 : i32
        %mul3A_309 = arith.muli %add3A_307, %mul3A_308 : i32
        %add3A_310 = arith.constant 64 : i32
        %add3A_311 = arith.addi %mul3A_309, %add3A_310 : i32
        %swap3A_312 = arith.index_cast %add3A_311 : i32 to index
        %swap3A_313 = tpu.vector_load %arg9[%swap3A_312] {strides = array<i32>} : memref<32768xf32, #tpu.memory_space<vmem>>, vector<16xf32>,
        %swap3A_314 = vector.shape_cast %swap3A_313 : vector<16xf32> to vector<16xf32>
        %swap3A_315 = vector.shape_cast %get3A_251 : vector<16xf32> to vector<16xf32>
        tpu.vector_store %arg9[%swap3A_312], %swap3A_315 {strides = array<i32>} : memref<32768xf32, #tpu.memory_space<vmem>>, vector<16xf32>,
        %add3A_316 = arith.constant 0 : i32
        %add3A_317 = arith.addi %mul3A_93, %add3A_316 : i32
        %mul3A_318 = arith.constant 128 : i32
        %mul3A_319 = arith.muli %add3A_317, %mul3A_318 : i32
        %add3A_320 = arith.constant 80 : i32
        %add3A_321 = arith.addi %mul3A_319, %add3A_320 : i32
        %swap3A_322 = arith.index_cast %add3A_321 : i32 to index
        %swap3A_323 = tpu.vector_load %arg9[%swap3A_322] {strides = array<i32>} : memref<32768xf32, #tpu.memory_space<vmem>>, vector<16xf32>,
        %swap3A_324 = vector.shape_cast %swap3A_323 : vector<16xf32> to vector<16xf32>
        %swap3A_325 = vector.shape_cast %get3A_256 : vector<16xf32> to vector<16xf32>
        tpu.vector_store %arg9[%swap3A_322], %swap3A_325 {strides = array<i32>} : memref<32768xf32, #tpu.memory_space<vmem>>, vector<16xf32>,
        %add3A_326 = arith.constant 0 : i32
        %add3A_327 = arith.addi %mul3A_93, %add3A_326 : i32
        %mul3A_328 = arith.constant 128 : i32
        %mul3A_329 = arith.muli %add3A_327, %mul3A_328 : i32
        %add3A_330 = arith.constant 96 : i32
        %add3A_331 = arith.addi %mul3A_329, %add3A_330 : i32
        %swap3A_332 = arith.index_cast %add3A_331 : i32 to index
        %swap3A_333 = tpu.vector_load %arg9[%swap3A_332] {strides = array<i32>} : memref<32768xf32, #tpu.memory_space<vmem>>, vector<16xf32>,
        %swap3A_334 = vector.shape_cast %swap3A_333 : vector<16xf32> to vector<16xf32>
        %swap3A_335 = vector.shape_cast %get3A_261 : vector<16xf32> to vector<16xf32>
        tpu.vector_store %arg9[%swap3A_332], %swap3A_335 {strides = array<i32>} : memref<32768xf32, #tpu.memory_space<vmem>>, vector<16xf32>,
        %add3A_336 = arith.constant 0 : i32
        %add3A_337 = arith.addi %mul3A_93, %add3A_336 : i32
        %mul3A_338 = arith.constant 128 : i32
        %mul3A_339 = arith.muli %add3A_337, %mul3A_338 : i32
        %add3A_340 = arith.constant 112 : i32
        %add3A_341 = arith.addi %mul3A_339, %add3A_340 : i32
        %swap3A_342 = arith.index_cast %add3A_341 : i32 to index
        %swap3A_343 = tpu.vector_load %arg9[%swap3A_342] {strides = array<i32>} : memref<32768xf32, #tpu.memory_space<vmem>>, vector<16xf32>,
        %swap3A_344 = vector.shape_cast %swap3A_343 : vector<16xf32> to vector<16xf32>
        %swap3A_345 = vector.shape_cast %get3A_266 : vector<16xf32> to vector<16xf32>
        tpu.vector_store %arg9[%swap3A_342], %swap3A_345 {strides = array<i32>} : memref<32768xf32, #tpu.memory_space<vmem>>, vector<16xf32>,
        %add3A_346 = arith.constant 0 : i32
        %add3A_347 = arith.addi %mul3A_107, %add3A_346 : i32
        %get3A_348 = arith.index_cast %add3A_347 : i32 to index
        %get3A_349 = tpu.vector_load %arg5[%get3A_348] {strides = array<i32>} : memref<1280xf32, #tpu.memory_space<vmem>>, vector<16xf32>,
        %get3A_350 = vector.shape_cast %get3A_349 : vector<16xf32> to vector<16xf32>
        %add3A_351 = arith.constant 16 : i32
        %add3A_352 = arith.addi %mul3A_107, %add3A_351 : i32
        %get3A_353 = arith.index_cast %add3A_352 : i32 to index
        %get3A_354 = tpu.vector_load %arg5[%get3A_353] {strides = array<i32>} : memref<1280xf32, #tpu.memory_space<vmem>>, vector<16xf32>,
        %get3A_355 = vector.shape_cast %get3A_354 : vector<16xf32> to vector<16xf32>
        %add3A_356 = arith.constant 32 : i32
        %add3A_357 = arith.addi %mul3A_107, %add3A_356 : i32
        %get3A_358 = arith.index_cast %add3A_357 : i32 to index
        %get3A_359 = tpu.vector_load %arg5[%get3A_358] {strides = array<i32>} : memref<1280xf32, #tpu.memory_space<vmem>>, vector<16xf32>,
        %get3A_360 = vector.shape_cast %get3A_359 : vector<16xf32> to vector<16xf32>
        %add3A_361 = arith.constant 48 : i32
        %add3A_362 = arith.addi %mul3A_107, %add3A_361 : i32
        %get3A_363 = arith.index_cast %add3A_362 : i32 to index
        %get3A_364 = tpu.vector_load %arg5[%get3A_363] {strides = array<i32>} : memref<1280xf32, #tpu.memory_space<vmem>>, vector<16xf32>,
        %get3A_365 = vector.shape_cast %get3A_364 : vector<16xf32> to vector<16xf32>
        %add3A_366 = arith.constant 64 : i32
        %add3A_367 = arith.addi %mul3A_107, %add3A_366 : i32
        %get3A_368 = arith.index_cast %add3A_367 : i32 to index
        %get3A_369 = tpu.vector_load %arg5[%get3A_368] {strides = array<i32>} : memref<1280xf32, #tpu.memory_space<vmem>>, vector<16xf32>,
        %get3A_370 = vector.shape_cast %get3A_369 : vector<16xf32> to vector<16xf32>
        %add3A_371 = arith.constant 80 : i32
        %add3A_372 = arith.addi %mul3A_107, %add3A_371 : i32
        %get3A_373 = arith.index_cast %add3A_372 : i32 to index
        %get3A_374 = tpu.vector_load %arg5[%get3A_373] {strides = array<i32>} : memref<1280xf32, #tpu.memory_space<vmem>>, vector<16xf32>,
        %get3A_375 = vector.shape_cast %get3A_374 : vector<16xf32> to vector<16xf32>
        %add3A_376 = arith.constant 96 : i32
        %add3A_377 = arith.addi %mul3A_107, %add3A_376 : i32
        %get3A_378 = arith.index_cast %add3A_377 : i32 to index
        %get3A_379 = tpu.vector_load %arg5[%get3A_378] {strides = array<i32>} : memref<1280xf32, #tpu.memory_space<vmem>>, vector<16xf32>,
        %get3A_380 = vector.shape_cast %get3A_379 : vector<16xf32> to vector<16xf32>
        %add3A_381 = arith.constant 112 : i32
        %add3A_382 = arith.addi %mul3A_107, %add3A_381 : i32
        %get3A_383 = arith.index_cast %add3A_382 : i32 to index
        %get3A_384 = tpu.vector_load %arg5[%get3A_383] {strides = array<i32>} : memref<1280xf32, #tpu.memory_space<vmem>>, vector<16xf32>,
        %get3A_385 = vector.shape_cast %get3A_384 : vector<16xf32> to vector<16xf32>
        %add3A_386 = arith.constant 1 : i32
        %add3A_387 = arith.addi %mul3A_93, %add3A_386 : i32
        %mul3A_388 = arith.constant 128 : i32
        %mul3A_389 = arith.muli %add3A_387, %mul3A_388 : i32
        %add3A_390 = arith.constant 0 : i32
        %add3A_391 = arith.addi %mul3A_389, %add3A_390 : i32
        %swap3A_392 = arith.index_cast %add3A_391 : i32 to index
        %swap3A_393 = tpu.vector_load %arg9[%swap3A_392] {strides = array<i32>} : memref<32768xf32, #tpu.memory_space<vmem>>, vector<16xf32>,
        %swap3A_394 = vector.shape_cast %swap3A_393 : vector<16xf32> to vector<16xf32>
        %swap3A_395 = vector.shape_cast %get3A_350 : vector<16xf32> to vector<16xf32>
        tpu.vector_store %arg9[%swap3A_392], %swap3A_395 {strides = array<i32>} : memref<32768xf32, #tpu.memory_space<vmem>>, vector<16xf32>,
        %add3A_396 = arith.constant 1 : i32
        %add3A_397 = arith.addi %mul3A_93, %add3A_396 : i32
        %mul3A_398 = arith.constant 128 : i32
        %mul3A_399 = arith.muli %add3A_397, %mul3A_398 : i32
        %add3A_400 = arith.constant 16 : i32
        %add3A_401 = arith.addi %mul3A_399, %add3A_400 : i32
        %swap3A_402 = arith.index_cast %add3A_401 : i32 to index
        %swap3A_403 = tpu.vector_load %arg9[%swap3A_402] {strides = array<i32>} : memref<32768xf32, #tpu.memory_space<vmem>>, vector<16xf32>,
        %swap3A_404 = vector.shape_cast %swap3A_403 : vector<16xf32> to vector<16xf32>
        %swap3A_405 = vector.shape_cast %get3A_355 : vector<16xf32> to vector<16xf32>
        tpu.vector_store %arg9[%swap3A_402], %swap3A_405 {strides = array<i32>} : memref<32768xf32, #tpu.memory_space<vmem>>, vector<16xf32>,
        %add3A_406 = arith.constant 1 : i32
        %add3A_407 = arith.addi %mul3A_93, %add3A_406 : i32
        %mul3A_408 = arith.constant 128 : i32
        %mul3A_409 = arith.muli %add3A_407, %mul3A_408 : i32
        %add3A_410 = arith.constant 32 : i32
        %add3A_411 = arith.addi %mul3A_409, %add3A_410 : i32
        %swap3A_412 = arith.index_cast %add3A_411 : i32 to index
        %swap3A_413 = tpu.vector_load %arg9[%swap3A_412] {strides = array<i32>} : memref<32768xf32, #tpu.memory_space<vmem>>, vector<16xf32>,
        %swap3A_414 = vector.shape_cast %swap3A_413 : vector<16xf32> to vector<16xf32>
        %swap3A_415 = vector.shape_cast %get3A_360 : vector<16xf32> to vector<16xf32>
        tpu.vector_store %arg9[%swap3A_412], %swap3A_415 {strides = array<i32>} : memref<32768xf32, #tpu.memory_space<vmem>>, vector<16xf32>,
        %add3A_416 = arith.constant 1 : i32
        %add3A_417 = arith.addi %mul3A_93, %add3A_416 : i32
        %mul3A_418 = arith.constant 128 : i32
        %mul3A_419 = arith.muli %add3A_417, %mul3A_418 : i32
        %add3A_420 = arith.constant 48 : i32
        %add3A_421 = arith.addi %mul3A_419, %add3A_420 : i32
        %swap3A_422 = arith.index_cast %add3A_421 : i32 to index
        %swap3A_423 = tpu.vector_load %arg9[%swap3A_422] {strides = array<i32>} : memref<32768xf32, #tpu.memory_space<vmem>>, vector<16xf32>,
        %swap3A_424 = vector.shape_cast %swap3A_423 : vector<16xf32> to vector<16xf32>
        %swap3A_425 = vector.shape_cast %get3A_365 : vector<16xf32> to vector<16xf32>
        tpu.vector_store %arg9[%swap3A_422], %swap3A_425 {strides = array<i32>} : memref<32768xf32, #tpu.memory_space<vmem>>, vector<16xf32>,
        %add3A_426 = arith.constant 1 : i32
        %add3A_427 = arith.addi %mul3A_93, %add3A_426 : i32
        %mul3A_428 = arith.constant 128 : i32
        %mul3A_429 = arith.muli %add3A_427, %mul3A_428 : i32
        %add3A_430 = arith.constant 64 : i32
        %add3A_431 = arith.addi %mul3A_429, %add3A_430 : i32
        %swap3A_432 = arith.index_cast %add3A_431 : i32 to index
        %swap3A_433 = tpu.vector_load %arg9[%swap3A_432] {strides = array<i32>} : memref<32768xf32, #tpu.memory_space<vmem>>, vector<16xf32>,
        %swap3A_434 = vector.shape_cast %swap3A_433 : vector<16xf32> to vector<16xf32>
        %swap3A_435 = vector.shape_cast %get3A_370 : vector<16xf32> to vector<16xf32>
        tpu.vector_store %arg9[%swap3A_432], %swap3A_435 {strides = array<i32>} : memref<32768xf32, #tpu.memory_space<vmem>>, vector<16xf32>,
        %add3A_436 = arith.constant 1 : i32
        %add3A_437 = arith.addi %mul3A_93, %add3A_436 : i32
        %mul3A_438 = arith.constant 128 : i32
        %mul3A_439 = arith.muli %add3A_437, %mul3A_438 : i32
        %add3A_440 = arith.constant 80 : i32
        %add3A_441 = arith.addi %mul3A_439, %add3A_440 : i32
        %swap3A_442 = arith.index_cast %add3A_441 : i32 to index
        %swap3A_443 = tpu.vector_load %arg9[%swap3A_442] {strides = array<i32>} : memref<32768xf32, #tpu.memory_space<vmem>>, vector<16xf32>,
        %swap3A_444 = vector.shape_cast %swap3A_443 : vector<16xf32> to vector<16xf32>
        %swap3A_445 = vector.shape_cast %get3A_375 : vector<16xf32> to vector<16xf32>
        tpu.vector_store %arg9[%swap3A_442], %swap3A_445 {strides = array<i32>} : memref<32768xf32, #tpu.memory_space<vmem>>, vector<16xf32>,
        %add3A_446 = arith.constant 1 : i32
        %add3A_447 = arith.addi %mul3A_93, %add3A_446 : i32
        %mul3A_448 = arith.constant 128 : i32
        %mul3A_449 = arith.muli %add3A_447, %mul3A_448 : i32
        %add3A_450 = arith.constant 96 : i32
        %add3A_451 = arith.addi %mul3A_449, %add3A_450 : i32
        %swap3A_452 = arith.index_cast %add3A_451 : i32 to index
        %swap3A_453 = tpu.vector_load %arg9[%swap3A_452] {strides = array<i32>} : memref<32768xf32, #tpu.memory_space<vmem>>, vector<16xf32>,
        %swap3A_454 = vector.shape_cast %swap3A_453 : vector<16xf32> to vector<16xf32>
        %swap3A_455 = vector.shape_cast %get3A_380 : vector<16xf32> to vector<16xf32>
        tpu.vector_store %arg9[%swap3A_452], %swap3A_455 {strides = array<i32>} : memref<32768xf32, #tpu.memory_space<vmem>>, vector<16xf32>,
        %add3A_456 = arith.constant 1 : i32
        %add3A_457 = arith.addi %mul3A_93, %add3A_456 : i32
        %mul3A_458 = arith.constant 128 : i32
        %mul3A_459 = arith.muli %add3A_457, %mul3A_458 : i32
        %add3A_460 = arith.constant 112 : i32
        %add3A_461 = arith.addi %mul3A_459, %add3A_460 : i32
        %swap3A_462 = arith.index_cast %add3A_461 : i32 to index
        %swap3A_463 = tpu.vector_load %arg9[%swap3A_462] {strides = array<i32>} : memref<32768xf32, #tpu.memory_space<vmem>>, vector<16xf32>,
        %swap3A_464 = vector.shape_cast %swap3A_463 : vector<16xf32> to vector<16xf32>
        %swap3A_465 = vector.shape_cast %get3A_385 : vector<16xf32> to vector<16xf32>
        tpu.vector_store %arg9[%swap3A_462], %swap3A_465 {strides = array<i32>} : memref<32768xf32, #tpu.memory_space<vmem>>, vector<16xf32>,
        %add3A_466 = arith.constant 0 : i32
        %add3A_467 = arith.addi %mul3A_119, %add3A_466 : i32
        %get3A_468 = arith.index_cast %add3A_467 : i32 to index
        %get3A_469 = tpu.vector_load %arg5[%get3A_468] {strides = array<i32>} : memref<1280xf32, #tpu.memory_space<vmem>>, vector<16xf32>,
        %get3A_470 = vector.shape_cast %get3A_469 : vector<16xf32> to vector<16xf32>
        %add3A_471 = arith.constant 16 : i32
        %add3A_472 = arith.addi %mul3A_119, %add3A_471 : i32
        %get3A_473 = arith.index_cast %add3A_472 : i32 to index
        %get3A_474 = tpu.vector_load %arg5[%get3A_473] {strides = array<i32>} : memref<1280xf32, #tpu.memory_space<vmem>>, vector<16xf32>,
        %get3A_475 = vector.shape_cast %get3A_474 : vector<16xf32> to vector<16xf32>
        %add3A_476 = arith.constant 32 : i32
        %add3A_477 = arith.addi %mul3A_119, %add3A_476 : i32
        %get3A_478 = arith.index_cast %add3A_477 : i32 to index
        %get3A_479 = tpu.vector_load %arg5[%get3A_478] {strides = array<i32>} : memref<1280xf32, #tpu.memory_space<vmem>>, vector<16xf32>,
        %get3A_480 = vector.shape_cast %get3A_479 : vector<16xf32> to vector<16xf32>
        %add3A_481 = arith.constant 48 : i32
        %add3A_482 = arith.addi %mul3A_119, %add3A_481 : i32
        %get3A_483 = arith.index_cast %add3A_482 : i32 to index
        %get3A_484 = tpu.vector_load %arg5[%get3A_483] {strides = array<i32>} : memref<1280xf32, #tpu.memory_space<vmem>>, vector<16xf32>,
        %get3A_485 = vector.shape_cast %get3A_484 : vector<16xf32> to vector<16xf32>
        %add3A_486 = arith.constant 64 : i32
        %add3A_487 = arith.addi %mul3A_119, %add3A_486 : i32
        %get3A_488 = arith.index_cast %add3A_487 : i32 to index
        %get3A_489 = tpu.vector_load %arg5[%get3A_488] {strides = array<i32>} : memref<1280xf32, #tpu.memory_space<vmem>>, vector<16xf32>,
        %get3A_490 = vector.shape_cast %get3A_489 : vector<16xf32> to vector<16xf32>
        %add3A_491 = arith.constant 80 : i32
        %add3A_492 = arith.addi %mul3A_119, %add3A_491 : i32
        %get3A_493 = arith.index_cast %add3A_492 : i32 to index
        %get3A_494 = tpu.vector_load %arg5[%get3A_493] {strides = array<i32>} : memref<1280xf32, #tpu.memory_space<vmem>>, vector<16xf32>,
        %get3A_495 = vector.shape_cast %get3A_494 : vector<16xf32> to vector<16xf32>
        %add3A_496 = arith.constant 96 : i32
        %add3A_497 = arith.addi %mul3A_119, %add3A_496 : i32
        %get3A_498 = arith.index_cast %add3A_497 : i32 to index
        %get3A_499 = tpu.vector_load %arg5[%get3A_498] {strides = array<i32>} : memref<1280xf32, #tpu.memory_space<vmem>>, vector<16xf32>,
        %get3A_500 = vector.shape_cast %get3A_499 : vector<16xf32> to vector<16xf32>
        %add3A_501 = arith.constant 112 : i32
        %add3A_502 = arith.addi %mul3A_119, %add3A_501 : i32
        %get3A_503 = arith.index_cast %add3A_502 : i32 to index
        %get3A_504 = tpu.vector_load %arg5[%get3A_503] {strides = array<i32>} : memref<1280xf32, #tpu.memory_space<vmem>>, vector<16xf32>,
        %get3A_505 = vector.shape_cast %get3A_504 : vector<16xf32> to vector<16xf32>
        %add3A_506 = arith.constant 2 : i32
        %add3A_507 = arith.addi %mul3A_93, %add3A_506 : i32
        %mul3A_508 = arith.constant 128 : i32
        %mul3A_509 = arith.muli %add3A_507, %mul3A_508 : i32
        %add3A_510 = arith.constant 0 : i32
        %add3A_511 = arith.addi %mul3A_509, %add3A_510 : i32
        %swap3A_512 = arith.index_cast %add3A_511 : i32 to index
        %swap3A_513 = tpu.vector_load %arg9[%swap3A_512] {strides = array<i32>} : memref<32768xf32, #tpu.memory_space<vmem>>, vector<16xf32>,
        %swap3A_514 = vector.shape_cast %swap3A_513 : vector<16xf32> to vector<16xf32>
        %swap3A_515 = vector.shape_cast %get3A_470 : vector<16xf32> to vector<16xf32>
        tpu.vector_store %arg9[%swap3A_512], %swap3A_515 {strides = array<i32>} : memref<32768xf32, #tpu.memory_space<vmem>>, vector<16xf32>,
        %add3A_516 = arith.constant 2 : i32
        %add3A_517 = arith.addi %mul3A_93, %add3A_516 : i32
        %mul3A_518 = arith.constant 128 : i32
        %mul3A_519 = arith.muli %add3A_517, %mul3A_518 : i32
        %add3A_520 = arith.constant 16 : i32
        %add3A_521 = arith.addi %mul3A_519, %add3A_520 : i32
        %swap3A_522 = arith.index_cast %add3A_521 : i32 to index
        %swap3A_523 = tpu.vector_load %arg9[%swap3A_522] {strides = array<i32>} : memref<32768xf32, #tpu.memory_space<vmem>>, vector<16xf32>,
        %swap3A_524 = vector.shape_cast %swap3A_523 : vector<16xf32> to vector<16xf32>
        %swap3A_525 = vector.shape_cast %get3A_475 : vector<16xf32> to vector<16xf32>
        tpu.vector_store %arg9[%swap3A_522], %swap3A_525 {strides = array<i32>} : memref<32768xf32, #tpu.memory_space<vmem>>, vector<16xf32>,
        %add3A_526 = arith.constant 2 : i32
        %add3A_527 = arith.addi %mul3A_93, %add3A_526 : i32
        %mul3A_528 = arith.constant 128 : i32
        %mul3A_529 = arith.muli %add3A_527, %mul3A_528 : i32
        %add3A_530 = arith.constant 32 : i32
        %add3A_531 = arith.addi %mul3A_529, %add3A_530 : i32
        %swap3A_532 = arith.index_cast %add3A_531 : i32 to index
        %swap3A_533 = tpu.vector_load %arg9[%swap3A_532] {strides = array<i32>} : memref<32768xf32, #tpu.memory_space<vmem>>, vector<16xf32>,
        %swap3A_534 = vector.shape_cast %swap3A_533 : vector<16xf32> to vector<16xf32>
        %swap3A_535 = vector.shape_cast %get3A_480 : vector<16xf32> to vector<16xf32>
        tpu.vector_store %arg9[%swap3A_532], %swap3A_535 {strides = array<i32>} : memref<32768xf32, #tpu.memory_space<vmem>>, vector<16xf32>,
        %add3A_536 = arith.constant 2 : i32
        %add3A_537 = arith.addi %mul3A_93, %add3A_536 : i32
        %mul3A_538 = arith.constant 128 : i32
        %mul3A_539 = arith.muli %add3A_537, %mul3A_538 : i32
        %add3A_540 = arith.constant 48 : i32
        %add3A_541 = arith.addi %mul3A_539, %add3A_540 : i32
        %swap3A_542 = arith.index_cast %add3A_541 : i32 to index
        %swap3A_543 = tpu.vector_load %arg9[%swap3A_542] {strides = array<i32>} : memref<32768xf32, #tpu.memory_space<vmem>>, vector<16xf32>,
        %swap3A_544 = vector.shape_cast %swap3A_543 : vector<16xf32> to vector<16xf32>
        %swap3A_545 = vector.shape_cast %get3A_485 : vector<16xf32> to vector<16xf32>
        tpu.vector_store %arg9[%swap3A_542], %swap3A_545 {strides = array<i32>} : memref<32768xf32, #tpu.memory_space<vmem>>, vector<16xf32>,
        %add3A_546 = arith.constant 2 : i32
        %add3A_547 = arith.addi %mul3A_93, %add3A_546 : i32
        %mul3A_548 = arith.constant 128 : i32
        %mul3A_549 = arith.muli %add3A_547, %mul3A_548 : i32
        %add3A_550 = arith.constant 64 : i32
        %add3A_551 = arith.addi %mul3A_549, %add3A_550 : i32
        %swap3A_552 = arith.index_cast %add3A_551 : i32 to index
        %swap3A_553 = tpu.vector_load %arg9[%swap3A_552] {strides = array<i32>} : memref<32768xf32, #tpu.memory_space<vmem>>, vector<16xf32>,
        %swap3A_554 = vector.shape_cast %swap3A_553 : vector<16xf32> to vector<16xf32>
        %swap3A_555 = vector.shape_cast %get3A_490 : vector<16xf32> to vector<16xf32>
        tpu.vector_store %arg9[%swap3A_552], %swap3A_555 {strides = array<i32>} : memref<32768xf32, #tpu.memory_space<vmem>>, vector<16xf32>,
        %add3A_556 = arith.constant 2 : i32
        %add3A_557 = arith.addi %mul3A_93, %add3A_556 : i32
        %mul3A_558 = arith.constant 128 : i32
        %mul3A_559 = arith.muli %add3A_557, %mul3A_558 : i32
        %add3A_560 = arith.constant 80 : i32
        %add3A_561 = arith.addi %mul3A_559, %add3A_560 : i32
        %swap3A_562 = arith.index_cast %add3A_561 : i32 to index
        %swap3A_563 = tpu.vector_load %arg9[%swap3A_562] {strides = array<i32>} : memref<32768xf32, #tpu.memory_space<vmem>>, vector<16xf32>,
        %swap3A_564 = vector.shape_cast %swap3A_563 : vector<16xf32> to vector<16xf32>
        %swap3A_565 = vector.shape_cast %get3A_495 : vector<16xf32> to vector<16xf32>
        tpu.vector_store %arg9[%swap3A_562], %swap3A_565 {strides = array<i32>} : memref<32768xf32, #tpu.memory_space<vmem>>, vector<16xf32>,
        %add3A_566 = arith.constant 2 : i32
        %add3A_567 = arith.addi %mul3A_93, %add3A_566 : i32
        %mul3A_568 = arith.constant 128 : i32
        %mul3A_569 = arith.muli %add3A_567, %mul3A_568 : i32
        %add3A_570 = arith.constant 96 : i32
        %add3A_571 = arith.addi %mul3A_569, %add3A_570 : i32
        %swap3A_572 = arith.index_cast %add3A_571 : i32 to index
        %swap3A_573 = tpu.vector_load %arg9[%swap3A_572] {strides = array<i32>} : memref<32768xf32, #tpu.memory_space<vmem>>, vector<16xf32>,
        %swap3A_574 = vector.shape_cast %swap3A_573 : vector<16xf32> to vector<16xf32>
        %swap3A_575 = vector.shape_cast %get3A_500 : vector<16xf32> to vector<16xf32>
        tpu.vector_store %arg9[%swap3A_572], %swap3A_575 {strides = array<i32>} : memref<32768xf32, #tpu.memory_space<vmem>>, vector<16xf32>,
        %add3A_576 = arith.constant 2 : i32
        %add3A_577 = arith.addi %mul3A_93, %add3A_576 : i32
        %mul3A_578 = arith.constant 128 : i32
        %mul3A_579 = arith.muli %add3A_577, %mul3A_578 : i32
        %add3A_580 = arith.constant 112 : i32
        %add3A_581 = arith.addi %mul3A_579, %add3A_580 : i32
        %swap3A_582 = arith.index_cast %add3A_581 : i32 to index
        %swap3A_583 = tpu.vector_load %arg9[%swap3A_582] {strides = array<i32>} : memref<32768xf32, #tpu.memory_space<vmem>>, vector<16xf32>,
        %swap3A_584 = vector.shape_cast %swap3A_583 : vector<16xf32> to vector<16xf32>
        %swap3A_585 = vector.shape_cast %get3A_505 : vector<16xf32> to vector<16xf32>
        tpu.vector_store %arg9[%swap3A_582], %swap3A_585 {strides = array<i32>} : memref<32768xf32, #tpu.memory_space<vmem>>, vector<16xf32>,
        %add3A_586 = arith.constant 0 : i32
        %add3A_587 = arith.addi %mul3A_124, %add3A_586 : i32
        %get3A_588 = arith.index_cast %add3A_587 : i32 to index
        %get3A_589 = tpu.vector_load %arg5[%get3A_588] {strides = array<i32>} : memref<1280xf32, #tpu.memory_space<vmem>>, vector<16xf32>,
        %get3A_590 = vector.shape_cast %get3A_589 : vector<16xf32> to vector<16xf32>
        %add3A_591 = arith.constant 16 : i32
        %add3A_592 = arith.addi %mul3A_124, %add3A_591 : i32
        %get3A_593 = arith.index_cast %add3A_592 : i32 to index
        %get3A_594 = tpu.vector_load %arg5[%get3A_593] {strides = array<i32>} : memref<1280xf32, #tpu.memory_space<vmem>>, vector<16xf32>,
        %get3A_595 = vector.shape_cast %get3A_594 : vector<16xf32> to vector<16xf32>
        %add3A_596 = arith.constant 32 : i32
        %add3A_597 = arith.addi %mul3A_124, %add3A_596 : i32
        %get3A_598 = arith.index_cast %add3A_597 : i32 to index
        %get3A_599 = tpu.vector_load %arg5[%get3A_598] {strides = array<i32>} : memref<1280xf32, #tpu.memory_space<vmem>>, vector<16xf32>,
        %get3A_600 = vector.shape_cast %get3A_599 : vector<16xf32> to vector<16xf32>
        %add3A_601 = arith.constant 48 : i32
        %add3A_602 = arith.addi %mul3A_124, %add3A_601 : i32
        %get3A_603 = arith.index_cast %add3A_602 : i32 to index
        %get3A_604 = tpu.vector_load %arg5[%get3A_603] {strides = array<i32>} : memref<1280xf32, #tpu.memory_space<vmem>>, vector<16xf32>,
        %get3A_605 = vector.shape_cast %get3A_604 : vector<16xf32> to vector<16xf32>
        %add3A_606 = arith.constant 64 : i32
        %add3A_607 = arith.addi %mul3A_124, %add3A_606 : i32
        %get3A_608 = arith.index_cast %add3A_607 : i32 to index
        %get3A_609 = tpu.vector_load %arg5[%get3A_608] {strides = array<i32>} : memref<1280xf32, #tpu.memory_space<vmem>>, vector<16xf32>,
        %get3A_610 = vector.shape_cast %get3A_609 : vector<16xf32> to vector<16xf32>
        %add3A_611 = arith.constant 80 : i32
        %add3A_612 = arith.addi %mul3A_124, %add3A_611 : i32
        %get3A_613 = arith.index_cast %add3A_612 : i32 to index
        %get3A_614 = tpu.vector_load %arg5[%get3A_613] {strides = array<i32>} : memref<1280xf32, #tpu.memory_space<vmem>>, vector<16xf32>,
        %get3A_615 = vector.shape_cast %get3A_614 : vector<16xf32> to vector<16xf32>
        %add3A_616 = arith.constant 96 : i32
        %add3A_617 = arith.addi %mul3A_124, %add3A_616 : i32
        %get3A_618 = arith.index_cast %add3A_617 : i32 to index
        %get3A_619 = tpu.vector_load %arg5[%get3A_618] {strides = array<i32>} : memref<1280xf32, #tpu.memory_space<vmem>>, vector<16xf32>,
        %get3A_620 = vector.shape_cast %get3A_619 : vector<16xf32> to vector<16xf32>
        %add3A_621 = arith.constant 112 : i32
        %add3A_622 = arith.addi %mul3A_124, %add3A_621 : i32
        %get3A_623 = arith.index_cast %add3A_622 : i32 to index
        %get3A_624 = tpu.vector_load %arg5[%get3A_623] {strides = array<i32>} : memref<1280xf32, #tpu.memory_space<vmem>>, vector<16xf32>,
        %get3A_625 = vector.shape_cast %get3A_624 : vector<16xf32> to vector<16xf32>
        %add3A_626 = arith.constant 3 : i32
        %add3A_627 = arith.addi %mul3A_93, %add3A_626 : i32
        %mul3A_628 = arith.constant 128 : i32
        %mul3A_629 = arith.muli %add3A_627, %mul3A_628 : i32
        %add3A_630 = arith.constant 0 : i32
        %add3A_631 = arith.addi %mul3A_629, %add3A_630 : i32
        %swap3A_632 = arith.index_cast %add3A_631 : i32 to index
        %swap3A_633 = tpu.vector_load %arg9[%swap3A_632] {strides = array<i32>} : memref<32768xf32, #tpu.memory_space<vmem>>, vector<16xf32>,
        %swap3A_634 = vector.shape_cast %swap3A_633 : vector<16xf32> to vector<16xf32>
        %swap3A_635 = vector.shape_cast %get3A_590 : vector<16xf32> to vector<16xf32>
        tpu.vector_store %arg9[%swap3A_632], %swap3A_635 {strides = array<i32>} : memref<32768xf32, #tpu.memory_space<vmem>>, vector<16xf32>,
        %add3A_636 = arith.constant 3 : i32
        %add3A_637 = arith.addi %mul3A_93, %add3A_636 : i32
        %mul3A_638 = arith.constant 128 : i32
        %mul3A_639 = arith.muli %add3A_637, %mul3A_638 : i32
        %add3A_640 = arith.constant 16 : i32
        %add3A_641 = arith.addi %mul3A_639, %add3A_640 : i32
        %swap3A_642 = arith.index_cast %add3A_641 : i32 to index
        %swap3A_643 = tpu.vector_load %arg9[%swap3A_642] {strides = array<i32>} : memref<32768xf32, #tpu.memory_space<vmem>>, vector<16xf32>,
        %swap3A_644 = vector.shape_cast %swap3A_643 : vector<16xf32> to vector<16xf32>
        %swap3A_645 = vector.shape_cast %get3A_595 : vector<16xf32> to vector<16xf32>
        tpu.vector_store %arg9[%swap3A_642], %swap3A_645 {strides = array<i32>} : memref<32768xf32, #tpu.memory_space<vmem>>, vector<16xf32>,
        %add3A_646 = arith.constant 3 : i32
        %add3A_647 = arith.addi %mul3A_93, %add3A_646 : i32
        %mul3A_648 = arith.constant 128 : i32
        %mul3A_649 = arith.muli %add3A_647, %mul3A_648 : i32
        %add3A_650 = arith.constant 32 : i32
        %add3A_651 = arith.addi %mul3A_649, %add3A_650 : i32
        %swap3A_652 = arith.index_cast %add3A_651 : i32 to index
        %swap3A_653 = tpu.vector_load %arg9[%swap3A_652] {strides = array<i32>} : memref<32768xf32, #tpu.memory_space<vmem>>, vector<16xf32>,
        %swap3A_654 = vector.shape_cast %swap3A_653 : vector<16xf32> to vector<16xf32>
        %swap3A_655 = vector.shape_cast %get3A_600 : vector<16xf32> to vector<16xf32>
        tpu.vector_store %arg9[%swap3A_652], %swap3A_655 {strides = array<i32>} : memref<32768xf32, #tpu.memory_space<vmem>>, vector<16xf32>,
        %add3A_656 = arith.constant 3 : i32
        %add3A_657 = arith.addi %mul3A_93, %add3A_656 : i32
        %mul3A_658 = arith.constant 128 : i32
        %mul3A_659 = arith.muli %add3A_657, %mul3A_658 : i32
        %add3A_660 = arith.constant 48 : i32
        %add3A_661 = arith.addi %mul3A_659, %add3A_660 : i32
        %swap3A_662 = arith.index_cast %add3A_661 : i32 to index
        %swap3A_663 = tpu.vector_load %arg9[%swap3A_662] {strides = array<i32>} : memref<32768xf32, #tpu.memory_space<vmem>>, vector<16xf32>,
        %swap3A_664 = vector.shape_cast %swap3A_663 : vector<16xf32> to vector<16xf32>
        %swap3A_665 = vector.shape_cast %get3A_605 : vector<16xf32> to vector<16xf32>
        tpu.vector_store %arg9[%swap3A_662], %swap3A_665 {strides = array<i32>} : memref<32768xf32, #tpu.memory_space<vmem>>, vector<16xf32>,
        %add3A_666 = arith.constant 3 : i32
        %add3A_667 = arith.addi %mul3A_93, %add3A_666 : i32
        %mul3A_668 = arith.constant 128 : i32
        %mul3A_669 = arith.muli %add3A_667, %mul3A_668 : i32
        %add3A_670 = arith.constant 64 : i32
        %add3A_671 = arith.addi %mul3A_669, %add3A_670 : i32
        %swap3A_672 = arith.index_cast %add3A_671 : i32 to index
        %swap3A_673 = tpu.vector_load %arg9[%swap3A_672] {strides = array<i32>} : memref<32768xf32, #tpu.memory_space<vmem>>, vector<16xf32>,
        %swap3A_674 = vector.shape_cast %swap3A_673 : vector<16xf32> to vector<16xf32>
        %swap3A_675 = vector.shape_cast %get3A_610 : vector<16xf32> to vector<16xf32>
        tpu.vector_store %arg9[%swap3A_672], %swap3A_675 {strides = array<i32>} : memref<32768xf32, #tpu.memory_space<vmem>>, vector<16xf32>,
        %add3A_676 = arith.constant 3 : i32
        %add3A_677 = arith.addi %mul3A_93, %add3A_676 : i32
        %mul3A_678 = arith.constant 128 : i32
        %mul3A_679 = arith.muli %add3A_677, %mul3A_678 : i32
        %add3A_680 = arith.constant 80 : i32
        %add3A_681 = arith.addi %mul3A_679, %add3A_680 : i32
        %swap3A_682 = arith.index_cast %add3A_681 : i32 to index
        %swap3A_683 = tpu.vector_load %arg9[%swap3A_682] {strides = array<i32>} : memref<32768xf32, #tpu.memory_space<vmem>>, vector<16xf32>,
        %swap3A_684 = vector.shape_cast %swap3A_683 : vector<16xf32> to vector<16xf32>
        %swap3A_685 = vector.shape_cast %get3A_615 : vector<16xf32> to vector<16xf32>
        tpu.vector_store %arg9[%swap3A_682], %swap3A_685 {strides = array<i32>} : memref<32768xf32, #tpu.memory_space<vmem>>, vector<16xf32>,
        %add3A_686 = arith.constant 3 : i32
        %add3A_687 = arith.addi %mul3A_93, %add3A_686 : i32
        %mul3A_688 = arith.constant 128 : i32
        %mul3A_689 = arith.muli %add3A_687, %mul3A_688 : i32
        %add3A_690 = arith.constant 96 : i32
        %add3A_691 = arith.addi %mul3A_689, %add3A_690 : i32
        %swap3A_692 = arith.index_cast %add3A_691 : i32 to index
        %swap3A_693 = tpu.vector_load %arg9[%swap3A_692] {strides = array<i32>} : memref<32768xf32, #tpu.memory_space<vmem>>, vector<16xf32>,
        %swap3A_694 = vector.shape_cast %swap3A_693 : vector<16xf32> to vector<16xf32>
        %swap3A_695 = vector.shape_cast %get3A_620 : vector<16xf32> to vector<16xf32>
        tpu.vector_store %arg9[%swap3A_692], %swap3A_695 {strides = array<i32>} : memref<32768xf32, #tpu.memory_space<vmem>>, vector<16xf32>,
        %add3A_696 = arith.constant 3 : i32
        %add3A_697 = arith.addi %mul3A_93, %add3A_696 : i32
        %mul3A_698 = arith.constant 128 : i32
        %mul3A_699 = arith.muli %add3A_697, %mul3A_698 : i32
        %add3A_700 = arith.constant 112 : i32
        %add3A_701 = arith.addi %mul3A_699, %add3A_700 : i32
        %swap3A_702 = arith.index_cast %add3A_701 : i32 to index
        %swap3A_703 = tpu.vector_load %arg9[%swap3A_702] {strides = array<i32>} : memref<32768xf32, #tpu.memory_space<vmem>>, vector<16xf32>,
        %swap3A_704 = vector.shape_cast %swap3A_703 : vector<16xf32> to vector<16xf32>
        %swap3A_705 = vector.shape_cast %get3A_625 : vector<16xf32> to vector<16xf32>
        tpu.vector_store %arg9[%swap3A_702], %swap3A_705 {strides = array<i32>} : memref<32768xf32, #tpu.memory_space<vmem>>, vector<16xf32>,
        %add3A_706 = arith.constant 0 : i32
        %add3A_707 = arith.addi %mul3A_136, %add3A_706 : i32
        %get3A_708 = arith.index_cast %add3A_707 : i32 to index
        %get3A_709 = tpu.vector_load %arg5[%get3A_708] {strides = array<i32>} : memref<1280xf32, #tpu.memory_space<vmem>>, vector<16xf32>,
        %get3A_710 = vector.shape_cast %get3A_709 : vector<16xf32> to vector<16xf32>
        %add3A_711 = arith.constant 16 : i32
        %add3A_712 = arith.addi %mul3A_136, %add3A_711 : i32
        %get3A_713 = arith.index_cast %add3A_712 : i32 to index
        %get3A_714 = tpu.vector_load %arg5[%get3A_713] {strides = array<i32>} : memref<1280xf32, #tpu.memory_space<vmem>>, vector<16xf32>,
        %get3A_715 = vector.shape_cast %get3A_714 : vector<16xf32> to vector<16xf32>
        %add3A_716 = arith.constant 32 : i32
        %add3A_717 = arith.addi %mul3A_136, %add3A_716 : i32
        %get3A_718 = arith.index_cast %add3A_717 : i32 to index
        %get3A_719 = tpu.vector_load %arg5[%get3A_718] {strides = array<i32>} : memref<1280xf32, #tpu.memory_space<vmem>>, vector<16xf32>,
        %get3A_720 = vector.shape_cast %get3A_719 : vector<16xf32> to vector<16xf32>
        %add3A_721 = arith.constant 48 : i32
        %add3A_722 = arith.addi %mul3A_136, %add3A_721 : i32
        %get3A_723 = arith.index_cast %add3A_722 : i32 to index
        %get3A_724 = tpu.vector_load %arg5[%get3A_723] {strides = array<i32>} : memref<1280xf32, #tpu.memory_space<vmem>>, vector<16xf32>,
        %get3A_725 = vector.shape_cast %get3A_724 : vector<16xf32> to vector<16xf32>
        %add3A_726 = arith.constant 64 : i32
        %add3A_727 = arith.addi %mul3A_136, %add3A_726 : i32
        %get3A_728 = arith.index_cast %add3A_727 : i32 to index
        %get3A_729 = tpu.vector_load %arg5[%get3A_728] {strides = array<i32>} : memref<1280xf32, #tpu.memory_space<vmem>>, vector<16xf32>,
        %get3A_730 = vector.shape_cast %get3A_729 : vector<16xf32> to vector<16xf32>
        %add3A_731 = arith.constant 80 : i32
        %add3A_732 = arith.addi %mul3A_136, %add3A_731 : i32
        %get3A_733 = arith.index_cast %add3A_732 : i32 to index
        %get3A_734 = tpu.vector_load %arg5[%get3A_733] {strides = array<i32>} : memref<1280xf32, #tpu.memory_space<vmem>>, vector<16xf32>,
        %get3A_735 = vector.shape_cast %get3A_734 : vector<16xf32> to vector<16xf32>
        %add3A_736 = arith.constant 96 : i32
        %add3A_737 = arith.addi %mul3A_136, %add3A_736 : i32
        %get3A_738 = arith.index_cast %add3A_737 : i32 to index
        %get3A_739 = tpu.vector_load %arg5[%get3A_738] {strides = array<i32>} : memref<1280xf32, #tpu.memory_space<vmem>>, vector<16xf32>,
        %get3A_740 = vector.shape_cast %get3A_739 : vector<16xf32> to vector<16xf32>
        %add3A_741 = arith.constant 112 : i32
        %add3A_742 = arith.addi %mul3A_136, %add3A_741 : i32
        %get3A_743 = arith.index_cast %add3A_742 : i32 to index
        %get3A_744 = tpu.vector_load %arg5[%get3A_743] {strides = array<i32>} : memref<1280xf32, #tpu.memory_space<vmem>>, vector<16xf32>,
        %get3A_745 = vector.shape_cast %get3A_744 : vector<16xf32> to vector<16xf32>
        %add3A_746 = arith.constant 4 : i32
        %add3A_747 = arith.addi %mul3A_93, %add3A_746 : i32
        %mul3A_748 = arith.constant 128 : i32
        %mul3A_749 = arith.muli %add3A_747, %mul3A_748 : i32
        %add3A_750 = arith.constant 0 : i32
        %add3A_751 = arith.addi %mul3A_749, %add3A_750 : i32
        %swap3A_752 = arith.index_cast %add3A_751 : i32 to index
        %swap3A_753 = tpu.vector_load %arg9[%swap3A_752] {strides = array<i32>} : memref<32768xf32, #tpu.memory_space<vmem>>, vector<16xf32>,
        %swap3A_754 = vector.shape_cast %swap3A_753 : vector<16xf32> to vector<16xf32>
        %swap3A_755 = vector.shape_cast %get3A_710 : vector<16xf32> to vector<16xf32>
        tpu.vector_store %arg9[%swap3A_752], %swap3A_755 {strides = array<i32>} : memref<32768xf32, #tpu.memory_space<vmem>>, vector<16xf32>,
        %add3A_756 = arith.constant 4 : i32
        %add3A_757 = arith.addi %mul3A_93, %add3A_756 : i32
        %mul3A_758 = arith.constant 128 : i32
        %mul3A_759 = arith.muli %add3A_757, %mul3A_758 : i32
        %add3A_760 = arith.constant 16 : i32
        %add3A_761 = arith.addi %mul3A_759, %add3A_760 : i32
        %swap3A_762 = arith.index_cast %add3A_761 : i32 to index
        %swap3A_763 = tpu.vector_load %arg9[%swap3A_762] {strides = array<i32>} : memref<32768xf32, #tpu.memory_space<vmem>>, vector<16xf32>,
        %swap3A_764 = vector.shape_cast %swap3A_763 : vector<16xf32> to vector<16xf32>
        %swap3A_765 = vector.shape_cast %get3A_715 : vector<16xf32> to vector<16xf32>
        tpu.vector_store %arg9[%swap3A_762], %swap3A_765 {strides = array<i32>} : memref<32768xf32, #tpu.memory_space<vmem>>, vector<16xf32>,
        %add3A_766 = arith.constant 4 : i32
        %add3A_767 = arith.addi %mul3A_93, %add3A_766 : i32
        %mul3A_768 = arith.constant 128 : i32
        %mul3A_769 = arith.muli %add3A_767, %mul3A_768 : i32
        %add3A_770 = arith.constant 32 : i32
        %add3A_771 = arith.addi %mul3A_769, %add3A_770 : i32
        %swap3A_772 = arith.index_cast %add3A_771 : i32 to index
        %swap3A_773 = tpu.vector_load %arg9[%swap3A_772] {strides = array<i32>} : memref<32768xf32, #tpu.memory_space<vmem>>, vector<16xf32>,
        %swap3A_774 = vector.shape_cast %swap3A_773 : vector<16xf32> to vector<16xf32>
        %swap3A_775 = vector.shape_cast %get3A_720 : vector<16xf32> to vector<16xf32>
        tpu.vector_store %arg9[%swap3A_772], %swap3A_775 {strides = array<i32>} : memref<32768xf32, #tpu.memory_space<vmem>>, vector<16xf32>,
        %add3A_776 = arith.constant 4 : i32
        %add3A_777 = arith.addi %mul3A_93, %add3A_776 : i32
        %mul3A_778 = arith.constant 128 : i32
        %mul3A_779 = arith.muli %add3A_777, %mul3A_778 : i32
        %add3A_780 = arith.constant 48 : i32
        %add3A_781 = arith.addi %mul3A_779, %add3A_780 : i32
        %swap3A_782 = arith.index_cast %add3A_781 : i32 to index
        %swap3A_783 = tpu.vector_load %arg9[%swap3A_782] {strides = array<i32>} : memref<32768xf32, #tpu.memory_space<vmem>>, vector<16xf32>,
        %swap3A_784 = vector.shape_cast %swap3A_783 : vector<16xf32> to vector<16xf32>
        %swap3A_785 = vector.shape_cast %get3A_725 : vector<16xf32> to vector<16xf32>
        tpu.vector_store %arg9[%swap3A_782], %swap3A_785 {strides = array<i32>} : memref<32768xf32, #tpu.memory_space<vmem>>, vector<16xf32>,
        %add3A_786 = arith.constant 4 : i32
        %add3A_787 = arith.addi %mul3A_93, %add3A_786 : i32
        %mul3A_788 = arith.constant 128 : i32
        %mul3A_789 = arith.muli %add3A_787, %mul3A_788 : i32
        %add3A_790 = arith.constant 64 : i32
        %add3A_791 = arith.addi %mul3A_789, %add3A_790 : i32
        %swap3A_792 = arith.index_cast %add3A_791 : i32 to index
        %swap3A_793 = tpu.vector_load %arg9[%swap3A_792] {strides = array<i32>} : memref<32768xf32, #tpu.memory_space<vmem>>, vector<16xf32>,
        %swap3A_794 = vector.shape_cast %swap3A_793 : vector<16xf32> to vector<16xf32>
        %swap3A_795 = vector.shape_cast %get3A_730 : vector<16xf32> to vector<16xf32>
        tpu.vector_store %arg9[%swap3A_792], %swap3A_795 {strides = array<i32>} : memref<32768xf32, #tpu.memory_space<vmem>>, vector<16xf32>,
        %add3A_796 = arith.constant 4 : i32
        %add3A_797 = arith.addi %mul3A_93, %add3A_796 : i32
        %mul3A_798 = arith.constant 128 : i32
        %mul3A_799 = arith.muli %add3A_797, %mul3A_798 : i32
        %add3A_800 = arith.constant 80 : i32
        %add3A_801 = arith.addi %mul3A_799, %add3A_800 : i32
        %swap3A_802 = arith.index_cast %add3A_801 : i32 to index
        %swap3A_803 = tpu.vector_load %arg9[%swap3A_802] {strides = array<i32>} : memref<32768xf32, #tpu.memory_space<vmem>>, vector<16xf32>,
        %swap3A_804 = vector.shape_cast %swap3A_803 : vector<16xf32> to vector<16xf32>
        %swap3A_805 = vector.shape_cast %get3A_735 : vector<16xf32> to vector<16xf32>
        tpu.vector_store %arg9[%swap3A_802], %swap3A_805 {strides = array<i32>} : memref<32768xf32, #tpu.memory_space<vmem>>, vector<16xf32>,
        %add3A_806 = arith.constant 4 : i32
        %add3A_807 = arith.addi %mul3A_93, %add3A_806 : i32
        %mul3A_808 = arith.constant 128 : i32
        %mul3A_809 = arith.muli %add3A_807, %mul3A_808 : i32
        %add3A_810 = arith.constant 96 : i32
        %add3A_811 = arith.addi %mul3A_809, %add3A_810 : i32
        %swap3A_812 = arith.index_cast %add3A_811 : i32 to index
        %swap3A_813 = tpu.vector_load %arg9[%swap3A_812] {strides = array<i32>} : memref<32768xf32, #tpu.memory_space<vmem>>, vector<16xf32>,
        %swap3A_814 = vector.shape_cast %swap3A_813 : vector<16xf32> to vector<16xf32>
        %swap3A_815 = vector.shape_cast %get3A_740 : vector<16xf32> to vector<16xf32>
        tpu.vector_store %arg9[%swap3A_812], %swap3A_815 {strides = array<i32>} : memref<32768xf32, #tpu.memory_space<vmem>>, vector<16xf32>,
        %add3A_816 = arith.constant 4 : i32
        %add3A_817 = arith.addi %mul3A_93, %add3A_816 : i32
        %mul3A_818 = arith.constant 128 : i32
        %mul3A_819 = arith.muli %add3A_817, %mul3A_818 : i32
        %add3A_820 = arith.constant 112 : i32
        %add3A_821 = arith.addi %mul3A_819, %add3A_820 : i32
        %swap3A_822 = arith.index_cast %add3A_821 : i32 to index
        %swap3A_823 = tpu.vector_load %arg9[%swap3A_822] {strides = array<i32>} : memref<32768xf32, #tpu.memory_space<vmem>>, vector<16xf32>,
        %swap3A_824 = vector.shape_cast %swap3A_823 : vector<16xf32> to vector<16xf32>
        %swap3A_825 = vector.shape_cast %get3A_745 : vector<16xf32> to vector<16xf32>
        tpu.vector_store %arg9[%swap3A_822], %swap3A_825 {strides = array<i32>} : memref<32768xf32, #tpu.memory_space<vmem>>, vector<16xf32>,
        %add3A_826 = arith.constant 0 : i32
        %add3A_827 = arith.addi %mul3A_141, %add3A_826 : i32
        %get3A_828 = arith.index_cast %add3A_827 : i32 to index
        %get3A_829 = tpu.vector_load %arg5[%get3A_828] {strides = array<i32>} : memref<1280xf32, #tpu.memory_space<vmem>>, vector<16xf32>,
        %get3A_830 = vector.shape_cast %get3A_829 : vector<16xf32> to vector<16xf32>
        %add3A_831 = arith.constant 16 : i32
        %add3A_832 = arith.addi %mul3A_141, %add3A_831 : i32
        %get3A_833 = arith.index_cast %add3A_832 : i32 to index
        %get3A_834 = tpu.vector_load %arg5[%get3A_833] {strides = array<i32>} : memref<1280xf32, #tpu.memory_space<vmem>>, vector<16xf32>,
        %get3A_835 = vector.shape_cast %get3A_834 : vector<16xf32> to vector<16xf32>
        %add3A_836 = arith.constant 32 : i32
        %add3A_837 = arith.addi %mul3A_141, %add3A_836 : i32
        %get3A_838 = arith.index_cast %add3A_837 : i32 to index
        %get3A_839 = tpu.vector_load %arg5[%get3A_838] {strides = array<i32>} : memref<1280xf32, #tpu.memory_space<vmem>>, vector<16xf32>,
        %get3A_840 = vector.shape_cast %get3A_839 : vector<16xf32> to vector<16xf32>
        %add3A_841 = arith.constant 48 : i32
        %add3A_842 = arith.addi %mul3A_141, %add3A_841 : i32
        %get3A_843 = arith.index_cast %add3A_842 : i32 to index
        %get3A_844 = tpu.vector_load %arg5[%get3A_843] {strides = array<i32>} : memref<1280xf32, #tpu.memory_space<vmem>>, vector<16xf32>,
        %get3A_845 = vector.shape_cast %get3A_844 : vector<16xf32> to vector<16xf32>
        %add3A_846 = arith.constant 64 : i32
        %add3A_847 = arith.addi %mul3A_141, %add3A_846 : i32
        %get3A_848 = arith.index_cast %add3A_847 : i32 to index
        %get3A_849 = tpu.vector_load %arg5[%get3A_848] {strides = array<i32>} : memref<1280xf32, #tpu.memory_space<vmem>>, vector<16xf32>,
        %get3A_850 = vector.shape_cast %get3A_849 : vector<16xf32> to vector<16xf32>
        %add3A_851 = arith.constant 80 : i32
        %add3A_852 = arith.addi %mul3A_141, %add3A_851 : i32
        %get3A_853 = arith.index_cast %add3A_852 : i32 to index
        %get3A_854 = tpu.vector_load %arg5[%get3A_853] {strides = array<i32>} : memref<1280xf32, #tpu.memory_space<vmem>>, vector<16xf32>,
        %get3A_855 = vector.shape_cast %get3A_854 : vector<16xf32> to vector<16xf32>
        %add3A_856 = arith.constant 96 : i32
        %add3A_857 = arith.addi %mul3A_141, %add3A_856 : i32
        %get3A_858 = arith.index_cast %add3A_857 : i32 to index
        %get3A_859 = tpu.vector_load %arg5[%get3A_858] {strides = array<i32>} : memref<1280xf32, #tpu.memory_space<vmem>>, vector<16xf32>,
        %get3A_860 = vector.shape_cast %get3A_859 : vector<16xf32> to vector<16xf32>
        %add3A_861 = arith.constant 112 : i32
        %add3A_862 = arith.addi %mul3A_141, %add3A_861 : i32
        %get3A_863 = arith.index_cast %add3A_862 : i32 to index
        %get3A_864 = tpu.vector_load %arg5[%get3A_863] {strides = array<i32>} : memref<1280xf32, #tpu.memory_space<vmem>>, vector<16xf32>,
        %get3A_865 = vector.shape_cast %get3A_864 : vector<16xf32> to vector<16xf32>
        %add3A_866 = arith.constant 5 : i32
        %add3A_867 = arith.addi %mul3A_93, %add3A_866 : i32
        %mul3A_868 = arith.constant 128 : i32
        %mul3A_869 = arith.muli %add3A_867, %mul3A_868 : i32
        %add3A_870 = arith.constant 0 : i32
        %add3A_871 = arith.addi %mul3A_869, %add3A_870 : i32
        %swap3A_872 = arith.index_cast %add3A_871 : i32 to index
        %swap3A_873 = tpu.vector_load %arg9[%swap3A_872] {strides = array<i32>} : memref<32768xf32, #tpu.memory_space<vmem>>, vector<16xf32>,
        %swap3A_874 = vector.shape_cast %swap3A_873 : vector<16xf32> to vector<16xf32>
        %swap3A_875 = vector.shape_cast %get3A_830 : vector<16xf32> to vector<16xf32>
        tpu.vector_store %arg9[%swap3A_872], %swap3A_875 {strides = array<i32>} : memref<32768xf32, #tpu.memory_space<vmem>>, vector<16xf32>,
        %add3A_876 = arith.constant 5 : i32
        %add3A_877 = arith.addi %mul3A_93, %add3A_876 : i32
        %mul3A_878 = arith.constant 128 : i32
        %mul3A_879 = arith.muli %add3A_877, %mul3A_878 : i32
        %add3A_880 = arith.constant 16 : i32
        %add3A_881 = arith.addi %mul3A_879, %add3A_880 : i32
        %swap3A_882 = arith.index_cast %add3A_881 : i32 to index
        %swap3A_883 = tpu.vector_load %arg9[%swap3A_882] {strides = array<i32>} : memref<32768xf32, #tpu.memory_space<vmem>>, vector<16xf32>,
        %swap3A_884 = vector.shape_cast %swap3A_883 : vector<16xf32> to vector<16xf32>
        %swap3A_885 = vector.shape_cast %get3A_835 : vector<16xf32> to vector<16xf32>
        tpu.vector_store %arg9[%swap3A_882], %swap3A_885 {strides = array<i32>} : memref<32768xf32, #tpu.memory_space<vmem>>, vector<16xf32>,
        %add3A_886 = arith.constant 5 : i32
        %add3A_887 = arith.addi %mul3A_93, %add3A_886 : i32
        %mul3A_888 = arith.constant 128 : i32
        %mul3A_889 = arith.muli %add3A_887, %mul3A_888 : i32
        %add3A_890 = arith.constant 32 : i32
        %add3A_891 = arith.addi %mul3A_889, %add3A_890 : i32
        %swap3A_892 = arith.index_cast %add3A_891 : i32 to index
        %swap3A_893 = tpu.vector_load %arg9[%swap3A_892] {strides = array<i32>} : memref<32768xf32, #tpu.memory_space<vmem>>, vector<16xf32>,
        %swap3A_894 = vector.shape_cast %swap3A_893 : vector<16xf32> to vector<16xf32>
        %swap3A_895 = vector.shape_cast %get3A_840 : vector<16xf32> to vector<16xf32>
        tpu.vector_store %arg9[%swap3A_892], %swap3A_895 {strides = array<i32>} : memref<32768xf32, #tpu.memory_space<vmem>>, vector<16xf32>,
        %add3A_896 = arith.constant 5 : i32
        %add3A_897 = arith.addi %mul3A_93, %add3A_896 : i32
        %mul3A_898 = arith.constant 128 : i32
        %mul3A_899 = arith.muli %add3A_897, %mul3A_898 : i32
        %add3A_900 = arith.constant 48 : i32
        %add3A_901 = arith.addi %mul3A_899, %add3A_900 : i32
        %swap3A_902 = arith.index_cast %add3A_901 : i32 to index
        %swap3A_903 = tpu.vector_load %arg9[%swap3A_902] {strides = array<i32>} : memref<32768xf32, #tpu.memory_space<vmem>>, vector<16xf32>,
        %swap3A_904 = vector.shape_cast %swap3A_903 : vector<16xf32> to vector<16xf32>
        %swap3A_905 = vector.shape_cast %get3A_845 : vector<16xf32> to vector<16xf32>
        tpu.vector_store %arg9[%swap3A_902], %swap3A_905 {strides = array<i32>} : memref<32768xf32, #tpu.memory_space<vmem>>, vector<16xf32>,
        %add3A_906 = arith.constant 5 : i32
        %add3A_907 = arith.addi %mul3A_93, %add3A_906 : i32
        %mul3A_908 = arith.constant 128 : i32
        %mul3A_909 = arith.muli %add3A_907, %mul3A_908 : i32
        %add3A_910 = arith.constant 64 : i32
        %add3A_911 = arith.addi %mul3A_909, %add3A_910 : i32
        %swap3A_912 = arith.index_cast %add3A_911 : i32 to index
        %swap3A_913 = tpu.vector_load %arg9[%swap3A_912] {strides = array<i32>} : memref<32768xf32, #tpu.memory_space<vmem>>, vector<16xf32>,
        %swap3A_914 = vector.shape_cast %swap3A_913 : vector<16xf32> to vector<16xf32>
        %swap3A_915 = vector.shape_cast %get3A_850 : vector<16xf32> to vector<16xf32>
        tpu.vector_store %arg9[%swap3A_912], %swap3A_915 {strides = array<i32>} : memref<32768xf32, #tpu.memory_space<vmem>>, vector<16xf32>,
        %add3A_916 = arith.constant 5 : i32
        %add3A_917 = arith.addi %mul3A_93, %add3A_916 : i32
        %mul3A_918 = arith.constant 128 : i32
        %mul3A_919 = arith.muli %add3A_917, %mul3A_918 : i32
        %add3A_920 = arith.constant 80 : i32
        %add3A_921 = arith.addi %mul3A_919, %add3A_920 : i32
        %swap3A_922 = arith.index_cast %add3A_921 : i32 to index
        %swap3A_923 = tpu.vector_load %arg9[%swap3A_922] {strides = array<i32>} : memref<32768xf32, #tpu.memory_space<vmem>>, vector<16xf32>,
        %swap3A_924 = vector.shape_cast %swap3A_923 : vector<16xf32> to vector<16xf32>
        %swap3A_925 = vector.shape_cast %get3A_855 : vector<16xf32> to vector<16xf32>
        tpu.vector_store %arg9[%swap3A_922], %swap3A_925 {strides = array<i32>} : memref<32768xf32, #tpu.memory_space<vmem>>, vector<16xf32>,
        %add3A_926 = arith.constant 5 : i32
        %add3A_927 = arith.addi %mul3A_93, %add3A_926 : i32
        %mul3A_928 = arith.constant 128 : i32
        %mul3A_929 = arith.muli %add3A_927, %mul3A_928 : i32
        %add3A_930 = arith.constant 96 : i32
        %add3A_931 = arith.addi %mul3A_929, %add3A_930 : i32
        %swap3A_932 = arith.index_cast %add3A_931 : i32 to index
        %swap3A_933 = tpu.vector_load %arg9[%swap3A_932] {strides = array<i32>} : memref<32768xf32, #tpu.memory_space<vmem>>, vector<16xf32>,
        %swap3A_934 = vector.shape_cast %swap3A_933 : vector<16xf32> to vector<16xf32>
        %swap3A_935 = vector.shape_cast %get3A_860 : vector<16xf32> to vector<16xf32>
        tpu.vector_store %arg9[%swap3A_932], %swap3A_935 {strides = array<i32>} : memref<32768xf32, #tpu.memory_space<vmem>>, vector<16xf32>,
        %add3A_936 = arith.constant 5 : i32
        %add3A_937 = arith.addi %mul3A_93, %add3A_936 : i32
        %mul3A_938 = arith.constant 128 : i32
        %mul3A_939 = arith.muli %add3A_937, %mul3A_938 : i32
        %add3A_940 = arith.constant 112 : i32
        %add3A_941 = arith.addi %mul3A_939, %add3A_940 : i32
        %swap3A_942 = arith.index_cast %add3A_941 : i32 to index
        %swap3A_943 = tpu.vector_load %arg9[%swap3A_942] {strides = array<i32>} : memref<32768xf32, #tpu.memory_space<vmem>>, vector<16xf32>,
        %swap3A_944 = vector.shape_cast %swap3A_943 : vector<16xf32> to vector<16xf32>
        %swap3A_945 = vector.shape_cast %get3A_865 : vector<16xf32> to vector<16xf32>
        tpu.vector_store %arg9[%swap3A_942], %swap3A_945 {strides = array<i32>} : memref<32768xf32, #tpu.memory_space<vmem>>, vector<16xf32>,
        %add3A_946 = arith.constant 0 : i32
        %add3A_947 = arith.addi %mul3A_153, %add3A_946 : i32
        %get3A_948 = arith.index_cast %add3A_947 : i32 to index
        %get3A_949 = tpu.vector_load %arg5[%get3A_948] {strides = array<i32>} : memref<1280xf32, #tpu.memory_space<vmem>>, vector<16xf32>,
        %get3A_950 = vector.shape_cast %get3A_949 : vector<16xf32> to vector<16xf32>
        %add3A_951 = arith.constant 16 : i32
        %add3A_952 = arith.addi %mul3A_153, %add3A_951 : i32
        %get3A_953 = arith.index_cast %add3A_952 : i32 to index
        %get3A_954 = tpu.vector_load %arg5[%get3A_953] {strides = array<i32>} : memref<1280xf32, #tpu.memory_space<vmem>>, vector<16xf32>,
        %get3A_955 = vector.shape_cast %get3A_954 : vector<16xf32> to vector<16xf32>
        %add3A_956 = arith.constant 32 : i32
        %add3A_957 = arith.addi %mul3A_153, %add3A_956 : i32
        %get3A_958 = arith.index_cast %add3A_957 : i32 to index
        %get3A_959 = tpu.vector_load %arg5[%get3A_958] {strides = array<i32>} : memref<1280xf32, #tpu.memory_space<vmem>>, vector<16xf32>,
        %get3A_960 = vector.shape_cast %get3A_959 : vector<16xf32> to vector<16xf32>
        %add3A_961 = arith.constant 48 : i32
        %add3A_962 = arith.addi %mul3A_153, %add3A_961 : i32
        %get3A_963 = arith.index_cast %add3A_962 : i32 to index
        %get3A_964 = tpu.vector_load %arg5[%get3A_963] {strides = array<i32>} : memref<1280xf32, #tpu.memory_space<vmem>>, vector<16xf32>,
        %get3A_965 = vector.shape_cast %get3A_964 : vector<16xf32> to vector<16xf32>
        %add3A_966 = arith.constant 64 : i32
        %add3A_967 = arith.addi %mul3A_153, %add3A_966 : i32
        %get3A_968 = arith.index_cast %add3A_967 : i32 to index
        %get3A_969 = tpu.vector_load %arg5[%get3A_968] {strides = array<i32>} : memref<1280xf32, #tpu.memory_space<vmem>>, vector<16xf32>,
        %get3A_970 = vector.shape_cast %get3A_969 : vector<16xf32> to vector<16xf32>
        %add3A_971 = arith.constant 80 : i32
        %add3A_972 = arith.addi %mul3A_153, %add3A_971 : i32
        %get3A_973 = arith.index_cast %add3A_972 : i32 to index
        %get3A_974 = tpu.vector_load %arg5[%get3A_973] {strides = array<i32>} : memref<1280xf32, #tpu.memory_space<vmem>>, vector<16xf32>,
        %get3A_975 = vector.shape_cast %get3A_974 : vector<16xf32> to vector<16xf32>
        %add3A_976 = arith.constant 96 : i32
        %add3A_977 = arith.addi %mul3A_153, %add3A_976 : i32
        %get3A_978 = arith.index_cast %add3A_977 : i32 to index
        %get3A_979 = tpu.vector_load %arg5[%get3A_978] {strides = array<i32>} : memref<1280xf32, #tpu.memory_space<vmem>>, vector<16xf32>,
        %get3A_980 = vector.shape_cast %get3A_979 : vector<16xf32> to vector<16xf32>
        %add3A_981 = arith.constant 112 : i32
        %add3A_982 = arith.addi %mul3A_153, %add3A_981 : i32
        %get3A_983 = arith.index_cast %add3A_982 : i32 to index
        %get3A_984 = tpu.vector_load %arg5[%get3A_983] {strides = array<i32>} : memref<1280xf32, #tpu.memory_space<vmem>>, vector<16xf32>,
        %get3A_985 = vector.shape_cast %get3A_984 : vector<16xf32> to vector<16xf32>
        %add3A_986 = arith.constant 6 : i32
        %add3A_987 = arith.addi %mul3A_93, %add3A_986 : i32
        %mul3A_988 = arith.constant 128 : i32
        %mul3A_989 = arith.muli %add3A_987, %mul3A_988 : i32
        %add3A_990 = arith.constant 0 : i32
        %add3A_991 = arith.addi %mul3A_989, %add3A_990 : i32
        %swap3A_992 = arith.index_cast %add3A_991 : i32 to index
        %swap3A_993 = tpu.vector_load %arg9[%swap3A_992] {strides = array<i32>} : memref<32768xf32, #tpu.memory_space<vmem>>, vector<16xf32>,
        %swap3A_994 = vector.shape_cast %swap3A_993 : vector<16xf32> to vector<16xf32>
        %swap3A_995 = vector.shape_cast %get3A_950 : vector<16xf32> to vector<16xf32>
        tpu.vector_store %arg9[%swap3A_992], %swap3A_995 {strides = array<i32>} : memref<32768xf32, #tpu.memory_space<vmem>>, vector<16xf32>,
        %add3A_996 = arith.constant 6 : i32
        %add3A_997 = arith.addi %mul3A_93, %add3A_996 : i32
        %mul3A_998 = arith.constant 128 : i32
        %mul3A_999 = arith.muli %add3A_997, %mul3A_998 : i32
        %add3A_1000 = arith.constant 16 : i32
        %add3A_1001 = arith.addi %mul3A_999, %add3A_1000 : i32
        %swap3A_1002 = arith.index_cast %add3A_1001 : i32 to index
        %swap3A_1003 = tpu.vector_load %arg9[%swap3A_1002] {strides = array<i32>} : memref<32768xf32, #tpu.memory_space<vmem>>, vector<16xf32>,
        %swap3A_1004 = vector.shape_cast %swap3A_1003 : vector<16xf32> to vector<16xf32>
        %swap3A_1005 = vector.shape_cast %get3A_955 : vector<16xf32> to vector<16xf32>
        tpu.vector_store %arg9[%swap3A_1002], %swap3A_1005 {strides = array<i32>} : memref<32768xf32, #tpu.memory_space<vmem>>, vector<16xf32>,
        %add3A_1006 = arith.constant 6 : i32
        %add3A_1007 = arith.addi %mul3A_93, %add3A_1006 : i32
        %mul3A_1008 = arith.constant 128 : i32
        %mul3A_1009 = arith.muli %add3A_1007, %mul3A_1008 : i32
        %add3A_1010 = arith.constant 32 : i32
        %add3A_1011 = arith.addi %mul3A_1009, %add3A_1010 : i32
        %swap3A_1012 = arith.index_cast %add3A_1011 : i32 to index
        %swap3A_1013 = tpu.vector_load %arg9[%swap3A_1012] {strides = array<i32>} : memref<32768xf32, #tpu.memory_space<vmem>>, vector<16xf32>,
        %swap3A_1014 = vector.shape_cast %swap3A_1013 : vector<16xf32> to vector<16xf32>
        %swap3A_1015 = vector.shape_cast %get3A_960 : vector<16xf32> to vector<16xf32>
        tpu.vector_store %arg9[%swap3A_1012], %swap3A_1015 {strides = array<i32>} : memref<32768xf32, #tpu.memory_space<vmem>>, vector<16xf32>,
        %add3A_1016 = arith.constant 6 : i32
        %add3A_1017 = arith.addi %mul3A_93, %add3A_1016 : i32
        %mul3A_1018 = arith.constant 128 : i32
        %mul3A_1019 = arith.muli %add3A_1017, %mul3A_1018 : i32
        %add3A_1020 = arith.constant 48 : i32
        %add3A_1021 = arith.addi %mul3A_1019, %add3A_1020 : i32
        %swap3A_1022 = arith.index_cast %add3A_1021 : i32 to index
        %swap3A_1023 = tpu.vector_load %arg9[%swap3A_1022] {strides = array<i32>} : memref<32768xf32, #tpu.memory_space<vmem>>, vector<16xf32>,
        %swap3A_1024 = vector.shape_cast %swap3A_1023 : vector<16xf32> to vector<16xf32>
        %swap3A_1025 = vector.shape_cast %get3A_965 : vector<16xf32> to vector<16xf32>
        tpu.vector_store %arg9[%swap3A_1022], %swap3A_1025 {strides = array<i32>} : memref<32768xf32, #tpu.memory_space<vmem>>, vector<16xf32>,
        %add3A_1026 = arith.constant 6 : i32
        %add3A_1027 = arith.addi %mul3A_93, %add3A_1026 : i32
        %mul3A_1028 = arith.constant 128 : i32
        %mul3A_1029 = arith.muli %add3A_1027, %mul3A_1028 : i32
        %add3A_1030 = arith.constant 64 : i32
        %add3A_1031 = arith.addi %mul3A_1029, %add3A_1030 : i32
        %swap3A_1032 = arith.index_cast %add3A_1031 : i32 to index
        %swap3A_1033 = tpu.vector_load %arg9[%swap3A_1032] {strides = array<i32>} : memref<32768xf32, #tpu.memory_space<vmem>>, vector<16xf32>,
        %swap3A_1034 = vector.shape_cast %swap3A_1033 : vector<16xf32> to vector<16xf32>
        %swap3A_1035 = vector.shape_cast %get3A_970 : vector<16xf32> to vector<16xf32>
        tpu.vector_store %arg9[%swap3A_1032], %swap3A_1035 {strides = array<i32>} : memref<32768xf32, #tpu.memory_space<vmem>>, vector<16xf32>,
        %add3A_1036 = arith.constant 6 : i32
        %add3A_1037 = arith.addi %mul3A_93, %add3A_1036 : i32
        %mul3A_1038 = arith.constant 128 : i32
        %mul3A_1039 = arith.muli %add3A_1037, %mul3A_1038 : i32
        %add3A_1040 = arith.constant 80 : i32
        %add3A_1041 = arith.addi %mul3A_1039, %add3A_1040 : i32
        %swap3A_1042 = arith.index_cast %add3A_1041 : i32 to index
        %swap3A_1043 = tpu.vector_load %arg9[%swap3A_1042] {strides = array<i32>} : memref<32768xf32, #tpu.memory_space<vmem>>, vector<16xf32>,
        %swap3A_1044 = vector.shape_cast %swap3A_1043 : vector<16xf32> to vector<16xf32>
        %swap3A_1045 = vector.shape_cast %get3A_975 : vector<16xf32> to vector<16xf32>
        tpu.vector_store %arg9[%swap3A_1042], %swap3A_1045 {strides = array<i32>} : memref<32768xf32, #tpu.memory_space<vmem>>, vector<16xf32>,
        %add3A_1046 = arith.constant 6 : i32
        %add3A_1047 = arith.addi %mul3A_93, %add3A_1046 : i32
        %mul3A_1048 = arith.constant 128 : i32
        %mul3A_1049 = arith.muli %add3A_1047, %mul3A_1048 : i32
        %add3A_1050 = arith.constant 96 : i32
        %add3A_1051 = arith.addi %mul3A_1049, %add3A_1050 : i32
        %swap3A_1052 = arith.index_cast %add3A_1051 : i32 to index
        %swap3A_1053 = tpu.vector_load %arg9[%swap3A_1052] {strides = array<i32>} : memref<32768xf32, #tpu.memory_space<vmem>>, vector<16xf32>,
        %swap3A_1054 = vector.shape_cast %swap3A_1053 : vector<16xf32> to vector<16xf32>
        %swap3A_1055 = vector.shape_cast %get3A_980 : vector<16xf32> to vector<16xf32>
        tpu.vector_store %arg9[%swap3A_1052], %swap3A_1055 {strides = array<i32>} : memref<32768xf32, #tpu.memory_space<vmem>>, vector<16xf32>,
        %add3A_1056 = arith.constant 6 : i32
        %add3A_1057 = arith.addi %mul3A_93, %add3A_1056 : i32
        %mul3A_1058 = arith.constant 128 : i32
        %mul3A_1059 = arith.muli %add3A_1057, %mul3A_1058 : i32
        %add3A_1060 = arith.constant 112 : i32
        %add3A_1061 = arith.addi %mul3A_1059, %add3A_1060 : i32
        %swap3A_1062 = arith.index_cast %add3A_1061 : i32 to index
        %swap3A_1063 = tpu.vector_load %arg9[%swap3A_1062] {strides = array<i32>} : memref<32768xf32, #tpu.memory_space<vmem>>, vector<16xf32>,
        %swap3A_1064 = vector.shape_cast %swap3A_1063 : vector<16xf32> to vector<16xf32>
        %swap3A_1065 = vector.shape_cast %get3A_985 : vector<16xf32> to vector<16xf32>
        tpu.vector_store %arg9[%swap3A_1062], %swap3A_1065 {strides = array<i32>} : memref<32768xf32, #tpu.memory_space<vmem>>, vector<16xf32>,
        %add3A_1066 = arith.constant 0 : i32
        %add3A_1067 = arith.addi %mul3A_158, %add3A_1066 : i32
        %get3A_1068 = arith.index_cast %add3A_1067 : i32 to index
        %get3A_1069 = tpu.vector_load %arg5[%get3A_1068] {strides = array<i32>} : memref<1280xf32, #tpu.memory_space<vmem>>, vector<16xf32>,
        %get3A_1070 = vector.shape_cast %get3A_1069 : vector<16xf32> to vector<16xf32>
        %add3A_1071 = arith.constant 16 : i32
        %add3A_1072 = arith.addi %mul3A_158, %add3A_1071 : i32
        %get3A_1073 = arith.index_cast %add3A_1072 : i32 to index
        %get3A_1074 = tpu.vector_load %arg5[%get3A_1073] {strides = array<i32>} : memref<1280xf32, #tpu.memory_space<vmem>>, vector<16xf32>,
        %get3A_1075 = vector.shape_cast %get3A_1074 : vector<16xf32> to vector<16xf32>
        %add3A_1076 = arith.constant 32 : i32
        %add3A_1077 = arith.addi %mul3A_158, %add3A_1076 : i32
        %get3A_1078 = arith.index_cast %add3A_1077 : i32 to index
        %get3A_1079 = tpu.vector_load %arg5[%get3A_1078] {strides = array<i32>} : memref<1280xf32, #tpu.memory_space<vmem>>, vector<16xf32>,
        %get3A_1080 = vector.shape_cast %get3A_1079 : vector<16xf32> to vector<16xf32>
        %add3A_1081 = arith.constant 48 : i32
        %add3A_1082 = arith.addi %mul3A_158, %add3A_1081 : i32
        %get3A_1083 = arith.index_cast %add3A_1082 : i32 to index
        %get3A_1084 = tpu.vector_load %arg5[%get3A_1083] {strides = array<i32>} : memref<1280xf32, #tpu.memory_space<vmem>>, vector<16xf32>,
        %get3A_1085 = vector.shape_cast %get3A_1084 : vector<16xf32> to vector<16xf32>
        %add3A_1086 = arith.constant 64 : i32
        %add3A_1087 = arith.addi %mul3A_158, %add3A_1086 : i32
        %get3A_1088 = arith.index_cast %add3A_1087 : i32 to index
        %get3A_1089 = tpu.vector_load %arg5[%get3A_1088] {strides = array<i32>} : memref<1280xf32, #tpu.memory_space<vmem>>, vector<16xf32>,
        %get3A_1090 = vector.shape_cast %get3A_1089 : vector<16xf32> to vector<16xf32>
        %add3A_1091 = arith.constant 80 : i32
        %add3A_1092 = arith.addi %mul3A_158, %add3A_1091 : i32
        %get3A_1093 = arith.index_cast %add3A_1092 : i32 to index
        %get3A_1094 = tpu.vector_load %arg5[%get3A_1093] {strides = array<i32>} : memref<1280xf32, #tpu.memory_space<vmem>>, vector<16xf32>,
        %get3A_1095 = vector.shape_cast %get3A_1094 : vector<16xf32> to vector<16xf32>
        %add3A_1096 = arith.constant 96 : i32
        %add3A_1097 = arith.addi %mul3A_158, %add3A_1096 : i32
        %get3A_1098 = arith.index_cast %add3A_1097 : i32 to index
        %get3A_1099 = tpu.vector_load %arg5[%get3A_1098] {strides = array<i32>} : memref<1280xf32, #tpu.memory_space<vmem>>, vector<16xf32>,
        %get3A_1100 = vector.shape_cast %get3A_1099 : vector<16xf32> to vector<16xf32>
        %add3A_1101 = arith.constant 112 : i32
        %add3A_1102 = arith.addi %mul3A_158, %add3A_1101 : i32
        %get3A_1103 = arith.index_cast %add3A_1102 : i32 to index
        %get3A_1104 = tpu.vector_load %arg5[%get3A_1103] {strides = array<i32>} : memref<1280xf32, #tpu.memory_space<vmem>>, vector<16xf32>,
        %get3A_1105 = vector.shape_cast %get3A_1104 : vector<16xf32> to vector<16xf32>
        %add3A_1106 = arith.constant 7 : i32
        %add3A_1107 = arith.addi %mul3A_93, %add3A_1106 : i32
        %mul3A_1108 = arith.constant 128 : i32
        %mul3A_1109 = arith.muli %add3A_1107, %mul3A_1108 : i32
        %add3A_1110 = arith.constant 0 : i32
        %add3A_1111 = arith.addi %mul3A_1109, %add3A_1110 : i32
        %swap3A_1112 = arith.index_cast %add3A_1111 : i32 to index
        %swap3A_1113 = tpu.vector_load %arg9[%swap3A_1112] {strides = array<i32>} : memref<32768xf32, #tpu.memory_space<vmem>>, vector<16xf32>,
        %swap3A_1114 = vector.shape_cast %swap3A_1113 : vector<16xf32> to vector<16xf32>
        %swap3A_1115 = vector.shape_cast %get3A_1070 : vector<16xf32> to vector<16xf32>
        tpu.vector_store %arg9[%swap3A_1112], %swap3A_1115 {strides = array<i32>} : memref<32768xf32, #tpu.memory_space<vmem>>, vector<16xf32>,
        %add3A_1116 = arith.constant 7 : i32
        %add3A_1117 = arith.addi %mul3A_93, %add3A_1116 : i32
        %mul3A_1118 = arith.constant 128 : i32
        %mul3A_1119 = arith.muli %add3A_1117, %mul3A_1118 : i32
        %add3A_1120 = arith.constant 16 : i32
        %add3A_1121 = arith.addi %mul3A_1119, %add3A_1120 : i32
        %swap3A_1122 = arith.index_cast %add3A_1121 : i32 to index
        %swap3A_1123 = tpu.vector_load %arg9[%swap3A_1122] {strides = array<i32>} : memref<32768xf32, #tpu.memory_space<vmem>>, vector<16xf32>,
        %swap3A_1124 = vector.shape_cast %swap3A_1123 : vector<16xf32> to vector<16xf32>
        %swap3A_1125 = vector.shape_cast %get3A_1075 : vector<16xf32> to vector<16xf32>
        tpu.vector_store %arg9[%swap3A_1122], %swap3A_1125 {strides = array<i32>} : memref<32768xf32, #tpu.memory_space<vmem>>, vector<16xf32>,
        %add3A_1126 = arith.constant 7 : i32
        %add3A_1127 = arith.addi %mul3A_93, %add3A_1126 : i32
        %mul3A_1128 = arith.constant 128 : i32
        %mul3A_1129 = arith.muli %add3A_1127, %mul3A_1128 : i32
        %add3A_1130 = arith.constant 32 : i32
        %add3A_1131 = arith.addi %mul3A_1129, %add3A_1130 : i32
        %swap3A_1132 = arith.index_cast %add3A_1131 : i32 to index
        %swap3A_1133 = tpu.vector_load %arg9[%swap3A_1132] {strides = array<i32>} : memref<32768xf32, #tpu.memory_space<vmem>>, vector<16xf32>,
        %swap3A_1134 = vector.shape_cast %swap3A_1133 : vector<16xf32> to vector<16xf32>
        %swap3A_1135 = vector.shape_cast %get3A_1080 : vector<16xf32> to vector<16xf32>
        tpu.vector_store %arg9[%swap3A_1132], %swap3A_1135 {strides = array<i32>} : memref<32768xf32, #tpu.memory_space<vmem>>, vector<16xf32>,
        %add3A_1136 = arith.constant 7 : i32
        %add3A_1137 = arith.addi %mul3A_93, %add3A_1136 : i32
        %mul3A_1138 = arith.constant 128 : i32
        %mul3A_1139 = arith.muli %add3A_1137, %mul3A_1138 : i32
        %add3A_1140 = arith.constant 48 : i32
        %add3A_1141 = arith.addi %mul3A_1139, %add3A_1140 : i32
        %swap3A_1142 = arith.index_cast %add3A_1141 : i32 to index
        %swap3A_1143 = tpu.vector_load %arg9[%swap3A_1142] {strides = array<i32>} : memref<32768xf32, #tpu.memory_space<vmem>>, vector<16xf32>,
        %swap3A_1144 = vector.shape_cast %swap3A_1143 : vector<16xf32> to vector<16xf32>
        %swap3A_1145 = vector.shape_cast %get3A_1085 : vector<16xf32> to vector<16xf32>
        tpu.vector_store %arg9[%swap3A_1142], %swap3A_1145 {strides = array<i32>} : memref<32768xf32, #tpu.memory_space<vmem>>, vector<16xf32>,
        %add3A_1146 = arith.constant 7 : i32
        %add3A_1147 = arith.addi %mul3A_93, %add3A_1146 : i32
        %mul3A_1148 = arith.constant 128 : i32
        %mul3A_1149 = arith.muli %add3A_1147, %mul3A_1148 : i32
        %add3A_1150 = arith.constant 64 : i32
        %add3A_1151 = arith.addi %mul3A_1149, %add3A_1150 : i32
        %swap3A_1152 = arith.index_cast %add3A_1151 : i32 to index
        %swap3A_1153 = tpu.vector_load %arg9[%swap3A_1152] {strides = array<i32>} : memref<32768xf32, #tpu.memory_space<vmem>>, vector<16xf32>,
        %swap3A_1154 = vector.shape_cast %swap3A_1153 : vector<16xf32> to vector<16xf32>
        %swap3A_1155 = vector.shape_cast %get3A_1090 : vector<16xf32> to vector<16xf32>
        tpu.vector_store %arg9[%swap3A_1152], %swap3A_1155 {strides = array<i32>} : memref<32768xf32, #tpu.memory_space<vmem>>, vector<16xf32>,
        %add3A_1156 = arith.constant 7 : i32
        %add3A_1157 = arith.addi %mul3A_93, %add3A_1156 : i32
        %mul3A_1158 = arith.constant 128 : i32
        %mul3A_1159 = arith.muli %add3A_1157, %mul3A_1158 : i32
        %add3A_1160 = arith.constant 80 : i32
        %add3A_1161 = arith.addi %mul3A_1159, %add3A_1160 : i32
        %swap3A_1162 = arith.index_cast %add3A_1161 : i32 to index
        %swap3A_1163 = tpu.vector_load %arg9[%swap3A_1162] {strides = array<i32>} : memref<32768xf32, #tpu.memory_space<vmem>>, vector<16xf32>,
        %swap3A_1164 = vector.shape_cast %swap3A_1163 : vector<16xf32> to vector<16xf32>
        %swap3A_1165 = vector.shape_cast %get3A_1095 : vector<16xf32> to vector<16xf32>
        tpu.vector_store %arg9[%swap3A_1162], %swap3A_1165 {strides = array<i32>} : memref<32768xf32, #tpu.memory_space<vmem>>, vector<16xf32>,
        %add3A_1166 = arith.constant 7 : i32
        %add3A_1167 = arith.addi %mul3A_93, %add3A_1166 : i32
        %mul3A_1168 = arith.constant 128 : i32
        %mul3A_1169 = arith.muli %add3A_1167, %mul3A_1168 : i32
        %add3A_1170 = arith.constant 96 : i32
        %add3A_1171 = arith.addi %mul3A_1169, %add3A_1170 : i32
        %swap3A_1172 = arith.index_cast %add3A_1171 : i32 to index
        %swap3A_1173 = tpu.vector_load %arg9[%swap3A_1172] {strides = array<i32>} : memref<32768xf32, #tpu.memory_space<vmem>>, vector<16xf32>,
        %swap3A_1174 = vector.shape_cast %swap3A_1173 : vector<16xf32> to vector<16xf32>
        %swap3A_1175 = vector.shape_cast %get3A_1100 : vector<16xf32> to vector<16xf32>
        tpu.vector_store %arg9[%swap3A_1172], %swap3A_1175 {strides = array<i32>} : memref<32768xf32, #tpu.memory_space<vmem>>, vector<16xf32>,
        %add3A_1176 = arith.constant 7 : i32
        %add3A_1177 = arith.addi %mul3A_93, %add3A_1176 : i32
        %mul3A_1178 = arith.constant 128 : i32
        %mul3A_1179 = arith.muli %add3A_1177, %mul3A_1178 : i32
        %add3A_1180 = arith.constant 112 : i32
        %add3A_1181 = arith.addi %mul3A_1179, %add3A_1180 : i32
        %swap3A_1182 = arith.index_cast %add3A_1181 : i32 to index
        %swap3A_1183 = tpu.vector_load %arg9[%swap3A_1182] {strides = array<i32>} : memref<32768xf32, #tpu.memory_space<vmem>>, vector<16xf32>,
        %swap3A_1184 = vector.shape_cast %swap3A_1183 : vector<16xf32> to vector<16xf32>
        %swap3A_1185 = vector.shape_cast %get3A_1105 : vector<16xf32> to vector<16xf32>
        tpu.vector_store %arg9[%swap3A_1182], %swap3A_1185 {strides = array<i32>} : memref<32768xf32, #tpu.memory_space<vmem>>, vector<16xf32>,
        %add3A_1186 = arith.constant 0 : i32
        %add3A_1187 = arith.addi %mul3A_170, %add3A_1186 : i32
        %get3A_1188 = arith.index_cast %add3A_1187 : i32 to index
        %get3A_1189 = tpu.vector_load %arg5[%get3A_1188] {strides = array<i32>} : memref<1280xf32, #tpu.memory_space<vmem>>, vector<16xf32>,
        %get3A_1190 = vector.shape_cast %get3A_1189 : vector<16xf32> to vector<16xf32>
        %add3A_1191 = arith.constant 16 : i32
        %add3A_1192 = arith.addi %mul3A_170, %add3A_1191 : i32
        %get3A_1193 = arith.index_cast %add3A_1192 : i32 to index
        %get3A_1194 = tpu.vector_load %arg5[%get3A_1193] {strides = array<i32>} : memref<1280xf32, #tpu.memory_space<vmem>>, vector<16xf32>,
        %get3A_1195 = vector.shape_cast %get3A_1194 : vector<16xf32> to vector<16xf32>
        %add3A_1196 = arith.constant 32 : i32
        %add3A_1197 = arith.addi %mul3A_170, %add3A_1196 : i32
        %get3A_1198 = arith.index_cast %add3A_1197 : i32 to index
        %get3A_1199 = tpu.vector_load %arg5[%get3A_1198] {strides = array<i32>} : memref<1280xf32, #tpu.memory_space<vmem>>, vector<16xf32>,
        %get3A_1200 = vector.shape_cast %get3A_1199 : vector<16xf32> to vector<16xf32>
        %add3A_1201 = arith.constant 48 : i32
        %add3A_1202 = arith.addi %mul3A_170, %add3A_1201 : i32
        %get3A_1203 = arith.index_cast %add3A_1202 : i32 to index
        %get3A_1204 = tpu.vector_load %arg5[%get3A_1203] {strides = array<i32>} : memref<1280xf32, #tpu.memory_space<vmem>>, vector<16xf32>,
        %get3A_1205 = vector.shape_cast %get3A_1204 : vector<16xf32> to vector<16xf32>
        %add3A_1206 = arith.constant 64 : i32
        %add3A_1207 = arith.addi %mul3A_170, %add3A_1206 : i32
        %get3A_1208 = arith.index_cast %add3A_1207 : i32 to index
        %get3A_1209 = tpu.vector_load %arg5[%get3A_1208] {strides = array<i32>} : memref<1280xf32, #tpu.memory_space<vmem>>, vector<16xf32>,
        %get3A_1210 = vector.shape_cast %get3A_1209 : vector<16xf32> to vector<16xf32>
        %add3A_1211 = arith.constant 80 : i32
        %add3A_1212 = arith.addi %mul3A_170, %add3A_1211 : i32
        %get3A_1213 = arith.index_cast %add3A_1212 : i32 to index
        %get3A_1214 = tpu.vector_load %arg5[%get3A_1213] {strides = array<i32>} : memref<1280xf32, #tpu.memory_space<vmem>>, vector<16xf32>,
        %get3A_1215 = vector.shape_cast %get3A_1214 : vector<16xf32> to vector<16xf32>
        %add3A_1216 = arith.constant 96 : i32
        %add3A_1217 = arith.addi %mul3A_170, %add3A_1216 : i32
        %get3A_1218 = arith.index_cast %add3A_1217 : i32 to index
        %get3A_1219 = tpu.vector_load %arg5[%get3A_1218] {strides = array<i32>} : memref<1280xf32, #tpu.memory_space<vmem>>, vector<16xf32>,
        %get3A_1220 = vector.shape_cast %get3A_1219 : vector<16xf32> to vector<16xf32>
        %add3A_1221 = arith.constant 112 : i32
        %add3A_1222 = arith.addi %mul3A_170, %add3A_1221 : i32
        %get3A_1223 = arith.index_cast %add3A_1222 : i32 to index
        %get3A_1224 = tpu.vector_load %arg5[%get3A_1223] {strides = array<i32>} : memref<1280xf32, #tpu.memory_space<vmem>>, vector<16xf32>,
        %get3A_1225 = vector.shape_cast %get3A_1224 : vector<16xf32> to vector<16xf32>
        %add3A_1226 = arith.constant 8 : i32
        %add3A_1227 = arith.addi %mul3A_93, %add3A_1226 : i32
        %mul3A_1228 = arith.constant 128 : i32
        %mul3A_1229 = arith.muli %add3A_1227, %mul3A_1228 : i32
        %add3A_1230 = arith.constant 0 : i32
        %add3A_1231 = arith.addi %mul3A_1229, %add3A_1230 : i32
        %swap3A_1232 = arith.index_cast %add3A_1231 : i32 to index
        %swap3A_1233 = tpu.vector_load %arg9[%swap3A_1232] {strides = array<i32>} : memref<32768xf32, #tpu.memory_space<vmem>>, vector<16xf32>,
        %swap3A_1234 = vector.shape_cast %swap3A_1233 : vector<16xf32> to vector<16xf32>
        %swap3A_1235 = vector.shape_cast %get3A_1190 : vector<16xf32> to vector<16xf32>
        tpu.vector_store %arg9[%swap3A_1232], %swap3A_1235 {strides = array<i32>} : memref<32768xf32, #tpu.memory_space<vmem>>, vector<16xf32>,
        %add3A_1236 = arith.constant 8 : i32
        %add3A_1237 = arith.addi %mul3A_93, %add3A_1236 : i32
        %mul3A_1238 = arith.constant 128 : i32
        %mul3A_1239 = arith.muli %add3A_1237, %mul3A_1238 : i32
        %add3A_1240 = arith.constant 16 : i32
        %add3A_1241 = arith.addi %mul3A_1239, %add3A_1240 : i32
        %swap3A_1242 = arith.index_cast %add3A_1241 : i32 to index
        %swap3A_1243 = tpu.vector_load %arg9[%swap3A_1242] {strides = array<i32>} : memref<32768xf32, #tpu.memory_space<vmem>>, vector<16xf32>,
        %swap3A_1244 = vector.shape_cast %swap3A_1243 : vector<16xf32> to vector<16xf32>
        %swap3A_1245 = vector.shape_cast %get3A_1195 : vector<16xf32> to vector<16xf32>
        tpu.vector_store %arg9[%swap3A_1242], %swap3A_1245 {strides = array<i32>} : memref<32768xf32, #tpu.memory_space<vmem>>, vector<16xf32>,
        %add3A_1246 = arith.constant 8 : i32
        %add3A_1247 = arith.addi %mul3A_93, %add3A_1246 : i32
        %mul3A_1248 = arith.constant 128 : i32
        %mul3A_1249 = arith.muli %add3A_1247, %mul3A_1248 : i32
        %add3A_1250 = arith.constant 32 : i32
        %add3A_1251 = arith.addi %mul3A_1249, %add3A_1250 : i32
        %swap3A_1252 = arith.index_cast %add3A_1251 : i32 to index
        %swap3A_1253 = tpu.vector_load %arg9[%swap3A_1252] {strides = array<i32>} : memref<32768xf32, #tpu.memory_space<vmem>>, vector<16xf32>,
        %swap3A_1254 = vector.shape_cast %swap3A_1253 : vector<16xf32> to vector<16xf32>
        %swap3A_1255 = vector.shape_cast %get3A_1200 : vector<16xf32> to vector<16xf32>
        tpu.vector_store %arg9[%swap3A_1252], %swap3A_1255 {strides = array<i32>} : memref<32768xf32, #tpu.memory_space<vmem>>, vector<16xf32>,
        %add3A_1256 = arith.constant 8 : i32
        %add3A_1257 = arith.addi %mul3A_93, %add3A_1256 : i32
        %mul3A_1258 = arith.constant 128 : i32
        %mul3A_1259 = arith.muli %add3A_1257, %mul3A_1258 : i32
        %add3A_1260 = arith.constant 48 : i32
        %add3A_1261 = arith.addi %mul3A_1259, %add3A_1260 : i32
        %swap3A_1262 = arith.index_cast %add3A_1261 : i32 to index
        %swap3A_1263 = tpu.vector_load %arg9[%swap3A_1262] {strides = array<i32>} : memref<32768xf32, #tpu.memory_space<vmem>>, vector<16xf32>,
        %swap3A_1264 = vector.shape_cast %swap3A_1263 : vector<16xf32> to vector<16xf32>
        %swap3A_1265 = vector.shape_cast %get3A_1205 : vector<16xf32> to vector<16xf32>
        tpu.vector_store %arg9[%swap3A_1262], %swap3A_1265 {strides = array<i32>} : memref<32768xf32, #tpu.memory_space<vmem>>, vector<16xf32>,
        %add3A_1266 = arith.constant 8 : i32
        %add3A_1267 = arith.addi %mul3A_93, %add3A_1266 : i32
        %mul3A_1268 = arith.constant 128 : i32
        %mul3A_1269 = arith.muli %add3A_1267, %mul3A_1268 : i32
        %add3A_1270 = arith.constant 64 : i32
        %add3A_1271 = arith.addi %mul3A_1269, %add3A_1270 : i32
        %swap3A_1272 = arith.index_cast %add3A_1271 : i32 to index
        %swap3A_1273 = tpu.vector_load %arg9[%swap3A_1272] {strides = array<i32>} : memref<32768xf32, #tpu.memory_space<vmem>>, vector<16xf32>,
        %swap3A_1274 = vector.shape_cast %swap3A_1273 : vector<16xf32> to vector<16xf32>
        %swap3A_1275 = vector.shape_cast %get3A_1210 : vector<16xf32> to vector<16xf32>
        tpu.vector_store %arg9[%swap3A_1272], %swap3A_1275 {strides = array<i32>} : memref<32768xf32, #tpu.memory_space<vmem>>, vector<16xf32>,
        %add3A_1276 = arith.constant 8 : i32
        %add3A_1277 = arith.addi %mul3A_93, %add3A_1276 : i32
        %mul3A_1278 = arith.constant 128 : i32
        %mul3A_1279 = arith.muli %add3A_1277, %mul3A_1278 : i32
        %add3A_1280 = arith.constant 80 : i32
        %add3A_1281 = arith.addi %mul3A_1279, %add3A_1280 : i32
        %swap3A_1282 = arith.index_cast %add3A_1281 : i32 to index
        %swap3A_1283 = tpu.vector_load %arg9[%swap3A_1282] {strides = array<i32>} : memref<32768xf32, #tpu.memory_space<vmem>>, vector<16xf32>,
        %swap3A_1284 = vector.shape_cast %swap3A_1283 : vector<16xf32> to vector<16xf32>
        %swap3A_1285 = vector.shape_cast %get3A_1215 : vector<16xf32> to vector<16xf32>
        tpu.vector_store %arg9[%swap3A_1282], %swap3A_1285 {strides = array<i32>} : memref<32768xf32, #tpu.memory_space<vmem>>, vector<16xf32>,
        %add3A_1286 = arith.constant 8 : i32
        %add3A_1287 = arith.addi %mul3A_93, %add3A_1286 : i32
        %mul3A_1288 = arith.constant 128 : i32
        %mul3A_1289 = arith.muli %add3A_1287, %mul3A_1288 : i32
        %add3A_1290 = arith.constant 96 : i32
        %add3A_1291 = arith.addi %mul3A_1289, %add3A_1290 : i32
        %swap3A_1292 = arith.index_cast %add3A_1291 : i32 to index
        %swap3A_1293 = tpu.vector_load %arg9[%swap3A_1292] {strides = array<i32>} : memref<32768xf32, #tpu.memory_space<vmem>>, vector<16xf32>,
        %swap3A_1294 = vector.shape_cast %swap3A_1293 : vector<16xf32> to vector<16xf32>
        %swap3A_1295 = vector.shape_cast %get3A_1220 : vector<16xf32> to vector<16xf32>
        tpu.vector_store %arg9[%swap3A_1292], %swap3A_1295 {strides = array<i32>} : memref<32768xf32, #tpu.memory_space<vmem>>, vector<16xf32>,
        %add3A_1296 = arith.constant 8 : i32
        %add3A_1297 = arith.addi %mul3A_93, %add3A_1296 : i32
        %mul3A_1298 = arith.constant 128 : i32
        %mul3A_1299 = arith.muli %add3A_1297, %mul3A_1298 : i32
        %add3A_1300 = arith.constant 112 : i32
        %add3A_1301 = arith.addi %mul3A_1299, %add3A_1300 : i32
        %swap3A_1302 = arith.index_cast %add3A_1301 : i32 to index
        %swap3A_1303 = tpu.vector_load %arg9[%swap3A_1302] {strides = array<i32>} : memref<32768xf32, #tpu.memory_space<vmem>>, vector<16xf32>,
        %swap3A_1304 = vector.shape_cast %swap3A_1303 : vector<16xf32> to vector<16xf32>
        %swap3A_1305 = vector.shape_cast %get3A_1225 : vector<16xf32> to vector<16xf32>
        tpu.vector_store %arg9[%swap3A_1302], %swap3A_1305 {strides = array<i32>} : memref<32768xf32, #tpu.memory_space<vmem>>, vector<16xf32>,
        %add3A_1306 = arith.constant 0 : i32
        %add3A_1307 = arith.addi %mul3A_175, %add3A_1306 : i32
        %get3A_1308 = arith.index_cast %add3A_1307 : i32 to index
        %get3A_1309 = tpu.vector_load %arg5[%get3A_1308] {strides = array<i32>} : memref<1280xf32, #tpu.memory_space<vmem>>, vector<16xf32>,
        %get3A_1310 = vector.shape_cast %get3A_1309 : vector<16xf32> to vector<16xf32>
        %add3A_1311 = arith.constant 16 : i32
        %add3A_1312 = arith.addi %mul3A_175, %add3A_1311 : i32
        %get3A_1313 = arith.index_cast %add3A_1312 : i32 to index
        %get3A_1314 = tpu.vector_load %arg5[%get3A_1313] {strides = array<i32>} : memref<1280xf32, #tpu.memory_space<vmem>>, vector<16xf32>,
        %get3A_1315 = vector.shape_cast %get3A_1314 : vector<16xf32> to vector<16xf32>
        %add3A_1316 = arith.constant 32 : i32
        %add3A_1317 = arith.addi %mul3A_175, %add3A_1316 : i32
        %get3A_1318 = arith.index_cast %add3A_1317 : i32 to index
        %get3A_1319 = tpu.vector_load %arg5[%get3A_1318] {strides = array<i32>} : memref<1280xf32, #tpu.memory_space<vmem>>, vector<16xf32>,
        %get3A_1320 = vector.shape_cast %get3A_1319 : vector<16xf32> to vector<16xf32>
        %add3A_1321 = arith.constant 48 : i32
        %add3A_1322 = arith.addi %mul3A_175, %add3A_1321 : i32
        %get3A_1323 = arith.index_cast %add3A_1322 : i32 to index
        %get3A_1324 = tpu.vector_load %arg5[%get3A_1323] {strides = array<i32>} : memref<1280xf32, #tpu.memory_space<vmem>>, vector<16xf32>,
        %get3A_1325 = vector.shape_cast %get3A_1324 : vector<16xf32> to vector<16xf32>
        %add3A_1326 = arith.constant 64 : i32
        %add3A_1327 = arith.addi %mul3A_175, %add3A_1326 : i32
        %get3A_1328 = arith.index_cast %add3A_1327 : i32 to index
        %get3A_1329 = tpu.vector_load %arg5[%get3A_1328] {strides = array<i32>} : memref<1280xf32, #tpu.memory_space<vmem>>, vector<16xf32>,
        %get3A_1330 = vector.shape_cast %get3A_1329 : vector<16xf32> to vector<16xf32>
        %add3A_1331 = arith.constant 80 : i32
        %add3A_1332 = arith.addi %mul3A_175, %add3A_1331 : i32
        %get3A_1333 = arith.index_cast %add3A_1332 : i32 to index
        %get3A_1334 = tpu.vector_load %arg5[%get3A_1333] {strides = array<i32>} : memref<1280xf32, #tpu.memory_space<vmem>>, vector<16xf32>,
        %get3A_1335 = vector.shape_cast %get3A_1334 : vector<16xf32> to vector<16xf32>
        %add3A_1336 = arith.constant 96 : i32
        %add3A_1337 = arith.addi %mul3A_175, %add3A_1336 : i32
        %get3A_1338 = arith.index_cast %add3A_1337 : i32 to index
        %get3A_1339 = tpu.vector_load %arg5[%get3A_1338] {strides = array<i32>} : memref<1280xf32, #tpu.memory_space<vmem>>, vector<16xf32>,
        %get3A_1340 = vector.shape_cast %get3A_1339 : vector<16xf32> to vector<16xf32>
        %add3A_1341 = arith.constant 112 : i32
        %add3A_1342 = arith.addi %mul3A_175, %add3A_1341 : i32
        %get3A_1343 = arith.index_cast %add3A_1342 : i32 to index
        %get3A_1344 = tpu.vector_load %arg5[%get3A_1343] {strides = array<i32>} : memref<1280xf32, #tpu.memory_space<vmem>>, vector<16xf32>,
        %get3A_1345 = vector.shape_cast %get3A_1344 : vector<16xf32> to vector<16xf32>
        %add3A_1346 = arith.constant 9 : i32
        %add3A_1347 = arith.addi %mul3A_93, %add3A_1346 : i32
        %mul3A_1348 = arith.constant 128 : i32
        %mul3A_1349 = arith.muli %add3A_1347, %mul3A_1348 : i32
        %add3A_1350 = arith.constant 0 : i32
        %add3A_1351 = arith.addi %mul3A_1349, %add3A_1350 : i32
        %swap3A_1352 = arith.index_cast %add3A_1351 : i32 to index
        %swap3A_1353 = tpu.vector_load %arg9[%swap3A_1352] {strides = array<i32>} : memref<32768xf32, #tpu.memory_space<vmem>>, vector<16xf32>,
        %swap3A_1354 = vector.shape_cast %swap3A_1353 : vector<16xf32> to vector<16xf32>
        %swap3A_1355 = vector.shape_cast %get3A_1310 : vector<16xf32> to vector<16xf32>
        tpu.vector_store %arg9[%swap3A_1352], %swap3A_1355 {strides = array<i32>} : memref<32768xf32, #tpu.memory_space<vmem>>, vector<16xf32>,
        %add3A_1356 = arith.constant 9 : i32
        %add3A_1357 = arith.addi %mul3A_93, %add3A_1356 : i32
        %mul3A_1358 = arith.constant 128 : i32
        %mul3A_1359 = arith.muli %add3A_1357, %mul3A_1358 : i32
        %add3A_1360 = arith.constant 16 : i32
        %add3A_1361 = arith.addi %mul3A_1359, %add3A_1360 : i32
        %swap3A_1362 = arith.index_cast %add3A_1361 : i32 to index
        %swap3A_1363 = tpu.vector_load %arg9[%swap3A_1362] {strides = array<i32>} : memref<32768xf32, #tpu.memory_space<vmem>>, vector<16xf32>,
        %swap3A_1364 = vector.shape_cast %swap3A_1363 : vector<16xf32> to vector<16xf32>
        %swap3A_1365 = vector.shape_cast %get3A_1315 : vector<16xf32> to vector<16xf32>
        tpu.vector_store %arg9[%swap3A_1362], %swap3A_1365 {strides = array<i32>} : memref<32768xf32, #tpu.memory_space<vmem>>, vector<16xf32>,
        %add3A_1366 = arith.constant 9 : i32
        %add3A_1367 = arith.addi %mul3A_93, %add3A_1366 : i32
        %mul3A_1368 = arith.constant 128 : i32
        %mul3A_1369 = arith.muli %add3A_1367, %mul3A_1368 : i32
        %add3A_1370 = arith.constant 32 : i32
        %add3A_1371 = arith.addi %mul3A_1369, %add3A_1370 : i32
        %swap3A_1372 = arith.index_cast %add3A_1371 : i32 to index
        %swap3A_1373 = tpu.vector_load %arg9[%swap3A_1372] {strides = array<i32>} : memref<32768xf32, #tpu.memory_space<vmem>>, vector<16xf32>,
        %swap3A_1374 = vector.shape_cast %swap3A_1373 : vector<16xf32> to vector<16xf32>
        %swap3A_1375 = vector.shape_cast %get3A_1320 : vector<16xf32> to vector<16xf32>
        tpu.vector_store %arg9[%swap3A_1372], %swap3A_1375 {strides = array<i32>} : memref<32768xf32, #tpu.memory_space<vmem>>, vector<16xf32>,
        %add3A_1376 = arith.constant 9 : i32
        %add3A_1377 = arith.addi %mul3A_93, %add3A_1376 : i32
        %mul3A_1378 = arith.constant 128 : i32
        %mul3A_1379 = arith.muli %add3A_1377, %mul3A_1378 : i32
        %add3A_1380 = arith.constant 48 : i32
        %add3A_1381 = arith.addi %mul3A_1379, %add3A_1380 : i32
        %swap3A_1382 = arith.index_cast %add3A_1381 : i32 to index
        %swap3A_1383 = tpu.vector_load %arg9[%swap3A_1382] {strides = array<i32>} : memref<32768xf32, #tpu.memory_space<vmem>>, vector<16xf32>,
        %swap3A_1384 = vector.shape_cast %swap3A_1383 : vector<16xf32> to vector<16xf32>
        %swap3A_1385 = vector.shape_cast %get3A_1325 : vector<16xf32> to vector<16xf32>
        tpu.vector_store %arg9[%swap3A_1382], %swap3A_1385 {strides = array<i32>} : memref<32768xf32, #tpu.memory_space<vmem>>, vector<16xf32>,
        %add3A_1386 = arith.constant 9 : i32
        %add3A_1387 = arith.addi %mul3A_93, %add3A_1386 : i32
        %mul3A_1388 = arith.constant 128 : i32
        %mul3A_1389 = arith.muli %add3A_1387, %mul3A_1388 : i32
        %add3A_1390 = arith.constant 64 : i32
        %add3A_1391 = arith.addi %mul3A_1389, %add3A_1390 : i32
        %swap3A_1392 = arith.index_cast %add3A_1391 : i32 to index
        %swap3A_1393 = tpu.vector_load %arg9[%swap3A_1392] {strides = array<i32>} : memref<32768xf32, #tpu.memory_space<vmem>>, vector<16xf32>,
        %swap3A_1394 = vector.shape_cast %swap3A_1393 : vector<16xf32> to vector<16xf32>
        %swap3A_1395 = vector.shape_cast %get3A_1330 : vector<16xf32> to vector<16xf32>
        tpu.vector_store %arg9[%swap3A_1392], %swap3A_1395 {strides = array<i32>} : memref<32768xf32, #tpu.memory_space<vmem>>, vector<16xf32>,
        %add3A_1396 = arith.constant 9 : i32
        %add3A_1397 = arith.addi %mul3A_93, %add3A_1396 : i32
        %mul3A_1398 = arith.constant 128 : i32
        %mul3A_1399 = arith.muli %add3A_1397, %mul3A_1398 : i32
        %add3A_1400 = arith.constant 80 : i32
        %add3A_1401 = arith.addi %mul3A_1399, %add3A_1400 : i32
        %swap3A_1402 = arith.index_cast %add3A_1401 : i32 to index
        %swap3A_1403 = tpu.vector_load %arg9[%swap3A_1402] {strides = array<i32>} : memref<32768xf32, #tpu.memory_space<vmem>>, vector<16xf32>,
        %swap3A_1404 = vector.shape_cast %swap3A_1403 : vector<16xf32> to vector<16xf32>
        %swap3A_1405 = vector.shape_cast %get3A_1335 : vector<16xf32> to vector<16xf32>
        tpu.vector_store %arg9[%swap3A_1402], %swap3A_1405 {strides = array<i32>} : memref<32768xf32, #tpu.memory_space<vmem>>, vector<16xf32>,
        %add3A_1406 = arith.constant 9 : i32
        %add3A_1407 = arith.addi %mul3A_93, %add3A_1406 : i32
        %mul3A_1408 = arith.constant 128 : i32
        %mul3A_1409 = arith.muli %add3A_1407, %mul3A_1408 : i32
        %add3A_1410 = arith.constant 96 : i32
        %add3A_1411 = arith.addi %mul3A_1409, %add3A_1410 : i32
        %swap3A_1412 = arith.index_cast %add3A_1411 : i32 to index
        %swap3A_1413 = tpu.vector_load %arg9[%swap3A_1412] {strides = array<i32>} : memref<32768xf32, #tpu.memory_space<vmem>>, vector<16xf32>,
        %swap3A_1414 = vector.shape_cast %swap3A_1413 : vector<16xf32> to vector<16xf32>
        %swap3A_1415 = vector.shape_cast %get3A_1340 : vector<16xf32> to vector<16xf32>
        tpu.vector_store %arg9[%swap3A_1412], %swap3A_1415 {strides = array<i32>} : memref<32768xf32, #tpu.memory_space<vmem>>, vector<16xf32>,
        %add3A_1416 = arith.constant 9 : i32
        %add3A_1417 = arith.addi %mul3A_93, %add3A_1416 : i32
        %mul3A_1418 = arith.constant 128 : i32
        %mul3A_1419 = arith.muli %add3A_1417, %mul3A_1418 : i32
        %add3A_1420 = arith.constant 112 : i32
        %add3A_1421 = arith.addi %mul3A_1419, %add3A_1420 : i32
        %swap3A_1422 = arith.index_cast %add3A_1421 : i32 to index
        %swap3A_1423 = tpu.vector_load %arg9[%swap3A_1422] {strides = array<i32>} : memref<32768xf32, #tpu.memory_space<vmem>>, vector<16xf32>,
        %swap3A_1424 = vector.shape_cast %swap3A_1423 : vector<16xf32> to vector<16xf32>
        %swap3A_1425 = vector.shape_cast %get3A_1345 : vector<16xf32> to vector<16xf32>
        tpu.vector_store %arg9[%swap3A_1422], %swap3A_1425 {strides = array<i32>} : memref<32768xf32, #tpu.memory_space<vmem>>, vector<16xf32>,
        %add3A_1426 = arith.constant 0 : i32
        %add3A_1427 = arith.addi %mul3A_187, %add3A_1426 : i32
        %get3A_1428 = arith.index_cast %add3A_1427 : i32 to index
        %get3A_1429 = tpu.vector_load %arg5[%get3A_1428] {strides = array<i32>} : memref<1280xf32, #tpu.memory_space<vmem>>, vector<16xf32>,
        %get3A_1430 = vector.shape_cast %get3A_1429 : vector<16xf32> to vector<16xf32>
        %add3A_1431 = arith.constant 16 : i32
        %add3A_1432 = arith.addi %mul3A_187, %add3A_1431 : i32
        %get3A_1433 = arith.index_cast %add3A_1432 : i32 to index
        %get3A_1434 = tpu.vector_load %arg5[%get3A_1433] {strides = array<i32>} : memref<1280xf32, #tpu.memory_space<vmem>>, vector<16xf32>,
        %get3A_1435 = vector.shape_cast %get3A_1434 : vector<16xf32> to vector<16xf32>
        %add3A_1436 = arith.constant 32 : i32
        %add3A_1437 = arith.addi %mul3A_187, %add3A_1436 : i32
        %get3A_1438 = arith.index_cast %add3A_1437 : i32 to index
        %get3A_1439 = tpu.vector_load %arg5[%get3A_1438] {strides = array<i32>} : memref<1280xf32, #tpu.memory_space<vmem>>, vector<16xf32>,
        %get3A_1440 = vector.shape_cast %get3A_1439 : vector<16xf32> to vector<16xf32>
        %add3A_1441 = arith.constant 48 : i32
        %add3A_1442 = arith.addi %mul3A_187, %add3A_1441 : i32
        %get3A_1443 = arith.index_cast %add3A_1442 : i32 to index
        %get3A_1444 = tpu.vector_load %arg5[%get3A_1443] {strides = array<i32>} : memref<1280xf32, #tpu.memory_space<vmem>>, vector<16xf32>,
        %get3A_1445 = vector.shape_cast %get3A_1444 : vector<16xf32> to vector<16xf32>
        %add3A_1446 = arith.constant 64 : i32
        %add3A_1447 = arith.addi %mul3A_187, %add3A_1446 : i32
        %get3A_1448 = arith.index_cast %add3A_1447 : i32 to index
        %get3A_1449 = tpu.vector_load %arg5[%get3A_1448] {strides = array<i32>} : memref<1280xf32, #tpu.memory_space<vmem>>, vector<16xf32>,
        %get3A_1450 = vector.shape_cast %get3A_1449 : vector<16xf32> to vector<16xf32>
        %add3A_1451 = arith.constant 80 : i32
        %add3A_1452 = arith.addi %mul3A_187, %add3A_1451 : i32
        %get3A_1453 = arith.index_cast %add3A_1452 : i32 to index
        %get3A_1454 = tpu.vector_load %arg5[%get3A_1453] {strides = array<i32>} : memref<1280xf32, #tpu.memory_space<vmem>>, vector<16xf32>,
        %get3A_1455 = vector.shape_cast %get3A_1454 : vector<16xf32> to vector<16xf32>
        %add3A_1456 = arith.constant 96 : i32
        %add3A_1457 = arith.addi %mul3A_187, %add3A_1456 : i32
        %get3A_1458 = arith.index_cast %add3A_1457 : i32 to index
        %get3A_1459 = tpu.vector_load %arg5[%get3A_1458] {strides = array<i32>} : memref<1280xf32, #tpu.memory_space<vmem>>, vector<16xf32>,
        %get3A_1460 = vector.shape_cast %get3A_1459 : vector<16xf32> to vector<16xf32>
        %add3A_1461 = arith.constant 112 : i32
        %add3A_1462 = arith.addi %mul3A_187, %add3A_1461 : i32
        %get3A_1463 = arith.index_cast %add3A_1462 : i32 to index
        %get3A_1464 = tpu.vector_load %arg5[%get3A_1463] {strides = array<i32>} : memref<1280xf32, #tpu.memory_space<vmem>>, vector<16xf32>,
        %get3A_1465 = vector.shape_cast %get3A_1464 : vector<16xf32> to vector<16xf32>
        %add3A_1466 = arith.constant 10 : i32
        %add3A_1467 = arith.addi %mul3A_93, %add3A_1466 : i32
        %mul3A_1468 = arith.constant 128 : i32
        %mul3A_1469 = arith.muli %add3A_1467, %mul3A_1468 : i32
        %add3A_1470 = arith.constant 0 : i32
        %add3A_1471 = arith.addi %mul3A_1469, %add3A_1470 : i32
        %swap3A_1472 = arith.index_cast %add3A_1471 : i32 to index
        %swap3A_1473 = tpu.vector_load %arg9[%swap3A_1472] {strides = array<i32>} : memref<32768xf32, #tpu.memory_space<vmem>>, vector<16xf32>,
        %swap3A_1474 = vector.shape_cast %swap3A_1473 : vector<16xf32> to vector<16xf32>
        %swap3A_1475 = vector.shape_cast %get3A_1430 : vector<16xf32> to vector<16xf32>
        tpu.vector_store %arg9[%swap3A_1472], %swap3A_1475 {strides = array<i32>} : memref<32768xf32, #tpu.memory_space<vmem>>, vector<16xf32>,
        %add3A_1476 = arith.constant 10 : i32
        %add3A_1477 = arith.addi %mul3A_93, %add3A_1476 : i32
        %mul3A_1478 = arith.constant 128 : i32
        %mul3A_1479 = arith.muli %add3A_1477, %mul3A_1478 : i32
        %add3A_1480 = arith.constant 16 : i32
        %add3A_1481 = arith.addi %mul3A_1479, %add3A_1480 : i32
        %swap3A_1482 = arith.index_cast %add3A_1481 : i32 to index
        %swap3A_1483 = tpu.vector_load %arg9[%swap3A_1482] {strides = array<i32>} : memref<32768xf32, #tpu.memory_space<vmem>>, vector<16xf32>,
        %swap3A_1484 = vector.shape_cast %swap3A_1483 : vector<16xf32> to vector<16xf32>
        %swap3A_1485 = vector.shape_cast %get3A_1435 : vector<16xf32> to vector<16xf32>
        tpu.vector_store %arg9[%swap3A_1482], %swap3A_1485 {strides = array<i32>} : memref<32768xf32, #tpu.memory_space<vmem>>, vector<16xf32>,
        %add3A_1486 = arith.constant 10 : i32
        %add3A_1487 = arith.addi %mul3A_93, %add3A_1486 : i32
        %mul3A_1488 = arith.constant 128 : i32
        %mul3A_1489 = arith.muli %add3A_1487, %mul3A_1488 : i32
        %add3A_1490 = arith.constant 32 : i32
        %add3A_1491 = arith.addi %mul3A_1489, %add3A_1490 : i32
        %swap3A_1492 = arith.index_cast %add3A_1491 : i32 to index
        %swap3A_1493 = tpu.vector_load %arg9[%swap3A_1492] {strides = array<i32>} : memref<32768xf32, #tpu.memory_space<vmem>>, vector<16xf32>,
        %swap3A_1494 = vector.shape_cast %swap3A_1493 : vector<16xf32> to vector<16xf32>
        %swap3A_1495 = vector.shape_cast %get3A_1440 : vector<16xf32> to vector<16xf32>
        tpu.vector_store %arg9[%swap3A_1492], %swap3A_1495 {strides = array<i32>} : memref<32768xf32, #tpu.memory_space<vmem>>, vector<16xf32>,
        %add3A_1496 = arith.constant 10 : i32
        %add3A_1497 = arith.addi %mul3A_93, %add3A_1496 : i32
        %mul3A_1498 = arith.constant 128 : i32
        %mul3A_1499 = arith.muli %add3A_1497, %mul3A_1498 : i32
        %add3A_1500 = arith.constant 48 : i32
        %add3A_1501 = arith.addi %mul3A_1499, %add3A_1500 : i32
        %swap3A_1502 = arith.index_cast %add3A_1501 : i32 to index
        %swap3A_1503 = tpu.vector_load %arg9[%swap3A_1502] {strides = array<i32>} : memref<32768xf32, #tpu.memory_space<vmem>>, vector<16xf32>,
        %swap3A_1504 = vector.shape_cast %swap3A_1503 : vector<16xf32> to vector<16xf32>
        %swap3A_1505 = vector.shape_cast %get3A_1445 : vector<16xf32> to vector<16xf32>
        tpu.vector_store %arg9[%swap3A_1502], %swap3A_1505 {strides = array<i32>} : memref<32768xf32, #tpu.memory_space<vmem>>, vector<16xf32>,
        %add3A_1506 = arith.constant 10 : i32
        %add3A_1507 = arith.addi %mul3A_93, %add3A_1506 : i32
        %mul3A_1508 = arith.constant 128 : i32
        %mul3A_1509 = arith.muli %add3A_1507, %mul3A_1508 : i32
        %add3A_1510 = arith.constant 64 : i32
        %add3A_1511 = arith.addi %mul3A_1509, %add3A_1510 : i32
        %swap3A_1512 = arith.index_cast %add3A_1511 : i32 to index
        %swap3A_1513 = tpu.vector_load %arg9[%swap3A_1512] {strides = array<i32>} : memref<32768xf32, #tpu.memory_space<vmem>>, vector<16xf32>,
        %swap3A_1514 = vector.shape_cast %swap3A_1513 : vector<16xf32> to vector<16xf32>
        %swap3A_1515 = vector.shape_cast %get3A_1450 : vector<16xf32> to vector<16xf32>
        tpu.vector_store %arg9[%swap3A_1512], %swap3A_1515 {strides = array<i32>} : memref<32768xf32, #tpu.memory_space<vmem>>, vector<16xf32>,
        %add3A_1516 = arith.constant 10 : i32
        %add3A_1517 = arith.addi %mul3A_93, %add3A_1516 : i32
        %mul3A_1518 = arith.constant 128 : i32
        %mul3A_1519 = arith.muli %add3A_1517, %mul3A_1518 : i32
        %add3A_1520 = arith.constant 80 : i32
        %add3A_1521 = arith.addi %mul3A_1519, %add3A_1520 : i32
        %swap3A_1522 = arith.index_cast %add3A_1521 : i32 to index
        %swap3A_1523 = tpu.vector_load %arg9[%swap3A_1522] {strides = array<i32>} : memref<32768xf32, #tpu.memory_space<vmem>>, vector<16xf32>,
        %swap3A_1524 = vector.shape_cast %swap3A_1523 : vector<16xf32> to vector<16xf32>
        %swap3A_1525 = vector.shape_cast %get3A_1455 : vector<16xf32> to vector<16xf32>
        tpu.vector_store %arg9[%swap3A_1522], %swap3A_1525 {strides = array<i32>} : memref<32768xf32, #tpu.memory_space<vmem>>, vector<16xf32>,
        %add3A_1526 = arith.constant 10 : i32
        %add3A_1527 = arith.addi %mul3A_93, %add3A_1526 : i32
        %mul3A_1528 = arith.constant 128 : i32
        %mul3A_1529 = arith.muli %add3A_1527, %mul3A_1528 : i32
        %add3A_1530 = arith.constant 96 : i32
        %add3A_1531 = arith.addi %mul3A_1529, %add3A_1530 : i32
        %swap3A_1532 = arith.index_cast %add3A_1531 : i32 to index
        %swap3A_1533 = tpu.vector_load %arg9[%swap3A_1532] {strides = array<i32>} : memref<32768xf32, #tpu.memory_space<vmem>>, vector<16xf32>,
        %swap3A_1534 = vector.shape_cast %swap3A_1533 : vector<16xf32> to vector<16xf32>
        %swap3A_1535 = vector.shape_cast %get3A_1460 : vector<16xf32> to vector<16xf32>
        tpu.vector_store %arg9[%swap3A_1532], %swap3A_1535 {strides = array<i32>} : memref<32768xf32, #tpu.memory_space<vmem>>, vector<16xf32>,
        %add3A_1536 = arith.constant 10 : i32
        %add3A_1537 = arith.addi %mul3A_93, %add3A_1536 : i32
        %mul3A_1538 = arith.constant 128 : i32
        %mul3A_1539 = arith.muli %add3A_1537, %mul3A_1538 : i32
        %add3A_1540 = arith.constant 112 : i32
        %add3A_1541 = arith.addi %mul3A_1539, %add3A_1540 : i32
        %swap3A_1542 = arith.index_cast %add3A_1541 : i32 to index
        %swap3A_1543 = tpu.vector_load %arg9[%swap3A_1542] {strides = array<i32>} : memref<32768xf32, #tpu.memory_space<vmem>>, vector<16xf32>,
        %swap3A_1544 = vector.shape_cast %swap3A_1543 : vector<16xf32> to vector<16xf32>
        %swap3A_1545 = vector.shape_cast %get3A_1465 : vector<16xf32> to vector<16xf32>
        tpu.vector_store %arg9[%swap3A_1542], %swap3A_1545 {strides = array<i32>} : memref<32768xf32, #tpu.memory_space<vmem>>, vector<16xf32>,
        %add3A_1546 = arith.constant 0 : i32
        %add3A_1547 = arith.addi %mul3A_192, %add3A_1546 : i32
        %get3A_1548 = arith.index_cast %add3A_1547 : i32 to index
        %get3A_1549 = tpu.vector_load %arg5[%get3A_1548] {strides = array<i32>} : memref<1280xf32, #tpu.memory_space<vmem>>, vector<16xf32>,
        %get3A_1550 = vector.shape_cast %get3A_1549 : vector<16xf32> to vector<16xf32>
        %add3A_1551 = arith.constant 16 : i32
        %add3A_1552 = arith.addi %mul3A_192, %add3A_1551 : i32
        %get3A_1553 = arith.index_cast %add3A_1552 : i32 to index
        %get3A_1554 = tpu.vector_load %arg5[%get3A_1553] {strides = array<i32>} : memref<1280xf32, #tpu.memory_space<vmem>>, vector<16xf32>,
        %get3A_1555 = vector.shape_cast %get3A_1554 : vector<16xf32> to vector<16xf32>
        %add3A_1556 = arith.constant 32 : i32
        %add3A_1557 = arith.addi %mul3A_192, %add3A_1556 : i32
        %get3A_1558 = arith.index_cast %add3A_1557 : i32 to index
        %get3A_1559 = tpu.vector_load %arg5[%get3A_1558] {strides = array<i32>} : memref<1280xf32, #tpu.memory_space<vmem>>, vector<16xf32>,
        %get3A_1560 = vector.shape_cast %get3A_1559 : vector<16xf32> to vector<16xf32>
        %add3A_1561 = arith.constant 48 : i32
        %add3A_1562 = arith.addi %mul3A_192, %add3A_1561 : i32
        %get3A_1563 = arith.index_cast %add3A_1562 : i32 to index
        %get3A_1564 = tpu.vector_load %arg5[%get3A_1563] {strides = array<i32>} : memref<1280xf32, #tpu.memory_space<vmem>>, vector<16xf32>,
        %get3A_1565 = vector.shape_cast %get3A_1564 : vector<16xf32> to vector<16xf32>
        %add3A_1566 = arith.constant 64 : i32
        %add3A_1567 = arith.addi %mul3A_192, %add3A_1566 : i32
        %get3A_1568 = arith.index_cast %add3A_1567 : i32 to index
        %get3A_1569 = tpu.vector_load %arg5[%get3A_1568] {strides = array<i32>} : memref<1280xf32, #tpu.memory_space<vmem>>, vector<16xf32>,
        %get3A_1570 = vector.shape_cast %get3A_1569 : vector<16xf32> to vector<16xf32>
        %add3A_1571 = arith.constant 80 : i32
        %add3A_1572 = arith.addi %mul3A_192, %add3A_1571 : i32
        %get3A_1573 = arith.index_cast %add3A_1572 : i32 to index
        %get3A_1574 = tpu.vector_load %arg5[%get3A_1573] {strides = array<i32>} : memref<1280xf32, #tpu.memory_space<vmem>>, vector<16xf32>,
        %get3A_1575 = vector.shape_cast %get3A_1574 : vector<16xf32> to vector<16xf32>
        %add3A_1576 = arith.constant 96 : i32
        %add3A_1577 = arith.addi %mul3A_192, %add3A_1576 : i32
        %get3A_1578 = arith.index_cast %add3A_1577 : i32 to index
        %get3A_1579 = tpu.vector_load %arg5[%get3A_1578] {strides = array<i32>} : memref<1280xf32, #tpu.memory_space<vmem>>, vector<16xf32>,
        %get3A_1580 = vector.shape_cast %get3A_1579 : vector<16xf32> to vector<16xf32>
        %add3A_1581 = arith.constant 112 : i32
        %add3A_1582 = arith.addi %mul3A_192, %add3A_1581 : i32
        %get3A_1583 = arith.index_cast %add3A_1582 : i32 to index
        %get3A_1584 = tpu.vector_load %arg5[%get3A_1583] {strides = array<i32>} : memref<1280xf32, #tpu.memory_space<vmem>>, vector<16xf32>,
        %get3A_1585 = vector.shape_cast %get3A_1584 : vector<16xf32> to vector<16xf32>
        %add3A_1586 = arith.constant 11 : i32
        %add3A_1587 = arith.addi %mul3A_93, %add3A_1586 : i32
        %mul3A_1588 = arith.constant 128 : i32
        %mul3A_1589 = arith.muli %add3A_1587, %mul3A_1588 : i32
        %add3A_1590 = arith.constant 0 : i32
        %add3A_1591 = arith.addi %mul3A_1589, %add3A_1590 : i32
        %swap3A_1592 = arith.index_cast %add3A_1591 : i32 to index
        %swap3A_1593 = tpu.vector_load %arg9[%swap3A_1592] {strides = array<i32>} : memref<32768xf32, #tpu.memory_space<vmem>>, vector<16xf32>,
        %swap3A_1594 = vector.shape_cast %swap3A_1593 : vector<16xf32> to vector<16xf32>
        %swap3A_1595 = vector.shape_cast %get3A_1550 : vector<16xf32> to vector<16xf32>
        tpu.vector_store %arg9[%swap3A_1592], %swap3A_1595 {strides = array<i32>} : memref<32768xf32, #tpu.memory_space<vmem>>, vector<16xf32>,
        %add3A_1596 = arith.constant 11 : i32
        %add3A_1597 = arith.addi %mul3A_93, %add3A_1596 : i32
        %mul3A_1598 = arith.constant 128 : i32
        %mul3A_1599 = arith.muli %add3A_1597, %mul3A_1598 : i32
        %add3A_1600 = arith.constant 16 : i32
        %add3A_1601 = arith.addi %mul3A_1599, %add3A_1600 : i32
        %swap3A_1602 = arith.index_cast %add3A_1601 : i32 to index
        %swap3A_1603 = tpu.vector_load %arg9[%swap3A_1602] {strides = array<i32>} : memref<32768xf32, #tpu.memory_space<vmem>>, vector<16xf32>,
        %swap3A_1604 = vector.shape_cast %swap3A_1603 : vector<16xf32> to vector<16xf32>
        %swap3A_1605 = vector.shape_cast %get3A_1555 : vector<16xf32> to vector<16xf32>
        tpu.vector_store %arg9[%swap3A_1602], %swap3A_1605 {strides = array<i32>} : memref<32768xf32, #tpu.memory_space<vmem>>, vector<16xf32>,
        %add3A_1606 = arith.constant 11 : i32
        %add3A_1607 = arith.addi %mul3A_93, %add3A_1606 : i32
        %mul3A_1608 = arith.constant 128 : i32
        %mul3A_1609 = arith.muli %add3A_1607, %mul3A_1608 : i32
        %add3A_1610 = arith.constant 32 : i32
        %add3A_1611 = arith.addi %mul3A_1609, %add3A_1610 : i32
        %swap3A_1612 = arith.index_cast %add3A_1611 : i32 to index
        %swap3A_1613 = tpu.vector_load %arg9[%swap3A_1612] {strides = array<i32>} : memref<32768xf32, #tpu.memory_space<vmem>>, vector<16xf32>,
        %swap3A_1614 = vector.shape_cast %swap3A_1613 : vector<16xf32> to vector<16xf32>
        %swap3A_1615 = vector.shape_cast %get3A_1560 : vector<16xf32> to vector<16xf32>
        tpu.vector_store %arg9[%swap3A_1612], %swap3A_1615 {strides = array<i32>} : memref<32768xf32, #tpu.memory_space<vmem>>, vector<16xf32>,
        %add3A_1616 = arith.constant 11 : i32
        %add3A_1617 = arith.addi %mul3A_93, %add3A_1616 : i32
        %mul3A_1618 = arith.constant 128 : i32
        %mul3A_1619 = arith.muli %add3A_1617, %mul3A_1618 : i32
        %add3A_1620 = arith.constant 48 : i32
        %add3A_1621 = arith.addi %mul3A_1619, %add3A_1620 : i32
        %swap3A_1622 = arith.index_cast %add3A_1621 : i32 to index
        %swap3A_1623 = tpu.vector_load %arg9[%swap3A_1622] {strides = array<i32>} : memref<32768xf32, #tpu.memory_space<vmem>>, vector<16xf32>,
        %swap3A_1624 = vector.shape_cast %swap3A_1623 : vector<16xf32> to vector<16xf32>
        %swap3A_1625 = vector.shape_cast %get3A_1565 : vector<16xf32> to vector<16xf32>
        tpu.vector_store %arg9[%swap3A_1622], %swap3A_1625 {strides = array<i32>} : memref<32768xf32, #tpu.memory_space<vmem>>, vector<16xf32>,
        %add3A_1626 = arith.constant 11 : i32
        %add3A_1627 = arith.addi %mul3A_93, %add3A_1626 : i32
        %mul3A_1628 = arith.constant 128 : i32
        %mul3A_1629 = arith.muli %add3A_1627, %mul3A_1628 : i32
        %add3A_1630 = arith.constant 64 : i32
        %add3A_1631 = arith.addi %mul3A_1629, %add3A_1630 : i32
        %swap3A_1632 = arith.index_cast %add3A_1631 : i32 to index
        %swap3A_1633 = tpu.vector_load %arg9[%swap3A_1632] {strides = array<i32>} : memref<32768xf32, #tpu.memory_space<vmem>>, vector<16xf32>,
        %swap3A_1634 = vector.shape_cast %swap3A_1633 : vector<16xf32> to vector<16xf32>
        %swap3A_1635 = vector.shape_cast %get3A_1570 : vector<16xf32> to vector<16xf32>
        tpu.vector_store %arg9[%swap3A_1632], %swap3A_1635 {strides = array<i32>} : memref<32768xf32, #tpu.memory_space<vmem>>, vector<16xf32>,
        %add3A_1636 = arith.constant 11 : i32
        %add3A_1637 = arith.addi %mul3A_93, %add3A_1636 : i32
        %mul3A_1638 = arith.constant 128 : i32
        %mul3A_1639 = arith.muli %add3A_1637, %mul3A_1638 : i32
        %add3A_1640 = arith.constant 80 : i32
        %add3A_1641 = arith.addi %mul3A_1639, %add3A_1640 : i32
        %swap3A_1642 = arith.index_cast %add3A_1641 : i32 to index
        %swap3A_1643 = tpu.vector_load %arg9[%swap3A_1642] {strides = array<i32>} : memref<32768xf32, #tpu.memory_space<vmem>>, vector<16xf32>,
        %swap3A_1644 = vector.shape_cast %swap3A_1643 : vector<16xf32> to vector<16xf32>
        %swap3A_1645 = vector.shape_cast %get3A_1575 : vector<16xf32> to vector<16xf32>
        tpu.vector_store %arg9[%swap3A_1642], %swap3A_1645 {strides = array<i32>} : memref<32768xf32, #tpu.memory_space<vmem>>, vector<16xf32>,
        %add3A_1646 = arith.constant 11 : i32
        %add3A_1647 = arith.addi %mul3A_93, %add3A_1646 : i32
        %mul3A_1648 = arith.constant 128 : i32
        %mul3A_1649 = arith.muli %add3A_1647, %mul3A_1648 : i32
        %add3A_1650 = arith.constant 96 : i32
        %add3A_1651 = arith.addi %mul3A_1649, %add3A_1650 : i32
        %swap3A_1652 = arith.index_cast %add3A_1651 : i32 to index
        %swap3A_1653 = tpu.vector_load %arg9[%swap3A_1652] {strides = array<i32>} : memref<32768xf32, #tpu.memory_space<vmem>>, vector<16xf32>,
        %swap3A_1654 = vector.shape_cast %swap3A_1653 : vector<16xf32> to vector<16xf32>
        %swap3A_1655 = vector.shape_cast %get3A_1580 : vector<16xf32> to vector<16xf32>
        tpu.vector_store %arg9[%swap3A_1652], %swap3A_1655 {strides = array<i32>} : memref<32768xf32, #tpu.memory_space<vmem>>, vector<16xf32>,
        %add3A_1656 = arith.constant 11 : i32
        %add3A_1657 = arith.addi %mul3A_93, %add3A_1656 : i32
        %mul3A_1658 = arith.constant 128 : i32
        %mul3A_1659 = arith.muli %add3A_1657, %mul3A_1658 : i32
        %add3A_1660 = arith.constant 112 : i32
        %add3A_1661 = arith.addi %mul3A_1659, %add3A_1660 : i32
        %swap3A_1662 = arith.index_cast %add3A_1661 : i32 to index
        %swap3A_1663 = tpu.vector_load %arg9[%swap3A_1662] {strides = array<i32>} : memref<32768xf32, #tpu.memory_space<vmem>>, vector<16xf32>,
        %swap3A_1664 = vector.shape_cast %swap3A_1663 : vector<16xf32> to vector<16xf32>
        %swap3A_1665 = vector.shape_cast %get3A_1585 : vector<16xf32> to vector<16xf32>
        tpu.vector_store %arg9[%swap3A_1662], %swap3A_1665 {strides = array<i32>} : memref<32768xf32, #tpu.memory_space<vmem>>, vector<16xf32>,
        %add3A_1666 = arith.constant 0 : i32
        %add3A_1667 = arith.addi %mul3A_204, %add3A_1666 : i32
        %get3A_1668 = arith.index_cast %add3A_1667 : i32 to index
        %get3A_1669 = tpu.vector_load %arg5[%get3A_1668] {strides = array<i32>} : memref<1280xf32, #tpu.memory_space<vmem>>, vector<16xf32>,
        %get3A_1670 = vector.shape_cast %get3A_1669 : vector<16xf32> to vector<16xf32>
        %add3A_1671 = arith.constant 16 : i32
        %add3A_1672 = arith.addi %mul3A_204, %add3A_1671 : i32
        %get3A_1673 = arith.index_cast %add3A_1672 : i32 to index
        %get3A_1674 = tpu.vector_load %arg5[%get3A_1673] {strides = array<i32>} : memref<1280xf32, #tpu.memory_space<vmem>>, vector<16xf32>,
        %get3A_1675 = vector.shape_cast %get3A_1674 : vector<16xf32> to vector<16xf32>
        %add3A_1676 = arith.constant 32 : i32
        %add3A_1677 = arith.addi %mul3A_204, %add3A_1676 : i32
        %get3A_1678 = arith.index_cast %add3A_1677 : i32 to index
        %get3A_1679 = tpu.vector_load %arg5[%get3A_1678] {strides = array<i32>} : memref<1280xf32, #tpu.memory_space<vmem>>, vector<16xf32>,
        %get3A_1680 = vector.shape_cast %get3A_1679 : vector<16xf32> to vector<16xf32>
        %add3A_1681 = arith.constant 48 : i32
        %add3A_1682 = arith.addi %mul3A_204, %add3A_1681 : i32
        %get3A_1683 = arith.index_cast %add3A_1682 : i32 to index
        %get3A_1684 = tpu.vector_load %arg5[%get3A_1683] {strides = array<i32>} : memref<1280xf32, #tpu.memory_space<vmem>>, vector<16xf32>,
        %get3A_1685 = vector.shape_cast %get3A_1684 : vector<16xf32> to vector<16xf32>
        %add3A_1686 = arith.constant 64 : i32
        %add3A_1687 = arith.addi %mul3A_204, %add3A_1686 : i32
        %get3A_1688 = arith.index_cast %add3A_1687 : i32 to index
        %get3A_1689 = tpu.vector_load %arg5[%get3A_1688] {strides = array<i32>} : memref<1280xf32, #tpu.memory_space<vmem>>, vector<16xf32>,
        %get3A_1690 = vector.shape_cast %get3A_1689 : vector<16xf32> to vector<16xf32>
        %add3A_1691 = arith.constant 80 : i32
        %add3A_1692 = arith.addi %mul3A_204, %add3A_1691 : i32
        %get3A_1693 = arith.index_cast %add3A_1692 : i32 to index
        %get3A_1694 = tpu.vector_load %arg5[%get3A_1693] {strides = array<i32>} : memref<1280xf32, #tpu.memory_space<vmem>>, vector<16xf32>,
        %get3A_1695 = vector.shape_cast %get3A_1694 : vector<16xf32> to vector<16xf32>
        %add3A_1696 = arith.constant 96 : i32
        %add3A_1697 = arith.addi %mul3A_204, %add3A_1696 : i32
        %get3A_1698 = arith.index_cast %add3A_1697 : i32 to index
        %get3A_1699 = tpu.vector_load %arg5[%get3A_1698] {strides = array<i32>} : memref<1280xf32, #tpu.memory_space<vmem>>, vector<16xf32>,
        %get3A_1700 = vector.shape_cast %get3A_1699 : vector<16xf32> to vector<16xf32>
        %add3A_1701 = arith.constant 112 : i32
        %add3A_1702 = arith.addi %mul3A_204, %add3A_1701 : i32
        %get3A_1703 = arith.index_cast %add3A_1702 : i32 to index
        %get3A_1704 = tpu.vector_load %arg5[%get3A_1703] {strides = array<i32>} : memref<1280xf32, #tpu.memory_space<vmem>>, vector<16xf32>,
        %get3A_1705 = vector.shape_cast %get3A_1704 : vector<16xf32> to vector<16xf32>
        %add3A_1706 = arith.constant 12 : i32
        %add3A_1707 = arith.addi %mul3A_93, %add3A_1706 : i32
        %mul3A_1708 = arith.constant 128 : i32
        %mul3A_1709 = arith.muli %add3A_1707, %mul3A_1708 : i32
        %add3A_1710 = arith.constant 0 : i32
        %add3A_1711 = arith.addi %mul3A_1709, %add3A_1710 : i32
        %swap3A_1712 = arith.index_cast %add3A_1711 : i32 to index
        %swap3A_1713 = tpu.vector_load %arg9[%swap3A_1712] {strides = array<i32>} : memref<32768xf32, #tpu.memory_space<vmem>>, vector<16xf32>,
        %swap3A_1714 = vector.shape_cast %swap3A_1713 : vector<16xf32> to vector<16xf32>
        %swap3A_1715 = vector.shape_cast %get3A_1670 : vector<16xf32> to vector<16xf32>
        tpu.vector_store %arg9[%swap3A_1712], %swap3A_1715 {strides = array<i32>} : memref<32768xf32, #tpu.memory_space<vmem>>, vector<16xf32>,
        %add3A_1716 = arith.constant 12 : i32
        %add3A_1717 = arith.addi %mul3A_93, %add3A_1716 : i32
        %mul3A_1718 = arith.constant 128 : i32
        %mul3A_1719 = arith.muli %add3A_1717, %mul3A_1718 : i32
        %add3A_1720 = arith.constant 16 : i32
        %add3A_1721 = arith.addi %mul3A_1719, %add3A_1720 : i32
        %swap3A_1722 = arith.index_cast %add3A_1721 : i32 to index
        %swap3A_1723 = tpu.vector_load %arg9[%swap3A_1722] {strides = array<i32>} : memref<32768xf32, #tpu.memory_space<vmem>>, vector<16xf32>,
        %swap3A_1724 = vector.shape_cast %swap3A_1723 : vector<16xf32> to vector<16xf32>
        %swap3A_1725 = vector.shape_cast %get3A_1675 : vector<16xf32> to vector<16xf32>
        tpu.vector_store %arg9[%swap3A_1722], %swap3A_1725 {strides = array<i32>} : memref<32768xf32, #tpu.memory_space<vmem>>, vector<16xf32>,
        %add3A_1726 = arith.constant 12 : i32
        %add3A_1727 = arith.addi %mul3A_93, %add3A_1726 : i32
        %mul3A_1728 = arith.constant 128 : i32
        %mul3A_1729 = arith.muli %add3A_1727, %mul3A_1728 : i32
        %add3A_1730 = arith.constant 32 : i32
        %add3A_1731 = arith.addi %mul3A_1729, %add3A_1730 : i32
        %swap3A_1732 = arith.index_cast %add3A_1731 : i32 to index
        %swap3A_1733 = tpu.vector_load %arg9[%swap3A_1732] {strides = array<i32>} : memref<32768xf32, #tpu.memory_space<vmem>>, vector<16xf32>,
        %swap3A_1734 = vector.shape_cast %swap3A_1733 : vector<16xf32> to vector<16xf32>
        %swap3A_1735 = vector.shape_cast %get3A_1680 : vector<16xf32> to vector<16xf32>
        tpu.vector_store %arg9[%swap3A_1732], %swap3A_1735 {strides = array<i32>} : memref<32768xf32, #tpu.memory_space<vmem>>, vector<16xf32>,
        %add3A_1736 = arith.constant 12 : i32
        %add3A_1737 = arith.addi %mul3A_93, %add3A_1736 : i32
        %mul3A_1738 = arith.constant 128 : i32
        %mul3A_1739 = arith.muli %add3A_1737, %mul3A_1738 : i32
        %add3A_1740 = arith.constant 48 : i32
        %add3A_1741 = arith.addi %mul3A_1739, %add3A_1740 : i32
        %swap3A_1742 = arith.index_cast %add3A_1741 : i32 to index
        %swap3A_1743 = tpu.vector_load %arg9[%swap3A_1742] {strides = array<i32>} : memref<32768xf32, #tpu.memory_space<vmem>>, vector<16xf32>,
        %swap3A_1744 = vector.shape_cast %swap3A_1743 : vector<16xf32> to vector<16xf32>
        %swap3A_1745 = vector.shape_cast %get3A_1685 : vector<16xf32> to vector<16xf32>
        tpu.vector_store %arg9[%swap3A_1742], %swap3A_1745 {strides = array<i32>} : memref<32768xf32, #tpu.memory_space<vmem>>, vector<16xf32>,
        %add3A_1746 = arith.constant 12 : i32
        %add3A_1747 = arith.addi %mul3A_93, %add3A_1746 : i32
        %mul3A_1748 = arith.constant 128 : i32
        %mul3A_1749 = arith.muli %add3A_1747, %mul3A_1748 : i32
        %add3A_1750 = arith.constant 64 : i32
        %add3A_1751 = arith.addi %mul3A_1749, %add3A_1750 : i32
        %swap3A_1752 = arith.index_cast %add3A_1751 : i32 to index
        %swap3A_1753 = tpu.vector_load %arg9[%swap3A_1752] {strides = array<i32>} : memref<32768xf32, #tpu.memory_space<vmem>>, vector<16xf32>,
        %swap3A_1754 = vector.shape_cast %swap3A_1753 : vector<16xf32> to vector<16xf32>
        %swap3A_1755 = vector.shape_cast %get3A_1690 : vector<16xf32> to vector<16xf32>
        tpu.vector_store %arg9[%swap3A_1752], %swap3A_1755 {strides = array<i32>} : memref<32768xf32, #tpu.memory_space<vmem>>, vector<16xf32>,
        %add3A_1756 = arith.constant 12 : i32
        %add3A_1757 = arith.addi %mul3A_93, %add3A_1756 : i32
        %mul3A_1758 = arith.constant 128 : i32
        %mul3A_1759 = arith.muli %add3A_1757, %mul3A_1758 : i32
        %add3A_1760 = arith.constant 80 : i32
        %add3A_1761 = arith.addi %mul3A_1759, %add3A_1760 : i32
        %swap3A_1762 = arith.index_cast %add3A_1761 : i32 to index
        %swap3A_1763 = tpu.vector_load %arg9[%swap3A_1762] {strides = array<i32>} : memref<32768xf32, #tpu.memory_space<vmem>>, vector<16xf32>,
        %swap3A_1764 = vector.shape_cast %swap3A_1763 : vector<16xf32> to vector<16xf32>
        %swap3A_1765 = vector.shape_cast %get3A_1695 : vector<16xf32> to vector<16xf32>
        tpu.vector_store %arg9[%swap3A_1762], %swap3A_1765 {strides = array<i32>} : memref<32768xf32, #tpu.memory_space<vmem>>, vector<16xf32>,
        %add3A_1766 = arith.constant 12 : i32
        %add3A_1767 = arith.addi %mul3A_93, %add3A_1766 : i32
        %mul3A_1768 = arith.constant 128 : i32
        %mul3A_1769 = arith.muli %add3A_1767, %mul3A_1768 : i32
        %add3A_1770 = arith.constant 96 : i32
        %add3A_1771 = arith.addi %mul3A_1769, %add3A_1770 : i32
        %swap3A_1772 = arith.index_cast %add3A_1771 : i32 to index
        %swap3A_1773 = tpu.vector_load %arg9[%swap3A_1772] {strides = array<i32>} : memref<32768xf32, #tpu.memory_space<vmem>>, vector<16xf32>,
        %swap3A_1774 = vector.shape_cast %swap3A_1773 : vector<16xf32> to vector<16xf32>
        %swap3A_1775 = vector.shape_cast %get3A_1700 : vector<16xf32> to vector<16xf32>
        tpu.vector_store %arg9[%swap3A_1772], %swap3A_1775 {strides = array<i32>} : memref<32768xf32, #tpu.memory_space<vmem>>, vector<16xf32>,
        %add3A_1776 = arith.constant 12 : i32
        %add3A_1777 = arith.addi %mul3A_93, %add3A_1776 : i32
        %mul3A_1778 = arith.constant 128 : i32
        %mul3A_1779 = arith.muli %add3A_1777, %mul3A_1778 : i32
        %add3A_1780 = arith.constant 112 : i32
        %add3A_1781 = arith.addi %mul3A_1779, %add3A_1780 : i32
        %swap3A_1782 = arith.index_cast %add3A_1781 : i32 to index
        %swap3A_1783 = tpu.vector_load %arg9[%swap3A_1782] {strides = array<i32>} : memref<32768xf32, #tpu.memory_space<vmem>>, vector<16xf32>,
        %swap3A_1784 = vector.shape_cast %swap3A_1783 : vector<16xf32> to vector<16xf32>
        %swap3A_1785 = vector.shape_cast %get3A_1705 : vector<16xf32> to vector<16xf32>
        tpu.vector_store %arg9[%swap3A_1782], %swap3A_1785 {strides = array<i32>} : memref<32768xf32, #tpu.memory_space<vmem>>, vector<16xf32>,
        %add3A_1786 = arith.constant 0 : i32
        %add3A_1787 = arith.addi %mul3A_209, %add3A_1786 : i32
        %get3A_1788 = arith.index_cast %add3A_1787 : i32 to index
        %get3A_1789 = tpu.vector_load %arg5[%get3A_1788] {strides = array<i32>} : memref<1280xf32, #tpu.memory_space<vmem>>, vector<16xf32>,
        %get3A_1790 = vector.shape_cast %get3A_1789 : vector<16xf32> to vector<16xf32>
        %add3A_1791 = arith.constant 16 : i32
        %add3A_1792 = arith.addi %mul3A_209, %add3A_1791 : i32
        %get3A_1793 = arith.index_cast %add3A_1792 : i32 to index
        %get3A_1794 = tpu.vector_load %arg5[%get3A_1793] {strides = array<i32>} : memref<1280xf32, #tpu.memory_space<vmem>>, vector<16xf32>,
        %get3A_1795 = vector.shape_cast %get3A_1794 : vector<16xf32> to vector<16xf32>
        %add3A_1796 = arith.constant 32 : i32
        %add3A_1797 = arith.addi %mul3A_209, %add3A_1796 : i32
        %get3A_1798 = arith.index_cast %add3A_1797 : i32 to index
        %get3A_1799 = tpu.vector_load %arg5[%get3A_1798] {strides = array<i32>} : memref<1280xf32, #tpu.memory_space<vmem>>, vector<16xf32>,
        %get3A_1800 = vector.shape_cast %get3A_1799 : vector<16xf32> to vector<16xf32>
        %add3A_1801 = arith.constant 48 : i32
        %add3A_1802 = arith.addi %mul3A_209, %add3A_1801 : i32
        %get3A_1803 = arith.index_cast %add3A_1802 : i32 to index
        %get3A_1804 = tpu.vector_load %arg5[%get3A_1803] {strides = array<i32>} : memref<1280xf32, #tpu.memory_space<vmem>>, vector<16xf32>,
        %get3A_1805 = vector.shape_cast %get3A_1804 : vector<16xf32> to vector<16xf32>
        %add3A_1806 = arith.constant 64 : i32
        %add3A_1807 = arith.addi %mul3A_209, %add3A_1806 : i32
        %get3A_1808 = arith.index_cast %add3A_1807 : i32 to index
        %get3A_1809 = tpu.vector_load %arg5[%get3A_1808] {strides = array<i32>} : memref<1280xf32, #tpu.memory_space<vmem>>, vector<16xf32>,
        %get3A_1810 = vector.shape_cast %get3A_1809 : vector<16xf32> to vector<16xf32>
        %add3A_1811 = arith.constant 80 : i32
        %add3A_1812 = arith.addi %mul3A_209, %add3A_1811 : i32
        %get3A_1813 = arith.index_cast %add3A_1812 : i32 to index
        %get3A_1814 = tpu.vector_load %arg5[%get3A_1813] {strides = array<i32>} : memref<1280xf32, #tpu.memory_space<vmem>>, vector<16xf32>,
        %get3A_1815 = vector.shape_cast %get3A_1814 : vector<16xf32> to vector<16xf32>
        %add3A_1816 = arith.constant 96 : i32
        %add3A_1817 = arith.addi %mul3A_209, %add3A_1816 : i32
        %get3A_1818 = arith.index_cast %add3A_1817 : i32 to index
        %get3A_1819 = tpu.vector_load %arg5[%get3A_1818] {strides = array<i32>} : memref<1280xf32, #tpu.memory_space<vmem>>, vector<16xf32>,
        %get3A_1820 = vector.shape_cast %get3A_1819 : vector<16xf32> to vector<16xf32>
        %add3A_1821 = arith.constant 112 : i32
        %add3A_1822 = arith.addi %mul3A_209, %add3A_1821 : i32
        %get3A_1823 = arith.index_cast %add3A_1822 : i32 to index
        %get3A_1824 = tpu.vector_load %arg5[%get3A_1823] {strides = array<i32>} : memref<1280xf32, #tpu.memory_space<vmem>>, vector<16xf32>,
        %get3A_1825 = vector.shape_cast %get3A_1824 : vector<16xf32> to vector<16xf32>
        %add3A_1826 = arith.constant 13 : i32
        %add3A_1827 = arith.addi %mul3A_93, %add3A_1826 : i32
        %mul3A_1828 = arith.constant 128 : i32
        %mul3A_1829 = arith.muli %add3A_1827, %mul3A_1828 : i32
        %add3A_1830 = arith.constant 0 : i32
        %add3A_1831 = arith.addi %mul3A_1829, %add3A_1830 : i32
        %swap3A_1832 = arith.index_cast %add3A_1831 : i32 to index
        %swap3A_1833 = tpu.vector_load %arg9[%swap3A_1832] {strides = array<i32>} : memref<32768xf32, #tpu.memory_space<vmem>>, vector<16xf32>,
        %swap3A_1834 = vector.shape_cast %swap3A_1833 : vector<16xf32> to vector<16xf32>
        %swap3A_1835 = vector.shape_cast %get3A_1790 : vector<16xf32> to vector<16xf32>
        tpu.vector_store %arg9[%swap3A_1832], %swap3A_1835 {strides = array<i32>} : memref<32768xf32, #tpu.memory_space<vmem>>, vector<16xf32>,
        %add3A_1836 = arith.constant 13 : i32
        %add3A_1837 = arith.addi %mul3A_93, %add3A_1836 : i32
        %mul3A_1838 = arith.constant 128 : i32
        %mul3A_1839 = arith.muli %add3A_1837, %mul3A_1838 : i32
        %add3A_1840 = arith.constant 16 : i32
        %add3A_1841 = arith.addi %mul3A_1839, %add3A_1840 : i32
        %swap3A_1842 = arith.index_cast %add3A_1841 : i32 to index
        %swap3A_1843 = tpu.vector_load %arg9[%swap3A_1842] {strides = array<i32>} : memref<32768xf32, #tpu.memory_space<vmem>>, vector<16xf32>,
        %swap3A_1844 = vector.shape_cast %swap3A_1843 : vector<16xf32> to vector<16xf32>
        %swap3A_1845 = vector.shape_cast %get3A_1795 : vector<16xf32> to vector<16xf32>
        tpu.vector_store %arg9[%swap3A_1842], %swap3A_1845 {strides = array<i32>} : memref<32768xf32, #tpu.memory_space<vmem>>, vector<16xf32>,
        %add3A_1846 = arith.constant 13 : i32
        %add3A_1847 = arith.addi %mul3A_93, %add3A_1846 : i32
        %mul3A_1848 = arith.constant 128 : i32
        %mul3A_1849 = arith.muli %add3A_1847, %mul3A_1848 : i32
        %add3A_1850 = arith.constant 32 : i32
        %add3A_1851 = arith.addi %mul3A_1849, %add3A_1850 : i32
        %swap3A_1852 = arith.index_cast %add3A_1851 : i32 to index
        %swap3A_1853 = tpu.vector_load %arg9[%swap3A_1852] {strides = array<i32>} : memref<32768xf32, #tpu.memory_space<vmem>>, vector<16xf32>,
        %swap3A_1854 = vector.shape_cast %swap3A_1853 : vector<16xf32> to vector<16xf32>
        %swap3A_1855 = vector.shape_cast %get3A_1800 : vector<16xf32> to vector<16xf32>
        tpu.vector_store %arg9[%swap3A_1852], %swap3A_1855 {strides = array<i32>} : memref<32768xf32, #tpu.memory_space<vmem>>, vector<16xf32>,
        %add3A_1856 = arith.constant 13 : i32
        %add3A_1857 = arith.addi %mul3A_93, %add3A_1856 : i32
        %mul3A_1858 = arith.constant 128 : i32
        %mul3A_1859 = arith.muli %add3A_1857, %mul3A_1858 : i32
        %add3A_1860 = arith.constant 48 : i32
        %add3A_1861 = arith.addi %mul3A_1859, %add3A_1860 : i32
        %swap3A_1862 = arith.index_cast %add3A_1861 : i32 to index
        %swap3A_1863 = tpu.vector_load %arg9[%swap3A_1862] {strides = array<i32>} : memref<32768xf32, #tpu.memory_space<vmem>>, vector<16xf32>,
        %swap3A_1864 = vector.shape_cast %swap3A_1863 : vector<16xf32> to vector<16xf32>
        %swap3A_1865 = vector.shape_cast %get3A_1805 : vector<16xf32> to vector<16xf32>
        tpu.vector_store %arg9[%swap3A_1862], %swap3A_1865 {strides = array<i32>} : memref<32768xf32, #tpu.memory_space<vmem>>, vector<16xf32>,
        %add3A_1866 = arith.constant 13 : i32
        %add3A_1867 = arith.addi %mul3A_93, %add3A_1866 : i32
        %mul3A_1868 = arith.constant 128 : i32
        %mul3A_1869 = arith.muli %add3A_1867, %mul3A_1868 : i32
        %add3A_1870 = arith.constant 64 : i32
        %add3A_1871 = arith.addi %mul3A_1869, %add3A_1870 : i32
        %swap3A_1872 = arith.index_cast %add3A_1871 : i32 to index
        %swap3A_1873 = tpu.vector_load %arg9[%swap3A_1872] {strides = array<i32>} : memref<32768xf32, #tpu.memory_space<vmem>>, vector<16xf32>,
        %swap3A_1874 = vector.shape_cast %swap3A_1873 : vector<16xf32> to vector<16xf32>
        %swap3A_1875 = vector.shape_cast %get3A_1810 : vector<16xf32> to vector<16xf32>
        tpu.vector_store %arg9[%swap3A_1872], %swap3A_1875 {strides = array<i32>} : memref<32768xf32, #tpu.memory_space<vmem>>, vector<16xf32>,
        %add3A_1876 = arith.constant 13 : i32
        %add3A_1877 = arith.addi %mul3A_93, %add3A_1876 : i32
        %mul3A_1878 = arith.constant 128 : i32
        %mul3A_1879 = arith.muli %add3A_1877, %mul3A_1878 : i32
        %add3A_1880 = arith.constant 80 : i32
        %add3A_1881 = arith.addi %mul3A_1879, %add3A_1880 : i32
        %swap3A_1882 = arith.index_cast %add3A_1881 : i32 to index
        %swap3A_1883 = tpu.vector_load %arg9[%swap3A_1882] {strides = array<i32>} : memref<32768xf32, #tpu.memory_space<vmem>>, vector<16xf32>,
        %swap3A_1884 = vector.shape_cast %swap3A_1883 : vector<16xf32> to vector<16xf32>
        %swap3A_1885 = vector.shape_cast %get3A_1815 : vector<16xf32> to vector<16xf32>
        tpu.vector_store %arg9[%swap3A_1882], %swap3A_1885 {strides = array<i32>} : memref<32768xf32, #tpu.memory_space<vmem>>, vector<16xf32>,
        %add3A_1886 = arith.constant 13 : i32
        %add3A_1887 = arith.addi %mul3A_93, %add3A_1886 : i32
        %mul3A_1888 = arith.constant 128 : i32
        %mul3A_1889 = arith.muli %add3A_1887, %mul3A_1888 : i32
        %add3A_1890 = arith.constant 96 : i32
        %add3A_1891 = arith.addi %mul3A_1889, %add3A_1890 : i32
        %swap3A_1892 = arith.index_cast %add3A_1891 : i32 to index
        %swap3A_1893 = tpu.vector_load %arg9[%swap3A_1892] {strides = array<i32>} : memref<32768xf32, #tpu.memory_space<vmem>>, vector<16xf32>,
        %swap3A_1894 = vector.shape_cast %swap3A_1893 : vector<16xf32> to vector<16xf32>
        %swap3A_1895 = vector.shape_cast %get3A_1820 : vector<16xf32> to vector<16xf32>
        tpu.vector_store %arg9[%swap3A_1892], %swap3A_1895 {strides = array<i32>} : memref<32768xf32, #tpu.memory_space<vmem>>, vector<16xf32>,
        %add3A_1896 = arith.constant 13 : i32
        %add3A_1897 = arith.addi %mul3A_93, %add3A_1896 : i32
        %mul3A_1898 = arith.constant 128 : i32
        %mul3A_1899 = arith.muli %add3A_1897, %mul3A_1898 : i32
        %add3A_1900 = arith.constant 112 : i32
        %add3A_1901 = arith.addi %mul3A_1899, %add3A_1900 : i32
        %swap3A_1902 = arith.index_cast %add3A_1901 : i32 to index
        %swap3A_1903 = tpu.vector_load %arg9[%swap3A_1902] {strides = array<i32>} : memref<32768xf32, #tpu.memory_space<vmem>>, vector<16xf32>,
        %swap3A_1904 = vector.shape_cast %swap3A_1903 : vector<16xf32> to vector<16xf32>
        %swap3A_1905 = vector.shape_cast %get3A_1825 : vector<16xf32> to vector<16xf32>
        tpu.vector_store %arg9[%swap3A_1902], %swap3A_1905 {strides = array<i32>} : memref<32768xf32, #tpu.memory_space<vmem>>, vector<16xf32>,
        %add3A_1906 = arith.constant 0 : i32
        %add3A_1907 = arith.addi %mul3A_221, %add3A_1906 : i32
        %get3A_1908 = arith.index_cast %add3A_1907 : i32 to index
        %get3A_1909 = tpu.vector_load %arg5[%get3A_1908] {strides = array<i32>} : memref<1280xf32, #tpu.memory_space<vmem>>, vector<16xf32>,
        %get3A_1910 = vector.shape_cast %get3A_1909 : vector<16xf32> to vector<16xf32>
        %add3A_1911 = arith.constant 16 : i32
        %add3A_1912 = arith.addi %mul3A_221, %add3A_1911 : i32
        %get3A_1913 = arith.index_cast %add3A_1912 : i32 to index
        %get3A_1914 = tpu.vector_load %arg5[%get3A_1913] {strides = array<i32>} : memref<1280xf32, #tpu.memory_space<vmem>>, vector<16xf32>,
        %get3A_1915 = vector.shape_cast %get3A_1914 : vector<16xf32> to vector<16xf32>
        %add3A_1916 = arith.constant 32 : i32
        %add3A_1917 = arith.addi %mul3A_221, %add3A_1916 : i32
        %get3A_1918 = arith.index_cast %add3A_1917 : i32 to index
        %get3A_1919 = tpu.vector_load %arg5[%get3A_1918] {strides = array<i32>} : memref<1280xf32, #tpu.memory_space<vmem>>, vector<16xf32>,
        %get3A_1920 = vector.shape_cast %get3A_1919 : vector<16xf32> to vector<16xf32>
        %add3A_1921 = arith.constant 48 : i32
        %add3A_1922 = arith.addi %mul3A_221, %add3A_1921 : i32
        %get3A_1923 = arith.index_cast %add3A_1922 : i32 to index
        %get3A_1924 = tpu.vector_load %arg5[%get3A_1923] {strides = array<i32>} : memref<1280xf32, #tpu.memory_space<vmem>>, vector<16xf32>,
        %get3A_1925 = vector.shape_cast %get3A_1924 : vector<16xf32> to vector<16xf32>
        %add3A_1926 = arith.constant 64 : i32
        %add3A_1927 = arith.addi %mul3A_221, %add3A_1926 : i32
        %get3A_1928 = arith.index_cast %add3A_1927 : i32 to index
        %get3A_1929 = tpu.vector_load %arg5[%get3A_1928] {strides = array<i32>} : memref<1280xf32, #tpu.memory_space<vmem>>, vector<16xf32>,
        %get3A_1930 = vector.shape_cast %get3A_1929 : vector<16xf32> to vector<16xf32>
        %add3A_1931 = arith.constant 80 : i32
        %add3A_1932 = arith.addi %mul3A_221, %add3A_1931 : i32
        %get3A_1933 = arith.index_cast %add3A_1932 : i32 to index
        %get3A_1934 = tpu.vector_load %arg5[%get3A_1933] {strides = array<i32>} : memref<1280xf32, #tpu.memory_space<vmem>>, vector<16xf32>,
        %get3A_1935 = vector.shape_cast %get3A_1934 : vector<16xf32> to vector<16xf32>
        %add3A_1936 = arith.constant 96 : i32
        %add3A_1937 = arith.addi %mul3A_221, %add3A_1936 : i32
        %get3A_1938 = arith.index_cast %add3A_1937 : i32 to index
        %get3A_1939 = tpu.vector_load %arg5[%get3A_1938] {strides = array<i32>} : memref<1280xf32, #tpu.memory_space<vmem>>, vector<16xf32>,
        %get3A_1940 = vector.shape_cast %get3A_1939 : vector<16xf32> to vector<16xf32>
        %add3A_1941 = arith.constant 112 : i32
        %add3A_1942 = arith.addi %mul3A_221, %add3A_1941 : i32
        %get3A_1943 = arith.index_cast %add3A_1942 : i32 to index
        %get3A_1944 = tpu.vector_load %arg5[%get3A_1943] {strides = array<i32>} : memref<1280xf32, #tpu.memory_space<vmem>>, vector<16xf32>,
        %get3A_1945 = vector.shape_cast %get3A_1944 : vector<16xf32> to vector<16xf32>
        %add3A_1946 = arith.constant 14 : i32
        %add3A_1947 = arith.addi %mul3A_93, %add3A_1946 : i32
        %mul3A_1948 = arith.constant 128 : i32
        %mul3A_1949 = arith.muli %add3A_1947, %mul3A_1948 : i32
        %add3A_1950 = arith.constant 0 : i32
        %add3A_1951 = arith.addi %mul3A_1949, %add3A_1950 : i32
        %swap3A_1952 = arith.index_cast %add3A_1951 : i32 to index
        %swap3A_1953 = tpu.vector_load %arg9[%swap3A_1952] {strides = array<i32>} : memref<32768xf32, #tpu.memory_space<vmem>>, vector<16xf32>,
        %swap3A_1954 = vector.shape_cast %swap3A_1953 : vector<16xf32> to vector<16xf32>
        %swap3A_1955 = vector.shape_cast %get3A_1910 : vector<16xf32> to vector<16xf32>
        tpu.vector_store %arg9[%swap3A_1952], %swap3A_1955 {strides = array<i32>} : memref<32768xf32, #tpu.memory_space<vmem>>, vector<16xf32>,
        %add3A_1956 = arith.constant 14 : i32
        %add3A_1957 = arith.addi %mul3A_93, %add3A_1956 : i32
        %mul3A_1958 = arith.constant 128 : i32
        %mul3A_1959 = arith.muli %add3A_1957, %mul3A_1958 : i32
        %add3A_1960 = arith.constant 16 : i32
        %add3A_1961 = arith.addi %mul3A_1959, %add3A_1960 : i32
        %swap3A_1962 = arith.index_cast %add3A_1961 : i32 to index
        %swap3A_1963 = tpu.vector_load %arg9[%swap3A_1962] {strides = array<i32>} : memref<32768xf32, #tpu.memory_space<vmem>>, vector<16xf32>,
        %swap3A_1964 = vector.shape_cast %swap3A_1963 : vector<16xf32> to vector<16xf32>
        %swap3A_1965 = vector.shape_cast %get3A_1915 : vector<16xf32> to vector<16xf32>
        tpu.vector_store %arg9[%swap3A_1962], %swap3A_1965 {strides = array<i32>} : memref<32768xf32, #tpu.memory_space<vmem>>, vector<16xf32>,
        %add3A_1966 = arith.constant 14 : i32
        %add3A_1967 = arith.addi %mul3A_93, %add3A_1966 : i32
        %mul3A_1968 = arith.constant 128 : i32
        %mul3A_1969 = arith.muli %add3A_1967, %mul3A_1968 : i32
        %add3A_1970 = arith.constant 32 : i32
        %add3A_1971 = arith.addi %mul3A_1969, %add3A_1970 : i32
        %swap3A_1972 = arith.index_cast %add3A_1971 : i32 to index
        %swap3A_1973 = tpu.vector_load %arg9[%swap3A_1972] {strides = array<i32>} : memref<32768xf32, #tpu.memory_space<vmem>>, vector<16xf32>,
        %swap3A_1974 = vector.shape_cast %swap3A_1973 : vector<16xf32> to vector<16xf32>
        %swap3A_1975 = vector.shape_cast %get3A_1920 : vector<16xf32> to vector<16xf32>
        tpu.vector_store %arg9[%swap3A_1972], %swap3A_1975 {strides = array<i32>} : memref<32768xf32, #tpu.memory_space<vmem>>, vector<16xf32>,
        %add3A_1976 = arith.constant 14 : i32
        %add3A_1977 = arith.addi %mul3A_93, %add3A_1976 : i32
        %mul3A_1978 = arith.constant 128 : i32
        %mul3A_1979 = arith.muli %add3A_1977, %mul3A_1978 : i32
        %add3A_1980 = arith.constant 48 : i32
        %add3A_1981 = arith.addi %mul3A_1979, %add3A_1980 : i32
        %swap3A_1982 = arith.index_cast %add3A_1981 : i32 to index
        %swap3A_1983 = tpu.vector_load %arg9[%swap3A_1982] {strides = array<i32>} : memref<32768xf32, #tpu.memory_space<vmem>>, vector<16xf32>,
        %swap3A_1984 = vector.shape_cast %swap3A_1983 : vector<16xf32> to vector<16xf32>
        %swap3A_1985 = vector.shape_cast %get3A_1925 : vector<16xf32> to vector<16xf32>
        tpu.vector_store %arg9[%swap3A_1982], %swap3A_1985 {strides = array<i32>} : memref<32768xf32, #tpu.memory_space<vmem>>, vector<16xf32>,
        %add3A_1986 = arith.constant 14 : i32
        %add3A_1987 = arith.addi %mul3A_93, %add3A_1986 : i32
        %mul3A_1988 = arith.constant 128 : i32
        %mul3A_1989 = arith.muli %add3A_1987, %mul3A_1988 : i32
        %add3A_1990 = arith.constant 64 : i32
        %add3A_1991 = arith.addi %mul3A_1989, %add3A_1990 : i32
        %swap3A_1992 = arith.index_cast %add3A_1991 : i32 to index
        %swap3A_1993 = tpu.vector_load %arg9[%swap3A_1992] {strides = array<i32>} : memref<32768xf32, #tpu.memory_space<vmem>>, vector<16xf32>,
        %swap3A_1994 = vector.shape_cast %swap3A_1993 : vector<16xf32> to vector<16xf32>
        %swap3A_1995 = vector.shape_cast %get3A_1930 : vector<16xf32> to vector<16xf32>
        tpu.vector_store %arg9[%swap3A_1992], %swap3A_1995 {strides = array<i32>} : memref<32768xf32, #tpu.memory_space<vmem>>, vector<16xf32>,
        %add3A_1996 = arith.constant 14 : i32
        %add3A_1997 = arith.addi %mul3A_93, %add3A_1996 : i32
        %mul3A_1998 = arith.constant 128 : i32
        %mul3A_1999 = arith.muli %add3A_1997, %mul3A_1998 : i32
        %add3A_2000 = arith.constant 80 : i32
        %add3A_2001 = arith.addi %mul3A_1999, %add3A_2000 : i32
        %swap3A_2002 = arith.index_cast %add3A_2001 : i32 to index
        %swap3A_2003 = tpu.vector_load %arg9[%swap3A_2002] {strides = array<i32>} : memref<32768xf32, #tpu.memory_space<vmem>>, vector<16xf32>,
        %swap3A_2004 = vector.shape_cast %swap3A_2003 : vector<16xf32> to vector<16xf32>
        %swap3A_2005 = vector.shape_cast %get3A_1935 : vector<16xf32> to vector<16xf32>
        tpu.vector_store %arg9[%swap3A_2002], %swap3A_2005 {strides = array<i32>} : memref<32768xf32, #tpu.memory_space<vmem>>, vector<16xf32>,
        %add3A_2006 = arith.constant 14 : i32
        %add3A_2007 = arith.addi %mul3A_93, %add3A_2006 : i32
        %mul3A_2008 = arith.constant 128 : i32
        %mul3A_2009 = arith.muli %add3A_2007, %mul3A_2008 : i32
        %add3A_2010 = arith.constant 96 : i32
        %add3A_2011 = arith.addi %mul3A_2009, %add3A_2010 : i32
        %swap3A_2012 = arith.index_cast %add3A_2011 : i32 to index
        %swap3A_2013 = tpu.vector_load %arg9[%swap3A_2012] {strides = array<i32>} : memref<32768xf32, #tpu.memory_space<vmem>>, vector<16xf32>,
        %swap3A_2014 = vector.shape_cast %swap3A_2013 : vector<16xf32> to vector<16xf32>
        %swap3A_2015 = vector.shape_cast %get3A_1940 : vector<16xf32> to vector<16xf32>
        tpu.vector_store %arg9[%swap3A_2012], %swap3A_2015 {strides = array<i32>} : memref<32768xf32, #tpu.memory_space<vmem>>, vector<16xf32>,
        %add3A_2016 = arith.constant 14 : i32
        %add3A_2017 = arith.addi %mul3A_93, %add3A_2016 : i32
        %mul3A_2018 = arith.constant 128 : i32
        %mul3A_2019 = arith.muli %add3A_2017, %mul3A_2018 : i32
        %add3A_2020 = arith.constant 112 : i32
        %add3A_2021 = arith.addi %mul3A_2019, %add3A_2020 : i32
        %swap3A_2022 = arith.index_cast %add3A_2021 : i32 to index
        %swap3A_2023 = tpu.vector_load %arg9[%swap3A_2022] {strides = array<i32>} : memref<32768xf32, #tpu.memory_space<vmem>>, vector<16xf32>,
        %swap3A_2024 = vector.shape_cast %swap3A_2023 : vector<16xf32> to vector<16xf32>
        %swap3A_2025 = vector.shape_cast %get3A_1945 : vector<16xf32> to vector<16xf32>
        tpu.vector_store %arg9[%swap3A_2022], %swap3A_2025 {strides = array<i32>} : memref<32768xf32, #tpu.memory_space<vmem>>, vector<16xf32>,
        %add3A_2026 = arith.constant 0 : i32
        %add3A_2027 = arith.addi %mul3A_226, %add3A_2026 : i32
        %get3A_2028 = arith.index_cast %add3A_2027 : i32 to index
        %get3A_2029 = tpu.vector_load %arg5[%get3A_2028] {strides = array<i32>} : memref<1280xf32, #tpu.memory_space<vmem>>, vector<16xf32>,
        %get3A_2030 = vector.shape_cast %get3A_2029 : vector<16xf32> to vector<16xf32>
        %add3A_2031 = arith.constant 16 : i32
        %add3A_2032 = arith.addi %mul3A_226, %add3A_2031 : i32
        %get3A_2033 = arith.index_cast %add3A_2032 : i32 to index
        %get3A_2034 = tpu.vector_load %arg5[%get3A_2033] {strides = array<i32>} : memref<1280xf32, #tpu.memory_space<vmem>>, vector<16xf32>,
        %get3A_2035 = vector.shape_cast %get3A_2034 : vector<16xf32> to vector<16xf32>
        %add3A_2036 = arith.constant 32 : i32
        %add3A_2037 = arith.addi %mul3A_226, %add3A_2036 : i32
        %get3A_2038 = arith.index_cast %add3A_2037 : i32 to index
        %get3A_2039 = tpu.vector_load %arg5[%get3A_2038] {strides = array<i32>} : memref<1280xf32, #tpu.memory_space<vmem>>, vector<16xf32>,
        %get3A_2040 = vector.shape_cast %get3A_2039 : vector<16xf32> to vector<16xf32>
        %add3A_2041 = arith.constant 48 : i32
        %add3A_2042 = arith.addi %mul3A_226, %add3A_2041 : i32
        %get3A_2043 = arith.index_cast %add3A_2042 : i32 to index
        %get3A_2044 = tpu.vector_load %arg5[%get3A_2043] {strides = array<i32>} : memref<1280xf32, #tpu.memory_space<vmem>>, vector<16xf32>,
        %get3A_2045 = vector.shape_cast %get3A_2044 : vector<16xf32> to vector<16xf32>
        %add3A_2046 = arith.constant 64 : i32
        %add3A_2047 = arith.addi %mul3A_226, %add3A_2046 : i32
        %get3A_2048 = arith.index_cast %add3A_2047 : i32 to index
        %get3A_2049 = tpu.vector_load %arg5[%get3A_2048] {strides = array<i32>} : memref<1280xf32, #tpu.memory_space<vmem>>, vector<16xf32>,
        %get3A_2050 = vector.shape_cast %get3A_2049 : vector<16xf32> to vector<16xf32>
        %add3A_2051 = arith.constant 80 : i32
        %add3A_2052 = arith.addi %mul3A_226, %add3A_2051 : i32
        %get3A_2053 = arith.index_cast %add3A_2052 : i32 to index
        %get3A_2054 = tpu.vector_load %arg5[%get3A_2053] {strides = array<i32>} : memref<1280xf32, #tpu.memory_space<vmem>>, vector<16xf32>,
        %get3A_2055 = vector.shape_cast %get3A_2054 : vector<16xf32> to vector<16xf32>
        %add3A_2056 = arith.constant 96 : i32
        %add3A_2057 = arith.addi %mul3A_226, %add3A_2056 : i32
        %get3A_2058 = arith.index_cast %add3A_2057 : i32 to index
        %get3A_2059 = tpu.vector_load %arg5[%get3A_2058] {strides = array<i32>} : memref<1280xf32, #tpu.memory_space<vmem>>, vector<16xf32>,
        %get3A_2060 = vector.shape_cast %get3A_2059 : vector<16xf32> to vector<16xf32>
        %add3A_2061 = arith.constant 112 : i32
        %add3A_2062 = arith.addi %mul3A_226, %add3A_2061 : i32
        %get3A_2063 = arith.index_cast %add3A_2062 : i32 to index
        %get3A_2064 = tpu.vector_load %arg5[%get3A_2063] {strides = array<i32>} : memref<1280xf32, #tpu.memory_space<vmem>>, vector<16xf32>,
        %get3A_2065 = vector.shape_cast %get3A_2064 : vector<16xf32> to vector<16xf32>
        %add3A_2066 = arith.constant 15 : i32
        %add3A_2067 = arith.addi %mul3A_93, %add3A_2066 : i32
        %mul3A_2068 = arith.constant 128 : i32
        %mul3A_2069 = arith.muli %add3A_2067, %mul3A_2068 : i32
        %add3A_2070 = arith.constant 0 : i32
        %add3A_2071 = arith.addi %mul3A_2069, %add3A_2070 : i32
        %swap3A_2072 = arith.index_cast %add3A_2071 : i32 to index
        %swap3A_2073 = tpu.vector_load %arg9[%swap3A_2072] {strides = array<i32>} : memref<32768xf32, #tpu.memory_space<vmem>>, vector<16xf32>,
        %swap3A_2074 = vector.shape_cast %swap3A_2073 : vector<16xf32> to vector<16xf32>
        %swap3A_2075 = vector.shape_cast %get3A_2030 : vector<16xf32> to vector<16xf32>
        tpu.vector_store %arg9[%swap3A_2072], %swap3A_2075 {strides = array<i32>} : memref<32768xf32, #tpu.memory_space<vmem>>, vector<16xf32>,
        %add3A_2076 = arith.constant 15 : i32
        %add3A_2077 = arith.addi %mul3A_93, %add3A_2076 : i32
        %mul3A_2078 = arith.constant 128 : i32
        %mul3A_2079 = arith.muli %add3A_2077, %mul3A_2078 : i32
        %add3A_2080 = arith.constant 16 : i32
        %add3A_2081 = arith.addi %mul3A_2079, %add3A_2080 : i32
        %swap3A_2082 = arith.index_cast %add3A_2081 : i32 to index
        %swap3A_2083 = tpu.vector_load %arg9[%swap3A_2082] {strides = array<i32>} : memref<32768xf32, #tpu.memory_space<vmem>>, vector<16xf32>,
        %swap3A_2084 = vector.shape_cast %swap3A_2083 : vector<16xf32> to vector<16xf32>
        %swap3A_2085 = vector.shape_cast %get3A_2035 : vector<16xf32> to vector<16xf32>
        tpu.vector_store %arg9[%swap3A_2082], %swap3A_2085 {strides = array<i32>} : memref<32768xf32, #tpu.memory_space<vmem>>, vector<16xf32>,
        %add3A_2086 = arith.constant 15 : i32
        %add3A_2087 = arith.addi %mul3A_93, %add3A_2086 : i32
        %mul3A_2088 = arith.constant 128 : i32
        %mul3A_2089 = arith.muli %add3A_2087, %mul3A_2088 : i32
        %add3A_2090 = arith.constant 32 : i32
        %add3A_2091 = arith.addi %mul3A_2089, %add3A_2090 : i32
        %swap3A_2092 = arith.index_cast %add3A_2091 : i32 to index
        %swap3A_2093 = tpu.vector_load %arg9[%swap3A_2092] {strides = array<i32>} : memref<32768xf32, #tpu.memory_space<vmem>>, vector<16xf32>,
        %swap3A_2094 = vector.shape_cast %swap3A_2093 : vector<16xf32> to vector<16xf32>
        %swap3A_2095 = vector.shape_cast %get3A_2040 : vector<16xf32> to vector<16xf32>
        tpu.vector_store %arg9[%swap3A_2092], %swap3A_2095 {strides = array<i32>} : memref<32768xf32, #tpu.memory_space<vmem>>, vector<16xf32>,
        %add3A_2096 = arith.constant 15 : i32
        %add3A_2097 = arith.addi %mul3A_93, %add3A_2096 : i32
        %mul3A_2098 = arith.constant 128 : i32
        %mul3A_2099 = arith.muli %add3A_2097, %mul3A_2098 : i32
        %add3A_2100 = arith.constant 48 : i32
        %add3A_2101 = arith.addi %mul3A_2099, %add3A_2100 : i32
        %swap3A_2102 = arith.index_cast %add3A_2101 : i32 to index
        %swap3A_2103 = tpu.vector_load %arg9[%swap3A_2102] {strides = array<i32>} : memref<32768xf32, #tpu.memory_space<vmem>>, vector<16xf32>,
        %swap3A_2104 = vector.shape_cast %swap3A_2103 : vector<16xf32> to vector<16xf32>
        %swap3A_2105 = vector.shape_cast %get3A_2045 : vector<16xf32> to vector<16xf32>
        tpu.vector_store %arg9[%swap3A_2102], %swap3A_2105 {strides = array<i32>} : memref<32768xf32, #tpu.memory_space<vmem>>, vector<16xf32>,
        %add3A_2106 = arith.constant 15 : i32
        %add3A_2107 = arith.addi %mul3A_93, %add3A_2106 : i32
        %mul3A_2108 = arith.constant 128 : i32
        %mul3A_2109 = arith.muli %add3A_2107, %mul3A_2108 : i32
        %add3A_2110 = arith.constant 64 : i32
        %add3A_2111 = arith.addi %mul3A_2109, %add3A_2110 : i32
        %swap3A_2112 = arith.index_cast %add3A_2111 : i32 to index
        %swap3A_2113 = tpu.vector_load %arg9[%swap3A_2112] {strides = array<i32>} : memref<32768xf32, #tpu.memory_space<vmem>>, vector<16xf32>,
        %swap3A_2114 = vector.shape_cast %swap3A_2113 : vector<16xf32> to vector<16xf32>
        %swap3A_2115 = vector.shape_cast %get3A_2050 : vector<16xf32> to vector<16xf32>
        tpu.vector_store %arg9[%swap3A_2112], %swap3A_2115 {strides = array<i32>} : memref<32768xf32, #tpu.memory_space<vmem>>, vector<16xf32>,
        %add3A_2116 = arith.constant 15 : i32
        %add3A_2117 = arith.addi %mul3A_93, %add3A_2116 : i32
        %mul3A_2118 = arith.constant 128 : i32
        %mul3A_2119 = arith.muli %add3A_2117, %mul3A_2118 : i32
        %add3A_2120 = arith.constant 80 : i32
        %add3A_2121 = arith.addi %mul3A_2119, %add3A_2120 : i32
        %swap3A_2122 = arith.index_cast %add3A_2121 : i32 to index
        %swap3A_2123 = tpu.vector_load %arg9[%swap3A_2122] {strides = array<i32>} : memref<32768xf32, #tpu.memory_space<vmem>>, vector<16xf32>,
        %swap3A_2124 = vector.shape_cast %swap3A_2123 : vector<16xf32> to vector<16xf32>
        %swap3A_2125 = vector.shape_cast %get3A_2055 : vector<16xf32> to vector<16xf32>
        tpu.vector_store %arg9[%swap3A_2122], %swap3A_2125 {strides = array<i32>} : memref<32768xf32, #tpu.memory_space<vmem>>, vector<16xf32>,
        %add3A_2126 = arith.constant 15 : i32
        %add3A_2127 = arith.addi %mul3A_93, %add3A_2126 : i32
        %mul3A_2128 = arith.constant 128 : i32
        %mul3A_2129 = arith.muli %add3A_2127, %mul3A_2128 : i32
        %add3A_2130 = arith.constant 96 : i32
        %add3A_2131 = arith.addi %mul3A_2129, %add3A_2130 : i32
        %swap3A_2132 = arith.index_cast %add3A_2131 : i32 to index
        %swap3A_2133 = tpu.vector_load %arg9[%swap3A_2132] {strides = array<i32>} : memref<32768xf32, #tpu.memory_space<vmem>>, vector<16xf32>,
        %swap3A_2134 = vector.shape_cast %swap3A_2133 : vector<16xf32> to vector<16xf32>
        %swap3A_2135 = vector.shape_cast %get3A_2060 : vector<16xf32> to vector<16xf32>
        tpu.vector_store %arg9[%swap3A_2132], %swap3A_2135 {strides = array<i32>} : memref<32768xf32, #tpu.memory_space<vmem>>, vector<16xf32>,
        %add3A_2136 = arith.constant 15 : i32
        %add3A_2137 = arith.addi %mul3A_93, %add3A_2136 : i32
        %mul3A_2138 = arith.constant 128 : i32
        %mul3A_2139 = arith.muli %add3A_2137, %mul3A_2138 : i32
        %add3A_2140 = arith.constant 112 : i32
        %add3A_2141 = arith.addi %mul3A_2139, %add3A_2140 : i32
        %swap3A_2142 = arith.index_cast %add3A_2141 : i32 to index
        %swap3A_2143 = tpu.vector_load %arg9[%swap3A_2142] {strides = array<i32>} : memref<32768xf32, #tpu.memory_space<vmem>>, vector<16xf32>,
        %swap3A_2144 = vector.shape_cast %swap3A_2143 : vector<16xf32> to vector<16xf32>
        %swap3A_2145 = vector.shape_cast %get3A_2065 : vector<16xf32> to vector<16xf32>
        tpu.vector_store %arg9[%swap3A_2142], %swap3A_2145 {strides = array<i32>} : memref<32768xf32, #tpu.memory_space<vmem>>, vector<16xf32>,
      }
      %scan3A_78 = arith.constant 16 : i32
      %lt3A_79 = arith.constant 199 : i32
      %lt3A_80 = arith.cmpi slt, %scan3A_30, %lt3A_79 : i32
      %convert_element_type3A_81 = arith.extui %lt3A_80 : i1 to i32
      %cond3A_82 = arith.constant 0 : i32
      %cond3A_83 = arith.cmpi ne, %convert_element_type3A_81, %cond3A_82 : i32
      scf.if %cond3A_83 {
        %add3A_91 = arith.constant 2 : i32
        %add3A_92 = arith.addi %add3A_34, %add3A_91 : i32
        %mul3A_93 = arith.constant 256 : i32
        %mul3A_94 = arith.muli %add3A_92, %mul3A_93 : i32
        %add3A_95 = arith.addi %mul3A_2, %mul3A_94 : i32
        %mul3A_96 = arith.constant 8 : i32
        %mul3A_97 = arith.muli %add3A_95, %mul3A_96 : i32
        %dma_start3A_98 = tpu.memref_slice %arg2[%mul3A_97] : memref<26214400xf32, #tpu.memory_space<hbm>> -> memref<2048xf32, #tpu.memory_space<hbm>>
        %dma_start3A_99 = tpu.memref_slice %arg2[%mul3A_97] : memref<26214400xf32, #tpu.memory_space<hbm>> -> memref<2048xf32, #tpu.memory_space<hbm>>
        tpu.enqueue_dma source(%dma_start3A_99 : memref<2048xf32, #tpu.memory_space<hbm>>) target(%arg7 : memref<2048xf32, #tpu.memory_space<vmem>>) target_semaphore(%arg11 : memref<!tpu.dma_semaphore, #tpu.memory_space<semaphore_mem>>)
      } else {
      }
      %mul3A_84 = arith.constant 256 : i32
      %mul3A_85 = arith.muli %add3A_34, %mul3A_84 : i32
      %add3A_86 = arith.addi %mul3A_2, %mul3A_85 : i32
      %mul3A_87 = arith.constant 128 : i32
      %mul3A_88 = arith.muli %add3A_86, %mul3A_87 : i32
      %dma_start3A_89 = tpu.memref_slice %arg4[%mul3A_88] : memref<419430400xf32, #tpu.memory_space<hbm>> -> memref<32768xf32, #tpu.memory_space<hbm>>
      %dma_start3A_90 = tpu.memref_slice %arg4[%mul3A_88] : memref<419430400xf32, #tpu.memory_space<hbm>> -> memref<32768xf32, #tpu.memory_space<hbm>>
      tpu.enqueue_dma source(%arg9 : memref<32768xf32, #tpu.memory_space<vmem>>) target(%dma_start3A_90 : memref<32768xf32, #tpu.memory_space<hbm>>) target_semaphore(%arg13 : memref<!tpu.dma_semaphore, #tpu.memory_space<semaphore_mem>>)
    }
    %scan3A_18 = arith.constant 200 : i32
    %add3A_19 = arith.constant 101888 : i32
    %add3A_20 = arith.addi %mul3A_2, %add3A_19 : i32
    %mul3A_21 = arith.constant 128 : i32
    %mul3A_22 = arith.muli %add3A_20, %mul3A_21 : i32
    %dma_wait3A = tpu.memref_slice %arg4[%mul3A_22] : memref<419430400xf32, #tpu.memory_space<hbm>> -> memref<32768xf32, #tpu.memory_space<hbm>>
    %dma_wait3A_23 = tpu.memref_slice %arg4[%mul3A_22] : memref<419430400xf32, #tpu.memory_space<hbm>> -> memref<32768xf32, #tpu.memory_space<hbm>>
    tpu.wait_dma2 semaphore(%arg12 : memref<!tpu.dma_semaphore, #tpu.memory_space<semaphore_mem>>) src(%arg8 : memref<32768xf32, #tpu.memory_space<vmem>>) dst(%dma_wait3A_23 : memref<32768xf32, #tpu.memory_space<hbm>>)
    %add3A_24 = arith.constant 102144 : i32
    %add3A_25 = arith.addi %mul3A_2, %add3A_24 : i32
    %mul3A_26 = arith.constant 128 : i32
    %mul3A_27 = arith.muli %add3A_25, %mul3A_26 : i32
    %dma_wait3A_28 = tpu.memref_slice %arg4[%mul3A_27] : memref<419430400xf32, #tpu.memory_space<hbm>> -> memref<32768xf32, #tpu.memory_space<hbm>>
    %dma_wait3A_29 = tpu.memref_slice %arg4[%mul3A_27] : memref<419430400xf32, #tpu.memory_space<hbm>> -> memref<32768xf32, #tpu.memory_space<hbm>>
    tpu.wait_dma2 semaphore(%arg13 : memref<!tpu.dma_semaphore, #tpu.memory_space<semaphore_mem>>) src(%arg9 : memref<32768xf32, #tpu.memory_space<vmem>>) dst(%dma_wait3A_29 : memref<32768xf32, #tpu.memory_space<hbm>>)
    return
  }
}

</mosaic_0001>

<sc_bundles>
// kernel: kernel.3.cloned.1.call-start
scs
__scs_entry_jumppad:
0x0: {  	(pc) =	sbr.rel $0x88, $3  }
0x1: {  	(tag) =	ssettag $0x0;
	lr =	simm.s32 $0x1  }
0x2: {  	[smem:$0x3F9F] =	sst lr;
	_ =	strace $0xD0000000  }
0x3: {  	_ = 	snop  }
0x4: {  	_ = 	snop  }
0x5: {  	_ = 	snop  }
0x6: {  	_ = 	snop  }
0x7: {  	_ = 	snop  }
__scs_overlays_trampoline_lowered:
0x8: {  	[smem:$0x3FAE] =	sst s0  }
0x9: {  	[smem:$0x3FAF] =	sst s1  }
0xa: {  	[smem:$0x3FB0] =	sst s2  }
0xb: {  	[smem:$0x3FB1] =	sst s3  }
0xc: {  	[smem:$0x3FB2] =	sst s4  }
0xd: {  	[smem:$0x3FB3] =	sst s5  }
0xe: {  	[smem:$0x3FB4] =	sst s6  }
0xf: {  	[smem:$0x3FB5] =	sst s7  }
0x10: {  	[smem:$0x3FB6] =	sst s8  }
0x11: {  	[smem:$0x3FB7] =	sst s9;
	s0 =	simm.s32 @!p0 $0x0  }
0x12: {  	s1 =	sld [smem:$0x3F9D];
	s0 =	simm.s32 @p0 $0x1  }
0x13: {  	[smem:$0x3FB8] =	sst s0;
	s0 =	simm.s32 @!p1 $0x0  }
0x14: {  	s2 =	sld [smem:$0x3F9C];
	s0 =	simm.s32 @p1 $0x1  }
0x15: {  	[smem:$0x3FB9] =	sst s0;
	s0 =	simm.s32 @!p2 $0x0  }
0x16: {  	s3 =	sld [smem:$0x3FDB];
	s0 =	simm.s32 @p2 $0x1  }
0x17: {  	s4 =	simm.s32 $0x1BF5;
	[smem:$0x3FBB] =	sst s0  }
0x18: {  	s0 =	sld [smem:$0x3F9E];
	_ =	swait.ge [sflag:s4], $0x0  }
0x19: {  	s7 =	sld [smem:$0x3F9F]  }
0x1a: {  	s8 =	sadd.s32 $0xFFFFE003, lr  }
0x1b: {  	s9 =	sadd.s32 $0xFFFFFEF7, lr;
	s5 =	simm.s32 $0xFFFFFFFF;
	p2 =	slt.u32 s8, $0xFFFFF086  }
0x1c: {  	p1 =	slt.u32 s9, $0xF7A;
	s5 =	simm.s32 @!p2 $0x0  }
0x1d: {  	s5 =	simm.s32 @p1 $0x1;
	p0 =	seq.s32 s7, s2  }
0x1e: {  	s7 =	smul.u32 @!p0 $0xF7A, s2;
	p2 =	seq.s32 @!p0 s5, $0x0  }
0x1f: {  	s9 =	smul.u32 $0xF7A, s1;
	s8 =	simm.s32 @!p0 $0x1BF5;
	p2 =	por !p2, p0  }
0x20: {  	[sflag:s8] =	ssyncset.s32 @!p0 $0xFFFFF086;
	s6 =	sadd.s32 @!p0 s3, s7;
	s7 =	simm.s32 @!p0 $0x108  }
0x21: {  	s3 =	sadd.s32 s3, s9;
	s6 =	sadd.s32 @!p0 $0x88, s6;
	s7 =	simm.s32 @p2 $0x1082  }
0x22: {  	[simem:s7], [sflag:s8] =	dma.local @!p0 [hbm:s6], $0xF7A  }
0x23: {  	s9 =	sor.u32 $0xD0000000, s2;
	s6 =	simm.s32 $0x108;
	_ =	swait.ge @!p0 [sflag:s8], $0x0  }
0x24: {  	s3 =	sadd.s32 $0x88, s3;
	s6 =	simm.s32 @!p1 $0x1082;
	[sflag:s4] =	ssyncset.s32 $0xFFFFF086  }
0x25: {  	[simem:s6], [sflag:s4] =	dma.local [hbm:s3], $0xF7A  }
0x26: {  	[smem:$0x3F9F] =	sst s1;
	(tag) =	ssettag s2;
	_ =	strace s9  }
0x27: {  	s1 =	sld [smem:$0x3FAF]  }
0x28: {  	s2 =	sld [smem:$0x3FB0]  }
0x29: {  	s4 =	sld [smem:$0x3FB2]  }
0x2a: {  	p0 =	seq.s32 s5, $0x0;
	s5 =	sld [smem:$0x3FB3]  }
0x2b: {  	s6 =	sld [smem:$0x3FB4]  }
0x2c: {  	s7 =	sld [smem:$0x3FB5]  }
0x2d: {  	s3 =	simm.s32 $0x108;
	s8 =	sld [smem:$0x3FB6]  }
0x2e: {  	s3 =	simm.s32 @!p0 $0x1082;
	s9 =	sld [smem:$0x3FB7]  }
0x2f: {  	lr =	sadd.s32 s0, s3;
	s0 =	sld [smem:$0x3FAE]  }
0x30: {  	s3 =	sld [smem:$0x3FB1]  }
0x31: {  	[smem:$0x3FBA] =	sst s10  }
0x32: {  	s10 =	sld [smem:$0x3FB8];
	_ =	sdelay $0x3  }
0x33: {  	p0 =	seq.s32 s10, $0x1;
	s10 =	sld [smem:$0x3FBA];
	_ =	sdelay $0x3  }
0x34: {  	[smem:$0x3FBA] =	sst s10  }
0x35: {  	s10 =	sld [smem:$0x3FB9];
	_ =	sdelay $0x3  }
0x36: {  	p1 =	seq.s32 s10, $0x1;
	s10 =	sld [smem:$0x3FBA];
	_ =	sdelay $0x3  }
0x37: {  	[smem:$0x3FBA] =	sst s10  }
0x38: {  	s10 =	sld [smem:$0x3FBB]  }
0x39: {  	_ = 	snop;
	(pc) =	sbr.ind lr, $3  }
0x3a: {  	_ = 	snop  }
0x3b: {  	_ = 	snop  }
0x3c: {  	p2 =	seq.s32 s10, $0x1;
	s10 =	sld [smem:$0x3FBA]  }
0x3d: {  	_ =	shalt  }
0x3e: {  	_ =	shalt  }
0x3f: {  	_ =	shalt  }
0x40: {  	_ =	shalt  }
0x41: {  	_ =	shalt  }
0x42: {  	_ =	shalt  }
0x43: {  	_ =	shalt  }
0x44: {  	_ =	shalt  }
0x45: {  	_ =	shalt  }
0x46: {  	_ =	shalt  }
0x47: {  	_ =	shalt  }
0x48: {  	_ =	shalt  }
0x49: {  	_ =	shalt  }
0x4a: {  	_ =	shalt  }
0x4b: {  	_ =	shalt  }
0x4c: {  	_ =	shalt  }
0x4d: {  	_ =	shalt  }
0x4e: {  	_ =	shalt  }
0x4f: {  	_ =	shalt  }
0x50: {  	_ =	shalt  }
0x51: {  	_ =	shalt  }
0x52: {  	_ =	shalt  }
0x53: {  	_ =	shalt  }
0x54: {  	_ =	shalt  }
0x55: {  	_ =	shalt  }
0x56: {  	_ =	shalt  }
0x57: {  	_ =	shalt  }
0x58: {  	_ =	shalt  }
0x59: {  	_ =	shalt  }
0x5a: {  	_ =	shalt  }
0x5b: {  	_ =	shalt  }
0x5c: {  	_ =	shalt  }
0x5d: {  	_ =	shalt  }
0x5e: {  	_ =	shalt  }
0x5f: {  	_ =	shalt  }
0x60: {  	_ =	shalt  }
0x61: {  	_ =	shalt  }
0x62: {  	_ =	shalt  }
0x63: {  	_ =	shalt  }
0x64: {  	_ =	shalt  }
0x65: {  	_ =	shalt  }
0x66: {  	_ =	shalt  }
0x67: {  	_ =	shalt  }
0x68: {  	_ =	shalt  }
0x69: {  	_ =	shalt  }
0x6a: {  	_ =	shalt  }
0x6b: {  	_ =	shalt  }
0x6c: {  	_ =	shalt  }
0x6d: {  	_ =	shalt  }
0x6e: {  	_ =	shalt  }
0x6f: {  	_ =	shalt  }
0x70: {  	_ =	shalt  }
0x71: {  	_ =	shalt  }
0x72: {  	_ =	shalt  }
0x73: {  	_ =	shalt  }
0x74: {  	_ =	shalt  }
0x75: {  	_ =	shalt  }
0x76: {  	_ =	shalt  }
0x77: {  	_ =	shalt  }
0x78: {  	_ =	shalt  }
0x79: {  	_ =	shalt  }
0x7a: {  	_ =	shalt  }
0x7b: {  	_ =	shalt  }
0x7c: {  	_ =	shalt  }
0x7d: {  	_ =	shalt  }
0x7e: {  	_ =	shalt  }
0x7f: {  	_ =	shalt  }
0x80: {  	_ =	shalt  }
0x81: {  	_ =	shalt  }
0x82: {  	_ =	shalt  }
0x83: {  	_ =	shalt  }
0x84: {  	_ =	shalt  }
0x85: {  	_ =	shalt  }
0x86: {  	_ =	shalt  }
0x87: {  	_ =	shalt  }
.Lfunc_end0:
.L_simem_size_0:
called_computation_lowered:
.L_overlay_start_0:
0x88: {  	s2 =	sld [smem:$0x3FD9]  }
0x89: {  	s3 =	sld [smem:$0x3FFE];
	_ =	sdelay $0x1  }
0x8a: {  	s1 =	srdreg.scid  }
0x8b: {  	s0 =	sand.u32 $0x1, s1  }
0x8c: {  	s17 =	sshll.u32 s0, $0xA;
	s2 =	sadd.s32 s3, s2  }
0x8d: {  	s2 =	sadd.s32 s2, s17  }
0x8e: {  	[smem:$0x3FC6] =	sst s2  }
0x8f: {  	_ = 	snop  }
0x90: {  	s2 =	sld [smem:$0x3FC8]  }
0x91: {  	s18 =	sld [smem:$0x3FD0];
	(tm) =	ssettm $0x1  }
0x92: {  	s4 =	sld [smem:$0x3FFB];
	_ =	sdelay $0x3  }
0x93: {  	_ =	strace s4  }
0x94: {  	s4 =	sld [smem:$0x3FFC];
	_ =	sdelay $0x3  }
0x95: {  	_ =	strace s4  }
0x96: {  	s4 =	sld [smem:$0x3FFD];
	_ =	sdelay $0x3  }
0x97: {  	_ =	strace s4  }
0x98: {  	_ =	strace $0x8FFFFFFF  }
0x99: {  	s19 =	sld [smem:$0x3FDB];
	_ =	sdelay $0x1  }
0x9a: {  	s5 =	simm.s32 $_scs_section_size  }
0x9b: {  	s6 =	simm.s32 $_size__tile_overlayer_lowered;
	s7 =	simm.s32 $_tile_overlayer_lowered  }
0x9c: {  	s22 =	simm.s32 $0x1BFF;
	s21 =	sshll.u32 s7, $0x1;
	s4 =	sadd.s32 s5, s19  }
0x9d: {  	s8 =	simm.s32 $0x0;
	s20 =	sshll.u32 s6, $0x1;
	s6 =	sadd.s32 s21, s4  }
0x9e: {  	[timem:s8], [sflag:s22] =	dma.local [hbm:s6], s20  }
0x9f: {  	_ =	swait.ge [sflag:s22], s20  }
0xa0: {  	s5 =	ssub.s32 $0x0, s20;
	[sflag:s22] =	ssyncset.done $0x0  }
0xa1: {  	[sflag:s22] =	ssyncadd.s32 s5;
	_ =	sdelay $0x1  }
0xa2: {  	s23 =	simm.s32 $0x1B8B  }
0xa3: {  	_ =	swait.ge [sflag:s23], $0x1  }
0xa4: {  	[sflag:s23] =	ssyncset.done $0x0  }
0xa5: {  	s25 =	simm.s32 $0x1B8E;
	s24 =	sld [smem:$0x3FFE];
	[sflag:s23] =	ssyncadd.s32 $0xFFFFFFFF  }
0xa6: {  	s26 =	simm.s32 $execute0_lowered;
	[smem:$0x3FD2] =	sst s25  }
0xa7: {  	s6 =	sshll.u32 s26, $0x1;
	_ =	strace $0x80000046;
	[dreg:$0x1] =	wrdreg $0xFFFFFFFF  }
0xa8: {  	s28 =	simm.s32 $_size_execute0_lowered;
	s4 =	sadd.s32 s4, s6;
	[dreg:$0x0] =	wrdreg $0x0  }
0xa9: {  	s6 =	sshll.u32 s28, $0x1;
	[dreg:$0x2] =	wrdreg s4  }
0xaa: {  	[dreg:$0x3] =	wrdreg s6  }
0xab: {  	[dreg:$0x4] =	wrdreg $0xC0  }
0xac: {  	_ =	task [dreg:s8], $0x5FFFF  }
0xad: {  	[dreg:$0x1] =	wrdreg $0xFFFFFFFF  }
0xae: {  	[dreg:$0x0] =	wrdreg $0x60  }
0xaf: {  	[dreg:$0x2] =	wrdreg s24  }
0xb0: {  	[dreg:$0x3] =	wrdreg s2  }
0xb1: {  	[dreg:$0x4] =	wrdreg s18  }
0xb2: {  	[dreg:$0x5] =	wrdreg $0x9  }
0xb3: {  	_ =	task.clear_ibuf [dreg:s8], $0x6FFFF;
	_ =	strace $0x90000046  }
0xb4: {  	s29 =	simm.s32 $0x9;
	_ =	strace $0x80000048  }
0xb5: {  	_ =	swait.ge [sflag:s29], $0x1  }
0xb6: {  	[sflag:s29] =	ssyncadd.s32 $0xFFFFFFFF  }
0xb7: {  	_ =	strace $0x90000048  }
0xb8: {  	_ =	sfence  }
0xb9: {  	s30 =	sld [smem:$0x0];
	_ =	sdelay $0x2  }
0xba: {  	s31 =	sshll.u32 s1, $0xD;
	s1 =	sshrl.u32 s1, $0x2  }
0xbb: {  	s3 =	sand.u32 $0x4000, s31;
	s1 =	sadd.s32 s1, s30  }
0xbc: {  	s0 =	sor.u32 s3, s0;
	s1 =	sshll.u32 s1, $0x11  }
0xbd: {  	s0 =	sor.u32 s1, s0  }
0xbe: {  	s0 =	sadd.s32 $0x8F2B, s0  }
0xbf: {  	[sflag:s0] =	ssyncadd.remote.s32 $0x1  }
0xc0: {  	_ =	sfence.sel $0xFFFF  }
0xc1: {  	[dreg:$0x0] =	wrdreg $0xFFFFFFFF;
	(pc) =	sbr.abs _section_cstart, $3  }
0xc2: {  	[dreg:$0x1] =	wrdreg $0xFFFFFFFF  }
0xc3: {  	_ =	task.clear_ibuf [dreg:s8], $0x2FFFF;
	_ =	strace $0x9FFFFFFF  }
0xc4: {  	(tm) =	ssettm $0x7FFFFFFF  }
0xc5: {  	_ =	shalt  }
tec
execute0_lowered:
.L_overlay_start_1:
0x0: {  	(tag) =	ssettag $0x1  }
0x1: {  	s5 =	rddreg [dreg:$0x0];
	s1 =	srdreg.scid  }
0x2: {  	s0 =	stileid.u32;
	s2 =	rddreg [dreg:$0x1]  }
0x3: {  	s3 =	rddreg [dreg:$0x2];
	s4 =	simm.s32 $0x0;
	s12 =	simm.s32 $0x5  }
0x4: {  	s13 =	simm.s32 $0x500;
	s14 =	simm.s32 $0xD00;
	s15 =	simm.s32 $0x1  }
0x5: {  	s16 =	simm.s32 $0x1500;
	s17 =	simm.s32 $0x2;
	s18 =	simm.s32 $0x9500  }
0x6: {  	s19 =	simm.s32 $0x3;
	s6 =	sand.u32 $0x1, s1;
	s30 =	sshll.u32 s0, $0x1  }
0x7: {  	s20 =	simm.s32 $0x4;
	s21 =	simm.s32 $0x0;
	s8 =	sor.u32 s6, s30  }
0x8: {  	[smem:$0x7FF] =	sst s4;
	s6 =	ssub.s32 $0x2, s6;
	s9 =	smul.u32 $0x19000, s8  }
0x9: {  	s1 =	rddreg [dreg:$0x3];
	_ =	strace $0x80000047;
	s31 =	sshrl.u32 s6, $0x1  }
0xa: {  	s8 =	smul.u32 $0xC80000, s8;
	s11 =	ssub.s32 s6, s31;
	s10 =	sadd.s32 s9, s5  }
0xb: {  	s9 =	sor.u32 $0x100, s9;
	s11 =	smax.u32 s11, $0x1;
	s5 =	sadd.s32 $0x400, s10  }
0xc: {  	s6 =	sadd.s32 $0x500, s10;
	s7 =	sadd.s32 $0x600, s10;
	s10 =	sadd.s32 $0x700, s10  }
.LBB2_1:
0xd: {  	[tilespmem:s4], [sflag:$0x5] =	stream.linear.gather [hbm4b:s2+s4], $0x500, $0x38;
	[tilespmem:$0x11500] =	vst v63  }
0xe: {  	_ =	swait.ge [sflag:s12], $0x500  }
0xf: {  	[sflag:s12] =	ssyncset.done $0x0  }
0x10: {  	[sflag:s12] =	ssyncadd.s32 $0xFFFFFB00  }
0x11: {  	[tilespmem:s13], [sflag:$0x1] =	stream.linear.gather [hbm4b:s5+s4], $0x800, $0x38;
	[tilespmem:$0x11500] =	vst v63  }
0x12: {  	s22 =	simm.s32 $0x0  }
0x13: {  	[tilespmem:s14], [sflag:$0x2] =	stream.linear.gather [hbm4b:s6+s4], $0x800, $0x38;
	[tilespmem:$0x11500] =	vst v63  }
.LBB2_2:
0x14: {  	_ =	swait.ge [sflag:s15], $0x800  }
0x15: {  	p0 =	seq.s32 s22, $0x0;
	[sflag:s15] =	ssyncset.done $0x0  }
0x16: {  	s24 =	simm.s32 @!p0 $0x3;
	[sflag:s15] =	ssyncadd.s32 $0xFFFFF800  }
0x17: {  	_ =	swait.ge @!p0 [sflag:s24], $0x8000  }
0x18: {  	s23 =	sshll.u32 s22, $0x9;
	[sflag:s24] =	ssyncset.done @!p0 $0x0  }
0x19: {  	s25 =	simm.s32 $0x1900;
	[sflag:s24] =	ssyncadd.s32 @!p0 $0xFFFF8000;
	s24 =	simm.s32 $0x0  }
.LBB2_3:
0x1a: {  	s26 =	sshra.s32 s24, $0x2  }
0x1b: {  	v0 =	vld [tilespmem:s26+$0x500];
	_ =	sdelay $0x4  }
0x1c: {  	(v2sf) =	vpush v0, $0x7;
	_ =	sdelay $0xc  }
0x1d: {  	v4 =	vld [tilespmem:s26+$0x510]  }
0x1e: {  	v5 =	vld [tilespmem:s26+$0x520]  }
0x1f: {  	v6 =	vld [tilespmem:s26+$0x530];
	s28 =	spop (v2sf);
	(v2sf) =	vpush v0, $0xF  }
0x20: {  	v3 =	vld [tilespmem:s26+$0x540];
	s28 =	scvt.f32.s32 s28  }
0x21: {  	v2 =	vld [tilespmem:s26+$0x550]  }
0x22: {  	v1 =	vld [tilespmem:s26+$0x560];
	s28 =	sshll.u32 s28, $0x9  }
0x23: {  	v56 =	vld [tilespmem:s26+$0x570];
	s28 =	sshra.s32 s28, $0x2  }
0x24: {  	v7 =	vld [tilespmem:s28+$0x0]  }
0x25: {  	v8 =	vld [tilespmem:s28+$0x10]  }
0x26: {  	v9 =	vld [tilespmem:s28+$0x20]  }
0x27: {  	v10 =	vld [tilespmem:s28+$0x30]  }
0x28: {  	v11 =	vld [tilespmem:s28+$0x40]  }
0x29: {  	v12 =	vld [tilespmem:s28+$0x50]  }
0x2a: {  	v13 =	vld [tilespmem:s28+$0x60]  }
0x2b: {  	v14 =	vld [tilespmem:s28+$0x70];
	[tilespmem:s25+$0xFFFFFC00] =	vst v7  }
0x2c: {  	[tilespmem:s25+$0xFFFFFC10] =	vst v8  }
0x2d: {  	[tilespmem:s25+$0xFFFFFC20] =	vst v9  }
0x2e: {  	[tilespmem:s25+$0xFFFFFC30] =	vst v10;
	s29 =	spop (v2sf);
	(v2sf) =	vpush v4, $0x7  }
0x2f: {  	[tilespmem:s25+$0xFFFFFC40] =	vst v11;
	s26 =	scvt.f32.s32 s29  }
0x30: {  	[tilespmem:s25+$0xFFFFFC50] =	vst v12  }
0x31: {  	[tilespmem:s25+$0xFFFFFC60] =	vst v13;
	s26 =	sshll.u32 s26, $0x9  }
0x32: {  	[tilespmem:s25+$0xFFFFFC70] =	vst v14;
	s26 =	sshra.s32 s26, $0x2  }
0x33: {  	v7 =	vld [tilespmem:s26+$0x0]  }
0x34: {  	v8 =	vld [tilespmem:s26+$0x10]  }
0x35: {  	v9 =	vld [tilespmem:s26+$0x20]  }
0x36: {  	v10 =	vld [tilespmem:s26+$0x30]  }
0x37: {  	v11 =	vld [tilespmem:s26+$0x40]  }
0x38: {  	v12 =	vld [tilespmem:s26+$0x50]  }
0x39: {  	v13 =	vld [tilespmem:s26+$0x60]  }
0x3a: {  	v14 =	vld [tilespmem:s26+$0x70];
	[tilespmem:s25+$0xFFFFFC80] =	vst v7  }
0x3b: {  	[tilespmem:s25+$0xFFFFFC90] =	vst v8  }
0x3c: {  	[tilespmem:s25+$0xFFFFFCA0] =	vst v9  }
0x3d: {  	[tilespmem:s25+$0xFFFFFCB0] =	vst v10;
	s30 =	spop (v2sf);
	(v2sf) =	vpush v4, $0xF  }
0x3e: {  	[tilespmem:s25+$0xFFFFFCC0] =	vst v11;
	s26 =	scvt.f32.s32 s30  }
0x3f: {  	[tilespmem:s25+$0xFFFFFCD0] =	vst v12  }
0x40: {  	[tilespmem:s25+$0xFFFFFCE0] =	vst v13;
	s26 =	sshll.u32 s26, $0x9  }
0x41: {  	[tilespmem:s25+$0xFFFFFCF0] =	vst v14;
	s26 =	sshra.s32 s26, $0x2  }
0x42: {  	v57 =	vld [tilespmem:s26+$0x0]  }
0x43: {  	v7 =	vld [tilespmem:s26+$0x10]  }
0x44: {  	v8 =	vld [tilespmem:s26+$0x20]  }
0x45: {  	v9 =	vld [tilespmem:s26+$0x30]  }
0x46: {  	v10 =	vld [tilespmem:s26+$0x40]  }
0x47: {  	v11 =	vld [tilespmem:s26+$0x50]  }
0x48: {  	v12 =	vld [tilespmem:s26+$0x60]  }
0x49: {  	v13 =	vld [tilespmem:s26+$0x70];
	[tilespmem:s25+$0xFFFFFD00] =	vst v57  }
0x4a: {  	[tilespmem:s25+$0xFFFFFD10] =	vst v7  }
0x4b: {  	[tilespmem:s25+$0xFFFFFD20] =	vst v8  }
0x4c: {  	[tilespmem:s25+$0xFFFFFD30] =	vst v9;
	s31 =	spop (v2sf);
	(v2sf) =	vpush v5, $0x7  }
0x4d: {  	[tilespmem:s25+$0xFFFFFD40] =	vst v10;
	s26 =	scvt.f32.s32 s31  }
0x4e: {  	[tilespmem:s25+$0xFFFFFD50] =	vst v11  }
0x4f: {  	[tilespmem:s25+$0xFFFFFD60] =	vst v12;
	s26 =	sshll.u32 s26, $0x9  }
0x50: {  	[tilespmem:s25+$0xFFFFFD70] =	vst v13;
	s26 =	sshra.s32 s26, $0x2  }
0x51: {  	v4 =	vld [tilespmem:s26+$0x0]  }
0x52: {  	v7 =	vld [tilespmem:s26+$0x10]  }
0x53: {  	v8 =	vld [tilespmem:s26+$0x20]  }
0x54: {  	v9 =	vld [tilespmem:s26+$0x30]  }
0x55: {  	v10 =	vld [tilespmem:s26+$0x40]  }
0x56: {  	v11 =	vld [tilespmem:s26+$0x50]  }
0x57: {  	v12 =	vld [tilespmem:s26+$0x60]  }
0x58: {  	v13 =	vld [tilespmem:s26+$0x70];
	[tilespmem:s25+$0xFFFFFD80] =	vst v4  }
0x59: {  	[tilespmem:s25+$0xFFFFFD90] =	vst v7  }
0x5a: {  	[tilespmem:s25+$0xFFFFFDA0] =	vst v8  }
0x5b: {  	[tilespmem:s25+$0xFFFFFDB0] =	vst v9;
	s28 =	spop (v2sf);
	(v2sf) =	vpush v5, $0xF  }
0x5c: {  	[tilespmem:s25+$0xFFFFFDC0] =	vst v10;
	s26 =	scvt.f32.s32 s28  }
0x5d: {  	[tilespmem:s25+$0xFFFFFDD0] =	vst v11  }
0x5e: {  	[tilespmem:s25+$0xFFFFFDE0] =	vst v12;
	s26 =	sshll.u32 s26, $0x9  }
0x5f: {  	[tilespmem:s25+$0xFFFFFDF0] =	vst v13;
	s26 =	sshra.s32 s26, $0x2  }
0x60: {  	v4 =	vld [tilespmem:s26+$0x0]  }
0x61: {  	v58 =	vld [tilespmem:s26+$0x10]  }
0x62: {  	v7 =	vld [tilespmem:s26+$0x20]  }
0x63: {  	v8 =	vld [tilespmem:s26+$0x30]  }
0x64: {  	v9 =	vld [tilespmem:s26+$0x40]  }
0x65: {  	v10 =	vld [tilespmem:s26+$0x50]  }
0x66: {  	v11 =	vld [tilespmem:s26+$0x60]  }
0x67: {  	v12 =	vld [tilespmem:s26+$0x70];
	[tilespmem:s25+$0xFFFFFE00] =	vst v4  }
0x68: {  	[tilespmem:s25+$0xFFFFFE10] =	vst v58  }
0x69: {  	[tilespmem:s25+$0xFFFFFE20] =	vst v7  }
0x6a: {  	[tilespmem:s25+$0xFFFFFE30] =	vst v8;
	s29 =	spop (v2sf);
	(v2sf) =	vpush v6, $0x7  }
0x6b: {  	[tilespmem:s25+$0xFFFFFE40] =	vst v9;
	s26 =	scvt.f32.s32 s29  }
0x6c: {  	[tilespmem:s25+$0xFFFFFE50] =	vst v10  }
0x6d: {  	[tilespmem:s25+$0xFFFFFE60] =	vst v11;
	s26 =	sshll.u32 s26, $0x9  }
0x6e: {  	[tilespmem:s25+$0xFFFFFE70] =	vst v12;
	s26 =	sshra.s32 s26, $0x2  }
0x6f: {  	v4 =	vld [tilespmem:s26+$0x0]  }
0x70: {  	v5 =	vld [tilespmem:s26+$0x10]  }
0x71: {  	v7 =	vld [tilespmem:s26+$0x20]  }
0x72: {  	v8 =	vld [tilespmem:s26+$0x30]  }
0x73: {  	v9 =	vld [tilespmem:s26+$0x40]  }
0x74: {  	v10 =	vld [tilespmem:s26+$0x50]  }
0x75: {  	v11 =	vld [tilespmem:s26+$0x60]  }
0x76: {  	v12 =	vld [tilespmem:s26+$0x70];
	[tilespmem:s25+$0xFFFFFE80] =	vst v4  }
0x77: {  	[tilespmem:s25+$0xFFFFFE90] =	vst v5  }
0x78: {  	[tilespmem:s25+$0xFFFFFEA0] =	vst v7  }
0x79: {  	[tilespmem:s25+$0xFFFFFEB0] =	vst v8;
	s30 =	spop (v2sf);
	(v2sf) =	vpush v6, $0xF  }
0x7a: {  	[tilespmem:s25+$0xFFFFFEC0] =	vst v9;
	s26 =	scvt.f32.s32 s30  }
0x7b: {  	[tilespmem:s25+$0xFFFFFED0] =	vst v10  }
0x7c: {  	[tilespmem:s25+$0xFFFFFEE0] =	vst v11;
	s26 =	sshll.u32 s26, $0x9  }
0x7d: {  	[tilespmem:s25+$0xFFFFFEF0] =	vst v12;
	s26 =	sshra.s32 s26, $0x2  }
0x7e: {  	v4 =	vld [tilespmem:s26+$0x0]  }
0x7f: {  	v5 =	vld [tilespmem:s26+$0x10]  }
0x80: {  	v59 =	vld [tilespmem:s26+$0x20]  }
0x81: {  	v7 =	vld [tilespmem:s26+$0x30]  }
0x82: {  	v8 =	vld [tilespmem:s26+$0x40]  }
0x83: {  	v9 =	vld [tilespmem:s26+$0x50]  }
0x84: {  	v10 =	vld [tilespmem:s26+$0x60]  }
0x85: {  	v11 =	vld [tilespmem:s26+$0x70];
	[tilespmem:s25+$0xFFFFFF00] =	vst v4  }
0x86: {  	[tilespmem:s25+$0xFFFFFF10] =	vst v5  }
0x87: {  	[tilespmem:s25+$0xFFFFFF20] =	vst v59  }
0x88: {  	[tilespmem:s25+$0xFFFFFF30] =	vst v7;
	s31 =	spop (v2sf);
	(v2sf) =	vpush v3, $0x7  }
0x89: {  	[tilespmem:s25+$0xFFFFFF40] =	vst v8;
	s26 =	scvt.f32.s32 s31  }
0x8a: {  	[tilespmem:s25+$0xFFFFFF50] =	vst v9  }
0x8b: {  	[tilespmem:s25+$0xFFFFFF60] =	vst v10;
	s26 =	sshll.u32 s26, $0x9  }
0x8c: {  	[tilespmem:s25+$0xFFFFFF70] =	vst v11;
	s26 =	sshra.s32 s26, $0x2  }
0x8d: {  	v4 =	vld [tilespmem:s26+$0x0]  }
0x8e: {  	v5 =	vld [tilespmem:s26+$0x10]  }
0x8f: {  	v6 =	vld [tilespmem:s26+$0x20]  }
0x90: {  	v7 =	vld [tilespmem:s26+$0x30]  }
0x91: {  	v8 =	vld [tilespmem:s26+$0x40]  }
0x92: {  	v9 =	vld [tilespmem:s26+$0x50]  }
0x93: {  	v10 =	vld [tilespmem:s26+$0x60]  }
0x94: {  	v11 =	vld [tilespmem:s26+$0x70];
	[tilespmem:s25+$0xFFFFFF80] =	vst v4  }
0x95: {  	[tilespmem:s25+$0xFFFFFF90] =	vst v5  }
0x96: {  	[tilespmem:s25+$0xFFFFFFA0] =	vst v6  }
0x97: {  	[tilespmem:s25+$0xFFFFFFB0] =	vst v7;
	s28 =	spop (v2sf);
	(v2sf) =	vpush v3, $0xF  }
0x98: {  	[tilespmem:s25+$0xFFFFFFC0] =	vst v8;
	s26 =	scvt.f32.s32 s28  }
0x99: {  	[tilespmem:s25+$0xFFFFFFD0] =	vst v9  }
0x9a: {  	[tilespmem:s25+$0xFFFFFFE0] =	vst v10;
	s26 =	sshll.u32 s26, $0x9  }
0x9b: {  	[tilespmem:s25+$0xFFFFFFF0] =	vst v11;
	s26 =	sshra.s32 s26, $0x2  }
0x9c: {  	v60 =	vld [tilespmem:s26+$0x0]  }
0x9d: {  	v4 =	vld [tilespmem:s26+$0x10]  }
0x9e: {  	v5 =	vld [tilespmem:s26+$0x20]  }
0x9f: {  	v6 =	vld [tilespmem:s26+$0x30]  }
0xa0: {  	v7 =	vld [tilespmem:s26+$0x40]  }
0xa1: {  	v8 =	vld [tilespmem:s26+$0x50]  }
0xa2: {  	v9 =	vld [tilespmem:s26+$0x60]  }
0xa3: {  	v10 =	vld [tilespmem:s26+$0x70];
	[tilespmem:s25+$0x0] =	vst v60  }
0xa4: {  	[tilespmem:s25+$0x10] =	vst v4  }
0xa5: {  	[tilespmem:s25+$0x20] =	vst v5  }
0xa6: {  	[tilespmem:s25+$0x30] =	vst v6;
	s29 =	spop (v2sf);
	(v2sf) =	vpush v2, $0x7  }
0xa7: {  	[tilespmem:s25+$0x40] =	vst v7;
	s26 =	scvt.f32.s32 s29  }
0xa8: {  	[tilespmem:s25+$0x50] =	vst v8  }
0xa9: {  	[tilespmem:s25+$0x60] =	vst v9;
	s26 =	sshll.u32 s26, $0x9  }
0xaa: {  	[tilespmem:s25+$0x70] =	vst v10;
	s26 =	sshra.s32 s26, $0x2  }
0xab: {  	v3 =	vld [tilespmem:s26+$0x0]  }
0xac: {  	v4 =	vld [tilespmem:s26+$0x10]  }
0xad: {  	v5 =	vld [tilespmem:s26+$0x20]  }
0xae: {  	v6 =	vld [tilespmem:s26+$0x30]  }
0xaf: {  	v7 =	vld [tilespmem:s26+$0x40]  }
0xb0: {  	v8 =	vld [tilespmem:s26+$0x50]  }
0xb1: {  	v9 =	vld [tilespmem:s26+$0x60]  }
0xb2: {  	v10 =	vld [tilespmem:s26+$0x70];
	[tilespmem:s25+$0x80] =	vst v3  }
0xb3: {  	[tilespmem:s25+$0x90] =	vst v4  }
0xb4: {  	[tilespmem:s25+$0xA0] =	vst v5  }
0xb5: {  	[tilespmem:s25+$0xB0] =	vst v6;
	s30 =	spop (v2sf);
	(v2sf) =	vpush v2, $0xF  }
0xb6: {  	[tilespmem:s25+$0xC0] =	vst v7;
	s26 =	scvt.f32.s32 s30  }
0xb7: {  	[tilespmem:s25+$0xD0] =	vst v8  }
0xb8: {  	[tilespmem:s25+$0xE0] =	vst v9;
	s26 =	sshll.u32 s26, $0x9  }
0xb9: {  	[tilespmem:s25+$0xF0] =	vst v10;
	s26 =	sshra.s32 s26, $0x2  }
0xba: {  	v61 =	vld [tilespmem:s26+$0x0]  }
0xbb: {  	v3 =	vld [tilespmem:s26+$0x10]  }
0xbc: {  	v4 =	vld [tilespmem:s26+$0x20]  }
0xbd: {  	v5 =	vld [tilespmem:s26+$0x30]  }
0xbe: {  	v6 =	vld [tilespmem:s26+$0x40]  }
0xbf: {  	v7 =	vld [tilespmem:s26+$0x50]  }
0xc0: {  	v8 =	vld [tilespmem:s26+$0x60]  }
0xc1: {  	v9 =	vld [tilespmem:s26+$0x70];
	[tilespmem:s25+$0x100] =	vst v61  }
0xc2: {  	[tilespmem:s25+$0x110] =	vst v3  }
0xc3: {  	[tilespmem:s25+$0x120] =	vst v4  }
0xc4: {  	[tilespmem:s25+$0x130] =	vst v5;
	s31 =	spop (v2sf);
	(v2sf) =	vpush v1, $0x7  }
0xc5: {  	[tilespmem:s25+$0x140] =	vst v6;
	s26 =	scvt.f32.s32 s31  }
0xc6: {  	[tilespmem:s25+$0x150] =	vst v7  }
0xc7: {  	[tilespmem:s25+$0x160] =	vst v8;
	s26 =	sshll.u32 s26, $0x9  }
0xc8: {  	[tilespmem:s25+$0x170] =	vst v9;
	s26 =	sshra.s32 s26, $0x2  }
0xc9: {  	v2 =	vld [tilespmem:s26+$0x0]  }
0xca: {  	v3 =	vld [tilespmem:s26+$0x10]  }
0xcb: {  	v4 =	vld [tilespmem:s26+$0x20]  }
0xcc: {  	v5 =	vld [tilespmem:s26+$0x30]  }
0xcd: {  	v6 =	vld [tilespmem:s26+$0x40]  }
0xce: {  	v7 =	vld [tilespmem:s26+$0x50]  }
0xcf: {  	v8 =	vld [tilespmem:s26+$0x60]  }
0xd0: {  	v9 =	vld [tilespmem:s26+$0x70];
	[tilespmem:s25+$0x180] =	vst v2  }
0xd1: {  	[tilespmem:s25+$0x190] =	vst v3  }
0xd2: {  	[tilespmem:s25+$0x1A0] =	vst v4  }
0xd3: {  	[tilespmem:s25+$0x1B0] =	vst v5;
	s28 =	spop (v2sf);
	(v2sf) =	vpush v1, $0xF  }
0xd4: {  	[tilespmem:s25+$0x1C0] =	vst v6;
	s26 =	scvt.f32.s32 s28  }
0xd5: {  	[tilespmem:s25+$0x1D0] =	vst v7  }
0xd6: {  	[tilespmem:s25+$0x1E0] =	vst v8;
	s26 =	sshll.u32 s26, $0x9  }
0xd7: {  	[tilespmem:s25+$0x1F0] =	vst v9;
	s26 =	sshra.s32 s26, $0x2  }
0xd8: {  	v62 =	vld [tilespmem:s26+$0x0]  }
0xd9: {  	v2 =	vld [tilespmem:s26+$0x10]  }
0xda: {  	v3 =	vld [tilespmem:s26+$0x20]  }
0xdb: {  	v4 =	vld [tilespmem:s26+$0x30]  }
0xdc: {  	v5 =	vld [tilespmem:s26+$0x40]  }
0xdd: {  	v6 =	vld [tilespmem:s26+$0x50]  }
0xde: {  	v7 =	vld [tilespmem:s26+$0x60]  }
0xdf: {  	v8 =	vld [tilespmem:s26+$0x70];
	[tilespmem:s25+$0x200] =	vst v62  }
0xe0: {  	[tilespmem:s25+$0x210] =	vst v2  }
0xe1: {  	[tilespmem:s25+$0x220] =	vst v3  }
0xe2: {  	[tilespmem:s25+$0x230] =	vst v4;
	s29 =	spop (v2sf);
	(v2sf) =	vpush v56, $0x7  }
0xe3: {  	[tilespmem:s25+$0x240] =	vst v5;
	s26 =	scvt.f32.s32 s29  }
0xe4: {  	[tilespmem:s25+$0x250] =	vst v6  }
0xe5: {  	[tilespmem:s25+$0x260] =	vst v7;
	s26 =	sshll.u32 s26, $0x9  }
0xe6: {  	[tilespmem:s25+$0x270] =	vst v8;
	s26 =	sshra.s32 s26, $0x2  }
0xe7: {  	v1 =	vld [tilespmem:s26+$0x0]  }
0xe8: {  	v2 =	vld [tilespmem:s26+$0x10]  }
0xe9: {  	v3 =	vld [tilespmem:s26+$0x20]  }
0xea: {  	v4 =	vld [tilespmem:s26+$0x30]  }
0xeb: {  	v5 =	vld [tilespmem:s26+$0x40]  }
0xec: {  	v6 =	vld [tilespmem:s26+$0x50]  }
0xed: {  	v7 =	vld [tilespmem:s26+$0x60]  }
0xee: {  	v8 =	vld [tilespmem:s26+$0x70];
	[tilespmem:s25+$0x280] =	vst v1  }
0xef: {  	[tilespmem:s25+$0x290] =	vst v2  }
0xf0: {  	[tilespmem:s25+$0x2A0] =	vst v3  }
0xf1: {  	[tilespmem:s25+$0x2B0] =	vst v4;
	s30 =	spop (v2sf);
	(v2sf) =	vpush v56, $0xF  }
0xf2: {  	[tilespmem:s25+$0x2C0] =	vst v5;
	s26 =	scvt.f32.s32 s30  }
0xf3: {  	[tilespmem:s25+$0x2D0] =	vst v6  }
0xf4: {  	[tilespmem:s25+$0x2E0] =	vst v7;
	s26 =	sshll.u32 s26, $0x9  }
0xf5: {  	[tilespmem:s25+$0x2F0] =	vst v8;
	s26 =	sshra.s32 s26, $0x2  }
0xf6: {  	v63 =	vld [tilespmem:s26+$0x0]  }
0xf7: {  	v1 =	vld [tilespmem:s26+$0x10]  }
0xf8: {  	v2 =	vld [tilespmem:s26+$0x20]  }
0xf9: {  	v3 =	vld [tilespmem:s26+$0x30]  }
0xfa: {  	v4 =	vld [tilespmem:s26+$0x40]  }
0xfb: {  	v5 =	vld [tilespmem:s26+$0x50]  }
0xfc: {  	v6 =	vld [tilespmem:s26+$0x60]  }
0xfd: {  	v7 =	vld [tilespmem:s26+$0x70];
	[tilespmem:s25+$0x300] =	vst v63  }
0xfe: {  	[tilespmem:s25+$0x310] =	vst v1  }
0xff: {  	[tilespmem:s25+$0x320] =	vst v2  }
0x100: {  	[tilespmem:s25+$0x330] =	vst v3;
	s31 =	spop (v2sf)  }
0x101: {  	[tilespmem:s25+$0x340] =	vst v4;
	s26 =	scvt.f32.s32 s31  }
0x102: {  	[tilespmem:s25+$0x350] =	vst v5  }
0x103: {  	[tilespmem:s25+$0x360] =	vst v6;
	s26 =	sshll.u32 s26, $0x9  }
0x104: {  	[tilespmem:s25+$0x370] =	vst v7;
	s26 =	sshra.s32 s26, $0x2  }
0x105: {  	v0 =	vld [tilespmem:s26+$0x0]  }
0x106: {  	v1 =	vld [tilespmem:s26+$0x10]  }
0x107: {  	v2 =	vld [tilespmem:s26+$0x20]  }
0x108: {  	v3 =	vld [tilespmem:s26+$0x30]  }
0x109: {  	v4 =	vld [tilespmem:s26+$0x40]  }
0x10a: {  	v5 =	vld [tilespmem:s26+$0x50]  }
0x10b: {  	v6 =	vld [tilespmem:s26+$0x60]  }
0x10c: {  	v7 =	vld [tilespmem:s26+$0x70];
	[tilespmem:s25+$0x380] =	vst v0  }
0x10d: {  	[tilespmem:s25+$0x390] =	vst v1  }
0x10e: {  	p1 =	sne.s32 s24, $0x1E00;
	[tilespmem:s25+$0x3A0] =	vst v2  }
.Ltmp0:
0x10f: {  	[tilespmem:s25+$0x3B0] =	vst v3;
	(pc) =	sbr.rel @p1 .LBB2_3-.Ltmp0, $4  }
0x110: {  	[tilespmem:s25+$0x3C0] =	vst v4  }
0x111: {  	[tilespmem:s25+$0x3D0] =	vst v5  }
0x112: {  	[tilespmem:s25+$0x3E0] =	vst v6  }
0x113: {  	s24 =	sadd.s32 $0x200, s24;
	[tilespmem:s25+$0x3F0] =	vst v7;
	s25 =	sadd.s32 $0x800, s25  }
0x114: {  	p1 =	seq.s32 s22, $0xC7;
	s31 =	sshll.u32 s22, $0x10  }
0x115: {  	s24 =	sadd.s32 @!p1 s23, s7;
	s25 =	simm.s32 @!p1 $0x0;
	s26 =	simm.s32 @!p1 $0x500  }
0x116: {  	[tilespmem:s26], [sflag:$0x1] =	stream.linear.gather @!p1 [hbm4b:s24+s25], $0x800, $0x38;
	[tilespmem:$0x11500] =	vst v63  }
0x117: {  	s24 =	sadd.s32 s8, s31  }
0x118: {  	s24 =	sshrl.u32 s24, $0x3  }
0x119: {  	s24 =	sadd.s32 s3, s24  }
0x11a: {  	[hbm4b:s24+s4] =	stream.linear.scatter [tilespmem:s16], [sflag:$0x3], $0x8000, $0x38;
	[tilespmem:$0x11500] =	vst v63  }
0x11b: {  	_ =	swait.ge [sflag:s17], $0x800  }
0x11c: {  	[sflag:s17] =	ssyncset.done $0x0  }
0x11d: {  	s25 =	simm.s32 @!p0 $0x4;
	[sflag:s17] =	ssyncadd.s32 $0xFFFFF800  }
0x11e: {  	_ =	swait.ge @!p0 [sflag:s25], $0x8000  }
0x11f: {  	s26 =	simm.s32 $0x9900;
	[sflag:s25] =	ssyncset.done @!p0 $0x0  }
0x120: {  	s24 =	sadd.s32 s23, s9;
	[sflag:s25] =	ssyncadd.s32 @!p0 $0xFFFF8000;
	s25 =	simm.s32 $0x0  }
.LBB2_5:
0x121: {  	s28 =	sshra.s32 s25, $0x2  }
0x122: {  	v0 =	vld [tilespmem:s28+$0xD00];
	_ =	sdelay $0x4  }
0x123: {  	(v2sf) =	vpush v0, $0x7;
	_ =	sdelay $0xc  }
0x124: {  	v4 =	vld [tilespmem:s28+$0xD10]  }
0x125: {  	v5 =	vld [tilespmem:s28+$0xD20]  }
0x126: {  	v6 =	vld [tilespmem:s28+$0xD30];
	s29 =	spop (v2sf);
	(v2sf) =	vpush v0, $0xF  }
0x127: {  	v3 =	vld [tilespmem:s28+$0xD40];
	s29 =	scvt.f32.s32 s29  }
0x128: {  	v2 =	vld [tilespmem:s28+$0xD50]  }
0x129: {  	v1 =	vld [tilespmem:s28+$0xD60];
	s29 =	sshll.u32 s29, $0x9  }
0x12a: {  	v56 =	vld [tilespmem:s28+$0xD70];
	s31 =	sshra.s32 s29, $0x2  }
0x12b: {  	v7 =	vld [tilespmem:s31+$0x0]  }
0x12c: {  	v8 =	vld [tilespmem:s31+$0x10]  }
0x12d: {  	v9 =	vld [tilespmem:s31+$0x20]  }
0x12e: {  	v10 =	vld [tilespmem:s31+$0x30]  }
0x12f: {  	v11 =	vld [tilespmem:s31+$0x40]  }
0x130: {  	v12 =	vld [tilespmem:s31+$0x50]  }
0x131: {  	v13 =	vld [tilespmem:s31+$0x60]  }
0x132: {  	v14 =	vld [tilespmem:s31+$0x70];
	[tilespmem:s26+$0xFFFFFC00] =	vst v7  }
0x133: {  	[tilespmem:s26+$0xFFFFFC10] =	vst v8  }
0x134: {  	[tilespmem:s26+$0xFFFFFC20] =	vst v9  }
0x135: {  	[tilespmem:s26+$0xFFFFFC30] =	vst v10;
	s29 =	spop (v2sf);
	(v2sf) =	vpush v4, $0x7  }
0x136: {  	[tilespmem:s26+$0xFFFFFC40] =	vst v11;
	s28 =	scvt.f32.s32 s29  }
0x137: {  	[tilespmem:s26+$0xFFFFFC50] =	vst v12  }
0x138: {  	[tilespmem:s26+$0xFFFFFC60] =	vst v13;
	s28 =	sshll.u32 s28, $0x9  }
0x139: {  	[tilespmem:s26+$0xFFFFFC70] =	vst v14;
	s28 =	sshra.s32 s28, $0x2  }
0x13a: {  	v7 =	vld [tilespmem:s28+$0x0]  }
0x13b: {  	v8 =	vld [tilespmem:s28+$0x10]  }
0x13c: {  	v9 =	vld [tilespmem:s28+$0x20]  }
0x13d: {  	v10 =	vld [tilespmem:s28+$0x30]  }
0x13e: {  	v11 =	vld [tilespmem:s28+$0x40]  }
0x13f: {  	v12 =	vld [tilespmem:s28+$0x50]  }
0x140: {  	v13 =	vld [tilespmem:s28+$0x60]  }
0x141: {  	v14 =	vld [tilespmem:s28+$0x70];
	[tilespmem:s26+$0xFFFFFC80] =	vst v7  }
0x142: {  	[tilespmem:s26+$0xFFFFFC90] =	vst v8  }
0x143: {  	[tilespmem:s26+$0xFFFFFCA0] =	vst v9  }
0x144: {  	[tilespmem:s26+$0xFFFFFCB0] =	vst v10;
	s30 =	spop (v2sf);
	(v2sf) =	vpush v4, $0xF  }
0x145: {  	[tilespmem:s26+$0xFFFFFCC0] =	vst v11;
	s28 =	scvt.f32.s32 s30  }
0x146: {  	[tilespmem:s26+$0xFFFFFCD0] =	vst v12  }
0x147: {  	[tilespmem:s26+$0xFFFFFCE0] =	vst v13;
	s28 =	sshll.u32 s28, $0x9  }
0x148: {  	[tilespmem:s26+$0xFFFFFCF0] =	vst v14;
	s28 =	sshra.s32 s28, $0x2  }
0x149: {  	v57 =	vld [tilespmem:s28+$0x0]  }
0x14a: {  	v7 =	vld [tilespmem:s28+$0x10]  }
0x14b: {  	v8 =	vld [tilespmem:s28+$0x20]  }
0x14c: {  	v9 =	vld [tilespmem:s28+$0x30]  }
0x14d: {  	v10 =	vld [tilespmem:s28+$0x40]  }
0x14e: {  	v11 =	vld [tilespmem:s28+$0x50]  }
0x14f: {  	v12 =	vld [tilespmem:s28+$0x60]  }
0x150: {  	v13 =	vld [tilespmem:s28+$0x70];
	[tilespmem:s26+$0xFFFFFD00] =	vst v57  }
0x151: {  	[tilespmem:s26+$0xFFFFFD10] =	vst v7  }
0x152: {  	[tilespmem:s26+$0xFFFFFD20] =	vst v8  }
0x153: {  	[tilespmem:s26+$0xFFFFFD30] =	vst v9;
	s31 =	spop (v2sf);
	(v2sf) =	vpush v5, $0x7  }
0x154: {  	[tilespmem:s26+$0xFFFFFD40] =	vst v10;
	s28 =	scvt.f32.s32 s31  }
0x155: {  	[tilespmem:s26+$0xFFFFFD50] =	vst v11  }
0x156: {  	[tilespmem:s26+$0xFFFFFD60] =	vst v12;
	s28 =	sshll.u32 s28, $0x9  }
0x157: {  	[tilespmem:s26+$0xFFFFFD70] =	vst v13;
	s28 =	sshra.s32 s28, $0x2  }
0x158: {  	v4 =	vld [tilespmem:s28+$0x0]  }
0x159: {  	v7 =	vld [tilespmem:s28+$0x10]  }
0x15a: {  	v8 =	vld [tilespmem:s28+$0x20]  }
0x15b: {  	v9 =	vld [tilespmem:s28+$0x30]  }
0x15c: {  	v10 =	vld [tilespmem:s28+$0x40]  }
0x15d: {  	v11 =	vld [tilespmem:s28+$0x50]  }
0x15e: {  	v12 =	vld [tilespmem:s28+$0x60]  }
0x15f: {  	v13 =	vld [tilespmem:s28+$0x70];
	[tilespmem:s26+$0xFFFFFD80] =	vst v4  }
0x160: {  	[tilespmem:s26+$0xFFFFFD90] =	vst v7  }
0x161: {  	[tilespmem:s26+$0xFFFFFDA0] =	vst v8  }
0x162: {  	[tilespmem:s26+$0xFFFFFDB0] =	vst v9;
	s29 =	spop (v2sf);
	(v2sf) =	vpush v5, $0xF  }
0x163: {  	[tilespmem:s26+$0xFFFFFDC0] =	vst v10;
	s28 =	scvt.f32.s32 s29  }
0x164: {  	[tilespmem:s26+$0xFFFFFDD0] =	vst v11  }
0x165: {  	[tilespmem:s26+$0xFFFFFDE0] =	vst v12;
	s28 =	sshll.u32 s28, $0x9  }
0x166: {  	[tilespmem:s26+$0xFFFFFDF0] =	vst v13;
	s28 =	sshra.s32 s28, $0x2  }
0x167: {  	v4 =	vld [tilespmem:s28+$0x0]  }
0x168: {  	v58 =	vld [tilespmem:s28+$0x10]  }
0x169: {  	v7 =	vld [tilespmem:s28+$0x20]  }
0x16a: {  	v8 =	vld [tilespmem:s28+$0x30]  }
0x16b: {  	v9 =	vld [tilespmem:s28+$0x40]  }
0x16c: {  	v10 =	vld [tilespmem:s28+$0x50]  }
0x16d: {  	v11 =	vld [tilespmem:s28+$0x60]  }
0x16e: {  	v12 =	vld [tilespmem:s28+$0x70];
	[tilespmem:s26+$0xFFFFFE00] =	vst v4  }
0x16f: {  	[tilespmem:s26+$0xFFFFFE10] =	vst v58  }
0x170: {  	[tilespmem:s26+$0xFFFFFE20] =	vst v7  }
0x171: {  	[tilespmem:s26+$0xFFFFFE30] =	vst v8;
	s30 =	spop (v2sf);
	(v2sf) =	vpush v6, $0x7  }
0x172: {  	[tilespmem:s26+$0xFFFFFE40] =	vst v9;
	s28 =	scvt.f32.s32 s30  }
0x173: {  	[tilespmem:s26+$0xFFFFFE50] =	vst v10  }
0x174: {  	[tilespmem:s26+$0xFFFFFE60] =	vst v11;
	s28 =	sshll.u32 s28, $0x9  }
0x175: {  	[tilespmem:s26+$0xFFFFFE70] =	vst v12;
	s28 =	sshra.s32 s28, $0x2  }
0x176: {  	v4 =	vld [tilespmem:s28+$0x0]  }
0x177: {  	v5 =	vld [tilespmem:s28+$0x10]  }
0x178: {  	v7 =	vld [tilespmem:s28+$0x20]  }
0x179: {  	v8 =	vld [tilespmem:s28+$0x30]  }
0x17a: {  	v9 =	vld [tilespmem:s28+$0x40]  }
0x17b: {  	v10 =	vld [tilespmem:s28+$0x50]  }
0x17c: {  	v11 =	vld [tilespmem:s28+$0x60]  }
0x17d: {  	v12 =	vld [tilespmem:s28+$0x70];
	[tilespmem:s26+$0xFFFFFE80] =	vst v4  }
0x17e: {  	[tilespmem:s26+$0xFFFFFE90] =	vst v5  }
0x17f: {  	[tilespmem:s26+$0xFFFFFEA0] =	vst v7  }
0x180: {  	[tilespmem:s26+$0xFFFFFEB0] =	vst v8;
	s31 =	spop (v2sf);
	(v2sf) =	vpush v6, $0xF  }
0x181: {  	[tilespmem:s26+$0xFFFFFEC0] =	vst v9;
	s28 =	scvt.f32.s32 s31  }
0x182: {  	[tilespmem:s26+$0xFFFFFED0] =	vst v10  }
0x183: {  	[tilespmem:s26+$0xFFFFFEE0] =	vst v11;
	s28 =	sshll.u32 s28, $0x9  }
0x184: {  	[tilespmem:s26+$0xFFFFFEF0] =	vst v12;
	s28 =	sshra.s32 s28, $0x2  }
0x185: {  	v4 =	vld [tilespmem:s28+$0x0]  }
0x186: {  	v5 =	vld [tilespmem:s28+$0x10]  }
0x187: {  	v59 =	vld [tilespmem:s28+$0x20]  }
0x188: {  	v7 =	vld [tilespmem:s28+$0x30]  }
0x189: {  	v8 =	vld [tilespmem:s28+$0x40]  }
0x18a: {  	v9 =	vld [tilespmem:s28+$0x50]  }
0x18b: {  	v10 =	vld [tilespmem:s28+$0x60]  }
0x18c: {  	v11 =	vld [tilespmem:s28+$0x70];
	[tilespmem:s26+$0xFFFFFF00] =	vst v4  }
0x18d: {  	[tilespmem:s26+$0xFFFFFF10] =	vst v5  }
0x18e: {  	[tilespmem:s26+$0xFFFFFF20] =	vst v59  }
0x18f: {  	[tilespmem:s26+$0xFFFFFF30] =	vst v7;
	s29 =	spop (v2sf);
	(v2sf) =	vpush v3, $0x7  }
0x190: {  	[tilespmem:s26+$0xFFFFFF40] =	vst v8;
	s28 =	scvt.f32.s32 s29  }
0x191: {  	[tilespmem:s26+$0xFFFFFF50] =	vst v9  }
0x192: {  	[tilespmem:s26+$0xFFFFFF60] =	vst v10;
	s28 =	sshll.u32 s28, $0x9  }
0x193: {  	[tilespmem:s26+$0xFFFFFF70] =	vst v11;
	s28 =	sshra.s32 s28, $0x2  }
0x194: {  	v4 =	vld [tilespmem:s28+$0x0]  }
0x195: {  	v5 =	vld [tilespmem:s28+$0x10]  }
0x196: {  	v6 =	vld [tilespmem:s28+$0x20]  }
0x197: {  	v7 =	vld [tilespmem:s28+$0x30]  }
0x198: {  	v8 =	vld [tilespmem:s28+$0x40]  }
0x199: {  	v9 =	vld [tilespmem:s28+$0x50]  }
0x19a: {  	v10 =	vld [tilespmem:s28+$0x60]  }
0x19b: {  	v11 =	vld [tilespmem:s28+$0x70];
	[tilespmem:s26+$0xFFFFFF80] =	vst v4  }
0x19c: {  	[tilespmem:s26+$0xFFFFFF90] =	vst v5  }
0x19d: {  	[tilespmem:s26+$0xFFFFFFA0] =	vst v6  }
0x19e: {  	[tilespmem:s26+$0xFFFFFFB0] =	vst v7;
	s30 =	spop (v2sf);
	(v2sf) =	vpush v3, $0xF  }
0x19f: {  	[tilespmem:s26+$0xFFFFFFC0] =	vst v8;
	s28 =	scvt.f32.s32 s30  }
0x1a0: {  	[tilespmem:s26+$0xFFFFFFD0] =	vst v9  }
0x1a1: {  	[tilespmem:s26+$0xFFFFFFE0] =	vst v10;
	s28 =	sshll.u32 s28, $0x9  }
0x1a2: {  	[tilespmem:s26+$0xFFFFFFF0] =	vst v11;
	s28 =	sshra.s32 s28, $0x2  }
0x1a3: {  	v60 =	vld [tilespmem:s28+$0x0]  }
0x1a4: {  	v4 =	vld [tilespmem:s28+$0x10]  }
0x1a5: {  	v5 =	vld [tilespmem:s28+$0x20]  }
0x1a6: {  	v6 =	vld [tilespmem:s28+$0x30]  }
0x1a7: {  	v7 =	vld [tilespmem:s28+$0x40]  }
0x1a8: {  	v8 =	vld [tilespmem:s28+$0x50]  }
0x1a9: {  	v9 =	vld [tilespmem:s28+$0x60]  }
0x1aa: {  	v10 =	vld [tilespmem:s28+$0x70];
	[tilespmem:s26+$0x0] =	vst v60  }
0x1ab: {  	[tilespmem:s26+$0x10] =	vst v4  }
0x1ac: {  	[tilespmem:s26+$0x20] =	vst v5  }
0x1ad: {  	[tilespmem:s26+$0x30] =	vst v6;
	s31 =	spop (v2sf);
	(v2sf) =	vpush v2, $0x7  }
0x1ae: {  	[tilespmem:s26+$0x40] =	vst v7;
	s28 =	scvt.f32.s32 s31  }
0x1af: {  	[tilespmem:s26+$0x50] =	vst v8  }
0x1b0: {  	[tilespmem:s26+$0x60] =	vst v9;
	s28 =	sshll.u32 s28, $0x9  }
0x1b1: {  	[tilespmem:s26+$0x70] =	vst v10;
	s28 =	sshra.s32 s28, $0x2  }
0x1b2: {  	v3 =	vld [tilespmem:s28+$0x0]  }
0x1b3: {  	v4 =	vld [tilespmem:s28+$0x10]  }
0x1b4: {  	v5 =	vld [tilespmem:s28+$0x20]  }
0x1b5: {  	v6 =	vld [tilespmem:s28+$0x30]  }
0x1b6: {  	v7 =	vld [tilespmem:s28+$0x40]  }
0x1b7: {  	v8 =	vld [tilespmem:s28+$0x50]  }
0x1b8: {  	v9 =	vld [tilespmem:s28+$0x60]  }
0x1b9: {  	v10 =	vld [tilespmem:s28+$0x70];
	[tilespmem:s26+$0x80] =	vst v3  }
0x1ba: {  	[tilespmem:s26+$0x90] =	vst v4  }
0x1bb: {  	[tilespmem:s26+$0xA0] =	vst v5  }
0x1bc: {  	[tilespmem:s26+$0xB0] =	vst v6;
	s29 =	spop (v2sf);
	(v2sf) =	vpush v2, $0xF  }
0x1bd: {  	[tilespmem:s26+$0xC0] =	vst v7;
	s28 =	scvt.f32.s32 s29  }
0x1be: {  	[tilespmem:s26+$0xD0] =	vst v8  }
0x1bf: {  	[tilespmem:s26+$0xE0] =	vst v9;
	s28 =	sshll.u32 s28, $0x9  }
0x1c0: {  	[tilespmem:s26+$0xF0] =	vst v10;
	s28 =	sshra.s32 s28, $0x2  }
0x1c1: {  	v61 =	vld [tilespmem:s28+$0x0]  }
0x1c2: {  	v3 =	vld [tilespmem:s28+$0x10]  }
0x1c3: {  	v4 =	vld [tilespmem:s28+$0x20]  }
0x1c4: {  	v5 =	vld [tilespmem:s28+$0x30]  }
0x1c5: {  	v6 =	vld [tilespmem:s28+$0x40]  }
0x1c6: {  	v7 =	vld [tilespmem:s28+$0x50]  }
0x1c7: {  	v8 =	vld [tilespmem:s28+$0x60]  }
0x1c8: {  	v9 =	vld [tilespmem:s28+$0x70];
	[tilespmem:s26+$0x100] =	vst v61  }
0x1c9: {  	[tilespmem:s26+$0x110] =	vst v3  }
0x1ca: {  	[tilespmem:s26+$0x120] =	vst v4  }
0x1cb: {  	[tilespmem:s26+$0x130] =	vst v5;
	s30 =	spop (v2sf);
	(v2sf) =	vpush v1, $0x7  }
0x1cc: {  	[tilespmem:s26+$0x140] =	vst v6;
	s28 =	scvt.f32.s32 s30  }
0x1cd: {  	[tilespmem:s26+$0x150] =	vst v7  }
0x1ce: {  	[tilespmem:s26+$0x160] =	vst v8;
	s28 =	sshll.u32 s28, $0x9  }
0x1cf: {  	[tilespmem:s26+$0x170] =	vst v9;
	s28 =	sshra.s32 s28, $0x2  }
0x1d0: {  	v2 =	vld [tilespmem:s28+$0x0]  }
0x1d1: {  	v3 =	vld [tilespmem:s28+$0x10]  }
0x1d2: {  	v4 =	vld [tilespmem:s28+$0x20]  }
0x1d3: {  	v5 =	vld [tilespmem:s28+$0x30]  }
0x1d4: {  	v6 =	vld [tilespmem:s28+$0x40]  }
0x1d5: {  	v7 =	vld [tilespmem:s28+$0x50]  }
0x1d6: {  	v8 =	vld [tilespmem:s28+$0x60]  }
0x1d7: {  	v9 =	vld [tilespmem:s28+$0x70];
	[tilespmem:s26+$0x180] =	vst v2  }
0x1d8: {  	[tilespmem:s26+$0x190] =	vst v3  }
0x1d9: {  	[tilespmem:s26+$0x1A0] =	vst v4  }
0x1da: {  	[tilespmem:s26+$0x1B0] =	vst v5;
	s31 =	spop (v2sf);
	(v2sf) =	vpush v1, $0xF  }
0x1db: {  	[tilespmem:s26+$0x1C0] =	vst v6;
	s28 =	scvt.f32.s32 s31  }
0x1dc: {  	[tilespmem:s26+$0x1D0] =	vst v7  }
0x1dd: {  	[tilespmem:s26+$0x1E0] =	vst v8;
	s28 =	sshll.u32 s28, $0x9  }
0x1de: {  	[tilespmem:s26+$0x1F0] =	vst v9;
	s28 =	sshra.s32 s28, $0x2  }
0x1df: {  	v62 =	vld [tilespmem:s28+$0x0]  }
0x1e0: {  	v2 =	vld [tilespmem:s28+$0x10]  }
0x1e1: {  	v3 =	vld [tilespmem:s28+$0x20]  }
0x1e2: {  	v4 =	vld [tilespmem:s28+$0x30]  }
0x1e3: {  	v5 =	vld [tilespmem:s28+$0x40]  }
0x1e4: {  	v6 =	vld [tilespmem:s28+$0x50]  }
0x1e5: {  	v7 =	vld [tilespmem:s28+$0x60]  }
0x1e6: {  	v8 =	vld [tilespmem:s28+$0x70];
	[tilespmem:s26+$0x200] =	vst v62  }
0x1e7: {  	[tilespmem:s26+$0x210] =	vst v2  }
0x1e8: {  	[tilespmem:s26+$0x220] =	vst v3  }
0x1e9: {  	[tilespmem:s26+$0x230] =	vst v4;
	s29 =	spop (v2sf);
	(v2sf) =	vpush v56, $0x7  }
0x1ea: {  	[tilespmem:s26+$0x240] =	vst v5;
	s28 =	scvt.f32.s32 s29  }
0x1eb: {  	[tilespmem:s26+$0x250] =	vst v6  }
0x1ec: {  	[tilespmem:s26+$0x260] =	vst v7;
	s28 =	sshll.u32 s28, $0x9  }
0x1ed: {  	[tilespmem:s26+$0x270] =	vst v8;
	s28 =	sshra.s32 s28, $0x2  }
0x1ee: {  	v1 =	vld [tilespmem:s28+$0x0]  }
0x1ef: {  	v2 =	vld [tilespmem:s28+$0x10]  }
0x1f0: {  	v3 =	vld [tilespmem:s28+$0x20]  }
0x1f1: {  	v4 =	vld [tilespmem:s28+$0x30]  }
0x1f2: {  	v5 =	vld [tilespmem:s28+$0x40]  }
0x1f3: {  	v6 =	vld [tilespmem:s28+$0x50]  }
0x1f4: {  	v7 =	vld [tilespmem:s28+$0x60]  }
0x1f5: {  	v8 =	vld [tilespmem:s28+$0x70];
	[tilespmem:s26+$0x280] =	vst v1  }
0x1f6: {  	[tilespmem:s26+$0x290] =	vst v2  }
0x1f7: {  	[tilespmem:s26+$0x2A0] =	vst v3  }
0x1f8: {  	[tilespmem:s26+$0x2B0] =	vst v4;
	s30 =	spop (v2sf);
	(v2sf) =	vpush v56, $0xF  }
0x1f9: {  	[tilespmem:s26+$0x2C0] =	vst v5;
	s28 =	scvt.f32.s32 s30  }
0x1fa: {  	[tilespmem:s26+$0x2D0] =	vst v6  }
0x1fb: {  	[tilespmem:s26+$0x2E0] =	vst v7;
	s28 =	sshll.u32 s28, $0x9  }
0x1fc: {  	[tilespmem:s26+$0x2F0] =	vst v8;
	s28 =	sshra.s32 s28, $0x2  }
0x1fd: {  	v63 =	vld [tilespmem:s28+$0x0]  }
0x1fe: {  	v1 =	vld [tilespmem:s28+$0x10]  }
0x1ff: {  	v2 =	vld [tilespmem:s28+$0x20]  }
0x200: {  	v3 =	vld [tilespmem:s28+$0x30]  }
0x201: {  	v4 =	vld [tilespmem:s28+$0x40]  }
0x202: {  	v5 =	vld [tilespmem:s28+$0x50]  }
0x203: {  	v6 =	vld [tilespmem:s28+$0x60]  }
0x204: {  	v7 =	vld [tilespmem:s28+$0x70];
	[tilespmem:s26+$0x300] =	vst v63  }
0x205: {  	[tilespmem:s26+$0x310] =	vst v1  }
0x206: {  	[tilespmem:s26+$0x320] =	vst v2  }
0x207: {  	[tilespmem:s26+$0x330] =	vst v3;
	s31 =	spop (v2sf)  }
0x208: {  	[tilespmem:s26+$0x340] =	vst v4;
	s28 =	scvt.f32.s32 s31  }
0x209: {  	[tilespmem:s26+$0x350] =	vst v5  }
0x20a: {  	[tilespmem:s26+$0x360] =	vst v6;
	s28 =	sshll.u32 s28, $0x9  }
0x20b: {  	[tilespmem:s26+$0x370] =	vst v7;
	s28 =	sshra.s32 s28, $0x2  }
0x20c: {  	v0 =	vld [tilespmem:s28+$0x0]  }
0x20d: {  	v1 =	vld [tilespmem:s28+$0x10]  }
0x20e: {  	v2 =	vld [tilespmem:s28+$0x20]  }
0x20f: {  	v3 =	vld [tilespmem:s28+$0x30]  }
0x210: {  	v4 =	vld [tilespmem:s28+$0x40]  }
0x211: {  	v5 =	vld [tilespmem:s28+$0x50]  }
0x212: {  	v6 =	vld [tilespmem:s28+$0x60]  }
0x213: {  	v7 =	vld [tilespmem:s28+$0x70];
	[tilespmem:s26+$0x380] =	vst v0  }
0x214: {  	[tilespmem:s26+$0x390] =	vst v1  }
0x215: {  	p0 =	sne.s32 s25, $0x1E00;
	[tilespmem:s26+$0x3A0] =	vst v2  }
.Ltmp1:
0x216: {  	[tilespmem:s26+$0x3B0] =	vst v3;
	(pc) =	sbr.rel @p0 .LBB2_5-.Ltmp1, $4  }
0x217: {  	[tilespmem:s26+$0x3C0] =	vst v4  }
0x218: {  	[tilespmem:s26+$0x3D0] =	vst v5  }
0x219: {  	[tilespmem:s26+$0x3E0] =	vst v6  }
0x21a: {  	s25 =	sadd.s32 $0x200, s25;
	[tilespmem:s26+$0x3F0] =	vst v7;
	s26 =	sadd.s32 $0x800, s26  }
0x21b: {  	s22 =	sadd.s32 $0x1, s22  }
0x21c: {  	s23 =	sadd.s32 @!p1 s23, s10;
	s25 =	simm.s32 @!p1 $0x0;
	p0 =	sne.s32 s22, $0xC8  }
.Ltmp2:
0x21d: {  	s26 =	simm.s32 @!p1 $0xD00;
	s31 =	sshll.u32 s24, $0x4;
	(pc) =	sbr.rel @p0 .LBB2_2-.Ltmp2, $4  }
0x21e: {  	[tilespmem:s26], [sflag:$0x2] =	stream.linear.gather @!p1 [hbm4b:s23+s25], $0x800, $0x38;
	[tilespmem:$0x11500] =	vst v63  }
0x21f: {  	s23 =	sand.u32 $0x1FFFF000, s31  }
0x220: {  	s23 =	sadd.s32 s3, s23  }
0x221: {  	[hbm4b:s23+s4] =	stream.linear.scatter [tilespmem:s18], [sflag:$0x4], $0x8000, $0x38;
	[tilespmem:$0x11500] =	vst v63  }
0x222: {  	s21 =	sadd.s32 $0x1, s21  }
0x223: {  	_ =	swait.ge [sflag:s19], $0x8000;
	p0 =	sne.s32 s21, s11  }
.Ltmp3:
0x224: {  	[sflag:s19] =	ssyncset.done $0x0;
	(pc) =	sbr.rel @p0 .LBB2_1-.Ltmp3, $4  }
0x225: {  	[sflag:s19] =	ssyncadd.s32 $0xFFFF8000  }
0x226: {  	_ =	swait.ge [sflag:s20], $0x8000  }
0x227: {  	[sflag:s20] =	ssyncset.done $0x0  }
0x228: {  	[sflag:s20] =	ssyncadd.s32 $0xFFFF8000  }
0x229: {  	_ =	sfence.sel $0x180000  }
0x22a: {  	[bflag:$0x0] =	sbarrier.arrive $0xFFFF  }
0x22b: {  	p0 =	sne.s32 s0, $0x0;
	_ =	strace $0x90000047  }
0x22c: {  	s0 =	sadd.s32 @!p0 $0x100000, s1;
	[bflag:$0x2] =	sbarrier.arrive $0xFFFF  }
0x22d: {  	[sflag:s0] =	ssyncadd.tile.s32 @!p0 $0x1;
	_ =	shalt  }
.Lfunc_end2:
_tile_overlayer_lowered:
.L_overlay_start_2:
0x22e: {  	(tag) =	ssettag $0x2  }
0x22f: {  	s0 =	rddreg [dreg:$0x0];
	s2 =	stileid.u32  }
0x230: {  	s1 =	rddreg [dreg:$0x1];
	p0 =	sne.s32 s2, $0x0  }
0x231: {  	s3 =	rddreg [dreg:$0x2];
	[bflag:$0x3] =	sbarrier.arrive $0xFFFF;
	s2 =	simm.s32 @!p0 $0x1C05  }
0x232: {  	[timem:s3], [sflag:s2] =	dma.local @!p0 [hbm:s0], s1  }
0x233: {  	s0 =	simm.s32 @!p0 $0x5  }
0x234: {  	_ =	swait.ge @!p0 [sflag:s0], s1  }
0x235: {  	s1 =	ssub.s32 @!p0 $0x0, s1;
	[sflag:s0] =	ssyncset.done @!p0 $0x0  }
0x236: {  	[sflag:s0] =	ssyncadd.s32 @!p0 s1  }
0x237: {  	[bflag:$0x3] =	sbarrier.arrive $0xFFFF  }
0x238: {  	_ =	shalt  }

</sc_bundles>
